<compile_context>
chip_gen: v7x
topology: tpu7x:2x2x1
jax: 0.10.2.dev20260603
libtpu: 0.0.44.dev20260713+nightly
codegen_flags: <defaults>
</compile_context>

<pallas_src>
import functools

import jax
import jax.numpy as jnp
from jax import lax
from jax.experimental import pallas as pl
from jax.experimental.pallas import tpu as pltpu
from jax.experimental.pallas import tpu_sc as plsc

B = 8
N = 2048
K = 16
C1 = 64
C2 = 256
NGROUP = 4
NPOINT = 512
ROWS = 512


def _k1_body(f_ref, w1_ref, b1_ref, w2_ref, u_ref, v_ref):
    fb = f_ref[0]
    f64 = lax.dot_general(fb, w1_ref[...], (((0,), (0,)), ((), ())),
                          preferred_element_type=jnp.float32)
    f64 = f64 + b1_ref[...]
    w2a = w2_ref[0:C1, :]
    w2b = w2_ref[C1:2 * C1, :]
    u_ref[0] = lax.dot_general(f64, w2a, (((1,), (0,)), ((), ())),
                               preferred_element_type=jnp.float32)
    v_ref[0] = lax.dot_general(f64, w2b - w2a, (((1,), (0,)), ((), ())),
                               preferred_element_type=jnp.float32)


def _run_k1(f, W1, b1, W2):
    return pl.pallas_call(
        _k1_body,
        grid=(B,),
        in_specs=[
            pl.BlockSpec((1, 3, N), lambda b: (b, 0, 0)),
            pl.BlockSpec((3, C1), lambda b: (0, 0)),
            pl.BlockSpec((1, C1), lambda b: (0, 0)),
            pl.BlockSpec((2 * C1, C2), lambda b: (0, 0)),
        ],
        out_specs=[
            pl.BlockSpec((1, N, C2), lambda b: (b, 0, 0)),
            pl.BlockSpec((1, N, C2), lambda b: (b, 0, 0)),
        ],
        out_shape=[
            jax.ShapeDtypeStruct((B, N, C2), jnp.float32),
            jax.ShapeDtypeStruct((B, N, C2), jnp.float32),
        ],
    )(f, W1, b1.reshape(1, C1), W2)


def _k2_body(xr_ref, x_ref, idx_ref):
    xr = xr_ref[0]
    xb = x_ref[0]
    g = lax.dot_general(xr, xb, (((1,), (0,)), ((), ())),
                        preferred_element_type=jnp.float32)
    xi2 = jnp.sum(xr * xr, axis=1, keepdims=True)
    xj2 = jnp.sum(xb * xb, axis=0, keepdims=True)
    cur = (-2.0 * g + xi2) + xj2
    iota_f = lax.broadcasted_iota(jnp.int32, (ROWS, N), 1).astype(jnp.float32)
    cols = []
    for _ in range(K):
        m = jnp.min(cur, axis=1, keepdims=True)
        cand = jnp.where(cur == m, iota_f, float(N))
        sel = jnp.min(cand, axis=1, keepdims=True)
        cols.append(sel.astype(jnp.int32))
        cur = jnp.where(iota_f == sel, jnp.inf, cur)
    idx_ref[0] = jnp.concatenate(cols, axis=1)


def _run_k2(x, xt):
    return pl.pallas_call(
        _k2_body,
        grid=(B, N // ROWS),
        in_specs=[
            pl.BlockSpec((1, ROWS, 3), lambda b, r: (b, r, 0)),
            pl.BlockSpec((1, 3, N), lambda b, r: (b, 0, 0)),
        ],
        out_specs=pl.BlockSpec((1, ROWS, K), lambda b, r: (b, r, 0)),
        out_shape=jax.ShapeDtypeStruct((B, N, K), jnp.int32),
    )(xt, x)


def _k3_body(x_ref, out_ref):
    x0 = x_ref[:, 0, :]
    x1 = x_ref[:, 1, :]
    x2 = x_ref[:, 2, :]
    x012 = jnp.concatenate([x0, x1, x2], axis=0)
    iota_f = lax.broadcasted_iota(jnp.int32, (B, N), 1).astype(jnp.float32)
    iota3_f = lax.broadcasted_iota(jnp.int32, (3 * B, N), 1
                                   ).astype(jnp.float32)
    iota_np = lax.broadcasted_iota(jnp.int32, (B, NPOINT), 1)

    def body(i, carry):
        dist, far, fars = carry
        far_mat = far.astype(jnp.int32) + 0 * iota_np
        fars = jnp.where(iota_np == i, far_mat, fars)
        far3 = jnp.concatenate([far, far, far], axis=0)
        oh3 = iota3_f == far3
        cen = jnp.sum(jnp.where(oh3, x012, 0.0), axis=1, keepdims=True)
        cx = cen[0:B]
        cy = cen[B:2 * B]
        cz = cen[2 * B:3 * B]
        dx = x0 - cx
        dy = x1 - cy
        dz = x2 - cz
        d = (dx * dx + dy * dy) + dz * dz
        dist = jnp.minimum(dist, d)
        m = jnp.max(dist, axis=1, keepdims=True)
        cand = jnp.where(dist == m, iota_f, float(N))
        far_new = jnp.min(cand, axis=1, keepdims=True)
        return dist, far_new, fars

    init = (1e10 + 0.0 * x0,
            0.0 * jnp.min(x0, axis=1, keepdims=True),
            (0.0 * x0[:, :NPOINT]).astype(jnp.int32))
    _, _, fars = lax.fori_loop(0, NPOINT, body, init)
    out_ref[...] = fars


def _run_k3(x):
    return pl.pallas_call(
        _k3_body,
        grid=(1,),
        in_specs=[pl.BlockSpec((B, 3, N), lambda i: (0, 0, 0))],
        out_specs=pl.BlockSpec((B, NPOINT), lambda i: (0, 0)),
        out_shape=jax.ShapeDtypeStruct((B, NPOINT), jnp.int32),
    )(x)


PB = 8
EB = PB * K


def _k4_sc_body(u_hbm, v_hbm, idx_hbm, mu_hbm, cross_hbm, sumu_hbm,
                sumusq_hbm, idx0, idx1, idxg0, idxg1, rows0, rows1, vb0, vb1,
                mu0, mu1, cross_v, sumu_v, sumusq_v, si0, si1, sd0, sd1,
                sm0, sm1):
    info = plsc.get_sparse_core_info()
    nc = info.num_cores
    w = lax.axis_index("s") * nc + lax.axis_index("c")
    ppw = (B * N) // (nc * info.num_subcores)
    base = (w // (N // ppw)) * N
    nblk = ppw // PB
    bufs = [(idx0, idxg0, rows0, vb0, si0, sd0),
            (idx1, idxg1, rows1, vb1, si1, sd1)]
    mubufs = [(mu0, sm0), (mu1, sm1)]

    zero16f = jnp.zeros((16,), jnp.float32)
    for j in range(C2 // 16):
        cross_v[pl.ds(j * 16, 16)] = zero16f
        sumu_v[pl.ds(j * 16, 16)] = zero16f
        sumusq_v[pl.ds(j * 16, 16)] = zero16f

    def fire_idx(g, k):
        idx_v, _, _, _, si, _ = bufs[k]
        pltpu.async_copy(idx_hbm.at[pl.ds((w * ppw + g * PB) * K, EB)],
                         idx_v, si)

    def wait_idx(g, k):
        idx_v, _, _, _, si, _ = bufs[k]
        pltpu.make_async_copy(idx_hbm.at[pl.ds((w * ppw + g * PB) * K, EB)],
                              idx_v, si).wait()

    def fire_dat(g, k):
        idx_v, idxg_v, rows_v, v_buf, _, sd = bufs[k]
        for j in range(EB // 16):
            t = idx_v[pl.ds(j * 16, 16)]
            idxg_v[pl.ds(j * 16, 16)] = t + base
        pltpu.async_copy(u_hbm.at[idxg_v], rows_v, sd)
        pltpu.async_copy(v_hbm.at[pl.ds(w * ppw + g * PB, PB)], v_buf, sd)

    def wait_dat(g, k):
        _, idxg_v, rows_v, v_buf, _, sd = bufs[k]
        pltpu.make_async_copy(u_hbm.at[idxg_v], rows_v, sd).wait()
        pltpu.make_async_copy(v_hbm.at[pl.ds(w * ppw + g * PB, PB)], v_buf,
                              sd).wait()

    def compute(g, k):
        _, _, rows_v, v_buf, _, _ = bufs[k]
        mu_buf, sm = mubufs[k]

        @pl.when(g >= 2)
        def _():
            pltpu.make_async_copy(
                mu_buf, mu_hbm.at[pl.ds(w * ppw + (g - 2) * PB, PB)],
                sm).wait()

        def chunk_body(c, _):
            co = c * 16
            cacc = cross_v[pl.ds(co, 16)]
            uacc = sumu_v[pl.ds(co, 16)]
            qacc = sumusq_v[pl.ds(co, 16)]
            for p in range(PB):
                r0 = p * K
                m = rows_v[r0, pl.ds(co, 16)]
                s = m
                q = m * m
                for r in range(1, K):
                    t = rows_v[r0 + r, pl.ds(co, 16)]
                    m = jnp.maximum(m, t)
                    s = s + t
                    q = q + t * t
                mu_buf[p, pl.ds(co, 16)] = m
                cacc = cacc + s * v_buf[p, pl.ds(co, 16)]
                uacc = uacc + s
                qacc = qacc + q
            cross_v[pl.ds(co, 16)] = cacc
            sumu_v[pl.ds(co, 16)] = uacc
            sumusq_v[pl.ds(co, 16)] = qacc
            return 0

        lax.fori_loop(0, C2 // 16, chunk_body, 0)
        pltpu.async_copy(mu_buf, mu_hbm.at[pl.ds(w * ppw + g * PB, PB)], sm)

    fire_idx(0, 0)
    fire_idx(1, 1)
    wait_idx(0, 0)
    fire_dat(0, 0)

    def pipe_body(h, _):
        g0 = 2 * h
        g1 = g0 + 1
        wait_idx(g1, 1)
        fire_dat(g1, 1)

        @pl.when(g0 + 2 < nblk)
        def _():
            fire_idx(g0 + 2, 0)

        wait_dat(g0, 0)
        compute(g0, 0)

        @pl.when(g0 + 2 < nblk)
        def _():
            wait_idx(g0 + 2, 0)
            fire_dat(g0 + 2, 0)

        @pl.when(g1 + 2 < nblk)
        def _():
            fire_idx(g1 + 2, 1)

        wait_dat(g1, 1)
        compute(g1, 1)
        return 0

    lax.fori_loop(0, nblk // 2, pipe_body, 0)
    pltpu.make_async_copy(
        mu0, mu_hbm.at[pl.ds(w * ppw + (nblk - 2) * PB, PB)], sm0).wait()
    pltpu.make_async_copy(
        mu1, mu_hbm.at[pl.ds(w * ppw + (nblk - 1) * PB, PB)], sm1).wait()
    pltpu.sync_copy(cross_v, cross_hbm.at[w])
    pltpu.sync_copy(sumu_v, sumu_hbm.at[w])
    pltpu.sync_copy(sumusq_v, sumusq_hbm.at[w])


def _run_k4(u_flat, v_flat, idx_flat):
    mesh = plsc.VectorSubcoreMesh(core_axis_name="c", subcore_axis_name="s")
    kfn = functools.partial(
        pl.kernel,
        mesh=mesh,
        out_type=[
            jax.ShapeDtypeStruct((B * N, C2), jnp.float32),
            jax.ShapeDtypeStruct((32, C2), jnp.float32),
            jax.ShapeDtypeStruct((32, C2), jnp.float32),
            jax.ShapeDtypeStruct((32, C2), jnp.float32),
        ],
        scratch_types=[
            pltpu.VMEM((EB,), jnp.int32),
            pltpu.VMEM((EB,), jnp.int32),
            pltpu.VMEM((EB,), jnp.int32),
            pltpu.VMEM((EB,), jnp.int32),
            pltpu.VMEM((EB, C2), jnp.float32),
            pltpu.VMEM((EB, C2), jnp.float32),
            pltpu.VMEM((PB, C2), jnp.float32),
            pltpu.VMEM((PB, C2), jnp.float32),
            pltpu.VMEM((PB, C2), jnp.float32),
            pltpu.VMEM((PB, C2), jnp.float32),
            pltpu.VMEM((C2,), jnp.float32),
            pltpu.VMEM((C2,), jnp.float32),
            pltpu.VMEM((C2,), jnp.float32),
            pltpu.SemaphoreType.DMA,
            pltpu.SemaphoreType.DMA,
            pltpu.SemaphoreType.DMA,
            pltpu.SemaphoreType.DMA,
            pltpu.SemaphoreType.DMA,
            pltpu.SemaphoreType.DMA,
        ],
    )(_k4_sc_body)
    return kfn(u_flat, v_flat, idx_flat)


def _k5_body(u_ref, v_ref, mu_ref, sumu_ref, sumusq_ref, cross_ref, fps_ref,
             x_ref, g_ref, bt_ref, coor_ref, newx_ref):
    v = v_ref[0]
    mu = mu_ref[0]
    cross = jnp.sum(cross_ref[0], axis=0, keepdims=True)
    hi = jax.lax.Precision.HIGHEST
    sum_u = jnp.sum(sumu_ref[0], axis=0, keepdims=True)
    sum_usq = jnp.sum(sumusq_ref[0], axis=0, keepdims=True)
    sum_v = jnp.sum(v, axis=0, keepdims=True)
    sum_vsq = jnp.sum(v * v, axis=0, keepdims=True)
    s1 = sum_u + float(K) * sum_v
    s2 = sum_usq + 2.0 * cross + float(K) * sum_vsq
    gsel = (lax.broadcasted_iota(jnp.int32, (C2, NGROUP), 0) // (C2 // NGROUP)
            == lax.broadcasted_iota(jnp.int32, (C2, NGROUP), 1)
            ).astype(jnp.float32)
    s1g = lax.dot_general(s1, gsel, (((1,), (0,)), ((), ())),
                          precision=hi, preferred_element_type=jnp.float32)
    s2g = lax.dot_general(s2, gsel, (((1,), (0,)), ((), ())),
                          precision=hi, preferred_element_type=jnp.float32)
    cnt_total = float((C2 // NGROUP) * N * K)
    mean_g = s1g / cnt_total
    var_g = s2g / cnt_total - mean_g * mean_g
    rstd_g = lax.rsqrt(var_g + 1e-5)
    gselt = (lax.broadcasted_iota(jnp.int32, (NGROUP, C2), 0) ==
             lax.broadcasted_iota(jnp.int32, (NGROUP, C2), 1) // (C2 // NGROUP)
             ).astype(jnp.float32)
    rstd = lax.dot_general(rstd_g, gselt, (((1,), (0,)), ((), ())),
                           precision=hi, preferred_element_type=jnp.float32)
    mean = lax.dot_general(mean_g, gselt, (((1,), (0,)), ((), ())),
                           precision=hi, preferred_element_type=jnp.float32)
    scale = g_ref[...] * rstd
    shift = bt_ref[...] - mean * scale
    act = (mu + v) * scale + shift
    act = jnp.where(act >= 0.0, act, 0.2 * act)
    frow = fps_ref[0]
    pt = (lax.broadcasted_iota(jnp.int32, (N, NPOINT), 0) == frow
          ).astype(jnp.float32)
    newx_ref[0] = lax.dot_general(act, pt, (((0,), (0,)), ((), ())),
                                  precision=hi,
                                  preferred_element_type=jnp.float32)
    xb = x_ref[0]
    coor_ref[0] = lax.dot_general(xb, pt, (((1,), (0,)), ((), ())),
                                  precision=hi,
                                  preferred_element_type=jnp.float32)


def _run_k5(u, v, mu, sumu_part, sumusq_part, cross_part, fps_sm, x, gamma,
            beta):
    return pl.pallas_call(
        _k5_body,
        grid=(B,),
        in_specs=[
            pl.BlockSpec((1, N, C2), lambda b: (b, 0, 0)),
            pl.BlockSpec((1, N, C2), lambda b: (b, 0, 0)),
            pl.BlockSpec((1, N, C2), lambda b: (b, 0, 0)),
            pl.BlockSpec((1, 4, C2), lambda b: (b, 0, 0)),
            pl.BlockSpec((1, 4, C2), lambda b: (b, 0, 0)),
            pl.BlockSpec((1, 4, C2), lambda b: (b, 0, 0)),
            pl.BlockSpec((1, 1, NPOINT), lambda b: (b, 0, 0)),
            pl.BlockSpec((1, 3, N), lambda b: (b, 0, 0)),
            pl.BlockSpec((1, C2), lambda b: (0, 0)),
            pl.BlockSpec((1, C2), lambda b: (0, 0)),
        ],
        out_specs=[
            pl.BlockSpec((1, 3, NPOINT), lambda b: (b, 0, 0)),
            pl.BlockSpec((1, C2, NPOINT), lambda b: (b, 0, 0)),
        ],
        out_shape=[
            jax.ShapeDtypeStruct((B, 3, NPOINT), jnp.float32),
            jax.ShapeDtypeStruct((B, C2, NPOINT), jnp.float32),
        ],
    )(u, v, mu, sumu_part.reshape(B, 4, C2), sumusq_part.reshape(B, 4, C2),
      cross_part.reshape(B, 4, C2), fps_sm.reshape(B, 1, NPOINT), x,
      gamma.reshape(1, C2), beta.reshape(1, C2))


def kernel(x, f, W1, b1, W2, gamma, beta):
    xt = jnp.swapaxes(x, 1, 2)
    u, v = _run_k1(f, W1, b1, W2)
    idx = _run_k2(x, xt)
    mu_flat, cross_part, sumu_part, sumusq_part = _run_k4(
        u.reshape(B * N, C2), v.reshape(B * N, C2),
        idx.reshape(B * N * K))
    fps_sm = _run_k3(x)
    mu = mu_flat.reshape(B, N, C2)
    new_coor, new_x = _run_k5(u, v, mu, sumu_part, sumusq_part, cross_part,
                              fps_sm, x, gamma, beta)
    return (new_coor, new_x, fps_sm)

# --- scband reference (transcript-rebuilt; emitter-appended) ---
"""Pipeline reference for scband-dgcnn-grouper-1967095021879 (READ-ONLY COPY).

The authoritative reference and input builder live on the scoring server;
editing this copy changes nothing except your own understanding.
"""

import jax, jax.numpy as jnp
import numpy as np

NPOINT = 512
K = 16

def square_distance(src, dst):
    dist = -2.0 * jnp.matmul(src, jnp.swapaxes(dst, 1, 2))
    dist = dist + jnp.sum(src ** 2, -1)[:, :, None]
    dist = dist + jnp.sum(dst ** 2, -1)[:, None, :]
    return dist

def knn_point(nsample, xyz, new_xyz):
    sqrdists = square_distance(new_xyz, xyz)
    _, idx = jax.lax.top_k(-sqrdists, nsample)
    return idx

def get_graph_feature(coor_q, x_q, coor_k, x_k, k):
    # x_q, x_k: [B, C, N]
    idx = knn_point(k, jnp.swapaxes(coor_k, 1, 2), jnp.swapaxes(coor_q, 1, 2))  # [B, Nq, k]
    xk_t = jnp.swapaxes(x_k, 1, 2)  # [B, Nk, C]
    feature = jax.vmap(lambda fk, ix: fk[ix])(xk_t, idx)  # [B, Nq, k, C]
    feature = jnp.transpose(feature, (0, 3, 1, 2))  # [B, C, Nq, k]
    xq = jnp.broadcast_to(x_q[:, :, :, None], feature.shape)
    feature = jnp.concatenate([feature - xq, xq], axis=1)  # [B, 2C, Nq, k]
    return feature

def group_norm(x, gamma, beta, num_groups=4, eps=1e-5):
    B, C, N, Kk = x.shape
    xg = x.reshape(B, num_groups, C // num_groups, N, Kk)
    mean = jnp.mean(xg, axis=(2, 3, 4), keepdims=True)
    var = jnp.var(xg, axis=(2, 3, 4), keepdims=True)
    xg = (xg - mean) / jnp.sqrt(var + eps)
    x = xg.reshape(B, C, N, Kk)
    return x * gamma[None, :, None, None] + beta[None, :, None, None]

def fps(xyz, npoint):
    # xyz: [B, N, 3] -> fps_idx [B, npoint] (furthest point sampling, seed index 0)
    B, N, _ = xyz.shape
    def body(i, state):
        dist, farthest, idxs = state
        idxs = idxs.at[:, i].set(farthest)
        centroid = jnp.take_along_axis(xyz, farthest[:, None, None], axis=1)
        d = jnp.sum((xyz - centroid) ** 2, axis=-1)
        dist = jnp.minimum(dist, d)
        farthest = jnp.argmax(dist, axis=-1).astype(jnp.int32)
        return (dist, farthest, idxs)
    state = (jnp.full((B, N), 1e10, jnp.float32), jnp.zeros((B,), jnp.int32), jnp.zeros((B, npoint), jnp.int32))
    _, _, idxs = jax.lax.fori_loop(0, npoint, body, state)
    return idxs

def setup_inputs(seed: int = 0):
    key = jax.random.key(seed)
    ks = jax.random.split(key, 8)
    B, N = 8, 2048
    x = jax.random.normal(ks[0], (B, 3, N), dtype=jnp.float32)
    f = jax.random.normal(ks[1], (B, 3, N), dtype=jnp.float32)
    W1 = jax.random.normal(ks[2], (3, 64), dtype=jnp.float32) * 0.1
    b1 = jnp.zeros((64,), dtype=jnp.float32)
    W2 = jax.random.normal(ks[3], (128, 256), dtype=jnp.float32) * 0.05
    gamma = jnp.ones((256,), dtype=jnp.float32)
    beta = jnp.zeros((256,), dtype=jnp.float32)
    return {"x": x, "f": f, "W1": W1, "b1": b1, "W2": W2, "gamma": gamma, "beta": beta}

def reference(x, f, W1, b1, W2, gamma, beta):
    coor = x  # [B, 3, N]
    # input_trans: Conv1d(3, 64, kernel_size=1)
    f = jnp.einsum('bcn,cd->bdn', f, W1) + b1[None, :, None]  # [B, 64, N]
    feat = get_graph_feature(coor, f, coor, f, K)  # [B, 128, N, K]
    # layer1: Conv2d(128, 256, 1, bias=False) + GroupNorm(4, 256) + LeakyReLU(0.2)
    feat = jnp.einsum('bcnk,cd->bdnk', feat, W2)
    feat = group_norm(feat, gamma, beta, 4)
    feat = jnp.where(feat >= 0, feat, 0.2 * feat)
    f = jnp.max(feat, axis=-1)  # [B, 256, N]
    # fps_downsample
    xyz = jnp.swapaxes(coor, 1, 2)  # [B, N, 3]
    fps_idx = fps(xyz, NPOINT)  # [B, NPOINT]
    combined = jnp.concatenate([coor, f], axis=1)  # [B, 259, N]
    new_combined = jax.vmap(lambda c, ix: c[:, ix])(combined, fps_idx)  # [B, 259, NPOINT]
    new_coor = new_combined[:, :3]
    new_x = new_combined[:, 3:]
    return (new_coor, new_x, fps_idx)

if __name__ == "__main__":
    import jax
    _d = setup_inputs()
    print(jax.jit(kernel)(*tuple(_d.values())))

</pallas_src>

<mosaic_0001>
#map = affine_map<(d0, d1) -> (0, 0)>
#map1 = affine_map<(d0, d1) -> (0)>
module attributes {stable_mosaic.version = 14 : i64} {
  func.func @_k4_sc_body(%arg0: i32, %arg1: i32, %arg2: memref<16384x256xf32, #tpu.memory_space<hbm>>, %arg3: memref<16384x256xf32, #tpu.memory_space<hbm>>, %arg4: memref<262144xi32, #tpu.memory_space<hbm>>, %arg5: memref<16384x256xf32, #tpu.memory_space<hbm>>, %arg6: memref<32x256xf32, #tpu.memory_space<hbm>>, %arg7: memref<32x256xf32, #tpu.memory_space<hbm>>, %arg8: memref<32x256xf32, #tpu.memory_space<hbm>>, %arg9: memref<128xi32, #tpu.memory_space<vmem>>, %arg10: memref<128xi32, #tpu.memory_space<vmem>>, %arg11: memref<128xi32, #tpu.memory_space<vmem>>, %arg12: memref<128xi32, #tpu.memory_space<vmem>>, %arg13: memref<128x256xf32, #tpu.memory_space<vmem>>, %arg14: memref<128x256xf32, #tpu.memory_space<vmem>>, %arg15: memref<8x256xf32, #tpu.memory_space<vmem>>, %arg16: memref<8x256xf32, #tpu.memory_space<vmem>>, %arg17: memref<8x256xf32, #tpu.memory_space<vmem>>, %arg18: memref<8x256xf32, #tpu.memory_space<vmem>>, %arg19: memref<256xf32, #tpu.memory_space<vmem>>, %arg20: memref<256xf32, #tpu.memory_space<vmem>>, %arg21: memref<256xf32, #tpu.memory_space<vmem>>, %arg22: memref<!tpu.dma_semaphore, #tpu.memory_space<semaphore_mem>>, %arg23: memref<!tpu.dma_semaphore, #tpu.memory_space<semaphore_mem>>, %arg24: memref<!tpu.dma_semaphore, #tpu.memory_space<semaphore_mem>>, %arg25: memref<!tpu.dma_semaphore, #tpu.memory_space<semaphore_mem>>, %arg26: memref<!tpu.dma_semaphore, #tpu.memory_space<semaphore_mem>>, %arg27: memref<!tpu.dma_semaphore, #tpu.memory_space<semaphore_mem>>) attributes {dimension_semantics = [#tpu.dimension_semantics<core_parallel>, #tpu.dimension_semantics<subcore_parallel>], iteration_bounds = array<i64: 2, 16>, scalar_prefetch = 0 : i64, scratch_operands = 19 : i64, tpu.core_type = #tpu.core_type<sc_vector_subcore>, window_params = [{transform_indices = #map}, {transform_indices = #map}, {transform_indices = #map1}, {transform_indices = #map}, {transform_indices = #map}, {transform_indices = #map}, {transform_indices = #map}]} {
    %mul3A = arith.constant 2 : i32
    %mul3A_0 = arith.muli %arg1, %mul3A : i32
    %add3A = arith.addi %mul3A_0, %arg0 : i32
    %jit3A = arith.constant 4 : i32
    %div3A = arith.divsi %add3A, %jit3A : i32
    %sign3A = arith.constant 0 : i32
    %sign3A_1 = arith.cmpi sgt, %add3A, %sign3A : i32
    %sign3A_2 = arith.extui %sign3A_1 : i1 to i32
    %sign3A_3 = arith.constant 0 : i32
    %sign3A_4 = arith.cmpi slt, %add3A, %sign3A_3 : i32
    %sign3A_5 = arith.extui %sign3A_4 : i1 to i32
    %sign3A_6 = arith.subi %sign3A_2, %sign3A_5 : i32
    %sign3A_7 = arith.constant 0 : i32
    %sign3A_8 = arith.cmpi sgt, %jit3A, %sign3A_7 : i32
    %sign3A_9 = arith.extui %sign3A_8 : i1 to i32
    %sign3A_10 = arith.constant 0 : i32
    %sign3A_11 = arith.cmpi slt, %jit3A, %sign3A_10 : i32
    %sign3A_12 = arith.extui %sign3A_11 : i1 to i32
    %sign3A_13 = arith.subi %sign3A_9, %sign3A_12 : i32
    %ne3A = arith.cmpi ne, %sign3A_6, %sign3A_13 : i32
    %rem3A = arith.remsi %add3A, %jit3A : i32
    %ne3A_14 = arith.constant 0 : i32
    %ne3A_15 = arith.cmpi ne, %rem3A, %ne3A_14 : i32
    %and3A = arith.andi %ne3A, %ne3A_15 : i1
    %sub3A = arith.constant 1 : i32
    %sub3A_16 = arith.subi %div3A, %sub3A : i32
    %select_n3A = arith.select %and3A, %sub3A_16, %div3A : i32
    %mul3A_17 = arith.constant 2048 : i32
    %mul3A_18 = arith.muli %select_n3A, %mul3A_17 : i32
    %broadcast_in_dim3A = arith.constant 0.000000e+00 : f32
    %broadcast_in_dim3A_19 = vector.broadcast %broadcast_in_dim3A : f32 to vector<16xf32>
    %swap3A = arith.constant 0 : index
    %swap3A_20 = tpu.vector_load %arg19[%swap3A] {strides = array<i32>} : memref<256xf32, #tpu.memory_space<vmem>>, vector<16xf32>,
    %swap3A_21 = vector.shape_cast %swap3A_20 : vector<16xf32> to vector<16xf32>
    %swap3A_22 = vector.shape_cast %broadcast_in_dim3A_19 : vector<16xf32> to vector<16xf32>
    tpu.vector_store %arg19[%swap3A], %swap3A_22 {strides = array<i32>} : memref<256xf32, #tpu.memory_space<vmem>>, vector<16xf32>,
    %swap3A_23 = arith.constant 0 : index
    %swap3A_24 = tpu.vector_load %arg20[%swap3A_23] {strides = array<i32>} : memref<256xf32, #tpu.memory_space<vmem>>, vector<16xf32>,
    %swap3A_25 = vector.shape_cast %swap3A_24 : vector<16xf32> to vector<16xf32>
    %swap3A_26 = vector.shape_cast %broadcast_in_dim3A_19 : vector<16xf32> to vector<16xf32>
    tpu.vector_store %arg20[%swap3A_23], %swap3A_26 {strides = array<i32>} : memref<256xf32, #tpu.memory_space<vmem>>, vector<16xf32>,
    %swap3A_27 = arith.constant 0 : index
    %swap3A_28 = tpu.vector_load %arg21[%swap3A_27] {strides = array<i32>} : memref<256xf32, #tpu.memory_space<vmem>>, vector<16xf32>,
    %swap3A_29 = vector.shape_cast %swap3A_28 : vector<16xf32> to vector<16xf32>
    %swap3A_30 = vector.shape_cast %broadcast_in_dim3A_19 : vector<16xf32> to vector<16xf32>
    tpu.vector_store %arg21[%swap3A_27], %swap3A_30 {strides = array<i32>} : memref<256xf32, #tpu.memory_space<vmem>>, vector<16xf32>,
    %swap3A_31 = arith.constant 16 : index
    %swap3A_32 = tpu.vector_load %arg19[%swap3A_31] {strides = array<i32>} : memref<256xf32, #tpu.memory_space<vmem>>, vector<16xf32>,
    %swap3A_33 = vector.shape_cast %swap3A_32 : vector<16xf32> to vector<16xf32>
    %swap3A_34 = vector.shape_cast %broadcast_in_dim3A_19 : vector<16xf32> to vector<16xf32>
    tpu.vector_store %arg19[%swap3A_31], %swap3A_34 {strides = array<i32>} : memref<256xf32, #tpu.memory_space<vmem>>, vector<16xf32>,
    %swap3A_35 = arith.constant 16 : index
    %swap3A_36 = tpu.vector_load %arg20[%swap3A_35] {strides = array<i32>} : memref<256xf32, #tpu.memory_space<vmem>>, vector<16xf32>,
    %swap3A_37 = vector.shape_cast %swap3A_36 : vector<16xf32> to vector<16xf32>
    %swap3A_38 = vector.shape_cast %broadcast_in_dim3A_19 : vector<16xf32> to vector<16xf32>
    tpu.vector_store %arg20[%swap3A_35], %swap3A_38 {strides = array<i32>} : memref<256xf32, #tpu.memory_space<vmem>>, vector<16xf32>,
    %swap3A_39 = arith.constant 16 : index
    %swap3A_40 = tpu.vector_load %arg21[%swap3A_39] {strides = array<i32>} : memref<256xf32, #tpu.memory_space<vmem>>, vector<16xf32>,
    %swap3A_41 = vector.shape_cast %swap3A_40 : vector<16xf32> to vector<16xf32>
    %swap3A_42 = vector.shape_cast %broadcast_in_dim3A_19 : vector<16xf32> to vector<16xf32>
    tpu.vector_store %arg21[%swap3A_39], %swap3A_42 {strides = array<i32>} : memref<256xf32, #tpu.memory_space<vmem>>, vector<16xf32>,
    %swap3A_43 = arith.constant 32 : index
    %swap3A_44 = tpu.vector_load %arg19[%swap3A_43] {strides = array<i32>} : memref<256xf32, #tpu.memory_space<vmem>>, vector<16xf32>,
    %swap3A_45 = vector.shape_cast %swap3A_44 : vector<16xf32> to vector<16xf32>
    %swap3A_46 = vector.shape_cast %broadcast_in_dim3A_19 : vector<16xf32> to vector<16xf32>
    tpu.vector_store %arg19[%swap3A_43], %swap3A_46 {strides = array<i32>} : memref<256xf32, #tpu.memory_space<vmem>>, vector<16xf32>,
    %swap3A_47 = arith.constant 32 : index
    %swap3A_48 = tpu.vector_load %arg20[%swap3A_47] {strides = array<i32>} : memref<256xf32, #tpu.memory_space<vmem>>, vector<16xf32>,
    %swap3A_49 = vector.shape_cast %swap3A_48 : vector<16xf32> to vector<16xf32>
    %swap3A_50 = vector.shape_cast %broadcast_in_dim3A_19 : vector<16xf32> to vector<16xf32>
    tpu.vector_store %arg20[%swap3A_47], %swap3A_50 {strides = array<i32>} : memref<256xf32, #tpu.memory_space<vmem>>, vector<16xf32>,
    %swap3A_51 = arith.constant 32 : index
    %swap3A_52 = tpu.vector_load %arg21[%swap3A_51] {strides = array<i32>} : memref<256xf32, #tpu.memory_space<vmem>>, vector<16xf32>,
    %swap3A_53 = vector.shape_cast %swap3A_52 : vector<16xf32> to vector<16xf32>
    %swap3A_54 = vector.shape_cast %broadcast_in_dim3A_19 : vector<16xf32> to vector<16xf32>
    tpu.vector_store %arg21[%swap3A_51], %swap3A_54 {strides = array<i32>} : memref<256xf32, #tpu.memory_space<vmem>>, vector<16xf32>,
    %swap3A_55 = arith.constant 48 : index
    %swap3A_56 = tpu.vector_load %arg19[%swap3A_55] {strides = array<i32>} : memref<256xf32, #tpu.memory_space<vmem>>, vector<16xf32>,
    %swap3A_57 = vector.shape_cast %swap3A_56 : vector<16xf32> to vector<16xf32>
    %swap3A_58 = vector.shape_cast %broadcast_in_dim3A_19 : vector<16xf32> to vector<16xf32>
    tpu.vector_store %arg19[%swap3A_55], %swap3A_58 {strides = array<i32>} : memref<256xf32, #tpu.memory_space<vmem>>, vector<16xf32>,
    %swap3A_59 = arith.constant 48 : index
    %swap3A_60 = tpu.vector_load %arg20[%swap3A_59] {strides = array<i32>} : memref<256xf32, #tpu.memory_space<vmem>>, vector<16xf32>,
    %swap3A_61 = vector.shape_cast %swap3A_60 : vector<16xf32> to vector<16xf32>
    %swap3A_62 = vector.shape_cast %broadcast_in_dim3A_19 : vector<16xf32> to vector<16xf32>
    tpu.vector_store %arg20[%swap3A_59], %swap3A_62 {strides = array<i32>} : memref<256xf32, #tpu.memory_space<vmem>>, vector<16xf32>,
    %swap3A_63 = arith.constant 48 : index
    %swap3A_64 = tpu.vector_load %arg21[%swap3A_63] {strides = array<i32>} : memref<256xf32, #tpu.memory_space<vmem>>, vector<16xf32>,
    %swap3A_65 = vector.shape_cast %swap3A_64 : vector<16xf32> to vector<16xf32>
    %swap3A_66 = vector.shape_cast %broadcast_in_dim3A_19 : vector<16xf32> to vector<16xf32>
    tpu.vector_store %arg21[%swap3A_63], %swap3A_66 {strides = array<i32>} : memref<256xf32, #tpu.memory_space<vmem>>, vector<16xf32>,
    %swap3A_67 = arith.constant 64 : index
    %swap3A_68 = tpu.vector_load %arg19[%swap3A_67] {strides = array<i32>} : memref<256xf32, #tpu.memory_space<vmem>>, vector<16xf32>,
    %swap3A_69 = vector.shape_cast %swap3A_68 : vector<16xf32> to vector<16xf32>
    %swap3A_70 = vector.shape_cast %broadcast_in_dim3A_19 : vector<16xf32> to vector<16xf32>
    tpu.vector_store %arg19[%swap3A_67], %swap3A_70 {strides = array<i32>} : memref<256xf32, #tpu.memory_space<vmem>>, vector<16xf32>,
    %swap3A_71 = arith.constant 64 : index
    %swap3A_72 = tpu.vector_load %arg20[%swap3A_71] {strides = array<i32>} : memref<256xf32, #tpu.memory_space<vmem>>, vector<16xf32>,
    %swap3A_73 = vector.shape_cast %swap3A_72 : vector<16xf32> to vector<16xf32>
    %swap3A_74 = vector.shape_cast %broadcast_in_dim3A_19 : vector<16xf32> to vector<16xf32>
    tpu.vector_store %arg20[%swap3A_71], %swap3A_74 {strides = array<i32>} : memref<256xf32, #tpu.memory_space<vmem>>, vector<16xf32>,
    %swap3A_75 = arith.constant 64 : index
    %swap3A_76 = tpu.vector_load %arg21[%swap3A_75] {strides = array<i32>} : memref<256xf32, #tpu.memory_space<vmem>>, vector<16xf32>,
    %swap3A_77 = vector.shape_cast %swap3A_76 : vector<16xf32> to vector<16xf32>
    %swap3A_78 = vector.shape_cast %broadcast_in_dim3A_19 : vector<16xf32> to vector<16xf32>
    tpu.vector_store %arg21[%swap3A_75], %swap3A_78 {strides = array<i32>} : memref<256xf32, #tpu.memory_space<vmem>>, vector<16xf32>,
    %swap3A_79 = arith.constant 80 : index
    %swap3A_80 = tpu.vector_load %arg19[%swap3A_79] {strides = array<i32>} : memref<256xf32, #tpu.memory_space<vmem>>, vector<16xf32>,
    %swap3A_81 = vector.shape_cast %swap3A_80 : vector<16xf32> to vector<16xf32>
    %swap3A_82 = vector.shape_cast %broadcast_in_dim3A_19 : vector<16xf32> to vector<16xf32>
    tpu.vector_store %arg19[%swap3A_79], %swap3A_82 {strides = array<i32>} : memref<256xf32, #tpu.memory_space<vmem>>, vector<16xf32>,
    %swap3A_83 = arith.constant 80 : index
    %swap3A_84 = tpu.vector_load %arg20[%swap3A_83] {strides = array<i32>} : memref<256xf32, #tpu.memory_space<vmem>>, vector<16xf32>,
    %swap3A_85 = vector.shape_cast %swap3A_84 : vector<16xf32> to vector<16xf32>
    %swap3A_86 = vector.shape_cast %broadcast_in_dim3A_19 : vector<16xf32> to vector<16xf32>
    tpu.vector_store %arg20[%swap3A_83], %swap3A_86 {strides = array<i32>} : memref<256xf32, #tpu.memory_space<vmem>>, vector<16xf32>,
    %swap3A_87 = arith.constant 80 : index
    %swap3A_88 = tpu.vector_load %arg21[%swap3A_87] {strides = array<i32>} : memref<256xf32, #tpu.memory_space<vmem>>, vector<16xf32>,
    %swap3A_89 = vector.shape_cast %swap3A_88 : vector<16xf32> to vector<16xf32>
    %swap3A_90 = vector.shape_cast %broadcast_in_dim3A_19 : vector<16xf32> to vector<16xf32>
    tpu.vector_store %arg21[%swap3A_87], %swap3A_90 {strides = array<i32>} : memref<256xf32, #tpu.memory_space<vmem>>, vector<16xf32>,
    %swap3A_91 = arith.constant 96 : index
    %swap3A_92 = tpu.vector_load %arg19[%swap3A_91] {strides = array<i32>} : memref<256xf32, #tpu.memory_space<vmem>>, vector<16xf32>,
    %swap3A_93 = vector.shape_cast %swap3A_92 : vector<16xf32> to vector<16xf32>
    %swap3A_94 = vector.shape_cast %broadcast_in_dim3A_19 : vector<16xf32> to vector<16xf32>
    tpu.vector_store %arg19[%swap3A_91], %swap3A_94 {strides = array<i32>} : memref<256xf32, #tpu.memory_space<vmem>>, vector<16xf32>,
    %swap3A_95 = arith.constant 96 : index
    %swap3A_96 = tpu.vector_load %arg20[%swap3A_95] {strides = array<i32>} : memref<256xf32, #tpu.memory_space<vmem>>, vector<16xf32>,
    %swap3A_97 = vector.shape_cast %swap3A_96 : vector<16xf32> to vector<16xf32>
    %swap3A_98 = vector.shape_cast %broadcast_in_dim3A_19 : vector<16xf32> to vector<16xf32>
    tpu.vector_store %arg20[%swap3A_95], %swap3A_98 {strides = array<i32>} : memref<256xf32, #tpu.memory_space<vmem>>, vector<16xf32>,
    %swap3A_99 = arith.constant 96 : index
    %swap3A_100 = tpu.vector_load %arg21[%swap3A_99] {strides = array<i32>} : memref<256xf32, #tpu.memory_space<vmem>>, vector<16xf32>,
    %swap3A_101 = vector.shape_cast %swap3A_100 : vector<16xf32> to vector<16xf32>
    %swap3A_102 = vector.shape_cast %broadcast_in_dim3A_19 : vector<16xf32> to vector<16xf32>
    tpu.vector_store %arg21[%swap3A_99], %swap3A_102 {strides = array<i32>} : memref<256xf32, #tpu.memory_space<vmem>>, vector<16xf32>,
    %swap3A_103 = arith.constant 112 : index
    %swap3A_104 = tpu.vector_load %arg19[%swap3A_103] {strides = array<i32>} : memref<256xf32, #tpu.memory_space<vmem>>, vector<16xf32>,
    %swap3A_105 = vector.shape_cast %swap3A_104 : vector<16xf32> to vector<16xf32>
    %swap3A_106 = vector.shape_cast %broadcast_in_dim3A_19 : vector<16xf32> to vector<16xf32>
    tpu.vector_store %arg19[%swap3A_103], %swap3A_106 {strides = array<i32>} : memref<256xf32, #tpu.memory_space<vmem>>, vector<16xf32>,
    %swap3A_107 = arith.constant 112 : index
    %swap3A_108 = tpu.vector_load %arg20[%swap3A_107] {strides = array<i32>} : memref<256xf32, #tpu.memory_space<vmem>>, vector<16xf32>,
    %swap3A_109 = vector.shape_cast %swap3A_108 : vector<16xf32> to vector<16xf32>
    %swap3A_110 = vector.shape_cast %broadcast_in_dim3A_19 : vector<16xf32> to vector<16xf32>
    tpu.vector_store %arg20[%swap3A_107], %swap3A_110 {strides = array<i32>} : memref<256xf32, #tpu.memory_space<vmem>>, vector<16xf32>,
    %swap3A_111 = arith.constant 112 : index
    %swap3A_112 = tpu.vector_load %arg21[%swap3A_111] {strides = array<i32>} : memref<256xf32, #tpu.memory_space<vmem>>, vector<16xf32>,
    %swap3A_113 = vector.shape_cast %swap3A_112 : vector<16xf32> to vector<16xf32>
    %swap3A_114 = vector.shape_cast %broadcast_in_dim3A_19 : vector<16xf32> to vector<16xf32>
    tpu.vector_store %arg21[%swap3A_111], %swap3A_114 {strides = array<i32>} : memref<256xf32, #tpu.memory_space<vmem>>, vector<16xf32>,
    %swap3A_115 = arith.constant 128 : index
    %swap3A_116 = tpu.vector_load %arg19[%swap3A_115] {strides = array<i32>} : memref<256xf32, #tpu.memory_space<vmem>>, vector<16xf32>,
    %swap3A_117 = vector.shape_cast %swap3A_116 : vector<16xf32> to vector<16xf32>
    %swap3A_118 = vector.shape_cast %broadcast_in_dim3A_19 : vector<16xf32> to vector<16xf32>
    tpu.vector_store %arg19[%swap3A_115], %swap3A_118 {strides = array<i32>} : memref<256xf32, #tpu.memory_space<vmem>>, vector<16xf32>,
    %swap3A_119 = arith.constant 128 : index
    %swap3A_120 = tpu.vector_load %arg20[%swap3A_119] {strides = array<i32>} : memref<256xf32, #tpu.memory_space<vmem>>, vector<16xf32>,
    %swap3A_121 = vector.shape_cast %swap3A_120 : vector<16xf32> to vector<16xf32>
    %swap3A_122 = vector.shape_cast %broadcast_in_dim3A_19 : vector<16xf32> to vector<16xf32>
    tpu.vector_store %arg20[%swap3A_119], %swap3A_122 {strides = array<i32>} : memref<256xf32, #tpu.memory_space<vmem>>, vector<16xf32>,
    %swap3A_123 = arith.constant 128 : index
    %swap3A_124 = tpu.vector_load %arg21[%swap3A_123] {strides = array<i32>} : memref<256xf32, #tpu.memory_space<vmem>>, vector<16xf32>,
    %swap3A_125 = vector.shape_cast %swap3A_124 : vector<16xf32> to vector<16xf32>
    %swap3A_126 = vector.shape_cast %broadcast_in_dim3A_19 : vector<16xf32> to vector<16xf32>
    tpu.vector_store %arg21[%swap3A_123], %swap3A_126 {strides = array<i32>} : memref<256xf32, #tpu.memory_space<vmem>>, vector<16xf32>,
    %swap3A_127 = arith.constant 144 : index
    %swap3A_128 = tpu.vector_load %arg19[%swap3A_127] {strides = array<i32>} : memref<256xf32, #tpu.memory_space<vmem>>, vector<16xf32>,
    %swap3A_129 = vector.shape_cast %swap3A_128 : vector<16xf32> to vector<16xf32>
    %swap3A_130 = vector.shape_cast %broadcast_in_dim3A_19 : vector<16xf32> to vector<16xf32>
    tpu.vector_store %arg19[%swap3A_127], %swap3A_130 {strides = array<i32>} : memref<256xf32, #tpu.memory_space<vmem>>, vector<16xf32>,
    %swap3A_131 = arith.constant 144 : index
    %swap3A_132 = tpu.vector_load %arg20[%swap3A_131] {strides = array<i32>} : memref<256xf32, #tpu.memory_space<vmem>>, vector<16xf32>,
    %swap3A_133 = vector.shape_cast %swap3A_132 : vector<16xf32> to vector<16xf32>
    %swap3A_134 = vector.shape_cast %broadcast_in_dim3A_19 : vector<16xf32> to vector<16xf32>
    tpu.vector_store %arg20[%swap3A_131], %swap3A_134 {strides = array<i32>} : memref<256xf32, #tpu.memory_space<vmem>>, vector<16xf32>,
    %swap3A_135 = arith.constant 144 : index
    %swap3A_136 = tpu.vector_load %arg21[%swap3A_135] {strides = array<i32>} : memref<256xf32, #tpu.memory_space<vmem>>, vector<16xf32>,
    %swap3A_137 = vector.shape_cast %swap3A_136 : vector<16xf32> to vector<16xf32>
    %swap3A_138 = vector.shape_cast %broadcast_in_dim3A_19 : vector<16xf32> to vector<16xf32>
    tpu.vector_store %arg21[%swap3A_135], %swap3A_138 {strides = array<i32>} : memref<256xf32, #tpu.memory_space<vmem>>, vector<16xf32>,
    %swap3A_139 = arith.constant 160 : index
    %swap3A_140 = tpu.vector_load %arg19[%swap3A_139] {strides = array<i32>} : memref<256xf32, #tpu.memory_space<vmem>>, vector<16xf32>,
    %swap3A_141 = vector.shape_cast %swap3A_140 : vector<16xf32> to vector<16xf32>
    %swap3A_142 = vector.shape_cast %broadcast_in_dim3A_19 : vector<16xf32> to vector<16xf32>
    tpu.vector_store %arg19[%swap3A_139], %swap3A_142 {strides = array<i32>} : memref<256xf32, #tpu.memory_space<vmem>>, vector<16xf32>,
    %swap3A_143 = arith.constant 160 : index
    %swap3A_144 = tpu.vector_load %arg20[%swap3A_143] {strides = array<i32>} : memref<256xf32, #tpu.memory_space<vmem>>, vector<16xf32>,
    %swap3A_145 = vector.shape_cast %swap3A_144 : vector<16xf32> to vector<16xf32>
    %swap3A_146 = vector.shape_cast %broadcast_in_dim3A_19 : vector<16xf32> to vector<16xf32>
    tpu.vector_store %arg20[%swap3A_143], %swap3A_146 {strides = array<i32>} : memref<256xf32, #tpu.memory_space<vmem>>, vector<16xf32>,
    %swap3A_147 = arith.constant 160 : index
    %swap3A_148 = tpu.vector_load %arg21[%swap3A_147] {strides = array<i32>} : memref<256xf32, #tpu.memory_space<vmem>>, vector<16xf32>,
    %swap3A_149 = vector.shape_cast %swap3A_148 : vector<16xf32> to vector<16xf32>
    %swap3A_150 = vector.shape_cast %broadcast_in_dim3A_19 : vector<16xf32> to vector<16xf32>
    tpu.vector_store %arg21[%swap3A_147], %swap3A_150 {strides = array<i32>} : memref<256xf32, #tpu.memory_space<vmem>>, vector<16xf32>,
    %swap3A_151 = arith.constant 176 : index
    %swap3A_152 = tpu.vector_load %arg19[%swap3A_151] {strides = array<i32>} : memref<256xf32, #tpu.memory_space<vmem>>, vector<16xf32>,
    %swap3A_153 = vector.shape_cast %swap3A_152 : vector<16xf32> to vector<16xf32>
    %swap3A_154 = vector.shape_cast %broadcast_in_dim3A_19 : vector<16xf32> to vector<16xf32>
    tpu.vector_store %arg19[%swap3A_151], %swap3A_154 {strides = array<i32>} : memref<256xf32, #tpu.memory_space<vmem>>, vector<16xf32>,
    %swap3A_155 = arith.constant 176 : index
    %swap3A_156 = tpu.vector_load %arg20[%swap3A_155] {strides = array<i32>} : memref<256xf32, #tpu.memory_space<vmem>>, vector<16xf32>,
    %swap3A_157 = vector.shape_cast %swap3A_156 : vector<16xf32> to vector<16xf32>
    %swap3A_158 = vector.shape_cast %broadcast_in_dim3A_19 : vector<16xf32> to vector<16xf32>
    tpu.vector_store %arg20[%swap3A_155], %swap3A_158 {strides = array<i32>} : memref<256xf32, #tpu.memory_space<vmem>>, vector<16xf32>,
    %swap3A_159 = arith.constant 176 : index
    %swap3A_160 = tpu.vector_load %arg21[%swap3A_159] {strides = array<i32>} : memref<256xf32, #tpu.memory_space<vmem>>, vector<16xf32>,
    %swap3A_161 = vector.shape_cast %swap3A_160 : vector<16xf32> to vector<16xf32>
    %swap3A_162 = vector.shape_cast %broadcast_in_dim3A_19 : vector<16xf32> to vector<16xf32>
    tpu.vector_store %arg21[%swap3A_159], %swap3A_162 {strides = array<i32>} : memref<256xf32, #tpu.memory_space<vmem>>, vector<16xf32>,
    %swap3A_163 = arith.constant 192 : index
    %swap3A_164 = tpu.vector_load %arg19[%swap3A_163] {strides = array<i32>} : memref<256xf32, #tpu.memory_space<vmem>>, vector<16xf32>,
    %swap3A_165 = vector.shape_cast %swap3A_164 : vector<16xf32> to vector<16xf32>
    %swap3A_166 = vector.shape_cast %broadcast_in_dim3A_19 : vector<16xf32> to vector<16xf32>
    tpu.vector_store %arg19[%swap3A_163], %swap3A_166 {strides = array<i32>} : memref<256xf32, #tpu.memory_space<vmem>>, vector<16xf32>,
    %swap3A_167 = arith.constant 192 : index
    %swap3A_168 = tpu.vector_load %arg20[%swap3A_167] {strides = array<i32>} : memref<256xf32, #tpu.memory_space<vmem>>, vector<16xf32>,
    %swap3A_169 = vector.shape_cast %swap3A_168 : vector<16xf32> to vector<16xf32>
    %swap3A_170 = vector.shape_cast %broadcast_in_dim3A_19 : vector<16xf32> to vector<16xf32>
    tpu.vector_store %arg20[%swap3A_167], %swap3A_170 {strides = array<i32>} : memref<256xf32, #tpu.memory_space<vmem>>, vector<16xf32>,
    %swap3A_171 = arith.constant 192 : index
    %swap3A_172 = tpu.vector_load %arg21[%swap3A_171] {strides = array<i32>} : memref<256xf32, #tpu.memory_space<vmem>>, vector<16xf32>,
    %swap3A_173 = vector.shape_cast %swap3A_172 : vector<16xf32> to vector<16xf32>
    %swap3A_174 = vector.shape_cast %broadcast_in_dim3A_19 : vector<16xf32> to vector<16xf32>
    tpu.vector_store %arg21[%swap3A_171], %swap3A_174 {strides = array<i32>} : memref<256xf32, #tpu.memory_space<vmem>>, vector<16xf32>,
    %swap3A_175 = arith.constant 208 : index
    %swap3A_176 = tpu.vector_load %arg19[%swap3A_175] {strides = array<i32>} : memref<256xf32, #tpu.memory_space<vmem>>, vector<16xf32>,
    %swap3A_177 = vector.shape_cast %swap3A_176 : vector<16xf32> to vector<16xf32>
    %swap3A_178 = vector.shape_cast %broadcast_in_dim3A_19 : vector<16xf32> to vector<16xf32>
    tpu.vector_store %arg19[%swap3A_175], %swap3A_178 {strides = array<i32>} : memref<256xf32, #tpu.memory_space<vmem>>, vector<16xf32>,
    %swap3A_179 = arith.constant 208 : index
    %swap3A_180 = tpu.vector_load %arg20[%swap3A_179] {strides = array<i32>} : memref<256xf32, #tpu.memory_space<vmem>>, vector<16xf32>,
    %swap3A_181 = vector.shape_cast %swap3A_180 : vector<16xf32> to vector<16xf32>
    %swap3A_182 = vector.shape_cast %broadcast_in_dim3A_19 : vector<16xf32> to vector<16xf32>
    tpu.vector_store %arg20[%swap3A_179], %swap3A_182 {strides = array<i32>} : memref<256xf32, #tpu.memory_space<vmem>>, vector<16xf32>,
    %swap3A_183 = arith.constant 208 : index
    %swap3A_184 = tpu.vector_load %arg21[%swap3A_183] {strides = array<i32>} : memref<256xf32, #tpu.memory_space<vmem>>, vector<16xf32>,
    %swap3A_185 = vector.shape_cast %swap3A_184 : vector<16xf32> to vector<16xf32>
    %swap3A_186 = vector.shape_cast %broadcast_in_dim3A_19 : vector<16xf32> to vector<16xf32>
    tpu.vector_store %arg21[%swap3A_183], %swap3A_186 {strides = array<i32>} : memref<256xf32, #tpu.memory_space<vmem>>, vector<16xf32>,
    %swap3A_187 = arith.constant 224 : index
    %swap3A_188 = tpu.vector_load %arg19[%swap3A_187] {strides = array<i32>} : memref<256xf32, #tpu.memory_space<vmem>>, vector<16xf32>,
    %swap3A_189 = vector.shape_cast %swap3A_188 : vector<16xf32> to vector<16xf32>
    %swap3A_190 = vector.shape_cast %broadcast_in_dim3A_19 : vector<16xf32> to vector<16xf32>
    tpu.vector_store %arg19[%swap3A_187], %swap3A_190 {strides = array<i32>} : memref<256xf32, #tpu.memory_space<vmem>>, vector<16xf32>,
    %swap3A_191 = arith.constant 224 : index
    %swap3A_192 = tpu.vector_load %arg20[%swap3A_191] {strides = array<i32>} : memref<256xf32, #tpu.memory_space<vmem>>, vector<16xf32>,
    %swap3A_193 = vector.shape_cast %swap3A_192 : vector<16xf32> to vector<16xf32>
    %swap3A_194 = vector.shape_cast %broadcast_in_dim3A_19 : vector<16xf32> to vector<16xf32>
    tpu.vector_store %arg20[%swap3A_191], %swap3A_194 {strides = array<i32>} : memref<256xf32, #tpu.memory_space<vmem>>, vector<16xf32>,
    %swap3A_195 = arith.constant 224 : index
    %swap3A_196 = tpu.vector_load %arg21[%swap3A_195] {strides = array<i32>} : memref<256xf32, #tpu.memory_space<vmem>>, vector<16xf32>,
    %swap3A_197 = vector.shape_cast %swap3A_196 : vector<16xf32> to vector<16xf32>
    %swap3A_198 = vector.shape_cast %broadcast_in_dim3A_19 : vector<16xf32> to vector<16xf32>
    tpu.vector_store %arg21[%swap3A_195], %swap3A_198 {strides = array<i32>} : memref<256xf32, #tpu.memory_space<vmem>>, vector<16xf32>,
    %swap3A_199 = arith.constant 240 : index
    %swap3A_200 = tpu.vector_load %arg19[%swap3A_199] {strides = array<i32>} : memref<256xf32, #tpu.memory_space<vmem>>, vector<16xf32>,
    %swap3A_201 = vector.shape_cast %swap3A_200 : vector<16xf32> to vector<16xf32>
    %swap3A_202 = vector.shape_cast %broadcast_in_dim3A_19 : vector<16xf32> to vector<16xf32>
    tpu.vector_store %arg19[%swap3A_199], %swap3A_202 {strides = array<i32>} : memref<256xf32, #tpu.memory_space<vmem>>, vector<16xf32>,
    %swap3A_203 = arith.constant 240 : index
    %swap3A_204 = tpu.vector_load %arg20[%swap3A_203] {strides = array<i32>} : memref<256xf32, #tpu.memory_space<vmem>>, vector<16xf32>,
    %swap3A_205 = vector.shape_cast %swap3A_204 : vector<16xf32> to vector<16xf32>
    %swap3A_206 = vector.shape_cast %broadcast_in_dim3A_19 : vector<16xf32> to vector<16xf32>
    tpu.vector_store %arg20[%swap3A_203], %swap3A_206 {strides = array<i32>} : memref<256xf32, #tpu.memory_space<vmem>>, vector<16xf32>,
    %swap3A_207 = arith.constant 240 : index
    %swap3A_208 = tpu.vector_load %arg21[%swap3A_207] {strides = array<i32>} : memref<256xf32, #tpu.memory_space<vmem>>, vector<16xf32>,
    %swap3A_209 = vector.shape_cast %swap3A_208 : vector<16xf32> to vector<16xf32>
    %swap3A_210 = vector.shape_cast %broadcast_in_dim3A_19 : vector<16xf32> to vector<16xf32>
    tpu.vector_store %arg21[%swap3A_207], %swap3A_210 {strides = array<i32>} : memref<256xf32, #tpu.memory_space<vmem>>, vector<16xf32>,
    %mul3A_211 = arith.constant 512 : i32
    %mul3A_212 = arith.muli %add3A, %mul3A_211 : i32
    %add3A_213 = arith.constant 0 : i32
    %add3A_214 = arith.addi %mul3A_212, %add3A_213 : i32
    %mul3A_215 = arith.constant 16 : i32
    %mul3A_216 = arith.muli %add3A_214, %mul3A_215 : i32
    %dma_start3A = tpu.memref_slice %arg4[%mul3A_216] : memref<262144xi32, #tpu.memory_space<hbm>> -> memref<128xi32, #tpu.memory_space<hbm>>
    %dma_start3A_217 = tpu.memref_slice %arg4[%mul3A_216] : memref<262144xi32, #tpu.memory_space<hbm>> -> memref<128xi32, #tpu.memory_space<hbm>>
    tpu.enqueue_dma source(%dma_start3A_217 : memref<128xi32, #tpu.memory_space<hbm>>) target(%arg9 : memref<128xi32, #tpu.memory_space<vmem>>) target_semaphore(%arg22 : memref<!tpu.dma_semaphore, #tpu.memory_space<semaphore_mem>>)
    %mul3A_218 = arith.constant 512 : i32
    %mul3A_219 = arith.muli %add3A, %mul3A_218 : i32
    %add3A_220 = arith.constant 8 : i32
    %add3A_221 = arith.addi %mul3A_219, %add3A_220 : i32
    %mul3A_222 = arith.constant 16 : i32
    %mul3A_223 = arith.muli %add3A_221, %mul3A_222 : i32
    %dma_start3A_224 = tpu.memref_slice %arg4[%mul3A_223] : memref<262144xi32, #tpu.memory_space<hbm>> -> memref<128xi32, #tpu.memory_space<hbm>>
    %dma_start3A_225 = tpu.memref_slice %arg4[%mul3A_223] : memref<262144xi32, #tpu.memory_space<hbm>> -> memref<128xi32, #tpu.memory_space<hbm>>
    tpu.enqueue_dma source(%dma_start3A_225 : memref<128xi32, #tpu.memory_space<hbm>>) target(%arg10 : memref<128xi32, #tpu.memory_space<vmem>>) target_semaphore(%arg23 : memref<!tpu.dma_semaphore, #tpu.memory_space<semaphore_mem>>)
    %mul3A_226 = arith.constant 512 : i32
    %mul3A_227 = arith.muli %add3A, %mul3A_226 : i32
    %add3A_228 = arith.constant 0 : i32
    %add3A_229 = arith.addi %mul3A_227, %add3A_228 : i32
    %mul3A_230 = arith.constant 16 : i32
    %mul3A_231 = arith.muli %add3A_229, %mul3A_230 : i32
    %dma_wait3A = tpu.memref_slice %arg4[%mul3A_231] : memref<262144xi32, #tpu.memory_space<hbm>> -> memref<128xi32, #tpu.memory_space<hbm>>
    %dma_wait3A_232 = tpu.memref_slice %arg4[%mul3A_231] : memref<262144xi32, #tpu.memory_space<hbm>> -> memref<128xi32, #tpu.memory_space<hbm>>
    tpu.wait_dma2 semaphore(%arg22 : memref<!tpu.dma_semaphore, #tpu.memory_space<semaphore_mem>>) src(%dma_wait3A_232 : memref<128xi32, #tpu.memory_space<hbm>>) dst(%arg9 : memref<128xi32, #tpu.memory_space<vmem>>)
    %get3A = arith.constant 0 : index
    %get3A_233 = tpu.vector_load %arg9[%get3A] {strides = array<i32>} : memref<128xi32, #tpu.memory_space<vmem>>, vector<16xi32>,
    %get3A_234 = vector.shape_cast %get3A_233 : vector<16xi32> to vector<16xi32>
    %add3A_235 = vector.broadcast %mul3A_18 : i32 to vector<16xi32>
    %add3A_236 = arith.addi %get3A_234, %add3A_235 : vector<16xi32>
    %swap3A_237 = arith.constant 0 : index
    %swap3A_238 = tpu.vector_load %arg11[%swap3A_237] {strides = array<i32>} : memref<128xi32, #tpu.memory_space<vmem>>, vector<16xi32>,
    %swap3A_239 = vector.shape_cast %swap3A_238 : vector<16xi32> to vector<16xi32>
    %swap3A_240 = vector.shape_cast %add3A_236 : vector<16xi32> to vector<16xi32>
    tpu.vector_store %arg11[%swap3A_237], %swap3A_240 {strides = array<i32>} : memref<128xi32, #tpu.memory_space<vmem>>, vector<16xi32>,
    %get3A_241 = arith.constant 16 : index
    %get3A_242 = tpu.vector_load %arg9[%get3A_241] {strides = array<i32>} : memref<128xi32, #tpu.memory_space<vmem>>, vector<16xi32>,
    %get3A_243 = vector.shape_cast %get3A_242 : vector<16xi32> to vector<16xi32>
    %add3A_244 = vector.broadcast %mul3A_18 : i32 to vector<16xi32>
    %add3A_245 = arith.addi %get3A_243, %add3A_244 : vector<16xi32>
    %swap3A_246 = arith.constant 16 : index
    %swap3A_247 = tpu.vector_load %arg11[%swap3A_246] {strides = array<i32>} : memref<128xi32, #tpu.memory_space<vmem>>, vector<16xi32>,
    %swap3A_248 = vector.shape_cast %swap3A_247 : vector<16xi32> to vector<16xi32>
    %swap3A_249 = vector.shape_cast %add3A_245 : vector<16xi32> to vector<16xi32>
    tpu.vector_store %arg11[%swap3A_246], %swap3A_249 {strides = array<i32>} : memref<128xi32, #tpu.memory_space<vmem>>, vector<16xi32>,
    %get3A_250 = arith.constant 32 : index
    %get3A_251 = tpu.vector_load %arg9[%get3A_250] {strides = array<i32>} : memref<128xi32, #tpu.memory_space<vmem>>, vector<16xi32>,
    %get3A_252 = vector.shape_cast %get3A_251 : vector<16xi32> to vector<16xi32>
    %add3A_253 = vector.broadcast %mul3A_18 : i32 to vector<16xi32>
    %add3A_254 = arith.addi %get3A_252, %add3A_253 : vector<16xi32>
    %swap3A_255 = arith.constant 32 : index
    %swap3A_256 = tpu.vector_load %arg11[%swap3A_255] {strides = array<i32>} : memref<128xi32, #tpu.memory_space<vmem>>, vector<16xi32>,
    %swap3A_257 = vector.shape_cast %swap3A_256 : vector<16xi32> to vector<16xi32>
    %swap3A_258 = vector.shape_cast %add3A_254 : vector<16xi32> to vector<16xi32>
    tpu.vector_store %arg11[%swap3A_255], %swap3A_258 {strides = array<i32>} : memref<128xi32, #tpu.memory_space<vmem>>, vector<16xi32>,
    %get3A_259 = arith.constant 48 : index
    %get3A_260 = tpu.vector_load %arg9[%get3A_259] {strides = array<i32>} : memref<128xi32, #tpu.memory_space<vmem>>, vector<16xi32>,
    %get3A_261 = vector.shape_cast %get3A_260 : vector<16xi32> to vector<16xi32>
    %add3A_262 = vector.broadcast %mul3A_18 : i32 to vector<16xi32>
    %add3A_263 = arith.addi %get3A_261, %add3A_262 : vector<16xi32>
    %swap3A_264 = arith.constant 48 : index
    %swap3A_265 = tpu.vector_load %arg11[%swap3A_264] {strides = array<i32>} : memref<128xi32, #tpu.memory_space<vmem>>, vector<16xi32>,
    %swap3A_266 = vector.shape_cast %swap3A_265 : vector<16xi32> to vector<16xi32>
    %swap3A_267 = vector.shape_cast %add3A_263 : vector<16xi32> to vector<16xi32>
    tpu.vector_store %arg11[%swap3A_264], %swap3A_267 {strides = array<i32>} : memref<128xi32, #tpu.memory_space<vmem>>, vector<16xi32>,
    %get3A_268 = arith.constant 64 : index
    %get3A_269 = tpu.vector_load %arg9[%get3A_268] {strides = array<i32>} : memref<128xi32, #tpu.memory_space<vmem>>, vector<16xi32>,
    %get3A_270 = vector.shape_cast %get3A_269 : vector<16xi32> to vector<16xi32>
    %add3A_271 = vector.broadcast %mul3A_18 : i32 to vector<16xi32>
    %add3A_272 = arith.addi %get3A_270, %add3A_271 : vector<16xi32>
    %swap3A_273 = arith.constant 64 : index
    %swap3A_274 = tpu.vector_load %arg11[%swap3A_273] {strides = array<i32>} : memref<128xi32, #tpu.memory_space<vmem>>, vector<16xi32>,
    %swap3A_275 = vector.shape_cast %swap3A_274 : vector<16xi32> to vector<16xi32>
    %swap3A_276 = vector.shape_cast %add3A_272 : vector<16xi32> to vector<16xi32>
    tpu.vector_store %arg11[%swap3A_273], %swap3A_276 {strides = array<i32>} : memref<128xi32, #tpu.memory_space<vmem>>, vector<16xi32>,
    %get3A_277 = arith.constant 80 : index
    %get3A_278 = tpu.vector_load %arg9[%get3A_277] {strides = array<i32>} : memref<128xi32, #tpu.memory_space<vmem>>, vector<16xi32>,
    %get3A_279 = vector.shape_cast %get3A_278 : vector<16xi32> to vector<16xi32>
    %add3A_280 = vector.broadcast %mul3A_18 : i32 to vector<16xi32>
    %add3A_281 = arith.addi %get3A_279, %add3A_280 : vector<16xi32>
    %swap3A_282 = arith.constant 80 : index
    %swap3A_283 = tpu.vector_load %arg11[%swap3A_282] {strides = array<i32>} : memref<128xi32, #tpu.memory_space<vmem>>, vector<16xi32>,
    %swap3A_284 = vector.shape_cast %swap3A_283 : vector<16xi32> to vector<16xi32>
    %swap3A_285 = vector.shape_cast %add3A_281 : vector<16xi32> to vector<16xi32>
    tpu.vector_store %arg11[%swap3A_282], %swap3A_285 {strides = array<i32>} : memref<128xi32, #tpu.memory_space<vmem>>, vector<16xi32>,
    %get3A_286 = arith.constant 96 : index
    %get3A_287 = tpu.vector_load %arg9[%get3A_286] {strides = array<i32>} : memref<128xi32, #tpu.memory_space<vmem>>, vector<16xi32>,
    %get3A_288 = vector.shape_cast %get3A_287 : vector<16xi32> to vector<16xi32>
    %add3A_289 = vector.broadcast %mul3A_18 : i32 to vector<16xi32>
    %add3A_290 = arith.addi %get3A_288, %add3A_289 : vector<16xi32>
    %swap3A_291 = arith.constant 96 : index
    %swap3A_292 = tpu.vector_load %arg11[%swap3A_291] {strides = array<i32>} : memref<128xi32, #tpu.memory_space<vmem>>, vector<16xi32>,
    %swap3A_293 = vector.shape_cast %swap3A_292 : vector<16xi32> to vector<16xi32>
    %swap3A_294 = vector.shape_cast %add3A_290 : vector<16xi32> to vector<16xi32>
    tpu.vector_store %arg11[%swap3A_291], %swap3A_294 {strides = array<i32>} : memref<128xi32, #tpu.memory_space<vmem>>, vector<16xi32>,
    %get3A_295 = arith.constant 112 : index
    %get3A_296 = tpu.vector_load %arg9[%get3A_295] {strides = array<i32>} : memref<128xi32, #tpu.memory_space<vmem>>, vector<16xi32>,
    %get3A_297 = vector.shape_cast %get3A_296 : vector<16xi32> to vector<16xi32>
    %add3A_298 = vector.broadcast %mul3A_18 : i32 to vector<16xi32>
    %add3A_299 = arith.addi %get3A_297, %add3A_298 : vector<16xi32>
    %swap3A_300 = arith.constant 112 : index
    %swap3A_301 = tpu.vector_load %arg11[%swap3A_300] {strides = array<i32>} : memref<128xi32, #tpu.memory_space<vmem>>, vector<16xi32>,
    %swap3A_302 = vector.shape_cast %swap3A_301 : vector<16xi32> to vector<16xi32>
    %swap3A_303 = vector.shape_cast %add3A_299 : vector<16xi32> to vector<16xi32>
    tpu.vector_store %arg11[%swap3A_300], %swap3A_303 {strides = array<i32>} : memref<128xi32, #tpu.memory_space<vmem>>, vector<16xi32>,
    %dma_start3A_304 = arith.constant 0 : i32
    %dma_start3A_305 = arith.constant 0 : i32
    %dma_start3A_306 = tpu.memref_slice %arg2[%dma_start3A_304, %dma_start3A_305] : memref<16384x256xf32, #tpu.memory_space<hbm>> -> memref<16384x256xf32, #tpu.memory_space<hbm>>
    tpu.enqueue_indirect_dma source(%dma_start3A_306 : memref<16384x256xf32, #tpu.memory_space<hbm>>) target(%arg13 : memref<128x256xf32, #tpu.memory_space<vmem>>) offsets(%arg11 : memref<128xi32, #tpu.memory_space<vmem>>) semaphore(%arg24 : memref<!tpu.dma_semaphore, #tpu.memory_space<semaphore_mem>>)
    %mul3A_307 = arith.constant 512 : i32
    %mul3A_308 = arith.muli %add3A, %mul3A_307 : i32
    %add3A_309 = arith.constant 0 : i32
    %add3A_310 = arith.addi %mul3A_308, %add3A_309 : i32
    %dma_start3A_311 = arith.constant 0 : i32
    %dma_start3A_312 = tpu.memref_slice %arg3[%add3A_310, %dma_start3A_311] : memref<16384x256xf32, #tpu.memory_space<hbm>> -> memref<8x256xf32, #tpu.memory_space<hbm>>
    %dma_start3A_313 = arith.constant 0 : i32
    %dma_start3A_314 = tpu.memref_slice %arg3[%add3A_310, %dma_start3A_313] : memref<16384x256xf32, #tpu.memory_space<hbm>> -> memref<8x256xf32, #tpu.memory_space<hbm>>
    tpu.enqueue_dma source(%dma_start3A_314 : memref<8x256xf32, #tpu.memory_space<hbm>>) target(%arg15 : memref<8x256xf32, #tpu.memory_space<vmem>>) target_semaphore(%arg24 : memref<!tpu.dma_semaphore, #tpu.memory_space<semaphore_mem>>)
    %scan3A = arith.constant 0 : i32
    %scan3A_315 = arith.constant 0 : i32
    %scan3A_316 = arith.constant 32 : i32
    %scan3A_317 = arith.addi %scan3A_315, %scan3A_316 : i32
    %scan3A_318 = arith.constant 1 : i32
    %scan3A_319 = scf.for %scan3A_337 = %scan3A_315 to %scan3A_317 step %scan3A_318 iter_args(%scan3A_338 = %scan3A) -> (i32)  : i32 {
      %mul3A_339 = arith.constant 2 : i32
      %mul3A_340 = arith.muli %mul3A_339, %scan3A_337 : i32
      %add3A_341 = arith.constant 1 : i32
      %add3A_342 = arith.addi %mul3A_340, %add3A_341 : i32
      %mul3A_343 = arith.constant 512 : i32
      %mul3A_344 = arith.muli %add3A, %mul3A_343 : i32
      %mul3A_345 = arith.constant 8 : i32
      %mul3A_346 = arith.muli %add3A_342, %mul3A_345 : i32
      %add3A_347 = arith.addi %mul3A_344, %mul3A_346 : i32
      %mul3A_348 = arith.constant 16 : i32
      %mul3A_349 = arith.muli %add3A_347, %mul3A_348 : i32
      %dma_wait3A_350 = tpu.memref_slice %arg4[%mul3A_349] : memref<262144xi32, #tpu.memory_space<hbm>> -> memref<128xi32, #tpu.memory_space<hbm>>
      %dma_wait3A_351 = tpu.memref_slice %arg4[%mul3A_349] : memref<262144xi32, #tpu.memory_space<hbm>> -> memref<128xi32, #tpu.memory_space<hbm>>
      tpu.wait_dma2 semaphore(%arg23 : memref<!tpu.dma_semaphore, #tpu.memory_space<semaphore_mem>>) src(%dma_wait3A_351 : memref<128xi32, #tpu.memory_space<hbm>>) dst(%arg10 : memref<128xi32, #tpu.memory_space<vmem>>)
      %get3A_352 = arith.constant 0 : index
      %get3A_353 = tpu.vector_load %arg10[%get3A_352] {strides = array<i32>} : memref<128xi32, #tpu.memory_space<vmem>>, vector<16xi32>,
      %get3A_354 = vector.shape_cast %get3A_353 : vector<16xi32> to vector<16xi32>
      %add3A_355 = vector.broadcast %mul3A_18 : i32 to vector<16xi32>
      %add3A_356 = arith.addi %get3A_354, %add3A_355 : vector<16xi32>
      %swap3A_357 = arith.constant 0 : index
      %swap3A_358 = tpu.vector_load %arg12[%swap3A_357] {strides = array<i32>} : memref<128xi32, #tpu.memory_space<vmem>>, vector<16xi32>,
      %swap3A_359 = vector.shape_cast %swap3A_358 : vector<16xi32> to vector<16xi32>
      %swap3A_360 = vector.shape_cast %add3A_356 : vector<16xi32> to vector<16xi32>
      tpu.vector_store %arg12[%swap3A_357], %swap3A_360 {strides = array<i32>} : memref<128xi32, #tpu.memory_space<vmem>>, vector<16xi32>,
      %get3A_361 = arith.constant 16 : index
      %get3A_362 = tpu.vector_load %arg10[%get3A_361] {strides = array<i32>} : memref<128xi32, #tpu.memory_space<vmem>>, vector<16xi32>,
      %get3A_363 = vector.shape_cast %get3A_362 : vector<16xi32> to vector<16xi32>
      %add3A_364 = vector.broadcast %mul3A_18 : i32 to vector<16xi32>
      %add3A_365 = arith.addi %get3A_363, %add3A_364 : vector<16xi32>
      %swap3A_366 = arith.constant 16 : index
      %swap3A_367 = tpu.vector_load %arg12[%swap3A_366] {strides = array<i32>} : memref<128xi32, #tpu.memory_space<vmem>>, vector<16xi32>,
      %swap3A_368 = vector.shape_cast %swap3A_367 : vector<16xi32> to vector<16xi32>
      %swap3A_369 = vector.shape_cast %add3A_365 : vector<16xi32> to vector<16xi32>
      tpu.vector_store %arg12[%swap3A_366], %swap3A_369 {strides = array<i32>} : memref<128xi32, #tpu.memory_space<vmem>>, vector<16xi32>,
      %get3A_370 = arith.constant 32 : index
      %get3A_371 = tpu.vector_load %arg10[%get3A_370] {strides = array<i32>} : memref<128xi32, #tpu.memory_space<vmem>>, vector<16xi32>,
      %get3A_372 = vector.shape_cast %get3A_371 : vector<16xi32> to vector<16xi32>
      %add3A_373 = vector.broadcast %mul3A_18 : i32 to vector<16xi32>
      %add3A_374 = arith.addi %get3A_372, %add3A_373 : vector<16xi32>
      %swap3A_375 = arith.constant 32 : index
      %swap3A_376 = tpu.vector_load %arg12[%swap3A_375] {strides = array<i32>} : memref<128xi32, #tpu.memory_space<vmem>>, vector<16xi32>,
      %swap3A_377 = vector.shape_cast %swap3A_376 : vector<16xi32> to vector<16xi32>
      %swap3A_378 = vector.shape_cast %add3A_374 : vector<16xi32> to vector<16xi32>
      tpu.vector_store %arg12[%swap3A_375], %swap3A_378 {strides = array<i32>} : memref<128xi32, #tpu.memory_space<vmem>>, vector<16xi32>,
      %get3A_379 = arith.constant 48 : index
      %get3A_380 = tpu.vector_load %arg10[%get3A_379] {strides = array<i32>} : memref<128xi32, #tpu.memory_space<vmem>>, vector<16xi32>,
      %get3A_381 = vector.shape_cast %get3A_380 : vector<16xi32> to vector<16xi32>
      %add3A_382 = vector.broadcast %mul3A_18 : i32 to vector<16xi32>
      %add3A_383 = arith.addi %get3A_381, %add3A_382 : vector<16xi32>
      %swap3A_384 = arith.constant 48 : index
      %swap3A_385 = tpu.vector_load %arg12[%swap3A_384] {strides = array<i32>} : memref<128xi32, #tpu.memory_space<vmem>>, vector<16xi32>,
      %swap3A_386 = vector.shape_cast %swap3A_385 : vector<16xi32> to vector<16xi32>
      %swap3A_387 = vector.shape_cast %add3A_383 : vector<16xi32> to vector<16xi32>
      tpu.vector_store %arg12[%swap3A_384], %swap3A_387 {strides = array<i32>} : memref<128xi32, #tpu.memory_space<vmem>>, vector<16xi32>,
      %get3A_388 = arith.constant 64 : index
      %get3A_389 = tpu.vector_load %arg10[%get3A_388] {strides = array<i32>} : memref<128xi32, #tpu.memory_space<vmem>>, vector<16xi32>,
      %get3A_390 = vector.shape_cast %get3A_389 : vector<16xi32> to vector<16xi32>
      %add3A_391 = vector.broadcast %mul3A_18 : i32 to vector<16xi32>
      %add3A_392 = arith.addi %get3A_390, %add3A_391 : vector<16xi32>
      %swap3A_393 = arith.constant 64 : index
      %swap3A_394 = tpu.vector_load %arg12[%swap3A_393] {strides = array<i32>} : memref<128xi32, #tpu.memory_space<vmem>>, vector<16xi32>,
      %swap3A_395 = vector.shape_cast %swap3A_394 : vector<16xi32> to vector<16xi32>
      %swap3A_396 = vector.shape_cast %add3A_392 : vector<16xi32> to vector<16xi32>
      tpu.vector_store %arg12[%swap3A_393], %swap3A_396 {strides = array<i32>} : memref<128xi32, #tpu.memory_space<vmem>>, vector<16xi32>,
      %get3A_397 = arith.constant 80 : index
      %get3A_398 = tpu.vector_load %arg10[%get3A_397] {strides = array<i32>} : memref<128xi32, #tpu.memory_space<vmem>>, vector<16xi32>,
      %get3A_399 = vector.shape_cast %get3A_398 : vector<16xi32> to vector<16xi32>
      %add3A_400 = vector.broadcast %mul3A_18 : i32 to vector<16xi32>
      %add3A_401 = arith.addi %get3A_399, %add3A_400 : vector<16xi32>
      %swap3A_402 = arith.constant 80 : index
      %swap3A_403 = tpu.vector_load %arg12[%swap3A_402] {strides = array<i32>} : memref<128xi32, #tpu.memory_space<vmem>>, vector<16xi32>,
      %swap3A_404 = vector.shape_cast %swap3A_403 : vector<16xi32> to vector<16xi32>
      %swap3A_405 = vector.shape_cast %add3A_401 : vector<16xi32> to vector<16xi32>
      tpu.vector_store %arg12[%swap3A_402], %swap3A_405 {strides = array<i32>} : memref<128xi32, #tpu.memory_space<vmem>>, vector<16xi32>,
      %get3A_406 = arith.constant 96 : index
      %get3A_407 = tpu.vector_load %arg10[%get3A_406] {strides = array<i32>} : memref<128xi32, #tpu.memory_space<vmem>>, vector<16xi32>,
      %get3A_408 = vector.shape_cast %get3A_407 : vector<16xi32> to vector<16xi32>
      %add3A_409 = vector.broadcast %mul3A_18 : i32 to vector<16xi32>
      %add3A_410 = arith.addi %get3A_408, %add3A_409 : vector<16xi32>
      %swap3A_411 = arith.constant 96 : index
      %swap3A_412 = tpu.vector_load %arg12[%swap3A_411] {strides = array<i32>} : memref<128xi32, #tpu.memory_space<vmem>>, vector<16xi32>,
      %swap3A_413 = vector.shape_cast %swap3A_412 : vector<16xi32> to vector<16xi32>
      %swap3A_414 = vector.shape_cast %add3A_410 : vector<16xi32> to vector<16xi32>
      tpu.vector_store %arg12[%swap3A_411], %swap3A_414 {strides = array<i32>} : memref<128xi32, #tpu.memory_space<vmem>>, vector<16xi32>,
      %get3A_415 = arith.constant 112 : index
      %get3A_416 = tpu.vector_load %arg10[%get3A_415] {strides = array<i32>} : memref<128xi32, #tpu.memory_space<vmem>>, vector<16xi32>,
      %get3A_417 = vector.shape_cast %get3A_416 : vector<16xi32> to vector<16xi32>
      %add3A_418 = vector.broadcast %mul3A_18 : i32 to vector<16xi32>
      %add3A_419 = arith.addi %get3A_417, %add3A_418 : vector<16xi32>
      %swap3A_420 = arith.constant 112 : index
      %swap3A_421 = tpu.vector_load %arg12[%swap3A_420] {strides = array<i32>} : memref<128xi32, #tpu.memory_space<vmem>>, vector<16xi32>,
      %swap3A_422 = vector.shape_cast %swap3A_421 : vector<16xi32> to vector<16xi32>
      %swap3A_423 = vector.shape_cast %add3A_419 : vector<16xi32> to vector<16xi32>
      tpu.vector_store %arg12[%swap3A_420], %swap3A_423 {strides = array<i32>} : memref<128xi32, #tpu.memory_space<vmem>>, vector<16xi32>,
      %dma_start3A_424 = arith.constant 0 : i32
      %dma_start3A_425 = arith.constant 0 : i32
      %dma_start3A_426 = tpu.memref_slice %arg2[%dma_start3A_424, %dma_start3A_425] : memref<16384x256xf32, #tpu.memory_space<hbm>> -> memref<16384x256xf32, #tpu.memory_space<hbm>>
      tpu.enqueue_indirect_dma source(%dma_start3A_426 : memref<16384x256xf32, #tpu.memory_space<hbm>>) target(%arg14 : memref<128x256xf32, #tpu.memory_space<vmem>>) offsets(%arg12 : memref<128xi32, #tpu.memory_space<vmem>>) semaphore(%arg25 : memref<!tpu.dma_semaphore, #tpu.memory_space<semaphore_mem>>)
      %mul3A_427 = arith.constant 512 : i32
      %mul3A_428 = arith.muli %add3A, %mul3A_427 : i32
      %mul3A_429 = arith.constant 8 : i32
      %mul3A_430 = arith.muli %add3A_342, %mul3A_429 : i32
      %add3A_431 = arith.addi %mul3A_428, %mul3A_430 : i32
      %dma_start3A_432 = arith.constant 0 : i32
      %dma_start3A_433 = tpu.memref_slice %arg3[%add3A_431, %dma_start3A_432] : memref<16384x256xf32, #tpu.memory_space<hbm>> -> memref<8x256xf32, #tpu.memory_space<hbm>>
      %dma_start3A_434 = arith.constant 0 : i32
      %dma_start3A_435 = tpu.memref_slice %arg3[%add3A_431, %dma_start3A_434] : memref<16384x256xf32, #tpu.memory_space<hbm>> -> memref<8x256xf32, #tpu.memory_space<hbm>>
      tpu.enqueue_dma source(%dma_start3A_435 : memref<8x256xf32, #tpu.memory_space<hbm>>) target(%arg16 : memref<8x256xf32, #tpu.memory_space<vmem>>) target_semaphore(%arg25 : memref<!tpu.dma_semaphore, #tpu.memory_space<semaphore_mem>>)
      %add3A_436 = arith.constant 2 : i32
      %add3A_437 = arith.addi %mul3A_340, %add3A_436 : i32
      %lt3A = arith.constant 64 : i32
      %lt3A_438 = arith.cmpi slt, %add3A_437, %lt3A : i32
      %convert_element_type3A = arith.extui %lt3A_438 : i1 to i32
      %cond3A = arith.constant 0 : i32
      %cond3A_439 = arith.cmpi ne, %convert_element_type3A, %cond3A : i32
      scf.if %cond3A_439 {
        %add3A_520 = arith.constant 2 : i32
        %add3A_521 = arith.addi %mul3A_340, %add3A_520 : i32
        %mul3A_522 = arith.constant 512 : i32
        %mul3A_523 = arith.muli %add3A, %mul3A_522 : i32
        %mul3A_524 = arith.constant 8 : i32
        %mul3A_525 = arith.muli %add3A_521, %mul3A_524 : i32
        %add3A_526 = arith.addi %mul3A_523, %mul3A_525 : i32
        %mul3A_527 = arith.constant 16 : i32
        %mul3A_528 = arith.muli %add3A_526, %mul3A_527 : i32
        %dma_start3A_529 = tpu.memref_slice %arg4[%mul3A_528] : memref<262144xi32, #tpu.memory_space<hbm>> -> memref<128xi32, #tpu.memory_space<hbm>>
        %dma_start3A_530 = tpu.memref_slice %arg4[%mul3A_528] : memref<262144xi32, #tpu.memory_space<hbm>> -> memref<128xi32, #tpu.memory_space<hbm>>
        tpu.enqueue_dma source(%dma_start3A_530 : memref<128xi32, #tpu.memory_space<hbm>>) target(%arg9 : memref<128xi32, #tpu.memory_space<vmem>>) target_semaphore(%arg22 : memref<!tpu.dma_semaphore, #tpu.memory_space<semaphore_mem>>)
      } else {
      }
      %dma_wait3A_440 = arith.constant 0 : i32
      %dma_wait3A_441 = arith.constant 0 : i32
      %dma_wait3A_442 = tpu.memref_slice %arg2[%dma_wait3A_440, %dma_wait3A_441] : memref<16384x256xf32, #tpu.memory_space<hbm>> -> memref<16384x256xf32, #tpu.memory_space<hbm>>
      tpu.wait_indirect_dma semaphore(%arg24 : memref<!tpu.dma_semaphore, #tpu.memory_space<semaphore_mem>>) src(%dma_wait3A_442 : memref<16384x256xf32, #tpu.memory_space<hbm>>) dst(%arg13 : memref<128x256xf32, #tpu.memory_space<vmem>>)
      %mul3A_443 = arith.constant 512 : i32
      %mul3A_444 = arith.muli %add3A, %mul3A_443 : i32
      %mul3A_445 = arith.constant 8 : i32
      %mul3A_446 = arith.muli %mul3A_340, %mul3A_445 : i32
      %add3A_447 = arith.addi %mul3A_444, %mul3A_446 : i32
      %dma_wait3A_448 = arith.constant 0 : i32
      %dma_wait3A_449 = tpu.memref_slice %arg3[%add3A_447, %dma_wait3A_448] : memref<16384x256xf32, #tpu.memory_space<hbm>> -> memref<8x256xf32, #tpu.memory_space<hbm>>
      %dma_wait3A_450 = arith.constant 0 : i32
      %dma_wait3A_451 = tpu.memref_slice %arg3[%add3A_447, %dma_wait3A_450] : memref<16384x256xf32, #tpu.memory_space<hbm>> -> memref<8x256xf32, #tpu.memory_space<hbm>>
      tpu.wait_dma2 semaphore(%arg24 : memref<!tpu.dma_semaphore, #tpu.memory_space<semaphore_mem>>) src(%dma_wait3A_451 : memref<8x256xf32, #tpu.memory_space<hbm>>) dst(%arg15 : memref<8x256xf32, #tpu.memory_space<vmem>>)
      %ge3A = arith.constant 2 : i32
      %ge3A_452 = arith.cmpi sge, %mul3A_340, %ge3A : i32
      %convert_element_type3A_453 = arith.extui %ge3A_452 : i1 to i32
      %cond3A_454 = arith.constant 0 : i32
      %cond3A_455 = arith.cmpi ne, %convert_element_type3A_453, %cond3A_454 : i32
      scf.if %cond3A_455 {
        %mul3A_520 = arith.constant 512 : i32
        %mul3A_521 = arith.muli %add3A, %mul3A_520 : i32
        %sub3A_522 = arith.constant 2 : i32
        %sub3A_523 = arith.subi %mul3A_340, %sub3A_522 : i32
        %mul3A_524 = arith.constant 8 : i32
        %mul3A_525 = arith.muli %sub3A_523, %mul3A_524 : i32
        %add3A_526 = arith.addi %mul3A_521, %mul3A_525 : i32
        %dma_wait3A_527 = arith.constant 0 : i32
        %dma_wait3A_528 = tpu.memref_slice %arg5[%add3A_526, %dma_wait3A_527] : memref<16384x256xf32, #tpu.memory_space<hbm>> -> memref<8x256xf32, #tpu.memory_space<hbm>>
        %dma_wait3A_529 = arith.constant 0 : i32
        %dma_wait3A_530 = tpu.memref_slice %arg5[%add3A_526, %dma_wait3A_529] : memref<16384x256xf32, #tpu.memory_space<hbm>> -> memref<8x256xf32, #tpu.memory_space<hbm>>
        tpu.wait_dma2 semaphore(%arg26 : memref<!tpu.dma_semaphore, #tpu.memory_space<semaphore_mem>>) src(%arg17 : memref<8x256xf32, #tpu.memory_space<vmem>>) dst(%dma_wait3A_530 : memref<8x256xf32, #tpu.memory_space<hbm>>)
      } else {
      }
      %scan3A_456 = arith.constant 0 : i32
      %scan3A_457 = arith.constant 0 : i32
      %scan3A_458 = arith.constant 16 : i32
      %scan3A_459 = arith.addi %scan3A_457, %scan3A_458 : i32
      %scan3A_460 = arith.constant 1 : i32
      %scan3A_461 = scf.for %scan3A_520 = %scan3A_457 to %scan3A_459 step %scan3A_460 iter_args(%scan3A_521 = %scan3A_456) -> (i32)  : i32 {
        %mul3A_522 = arith.constant 16 : i32
        %mul3A_523 = arith.muli %scan3A_520, %mul3A_522 : i32
        %get3A_524 = arith.index_cast %mul3A_523 : i32 to index
        %get3A_525 = tpu.vector_load %arg19[%get3A_524] {strides = array<i32>} : memref<256xf32, #tpu.memory_space<vmem>>, vector<16xf32>,
        %get3A_526 = vector.shape_cast %get3A_525 : vector<16xf32> to vector<16xf32>
        %get3A_527 = arith.index_cast %mul3A_523 : i32 to index
        %get3A_528 = tpu.vector_load %arg20[%get3A_527] {strides = array<i32>} : memref<256xf32, #tpu.memory_space<vmem>>, vector<16xf32>,
        %get3A_529 = vector.shape_cast %get3A_528 : vector<16xf32> to vector<16xf32>
        %get3A_530 = arith.index_cast %mul3A_523 : i32 to index
        %get3A_531 = tpu.vector_load %arg21[%get3A_530] {strides = array<i32>} : memref<256xf32, #tpu.memory_space<vmem>>, vector<16xf32>,
        %get3A_532 = vector.shape_cast %get3A_531 : vector<16xf32> to vector<16xf32>
        %get3A_533 = arith.constant 0 : i32
        %get3A_534 = arith.index_cast %get3A_533 : i32 to index
        %get3A_535 = arith.index_cast %mul3A_523 : i32 to index
        %get3A_536 = tpu.vector_load %arg13[%get3A_534, %get3A_535] {strides = array<i32>} : memref<128x256xf32, #tpu.memory_space<vmem>>, vector<1x16xf32>,
        %get3A_537 = vector.shape_cast %get3A_536 : vector<1x16xf32> to vector<16xf32>
        %mul3A_538 = arith.mulf %get3A_537, %get3A_537 : vector<16xf32>
        %get3A_539 = arith.constant 1 : i32
        %get3A_540 = arith.index_cast %get3A_539 : i32 to index
        %get3A_541 = arith.index_cast %mul3A_523 : i32 to index
        %get3A_542 = tpu.vector_load %arg13[%get3A_540, %get3A_541] {strides = array<i32>} : memref<128x256xf32, #tpu.memory_space<vmem>>, vector<1x16xf32>,
        %get3A_543 = vector.shape_cast %get3A_542 : vector<1x16xf32> to vector<16xf32>
        %max3A = arith.maximumf %get3A_537, %get3A_543 : vector<16xf32>
        %add3A_544 = arith.addf %get3A_537, %get3A_543 : vector<16xf32>
        %mul3A_545 = arith.mulf %get3A_543, %get3A_543 : vector<16xf32>
        %add3A_546 = arith.addf %mul3A_538, %mul3A_545 : vector<16xf32>
        %get3A_547 = arith.constant 2 : i32
        %get3A_548 = arith.index_cast %get3A_547 : i32 to index
        %get3A_549 = arith.index_cast %mul3A_523 : i32 to index
        %get3A_550 = tpu.vector_load %arg13[%get3A_548, %get3A_549] {strides = array<i32>} : memref<128x256xf32, #tpu.memory_space<vmem>>, vector<1x16xf32>,
        %get3A_551 = vector.shape_cast %get3A_550 : vector<1x16xf32> to vector<16xf32>
        %max3A_552 = arith.maximumf %max3A, %get3A_551 : vector<16xf32>
        %add3A_553 = arith.addf %add3A_544, %get3A_551 : vector<16xf32>
        %mul3A_554 = arith.mulf %get3A_551, %get3A_551 : vector<16xf32>
        %add3A_555 = arith.addf %add3A_546, %mul3A_554 : vector<16xf32>
        %get3A_556 = arith.constant 3 : i32
        %get3A_557 = arith.index_cast %get3A_556 : i32 to index
        %get3A_558 = arith.index_cast %mul3A_523 : i32 to index
        %get3A_559 = tpu.vector_load %arg13[%get3A_557, %get3A_558] {strides = array<i32>} : memref<128x256xf32, #tpu.memory_space<vmem>>, vector<1x16xf32>,
        %get3A_560 = vector.shape_cast %get3A_559 : vector<1x16xf32> to vector<16xf32>
        %max3A_561 = arith.maximumf %max3A_552, %get3A_560 : vector<16xf32>
        %add3A_562 = arith.addf %add3A_553, %get3A_560 : vector<16xf32>
        %mul3A_563 = arith.mulf %get3A_560, %get3A_560 : vector<16xf32>
        %add3A_564 = arith.addf %add3A_555, %mul3A_563 : vector<16xf32>
        %get3A_565 = arith.constant 4 : i32
        %get3A_566 = arith.index_cast %get3A_565 : i32 to index
        %get3A_567 = arith.index_cast %mul3A_523 : i32 to index
        %get3A_568 = tpu.vector_load %arg13[%get3A_566, %get3A_567] {strides = array<i32>} : memref<128x256xf32, #tpu.memory_space<vmem>>, vector<1x16xf32>,
        %get3A_569 = vector.shape_cast %get3A_568 : vector<1x16xf32> to vector<16xf32>
        %max3A_570 = arith.maximumf %max3A_561, %get3A_569 : vector<16xf32>
        %add3A_571 = arith.addf %add3A_562, %get3A_569 : vector<16xf32>
        %mul3A_572 = arith.mulf %get3A_569, %get3A_569 : vector<16xf32>
        %add3A_573 = arith.addf %add3A_564, %mul3A_572 : vector<16xf32>
        %get3A_574 = arith.constant 5 : i32
        %get3A_575 = arith.index_cast %get3A_574 : i32 to index
        %get3A_576 = arith.index_cast %mul3A_523 : i32 to index
        %get3A_577 = tpu.vector_load %arg13[%get3A_575, %get3A_576] {strides = array<i32>} : memref<128x256xf32, #tpu.memory_space<vmem>>, vector<1x16xf32>,
        %get3A_578 = vector.shape_cast %get3A_577 : vector<1x16xf32> to vector<16xf32>
        %max3A_579 = arith.maximumf %max3A_570, %get3A_578 : vector<16xf32>
        %add3A_580 = arith.addf %add3A_571, %get3A_578 : vector<16xf32>
        %mul3A_581 = arith.mulf %get3A_578, %get3A_578 : vector<16xf32>
        %add3A_582 = arith.addf %add3A_573, %mul3A_581 : vector<16xf32>
        %get3A_583 = arith.constant 6 : i32
        %get3A_584 = arith.index_cast %get3A_583 : i32 to index
        %get3A_585 = arith.index_cast %mul3A_523 : i32 to index
        %get3A_586 = tpu.vector_load %arg13[%get3A_584, %get3A_585] {strides = array<i32>} : memref<128x256xf32, #tpu.memory_space<vmem>>, vector<1x16xf32>,
        %get3A_587 = vector.shape_cast %get3A_586 : vector<1x16xf32> to vector<16xf32>
        %max3A_588 = arith.maximumf %max3A_579, %get3A_587 : vector<16xf32>
        %add3A_589 = arith.addf %add3A_580, %get3A_587 : vector<16xf32>
        %mul3A_590 = arith.mulf %get3A_587, %get3A_587 : vector<16xf32>
        %add3A_591 = arith.addf %add3A_582, %mul3A_590 : vector<16xf32>
        %get3A_592 = arith.constant 7 : i32
        %get3A_593 = arith.index_cast %get3A_592 : i32 to index
        %get3A_594 = arith.index_cast %mul3A_523 : i32 to index
        %get3A_595 = tpu.vector_load %arg13[%get3A_593, %get3A_594] {strides = array<i32>} : memref<128x256xf32, #tpu.memory_space<vmem>>, vector<1x16xf32>,
        %get3A_596 = vector.shape_cast %get3A_595 : vector<1x16xf32> to vector<16xf32>
        %max3A_597 = arith.maximumf %max3A_588, %get3A_596 : vector<16xf32>
        %add3A_598 = arith.addf %add3A_589, %get3A_596 : vector<16xf32>
        %mul3A_599 = arith.mulf %get3A_596, %get3A_596 : vector<16xf32>
        %add3A_600 = arith.addf %add3A_591, %mul3A_599 : vector<16xf32>
        %get3A_601 = arith.constant 8 : i32
        %get3A_602 = arith.index_cast %get3A_601 : i32 to index
        %get3A_603 = arith.index_cast %mul3A_523 : i32 to index
        %get3A_604 = tpu.vector_load %arg13[%get3A_602, %get3A_603] {strides = array<i32>} : memref<128x256xf32, #tpu.memory_space<vmem>>, vector<1x16xf32>,
        %get3A_605 = vector.shape_cast %get3A_604 : vector<1x16xf32> to vector<16xf32>
        %max3A_606 = arith.maximumf %max3A_597, %get3A_605 : vector<16xf32>
        %add3A_607 = arith.addf %add3A_598, %get3A_605 : vector<16xf32>
        %mul3A_608 = arith.mulf %get3A_605, %get3A_605 : vector<16xf32>
        %add3A_609 = arith.addf %add3A_600, %mul3A_608 : vector<16xf32>
        %get3A_610 = arith.constant 9 : i32
        %get3A_611 = arith.index_cast %get3A_610 : i32 to index
        %get3A_612 = arith.index_cast %mul3A_523 : i32 to index
        %get3A_613 = tpu.vector_load %arg13[%get3A_611, %get3A_612] {strides = array<i32>} : memref<128x256xf32, #tpu.memory_space<vmem>>, vector<1x16xf32>,
        %get3A_614 = vector.shape_cast %get3A_613 : vector<1x16xf32> to vector<16xf32>
        %max3A_615 = arith.maximumf %max3A_606, %get3A_614 : vector<16xf32>
        %add3A_616 = arith.addf %add3A_607, %get3A_614 : vector<16xf32>
        %mul3A_617 = arith.mulf %get3A_614, %get3A_614 : vector<16xf32>
        %add3A_618 = arith.addf %add3A_609, %mul3A_617 : vector<16xf32>
        %get3A_619 = arith.constant 10 : i32
        %get3A_620 = arith.index_cast %get3A_619 : i32 to index
        %get3A_621 = arith.index_cast %mul3A_523 : i32 to index
        %get3A_622 = tpu.vector_load %arg13[%get3A_620, %get3A_621] {strides = array<i32>} : memref<128x256xf32, #tpu.memory_space<vmem>>, vector<1x16xf32>,
        %get3A_623 = vector.shape_cast %get3A_622 : vector<1x16xf32> to vector<16xf32>
        %max3A_624 = arith.maximumf %max3A_615, %get3A_623 : vector<16xf32>
        %add3A_625 = arith.addf %add3A_616, %get3A_623 : vector<16xf32>
        %mul3A_626 = arith.mulf %get3A_623, %get3A_623 : vector<16xf32>
        %add3A_627 = arith.addf %add3A_618, %mul3A_626 : vector<16xf32>
        %get3A_628 = arith.constant 11 : i32
        %get3A_629 = arith.index_cast %get3A_628 : i32 to index
        %get3A_630 = arith.index_cast %mul3A_523 : i32 to index
        %get3A_631 = tpu.vector_load %arg13[%get3A_629, %get3A_630] {strides = array<i32>} : memref<128x256xf32, #tpu.memory_space<vmem>>, vector<1x16xf32>,
        %get3A_632 = vector.shape_cast %get3A_631 : vector<1x16xf32> to vector<16xf32>
        %max3A_633 = arith.maximumf %max3A_624, %get3A_632 : vector<16xf32>
        %add3A_634 = arith.addf %add3A_625, %get3A_632 : vector<16xf32>
        %mul3A_635 = arith.mulf %get3A_632, %get3A_632 : vector<16xf32>
        %add3A_636 = arith.addf %add3A_627, %mul3A_635 : vector<16xf32>
        %get3A_637 = arith.constant 12 : i32
        %get3A_638 = arith.index_cast %get3A_637 : i32 to index
        %get3A_639 = arith.index_cast %mul3A_523 : i32 to index
        %get3A_640 = tpu.vector_load %arg13[%get3A_638, %get3A_639] {strides = array<i32>} : memref<128x256xf32, #tpu.memory_space<vmem>>, vector<1x16xf32>,
        %get3A_641 = vector.shape_cast %get3A_640 : vector<1x16xf32> to vector<16xf32>
        %max3A_642 = arith.maximumf %max3A_633, %get3A_641 : vector<16xf32>
        %add3A_643 = arith.addf %add3A_634, %get3A_641 : vector<16xf32>
        %mul3A_644 = arith.mulf %get3A_641, %get3A_641 : vector<16xf32>
        %add3A_645 = arith.addf %add3A_636, %mul3A_644 : vector<16xf32>
        %get3A_646 = arith.constant 13 : i32
        %get3A_647 = arith.index_cast %get3A_646 : i32 to index
        %get3A_648 = arith.index_cast %mul3A_523 : i32 to index
        %get3A_649 = tpu.vector_load %arg13[%get3A_647, %get3A_648] {strides = array<i32>} : memref<128x256xf32, #tpu.memory_space<vmem>>, vector<1x16xf32>,
        %get3A_650 = vector.shape_cast %get3A_649 : vector<1x16xf32> to vector<16xf32>
        %max3A_651 = arith.maximumf %max3A_642, %get3A_650 : vector<16xf32>
        %add3A_652 = arith.addf %add3A_643, %get3A_650 : vector<16xf32>
        %mul3A_653 = arith.mulf %get3A_650, %get3A_650 : vector<16xf32>
        %add3A_654 = arith.addf %add3A_645, %mul3A_653 : vector<16xf32>
        %get3A_655 = arith.constant 14 : i32
        %get3A_656 = arith.index_cast %get3A_655 : i32 to index
        %get3A_657 = arith.index_cast %mul3A_523 : i32 to index
        %get3A_658 = tpu.vector_load %arg13[%get3A_656, %get3A_657] {strides = array<i32>} : memref<128x256xf32, #tpu.memory_space<vmem>>, vector<1x16xf32>,
        %get3A_659 = vector.shape_cast %get3A_658 : vector<1x16xf32> to vector<16xf32>
        %max3A_660 = arith.maximumf %max3A_651, %get3A_659 : vector<16xf32>
        %add3A_661 = arith.addf %add3A_652, %get3A_659 : vector<16xf32>
        %mul3A_662 = arith.mulf %get3A_659, %get3A_659 : vector<16xf32>
        %add3A_663 = arith.addf %add3A_654, %mul3A_662 : vector<16xf32>
        %get3A_664 = arith.constant 15 : i32
        %get3A_665 = arith.index_cast %get3A_664 : i32 to index
        %get3A_666 = arith.index_cast %mul3A_523 : i32 to index
        %get3A_667 = tpu.vector_load %arg13[%get3A_665, %get3A_666] {strides = array<i32>} : memref<128x256xf32, #tpu.memory_space<vmem>>, vector<1x16xf32>,
        %get3A_668 = vector.shape_cast %get3A_667 : vector<1x16xf32> to vector<16xf32>
        %max3A_669 = arith.maximumf %max3A_660, %get3A_668 : vector<16xf32>
        %add3A_670 = arith.addf %add3A_661, %get3A_668 : vector<16xf32>
        %mul3A_671 = arith.mulf %get3A_668, %get3A_668 : vector<16xf32>
        %add3A_672 = arith.addf %add3A_663, %mul3A_671 : vector<16xf32>
        %swap3A_673 = arith.constant 0 : i32
        %swap3A_674 = arith.index_cast %swap3A_673 : i32 to index
        %swap3A_675 = arith.index_cast %mul3A_523 : i32 to index
        %swap3A_676 = tpu.vector_load %arg17[%swap3A_674, %swap3A_675] {strides = array<i32>} : memref<8x256xf32, #tpu.memory_space<vmem>>, vector<1x16xf32>,
        %swap3A_677 = vector.shape_cast %swap3A_676 : vector<1x16xf32> to vector<16xf32>
        %swap3A_678 = vector.shape_cast %max3A_669 : vector<16xf32> to vector<1x16xf32>
        tpu.vector_store %arg17[%swap3A_674, %swap3A_675], %swap3A_678 {strides = array<i32>} : memref<8x256xf32, #tpu.memory_space<vmem>>, vector<1x16xf32>,
        %get3A_679 = arith.constant 0 : i32
        %get3A_680 = arith.index_cast %get3A_679 : i32 to index
        %get3A_681 = arith.index_cast %mul3A_523 : i32 to index
        %get3A_682 = tpu.vector_load %arg15[%get3A_680, %get3A_681] {strides = array<i32>} : memref<8x256xf32, #tpu.memory_space<vmem>>, vector<1x16xf32>,
        %get3A_683 = vector.shape_cast %get3A_682 : vector<1x16xf32> to vector<16xf32>
        %mul3A_684 = arith.mulf %add3A_670, %get3A_683 : vector<16xf32>
        %add3A_685 = arith.addf %get3A_526, %mul3A_684 : vector<16xf32>
        %add3A_686 = arith.addf %get3A_529, %add3A_670 : vector<16xf32>
        %add3A_687 = arith.addf %get3A_532, %add3A_672 : vector<16xf32>
        %get3A_688 = arith.constant 16 : i32
        %get3A_689 = arith.index_cast %get3A_688 : i32 to index
        %get3A_690 = arith.index_cast %mul3A_523 : i32 to index
        %get3A_691 = tpu.vector_load %arg13[%get3A_689, %get3A_690] {strides = array<i32>} : memref<128x256xf32, #tpu.memory_space<vmem>>, vector<1x16xf32>,
        %get3A_692 = vector.shape_cast %get3A_691 : vector<1x16xf32> to vector<16xf32>
        %mul3A_693 = arith.mulf %get3A_692, %get3A_692 : vector<16xf32>
        %get3A_694 = arith.constant 17 : i32
        %get3A_695 = arith.index_cast %get3A_694 : i32 to index
        %get3A_696 = arith.index_cast %mul3A_523 : i32 to index
        %get3A_697 = tpu.vector_load %arg13[%get3A_695, %get3A_696] {strides = array<i32>} : memref<128x256xf32, #tpu.memory_space<vmem>>, vector<1x16xf32>,
        %get3A_698 = vector.shape_cast %get3A_697 : vector<1x16xf32> to vector<16xf32>
        %max3A_699 = arith.maximumf %get3A_692, %get3A_698 : vector<16xf32>
        %add3A_700 = arith.addf %get3A_692, %get3A_698 : vector<16xf32>
        %mul3A_701 = arith.mulf %get3A_698, %get3A_698 : vector<16xf32>
        %add3A_702 = arith.addf %mul3A_693, %mul3A_701 : vector<16xf32>
        %get3A_703 = arith.constant 18 : i32
        %get3A_704 = arith.index_cast %get3A_703 : i32 to index
        %get3A_705 = arith.index_cast %mul3A_523 : i32 to index
        %get3A_706 = tpu.vector_load %arg13[%get3A_704, %get3A_705] {strides = array<i32>} : memref<128x256xf32, #tpu.memory_space<vmem>>, vector<1x16xf32>,
        %get3A_707 = vector.shape_cast %get3A_706 : vector<1x16xf32> to vector<16xf32>
        %max3A_708 = arith.maximumf %max3A_699, %get3A_707 : vector<16xf32>
        %add3A_709 = arith.addf %add3A_700, %get3A_707 : vector<16xf32>
        %mul3A_710 = arith.mulf %get3A_707, %get3A_707 : vector<16xf32>
        %add3A_711 = arith.addf %add3A_702, %mul3A_710 : vector<16xf32>
        %get3A_712 = arith.constant 19 : i32
        %get3A_713 = arith.index_cast %get3A_712 : i32 to index
        %get3A_714 = arith.index_cast %mul3A_523 : i32 to index
        %get3A_715 = tpu.vector_load %arg13[%get3A_713, %get3A_714] {strides = array<i32>} : memref<128x256xf32, #tpu.memory_space<vmem>>, vector<1x16xf32>,
        %get3A_716 = vector.shape_cast %get3A_715 : vector<1x16xf32> to vector<16xf32>
        %max3A_717 = arith.maximumf %max3A_708, %get3A_716 : vector<16xf32>
        %add3A_718 = arith.addf %add3A_709, %get3A_716 : vector<16xf32>
        %mul3A_719 = arith.mulf %get3A_716, %get3A_716 : vector<16xf32>
        %add3A_720 = arith.addf %add3A_711, %mul3A_719 : vector<16xf32>
        %get3A_721 = arith.constant 20 : i32
        %get3A_722 = arith.index_cast %get3A_721 : i32 to index
        %get3A_723 = arith.index_cast %mul3A_523 : i32 to index
        %get3A_724 = tpu.vector_load %arg13[%get3A_722, %get3A_723] {strides = array<i32>} : memref<128x256xf32, #tpu.memory_space<vmem>>, vector<1x16xf32>,
        %get3A_725 = vector.shape_cast %get3A_724 : vector<1x16xf32> to vector<16xf32>
        %max3A_726 = arith.maximumf %max3A_717, %get3A_725 : vector<16xf32>
        %add3A_727 = arith.addf %add3A_718, %get3A_725 : vector<16xf32>
        %mul3A_728 = arith.mulf %get3A_725, %get3A_725 : vector<16xf32>
        %add3A_729 = arith.addf %add3A_720, %mul3A_728 : vector<16xf32>
        %get3A_730 = arith.constant 21 : i32
        %get3A_731 = arith.index_cast %get3A_730 : i32 to index
        %get3A_732 = arith.index_cast %mul3A_523 : i32 to index
        %get3A_733 = tpu.vector_load %arg13[%get3A_731, %get3A_732] {strides = array<i32>} : memref<128x256xf32, #tpu.memory_space<vmem>>, vector<1x16xf32>,
        %get3A_734 = vector.shape_cast %get3A_733 : vector<1x16xf32> to vector<16xf32>
        %max3A_735 = arith.maximumf %max3A_726, %get3A_734 : vector<16xf32>
        %add3A_736 = arith.addf %add3A_727, %get3A_734 : vector<16xf32>
        %mul3A_737 = arith.mulf %get3A_734, %get3A_734 : vector<16xf32>
        %add3A_738 = arith.addf %add3A_729, %mul3A_737 : vector<16xf32>
        %get3A_739 = arith.constant 22 : i32
        %get3A_740 = arith.index_cast %get3A_739 : i32 to index
        %get3A_741 = arith.index_cast %mul3A_523 : i32 to index
        %get3A_742 = tpu.vector_load %arg13[%get3A_740, %get3A_741] {strides = array<i32>} : memref<128x256xf32, #tpu.memory_space<vmem>>, vector<1x16xf32>,
        %get3A_743 = vector.shape_cast %get3A_742 : vector<1x16xf32> to vector<16xf32>
        %max3A_744 = arith.maximumf %max3A_735, %get3A_743 : vector<16xf32>
        %add3A_745 = arith.addf %add3A_736, %get3A_743 : vector<16xf32>
        %mul3A_746 = arith.mulf %get3A_743, %get3A_743 : vector<16xf32>
        %add3A_747 = arith.addf %add3A_738, %mul3A_746 : vector<16xf32>
        %get3A_748 = arith.constant 23 : i32
        %get3A_749 = arith.index_cast %get3A_748 : i32 to index
        %get3A_750 = arith.index_cast %mul3A_523 : i32 to index
        %get3A_751 = tpu.vector_load %arg13[%get3A_749, %get3A_750] {strides = array<i32>} : memref<128x256xf32, #tpu.memory_space<vmem>>, vector<1x16xf32>,
        %get3A_752 = vector.shape_cast %get3A_751 : vector<1x16xf32> to vector<16xf32>
        %max3A_753 = arith.maximumf %max3A_744, %get3A_752 : vector<16xf32>
        %add3A_754 = arith.addf %add3A_745, %get3A_752 : vector<16xf32>
        %mul3A_755 = arith.mulf %get3A_752, %get3A_752 : vector<16xf32>
        %add3A_756 = arith.addf %add3A_747, %mul3A_755 : vector<16xf32>
        %get3A_757 = arith.constant 24 : i32
        %get3A_758 = arith.index_cast %get3A_757 : i32 to index
        %get3A_759 = arith.index_cast %mul3A_523 : i32 to index
        %get3A_760 = tpu.vector_load %arg13[%get3A_758, %get3A_759] {strides = array<i32>} : memref<128x256xf32, #tpu.memory_space<vmem>>, vector<1x16xf32>,
        %get3A_761 = vector.shape_cast %get3A_760 : vector<1x16xf32> to vector<16xf32>
        %max3A_762 = arith.maximumf %max3A_753, %get3A_761 : vector<16xf32>
        %add3A_763 = arith.addf %add3A_754, %get3A_761 : vector<16xf32>
        %mul3A_764 = arith.mulf %get3A_761, %get3A_761 : vector<16xf32>
        %add3A_765 = arith.addf %add3A_756, %mul3A_764 : vector<16xf32>
        %get3A_766 = arith.constant 25 : i32
        %get3A_767 = arith.index_cast %get3A_766 : i32 to index
        %get3A_768 = arith.index_cast %mul3A_523 : i32 to index
        %get3A_769 = tpu.vector_load %arg13[%get3A_767, %get3A_768] {strides = array<i32>} : memref<128x256xf32, #tpu.memory_space<vmem>>, vector<1x16xf32>,
        %get3A_770 = vector.shape_cast %get3A_769 : vector<1x16xf32> to vector<16xf32>
        %max3A_771 = arith.maximumf %max3A_762, %get3A_770 : vector<16xf32>
        %add3A_772 = arith.addf %add3A_763, %get3A_770 : vector<16xf32>
        %mul3A_773 = arith.mulf %get3A_770, %get3A_770 : vector<16xf32>
        %add3A_774 = arith.addf %add3A_765, %mul3A_773 : vector<16xf32>
        %get3A_775 = arith.constant 26 : i32
        %get3A_776 = arith.index_cast %get3A_775 : i32 to index
        %get3A_777 = arith.index_cast %mul3A_523 : i32 to index
        %get3A_778 = tpu.vector_load %arg13[%get3A_776, %get3A_777] {strides = array<i32>} : memref<128x256xf32, #tpu.memory_space<vmem>>, vector<1x16xf32>,
        %get3A_779 = vector.shape_cast %get3A_778 : vector<1x16xf32> to vector<16xf32>
        %max3A_780 = arith.maximumf %max3A_771, %get3A_779 : vector<16xf32>
        %add3A_781 = arith.addf %add3A_772, %get3A_779 : vector<16xf32>
        %mul3A_782 = arith.mulf %get3A_779, %get3A_779 : vector<16xf32>
        %add3A_783 = arith.addf %add3A_774, %mul3A_782 : vector<16xf32>
        %get3A_784 = arith.constant 27 : i32
        %get3A_785 = arith.index_cast %get3A_784 : i32 to index
        %get3A_786 = arith.index_cast %mul3A_523 : i32 to index
        %get3A_787 = tpu.vector_load %arg13[%get3A_785, %get3A_786] {strides = array<i32>} : memref<128x256xf32, #tpu.memory_space<vmem>>, vector<1x16xf32>,
        %get3A_788 = vector.shape_cast %get3A_787 : vector<1x16xf32> to vector<16xf32>
        %max3A_789 = arith.maximumf %max3A_780, %get3A_788 : vector<16xf32>
        %add3A_790 = arith.addf %add3A_781, %get3A_788 : vector<16xf32>
        %mul3A_791 = arith.mulf %get3A_788, %get3A_788 : vector<16xf32>
        %add3A_792 = arith.addf %add3A_783, %mul3A_791 : vector<16xf32>
        %get3A_793 = arith.constant 28 : i32
        %get3A_794 = arith.index_cast %get3A_793 : i32 to index
        %get3A_795 = arith.index_cast %mul3A_523 : i32 to index
        %get3A_796 = tpu.vector_load %arg13[%get3A_794, %get3A_795] {strides = array<i32>} : memref<128x256xf32, #tpu.memory_space<vmem>>, vector<1x16xf32>,
        %get3A_797 = vector.shape_cast %get3A_796 : vector<1x16xf32> to vector<16xf32>
        %max3A_798 = arith.maximumf %max3A_789, %get3A_797 : vector<16xf32>
        %add3A_799 = arith.addf %add3A_790, %get3A_797 : vector<16xf32>
        %mul3A_800 = arith.mulf %get3A_797, %get3A_797 : vector<16xf32>
        %add3A_801 = arith.addf %add3A_792, %mul3A_800 : vector<16xf32>
        %get3A_802 = arith.constant 29 : i32
        %get3A_803 = arith.index_cast %get3A_802 : i32 to index
        %get3A_804 = arith.index_cast %mul3A_523 : i32 to index
        %get3A_805 = tpu.vector_load %arg13[%get3A_803, %get3A_804] {strides = array<i32>} : memref<128x256xf32, #tpu.memory_space<vmem>>, vector<1x16xf32>,
        %get3A_806 = vector.shape_cast %get3A_805 : vector<1x16xf32> to vector<16xf32>
        %max3A_807 = arith.maximumf %max3A_798, %get3A_806 : vector<16xf32>
        %add3A_808 = arith.addf %add3A_799, %get3A_806 : vector<16xf32>
        %mul3A_809 = arith.mulf %get3A_806, %get3A_806 : vector<16xf32>
        %add3A_810 = arith.addf %add3A_801, %mul3A_809 : vector<16xf32>
        %get3A_811 = arith.constant 30 : i32
        %get3A_812 = arith.index_cast %get3A_811 : i32 to index
        %get3A_813 = arith.index_cast %mul3A_523 : i32 to index
        %get3A_814 = tpu.vector_load %arg13[%get3A_812, %get3A_813] {strides = array<i32>} : memref<128x256xf32, #tpu.memory_space<vmem>>, vector<1x16xf32>,
        %get3A_815 = vector.shape_cast %get3A_814 : vector<1x16xf32> to vector<16xf32>
        %max3A_816 = arith.maximumf %max3A_807, %get3A_815 : vector<16xf32>
        %add3A_817 = arith.addf %add3A_808, %get3A_815 : vector<16xf32>
        %mul3A_818 = arith.mulf %get3A_815, %get3A_815 : vector<16xf32>
        %add3A_819 = arith.addf %add3A_810, %mul3A_818 : vector<16xf32>
        %get3A_820 = arith.constant 31 : i32
        %get3A_821 = arith.index_cast %get3A_820 : i32 to index
        %get3A_822 = arith.index_cast %mul3A_523 : i32 to index
        %get3A_823 = tpu.vector_load %arg13[%get3A_821, %get3A_822] {strides = array<i32>} : memref<128x256xf32, #tpu.memory_space<vmem>>, vector<1x16xf32>,
        %get3A_824 = vector.shape_cast %get3A_823 : vector<1x16xf32> to vector<16xf32>
        %max3A_825 = arith.maximumf %max3A_816, %get3A_824 : vector<16xf32>
        %add3A_826 = arith.addf %add3A_817, %get3A_824 : vector<16xf32>
        %mul3A_827 = arith.mulf %get3A_824, %get3A_824 : vector<16xf32>
        %add3A_828 = arith.addf %add3A_819, %mul3A_827 : vector<16xf32>
        %swap3A_829 = arith.constant 1 : i32
        %swap3A_830 = arith.index_cast %swap3A_829 : i32 to index
        %swap3A_831 = arith.index_cast %mul3A_523 : i32 to index
        %swap3A_832 = tpu.vector_load %arg17[%swap3A_830, %swap3A_831] {strides = array<i32>} : memref<8x256xf32, #tpu.memory_space<vmem>>, vector<1x16xf32>,
        %swap3A_833 = vector.shape_cast %swap3A_832 : vector<1x16xf32> to vector<16xf32>
        %swap3A_834 = vector.shape_cast %max3A_825 : vector<16xf32> to vector<1x16xf32>
        tpu.vector_store %arg17[%swap3A_830, %swap3A_831], %swap3A_834 {strides = array<i32>} : memref<8x256xf32, #tpu.memory_space<vmem>>, vector<1x16xf32>,
        %get3A_835 = arith.constant 1 : i32
        %get3A_836 = arith.index_cast %get3A_835 : i32 to index
        %get3A_837 = arith.index_cast %mul3A_523 : i32 to index
        %get3A_838 = tpu.vector_load %arg15[%get3A_836, %get3A_837] {strides = array<i32>} : memref<8x256xf32, #tpu.memory_space<vmem>>, vector<1x16xf32>,
        %get3A_839 = vector.shape_cast %get3A_838 : vector<1x16xf32> to vector<16xf32>
        %mul3A_840 = arith.mulf %add3A_826, %get3A_839 : vector<16xf32>
        %add3A_841 = arith.addf %add3A_685, %mul3A_840 : vector<16xf32>
        %add3A_842 = arith.addf %add3A_686, %add3A_826 : vector<16xf32>
        %add3A_843 = arith.addf %add3A_687, %add3A_828 : vector<16xf32>
        %get3A_844 = arith.constant 32 : i32
        %get3A_845 = arith.index_cast %get3A_844 : i32 to index
        %get3A_846 = arith.index_cast %mul3A_523 : i32 to index
        %get3A_847 = tpu.vector_load %arg13[%get3A_845, %get3A_846] {strides = array<i32>} : memref<128x256xf32, #tpu.memory_space<vmem>>, vector<1x16xf32>,
        %get3A_848 = vector.shape_cast %get3A_847 : vector<1x16xf32> to vector<16xf32>
        %mul3A_849 = arith.mulf %get3A_848, %get3A_848 : vector<16xf32>
        %get3A_850 = arith.constant 33 : i32
        %get3A_851 = arith.index_cast %get3A_850 : i32 to index
        %get3A_852 = arith.index_cast %mul3A_523 : i32 to index
        %get3A_853 = tpu.vector_load %arg13[%get3A_851, %get3A_852] {strides = array<i32>} : memref<128x256xf32, #tpu.memory_space<vmem>>, vector<1x16xf32>,
        %get3A_854 = vector.shape_cast %get3A_853 : vector<1x16xf32> to vector<16xf32>
        %max3A_855 = arith.maximumf %get3A_848, %get3A_854 : vector<16xf32>
        %add3A_856 = arith.addf %get3A_848, %get3A_854 : vector<16xf32>
        %mul3A_857 = arith.mulf %get3A_854, %get3A_854 : vector<16xf32>
        %add3A_858 = arith.addf %mul3A_849, %mul3A_857 : vector<16xf32>
        %get3A_859 = arith.constant 34 : i32
        %get3A_860 = arith.index_cast %get3A_859 : i32 to index
        %get3A_861 = arith.index_cast %mul3A_523 : i32 to index
        %get3A_862 = tpu.vector_load %arg13[%get3A_860, %get3A_861] {strides = array<i32>} : memref<128x256xf32, #tpu.memory_space<vmem>>, vector<1x16xf32>,
        %get3A_863 = vector.shape_cast %get3A_862 : vector<1x16xf32> to vector<16xf32>
        %max3A_864 = arith.maximumf %max3A_855, %get3A_863 : vector<16xf32>
        %add3A_865 = arith.addf %add3A_856, %get3A_863 : vector<16xf32>
        %mul3A_866 = arith.mulf %get3A_863, %get3A_863 : vector<16xf32>
        %add3A_867 = arith.addf %add3A_858, %mul3A_866 : vector<16xf32>
        %get3A_868 = arith.constant 35 : i32
        %get3A_869 = arith.index_cast %get3A_868 : i32 to index
        %get3A_870 = arith.index_cast %mul3A_523 : i32 to index
        %get3A_871 = tpu.vector_load %arg13[%get3A_869, %get3A_870] {strides = array<i32>} : memref<128x256xf32, #tpu.memory_space<vmem>>, vector<1x16xf32>,
        %get3A_872 = vector.shape_cast %get3A_871 : vector<1x16xf32> to vector<16xf32>
        %max3A_873 = arith.maximumf %max3A_864, %get3A_872 : vector<16xf32>
        %add3A_874 = arith.addf %add3A_865, %get3A_872 : vector<16xf32>
        %mul3A_875 = arith.mulf %get3A_872, %get3A_872 : vector<16xf32>
        %add3A_876 = arith.addf %add3A_867, %mul3A_875 : vector<16xf32>
        %get3A_877 = arith.constant 36 : i32
        %get3A_878 = arith.index_cast %get3A_877 : i32 to index
        %get3A_879 = arith.index_cast %mul3A_523 : i32 to index
        %get3A_880 = tpu.vector_load %arg13[%get3A_878, %get3A_879] {strides = array<i32>} : memref<128x256xf32, #tpu.memory_space<vmem>>, vector<1x16xf32>,
        %get3A_881 = vector.shape_cast %get3A_880 : vector<1x16xf32> to vector<16xf32>
        %max3A_882 = arith.maximumf %max3A_873, %get3A_881 : vector<16xf32>
        %add3A_883 = arith.addf %add3A_874, %get3A_881 : vector<16xf32>
        %mul3A_884 = arith.mulf %get3A_881, %get3A_881 : vector<16xf32>
        %add3A_885 = arith.addf %add3A_876, %mul3A_884 : vector<16xf32>
        %get3A_886 = arith.constant 37 : i32
        %get3A_887 = arith.index_cast %get3A_886 : i32 to index
        %get3A_888 = arith.index_cast %mul3A_523 : i32 to index
        %get3A_889 = tpu.vector_load %arg13[%get3A_887, %get3A_888] {strides = array<i32>} : memref<128x256xf32, #tpu.memory_space<vmem>>, vector<1x16xf32>,
        %get3A_890 = vector.shape_cast %get3A_889 : vector<1x16xf32> to vector<16xf32>
        %max3A_891 = arith.maximumf %max3A_882, %get3A_890 : vector<16xf32>
        %add3A_892 = arith.addf %add3A_883, %get3A_890 : vector<16xf32>
        %mul3A_893 = arith.mulf %get3A_890, %get3A_890 : vector<16xf32>
        %add3A_894 = arith.addf %add3A_885, %mul3A_893 : vector<16xf32>
        %get3A_895 = arith.constant 38 : i32
        %get3A_896 = arith.index_cast %get3A_895 : i32 to index
        %get3A_897 = arith.index_cast %mul3A_523 : i32 to index
        %get3A_898 = tpu.vector_load %arg13[%get3A_896, %get3A_897] {strides = array<i32>} : memref<128x256xf32, #tpu.memory_space<vmem>>, vector<1x16xf32>,
        %get3A_899 = vector.shape_cast %get3A_898 : vector<1x16xf32> to vector<16xf32>
        %max3A_900 = arith.maximumf %max3A_891, %get3A_899 : vector<16xf32>
        %add3A_901 = arith.addf %add3A_892, %get3A_899 : vector<16xf32>
        %mul3A_902 = arith.mulf %get3A_899, %get3A_899 : vector<16xf32>
        %add3A_903 = arith.addf %add3A_894, %mul3A_902 : vector<16xf32>
        %get3A_904 = arith.constant 39 : i32
        %get3A_905 = arith.index_cast %get3A_904 : i32 to index
        %get3A_906 = arith.index_cast %mul3A_523 : i32 to index
        %get3A_907 = tpu.vector_load %arg13[%get3A_905, %get3A_906] {strides = array<i32>} : memref<128x256xf32, #tpu.memory_space<vmem>>, vector<1x16xf32>,
        %get3A_908 = vector.shape_cast %get3A_907 : vector<1x16xf32> to vector<16xf32>
        %max3A_909 = arith.maximumf %max3A_900, %get3A_908 : vector<16xf32>
        %add3A_910 = arith.addf %add3A_901, %get3A_908 : vector<16xf32>
        %mul3A_911 = arith.mulf %get3A_908, %get3A_908 : vector<16xf32>
        %add3A_912 = arith.addf %add3A_903, %mul3A_911 : vector<16xf32>
        %get3A_913 = arith.constant 40 : i32
        %get3A_914 = arith.index_cast %get3A_913 : i32 to index
        %get3A_915 = arith.index_cast %mul3A_523 : i32 to index
        %get3A_916 = tpu.vector_load %arg13[%get3A_914, %get3A_915] {strides = array<i32>} : memref<128x256xf32, #tpu.memory_space<vmem>>, vector<1x16xf32>,
        %get3A_917 = vector.shape_cast %get3A_916 : vector<1x16xf32> to vector<16xf32>
        %max3A_918 = arith.maximumf %max3A_909, %get3A_917 : vector<16xf32>
        %add3A_919 = arith.addf %add3A_910, %get3A_917 : vector<16xf32>
        %mul3A_920 = arith.mulf %get3A_917, %get3A_917 : vector<16xf32>
        %add3A_921 = arith.addf %add3A_912, %mul3A_920 : vector<16xf32>
        %get3A_922 = arith.constant 41 : i32
        %get3A_923 = arith.index_cast %get3A_922 : i32 to index
        %get3A_924 = arith.index_cast %mul3A_523 : i32 to index
        %get3A_925 = tpu.vector_load %arg13[%get3A_923, %get3A_924] {strides = array<i32>} : memref<128x256xf32, #tpu.memory_space<vmem>>, vector<1x16xf32>,
        %get3A_926 = vector.shape_cast %get3A_925 : vector<1x16xf32> to vector<16xf32>
        %max3A_927 = arith.maximumf %max3A_918, %get3A_926 : vector<16xf32>
        %add3A_928 = arith.addf %add3A_919, %get3A_926 : vector<16xf32>
        %mul3A_929 = arith.mulf %get3A_926, %get3A_926 : vector<16xf32>
        %add3A_930 = arith.addf %add3A_921, %mul3A_929 : vector<16xf32>
        %get3A_931 = arith.constant 42 : i32
        %get3A_932 = arith.index_cast %get3A_931 : i32 to index
        %get3A_933 = arith.index_cast %mul3A_523 : i32 to index
        %get3A_934 = tpu.vector_load %arg13[%get3A_932, %get3A_933] {strides = array<i32>} : memref<128x256xf32, #tpu.memory_space<vmem>>, vector<1x16xf32>,
        %get3A_935 = vector.shape_cast %get3A_934 : vector<1x16xf32> to vector<16xf32>
        %max3A_936 = arith.maximumf %max3A_927, %get3A_935 : vector<16xf32>
        %add3A_937 = arith.addf %add3A_928, %get3A_935 : vector<16xf32>
        %mul3A_938 = arith.mulf %get3A_935, %get3A_935 : vector<16xf32>
        %add3A_939 = arith.addf %add3A_930, %mul3A_938 : vector<16xf32>
        %get3A_940 = arith.constant 43 : i32
        %get3A_941 = arith.index_cast %get3A_940 : i32 to index
        %get3A_942 = arith.index_cast %mul3A_523 : i32 to index
        %get3A_943 = tpu.vector_load %arg13[%get3A_941, %get3A_942] {strides = array<i32>} : memref<128x256xf32, #tpu.memory_space<vmem>>, vector<1x16xf32>,
        %get3A_944 = vector.shape_cast %get3A_943 : vector<1x16xf32> to vector<16xf32>
        %max3A_945 = arith.maximumf %max3A_936, %get3A_944 : vector<16xf32>
        %add3A_946 = arith.addf %add3A_937, %get3A_944 : vector<16xf32>
        %mul3A_947 = arith.mulf %get3A_944, %get3A_944 : vector<16xf32>
        %add3A_948 = arith.addf %add3A_939, %mul3A_947 : vector<16xf32>
        %get3A_949 = arith.constant 44 : i32
        %get3A_950 = arith.index_cast %get3A_949 : i32 to index
        %get3A_951 = arith.index_cast %mul3A_523 : i32 to index
        %get3A_952 = tpu.vector_load %arg13[%get3A_950, %get3A_951] {strides = array<i32>} : memref<128x256xf32, #tpu.memory_space<vmem>>, vector<1x16xf32>,
        %get3A_953 = vector.shape_cast %get3A_952 : vector<1x16xf32> to vector<16xf32>
        %max3A_954 = arith.maximumf %max3A_945, %get3A_953 : vector<16xf32>
        %add3A_955 = arith.addf %add3A_946, %get3A_953 : vector<16xf32>
        %mul3A_956 = arith.mulf %get3A_953, %get3A_953 : vector<16xf32>
        %add3A_957 = arith.addf %add3A_948, %mul3A_956 : vector<16xf32>
        %get3A_958 = arith.constant 45 : i32
        %get3A_959 = arith.index_cast %get3A_958 : i32 to index
        %get3A_960 = arith.index_cast %mul3A_523 : i32 to index
        %get3A_961 = tpu.vector_load %arg13[%get3A_959, %get3A_960] {strides = array<i32>} : memref<128x256xf32, #tpu.memory_space<vmem>>, vector<1x16xf32>,
        %get3A_962 = vector.shape_cast %get3A_961 : vector<1x16xf32> to vector<16xf32>
        %max3A_963 = arith.maximumf %max3A_954, %get3A_962 : vector<16xf32>
        %add3A_964 = arith.addf %add3A_955, %get3A_962 : vector<16xf32>
        %mul3A_965 = arith.mulf %get3A_962, %get3A_962 : vector<16xf32>
        %add3A_966 = arith.addf %add3A_957, %mul3A_965 : vector<16xf32>
        %get3A_967 = arith.constant 46 : i32
        %get3A_968 = arith.index_cast %get3A_967 : i32 to index
        %get3A_969 = arith.index_cast %mul3A_523 : i32 to index
        %get3A_970 = tpu.vector_load %arg13[%get3A_968, %get3A_969] {strides = array<i32>} : memref<128x256xf32, #tpu.memory_space<vmem>>, vector<1x16xf32>,
        %get3A_971 = vector.shape_cast %get3A_970 : vector<1x16xf32> to vector<16xf32>
        %max3A_972 = arith.maximumf %max3A_963, %get3A_971 : vector<16xf32>
        %add3A_973 = arith.addf %add3A_964, %get3A_971 : vector<16xf32>
        %mul3A_974 = arith.mulf %get3A_971, %get3A_971 : vector<16xf32>
        %add3A_975 = arith.addf %add3A_966, %mul3A_974 : vector<16xf32>
        %get3A_976 = arith.constant 47 : i32
        %get3A_977 = arith.index_cast %get3A_976 : i32 to index
        %get3A_978 = arith.index_cast %mul3A_523 : i32 to index
        %get3A_979 = tpu.vector_load %arg13[%get3A_977, %get3A_978] {strides = array<i32>} : memref<128x256xf32, #tpu.memory_space<vmem>>, vector<1x16xf32>,
        %get3A_980 = vector.shape_cast %get3A_979 : vector<1x16xf32> to vector<16xf32>
        %max3A_981 = arith.maximumf %max3A_972, %get3A_980 : vector<16xf32>
        %add3A_982 = arith.addf %add3A_973, %get3A_980 : vector<16xf32>
        %mul3A_983 = arith.mulf %get3A_980, %get3A_980 : vector<16xf32>
        %add3A_984 = arith.addf %add3A_975, %mul3A_983 : vector<16xf32>
        %swap3A_985 = arith.constant 2 : i32
        %swap3A_986 = arith.index_cast %swap3A_985 : i32 to index
        %swap3A_987 = arith.index_cast %mul3A_523 : i32 to index
        %swap3A_988 = tpu.vector_load %arg17[%swap3A_986, %swap3A_987] {strides = array<i32>} : memref<8x256xf32, #tpu.memory_space<vmem>>, vector<1x16xf32>,
        %swap3A_989 = vector.shape_cast %swap3A_988 : vector<1x16xf32> to vector<16xf32>
        %swap3A_990 = vector.shape_cast %max3A_981 : vector<16xf32> to vector<1x16xf32>
        tpu.vector_store %arg17[%swap3A_986, %swap3A_987], %swap3A_990 {strides = array<i32>} : memref<8x256xf32, #tpu.memory_space<vmem>>, vector<1x16xf32>,
        %get3A_991 = arith.constant 2 : i32
        %get3A_992 = arith.index_cast %get3A_991 : i32 to index
        %get3A_993 = arith.index_cast %mul3A_523 : i32 to index
        %get3A_994 = tpu.vector_load %arg15[%get3A_992, %get3A_993] {strides = array<i32>} : memref<8x256xf32, #tpu.memory_space<vmem>>, vector<1x16xf32>,
        %get3A_995 = vector.shape_cast %get3A_994 : vector<1x16xf32> to vector<16xf32>
        %mul3A_996 = arith.mulf %add3A_982, %get3A_995 : vector<16xf32>
        %add3A_997 = arith.addf %add3A_841, %mul3A_996 : vector<16xf32>
        %add3A_998 = arith.addf %add3A_842, %add3A_982 : vector<16xf32>
        %add3A_999 = arith.addf %add3A_843, %add3A_984 : vector<16xf32>
        %get3A_1000 = arith.constant 48 : i32
        %get3A_1001 = arith.index_cast %get3A_1000 : i32 to index
        %get3A_1002 = arith.index_cast %mul3A_523 : i32 to index
        %get3A_1003 = tpu.vector_load %arg13[%get3A_1001, %get3A_1002] {strides = array<i32>} : memref<128x256xf32, #tpu.memory_space<vmem>>, vector<1x16xf32>,
        %get3A_1004 = vector.shape_cast %get3A_1003 : vector<1x16xf32> to vector<16xf32>
        %mul3A_1005 = arith.mulf %get3A_1004, %get3A_1004 : vector<16xf32>
        %get3A_1006 = arith.constant 49 : i32
        %get3A_1007 = arith.index_cast %get3A_1006 : i32 to index
        %get3A_1008 = arith.index_cast %mul3A_523 : i32 to index
        %get3A_1009 = tpu.vector_load %arg13[%get3A_1007, %get3A_1008] {strides = array<i32>} : memref<128x256xf32, #tpu.memory_space<vmem>>, vector<1x16xf32>,
        %get3A_1010 = vector.shape_cast %get3A_1009 : vector<1x16xf32> to vector<16xf32>
        %max3A_1011 = arith.maximumf %get3A_1004, %get3A_1010 : vector<16xf32>
        %add3A_1012 = arith.addf %get3A_1004, %get3A_1010 : vector<16xf32>
        %mul3A_1013 = arith.mulf %get3A_1010, %get3A_1010 : vector<16xf32>
        %add3A_1014 = arith.addf %mul3A_1005, %mul3A_1013 : vector<16xf32>
        %get3A_1015 = arith.constant 50 : i32
        %get3A_1016 = arith.index_cast %get3A_1015 : i32 to index
        %get3A_1017 = arith.index_cast %mul3A_523 : i32 to index
        %get3A_1018 = tpu.vector_load %arg13[%get3A_1016, %get3A_1017] {strides = array<i32>} : memref<128x256xf32, #tpu.memory_space<vmem>>, vector<1x16xf32>,
        %get3A_1019 = vector.shape_cast %get3A_1018 : vector<1x16xf32> to vector<16xf32>
        %max3A_1020 = arith.maximumf %max3A_1011, %get3A_1019 : vector<16xf32>
        %add3A_1021 = arith.addf %add3A_1012, %get3A_1019 : vector<16xf32>
        %mul3A_1022 = arith.mulf %get3A_1019, %get3A_1019 : vector<16xf32>
        %add3A_1023 = arith.addf %add3A_1014, %mul3A_1022 : vector<16xf32>
        %get3A_1024 = arith.constant 51 : i32
        %get3A_1025 = arith.index_cast %get3A_1024 : i32 to index
        %get3A_1026 = arith.index_cast %mul3A_523 : i32 to index
        %get3A_1027 = tpu.vector_load %arg13[%get3A_1025, %get3A_1026] {strides = array<i32>} : memref<128x256xf32, #tpu.memory_space<vmem>>, vector<1x16xf32>,
        %get3A_1028 = vector.shape_cast %get3A_1027 : vector<1x16xf32> to vector<16xf32>
        %max3A_1029 = arith.maximumf %max3A_1020, %get3A_1028 : vector<16xf32>
        %add3A_1030 = arith.addf %add3A_1021, %get3A_1028 : vector<16xf32>
        %mul3A_1031 = arith.mulf %get3A_1028, %get3A_1028 : vector<16xf32>
        %add3A_1032 = arith.addf %add3A_1023, %mul3A_1031 : vector<16xf32>
        %get3A_1033 = arith.constant 52 : i32
        %get3A_1034 = arith.index_cast %get3A_1033 : i32 to index
        %get3A_1035 = arith.index_cast %mul3A_523 : i32 to index
        %get3A_1036 = tpu.vector_load %arg13[%get3A_1034, %get3A_1035] {strides = array<i32>} : memref<128x256xf32, #tpu.memory_space<vmem>>, vector<1x16xf32>,
        %get3A_1037 = vector.shape_cast %get3A_1036 : vector<1x16xf32> to vector<16xf32>
        %max3A_1038 = arith.maximumf %max3A_1029, %get3A_1037 : vector<16xf32>
        %add3A_1039 = arith.addf %add3A_1030, %get3A_1037 : vector<16xf32>
        %mul3A_1040 = arith.mulf %get3A_1037, %get3A_1037 : vector<16xf32>
        %add3A_1041 = arith.addf %add3A_1032, %mul3A_1040 : vector<16xf32>
        %get3A_1042 = arith.constant 53 : i32
        %get3A_1043 = arith.index_cast %get3A_1042 : i32 to index
        %get3A_1044 = arith.index_cast %mul3A_523 : i32 to index
        %get3A_1045 = tpu.vector_load %arg13[%get3A_1043, %get3A_1044] {strides = array<i32>} : memref<128x256xf32, #tpu.memory_space<vmem>>, vector<1x16xf32>,
        %get3A_1046 = vector.shape_cast %get3A_1045 : vector<1x16xf32> to vector<16xf32>
        %max3A_1047 = arith.maximumf %max3A_1038, %get3A_1046 : vector<16xf32>
        %add3A_1048 = arith.addf %add3A_1039, %get3A_1046 : vector<16xf32>
        %mul3A_1049 = arith.mulf %get3A_1046, %get3A_1046 : vector<16xf32>
        %add3A_1050 = arith.addf %add3A_1041, %mul3A_1049 : vector<16xf32>
        %get3A_1051 = arith.constant 54 : i32
        %get3A_1052 = arith.index_cast %get3A_1051 : i32 to index
        %get3A_1053 = arith.index_cast %mul3A_523 : i32 to index
        %get3A_1054 = tpu.vector_load %arg13[%get3A_1052, %get3A_1053] {strides = array<i32>} : memref<128x256xf32, #tpu.memory_space<vmem>>, vector<1x16xf32>,
        %get3A_1055 = vector.shape_cast %get3A_1054 : vector<1x16xf32> to vector<16xf32>
        %max3A_1056 = arith.maximumf %max3A_1047, %get3A_1055 : vector<16xf32>
        %add3A_1057 = arith.addf %add3A_1048, %get3A_1055 : vector<16xf32>
        %mul3A_1058 = arith.mulf %get3A_1055, %get3A_1055 : vector<16xf32>
        %add3A_1059 = arith.addf %add3A_1050, %mul3A_1058 : vector<16xf32>
        %get3A_1060 = arith.constant 55 : i32
        %get3A_1061 = arith.index_cast %get3A_1060 : i32 to index
        %get3A_1062 = arith.index_cast %mul3A_523 : i32 to index
        %get3A_1063 = tpu.vector_load %arg13[%get3A_1061, %get3A_1062] {strides = array<i32>} : memref<128x256xf32, #tpu.memory_space<vmem>>, vector<1x16xf32>,
        %get3A_1064 = vector.shape_cast %get3A_1063 : vector<1x16xf32> to vector<16xf32>
        %max3A_1065 = arith.maximumf %max3A_1056, %get3A_1064 : vector<16xf32>
        %add3A_1066 = arith.addf %add3A_1057, %get3A_1064 : vector<16xf32>
        %mul3A_1067 = arith.mulf %get3A_1064, %get3A_1064 : vector<16xf32>
        %add3A_1068 = arith.addf %add3A_1059, %mul3A_1067 : vector<16xf32>
        %get3A_1069 = arith.constant 56 : i32
        %get3A_1070 = arith.index_cast %get3A_1069 : i32 to index
        %get3A_1071 = arith.index_cast %mul3A_523 : i32 to index
        %get3A_1072 = tpu.vector_load %arg13[%get3A_1070, %get3A_1071] {strides = array<i32>} : memref<128x256xf32, #tpu.memory_space<vmem>>, vector<1x16xf32>,
        %get3A_1073 = vector.shape_cast %get3A_1072 : vector<1x16xf32> to vector<16xf32>
        %max3A_1074 = arith.maximumf %max3A_1065, %get3A_1073 : vector<16xf32>
        %add3A_1075 = arith.addf %add3A_1066, %get3A_1073 : vector<16xf32>
        %mul3A_1076 = arith.mulf %get3A_1073, %get3A_1073 : vector<16xf32>
        %add3A_1077 = arith.addf %add3A_1068, %mul3A_1076 : vector<16xf32>
        %get3A_1078 = arith.constant 57 : i32
        %get3A_1079 = arith.index_cast %get3A_1078 : i32 to index
        %get3A_1080 = arith.index_cast %mul3A_523 : i32 to index
        %get3A_1081 = tpu.vector_load %arg13[%get3A_1079, %get3A_1080] {strides = array<i32>} : memref<128x256xf32, #tpu.memory_space<vmem>>, vector<1x16xf32>,
        %get3A_1082 = vector.shape_cast %get3A_1081 : vector<1x16xf32> to vector<16xf32>
        %max3A_1083 = arith.maximumf %max3A_1074, %get3A_1082 : vector<16xf32>
        %add3A_1084 = arith.addf %add3A_1075, %get3A_1082 : vector<16xf32>
        %mul3A_1085 = arith.mulf %get3A_1082, %get3A_1082 : vector<16xf32>
        %add3A_1086 = arith.addf %add3A_1077, %mul3A_1085 : vector<16xf32>
        %get3A_1087 = arith.constant 58 : i32
        %get3A_1088 = arith.index_cast %get3A_1087 : i32 to index
        %get3A_1089 = arith.index_cast %mul3A_523 : i32 to index
        %get3A_1090 = tpu.vector_load %arg13[%get3A_1088, %get3A_1089] {strides = array<i32>} : memref<128x256xf32, #tpu.memory_space<vmem>>, vector<1x16xf32>,
        %get3A_1091 = vector.shape_cast %get3A_1090 : vector<1x16xf32> to vector<16xf32>
        %max3A_1092 = arith.maximumf %max3A_1083, %get3A_1091 : vector<16xf32>
        %add3A_1093 = arith.addf %add3A_1084, %get3A_1091 : vector<16xf32>
        %mul3A_1094 = arith.mulf %get3A_1091, %get3A_1091 : vector<16xf32>
        %add3A_1095 = arith.addf %add3A_1086, %mul3A_1094 : vector<16xf32>
        %get3A_1096 = arith.constant 59 : i32
        %get3A_1097 = arith.index_cast %get3A_1096 : i32 to index
        %get3A_1098 = arith.index_cast %mul3A_523 : i32 to index
        %get3A_1099 = tpu.vector_load %arg13[%get3A_1097, %get3A_1098] {strides = array<i32>} : memref<128x256xf32, #tpu.memory_space<vmem>>, vector<1x16xf32>,
        %get3A_1100 = vector.shape_cast %get3A_1099 : vector<1x16xf32> to vector<16xf32>
        %max3A_1101 = arith.maximumf %max3A_1092, %get3A_1100 : vector<16xf32>
        %add3A_1102 = arith.addf %add3A_1093, %get3A_1100 : vector<16xf32>
        %mul3A_1103 = arith.mulf %get3A_1100, %get3A_1100 : vector<16xf32>
        %add3A_1104 = arith.addf %add3A_1095, %mul3A_1103 : vector<16xf32>
        %get3A_1105 = arith.constant 60 : i32
        %get3A_1106 = arith.index_cast %get3A_1105 : i32 to index
        %get3A_1107 = arith.index_cast %mul3A_523 : i32 to index
        %get3A_1108 = tpu.vector_load %arg13[%get3A_1106, %get3A_1107] {strides = array<i32>} : memref<128x256xf32, #tpu.memory_space<vmem>>, vector<1x16xf32>,
        %get3A_1109 = vector.shape_cast %get3A_1108 : vector<1x16xf32> to vector<16xf32>
        %max3A_1110 = arith.maximumf %max3A_1101, %get3A_1109 : vector<16xf32>
        %add3A_1111 = arith.addf %add3A_1102, %get3A_1109 : vector<16xf32>
        %mul3A_1112 = arith.mulf %get3A_1109, %get3A_1109 : vector<16xf32>
        %add3A_1113 = arith.addf %add3A_1104, %mul3A_1112 : vector<16xf32>
        %get3A_1114 = arith.constant 61 : i32
        %get3A_1115 = arith.index_cast %get3A_1114 : i32 to index
        %get3A_1116 = arith.index_cast %mul3A_523 : i32 to index
        %get3A_1117 = tpu.vector_load %arg13[%get3A_1115, %get3A_1116] {strides = array<i32>} : memref<128x256xf32, #tpu.memory_space<vmem>>, vector<1x16xf32>,
        %get3A_1118 = vector.shape_cast %get3A_1117 : vector<1x16xf32> to vector<16xf32>
        %max3A_1119 = arith.maximumf %max3A_1110, %get3A_1118 : vector<16xf32>
        %add3A_1120 = arith.addf %add3A_1111, %get3A_1118 : vector<16xf32>
        %mul3A_1121 = arith.mulf %get3A_1118, %get3A_1118 : vector<16xf32>
        %add3A_1122 = arith.addf %add3A_1113, %mul3A_1121 : vector<16xf32>
        %get3A_1123 = arith.constant 62 : i32
        %get3A_1124 = arith.index_cast %get3A_1123 : i32 to index
        %get3A_1125 = arith.index_cast %mul3A_523 : i32 to index
        %get3A_1126 = tpu.vector_load %arg13[%get3A_1124, %get3A_1125] {strides = array<i32>} : memref<128x256xf32, #tpu.memory_space<vmem>>, vector<1x16xf32>,
        %get3A_1127 = vector.shape_cast %get3A_1126 : vector<1x16xf32> to vector<16xf32>
        %max3A_1128 = arith.maximumf %max3A_1119, %get3A_1127 : vector<16xf32>
        %add3A_1129 = arith.addf %add3A_1120, %get3A_1127 : vector<16xf32>
        %mul3A_1130 = arith.mulf %get3A_1127, %get3A_1127 : vector<16xf32>
        %add3A_1131 = arith.addf %add3A_1122, %mul3A_1130 : vector<16xf32>
        %get3A_1132 = arith.constant 63 : i32
        %get3A_1133 = arith.index_cast %get3A_1132 : i32 to index
        %get3A_1134 = arith.index_cast %mul3A_523 : i32 to index
        %get3A_1135 = tpu.vector_load %arg13[%get3A_1133, %get3A_1134] {strides = array<i32>} : memref<128x256xf32, #tpu.memory_space<vmem>>, vector<1x16xf32>,
        %get3A_1136 = vector.shape_cast %get3A_1135 : vector<1x16xf32> to vector<16xf32>
        %max3A_1137 = arith.maximumf %max3A_1128, %get3A_1136 : vector<16xf32>
        %add3A_1138 = arith.addf %add3A_1129, %get3A_1136 : vector<16xf32>
        %mul3A_1139 = arith.mulf %get3A_1136, %get3A_1136 : vector<16xf32>
        %add3A_1140 = arith.addf %add3A_1131, %mul3A_1139 : vector<16xf32>
        %swap3A_1141 = arith.constant 3 : i32
        %swap3A_1142 = arith.index_cast %swap3A_1141 : i32 to index
        %swap3A_1143 = arith.index_cast %mul3A_523 : i32 to index
        %swap3A_1144 = tpu.vector_load %arg17[%swap3A_1142, %swap3A_1143] {strides = array<i32>} : memref<8x256xf32, #tpu.memory_space<vmem>>, vector<1x16xf32>,
        %swap3A_1145 = vector.shape_cast %swap3A_1144 : vector<1x16xf32> to vector<16xf32>
        %swap3A_1146 = vector.shape_cast %max3A_1137 : vector<16xf32> to vector<1x16xf32>
        tpu.vector_store %arg17[%swap3A_1142, %swap3A_1143], %swap3A_1146 {strides = array<i32>} : memref<8x256xf32, #tpu.memory_space<vmem>>, vector<1x16xf32>,
        %get3A_1147 = arith.constant 3 : i32
        %get3A_1148 = arith.index_cast %get3A_1147 : i32 to index
        %get3A_1149 = arith.index_cast %mul3A_523 : i32 to index
        %get3A_1150 = tpu.vector_load %arg15[%get3A_1148, %get3A_1149] {strides = array<i32>} : memref<8x256xf32, #tpu.memory_space<vmem>>, vector<1x16xf32>,
        %get3A_1151 = vector.shape_cast %get3A_1150 : vector<1x16xf32> to vector<16xf32>
        %mul3A_1152 = arith.mulf %add3A_1138, %get3A_1151 : vector<16xf32>
        %add3A_1153 = arith.addf %add3A_997, %mul3A_1152 : vector<16xf32>
        %add3A_1154 = arith.addf %add3A_998, %add3A_1138 : vector<16xf32>
        %add3A_1155 = arith.addf %add3A_999, %add3A_1140 : vector<16xf32>
        %get3A_1156 = arith.constant 64 : i32
        %get3A_1157 = arith.index_cast %get3A_1156 : i32 to index
        %get3A_1158 = arith.index_cast %mul3A_523 : i32 to index
        %get3A_1159 = tpu.vector_load %arg13[%get3A_1157, %get3A_1158] {strides = array<i32>} : memref<128x256xf32, #tpu.memory_space<vmem>>, vector<1x16xf32>,
        %get3A_1160 = vector.shape_cast %get3A_1159 : vector<1x16xf32> to vector<16xf32>
        %mul3A_1161 = arith.mulf %get3A_1160, %get3A_1160 : vector<16xf32>
        %get3A_1162 = arith.constant 65 : i32
        %get3A_1163 = arith.index_cast %get3A_1162 : i32 to index
        %get3A_1164 = arith.index_cast %mul3A_523 : i32 to index
        %get3A_1165 = tpu.vector_load %arg13[%get3A_1163, %get3A_1164] {strides = array<i32>} : memref<128x256xf32, #tpu.memory_space<vmem>>, vector<1x16xf32>,
        %get3A_1166 = vector.shape_cast %get3A_1165 : vector<1x16xf32> to vector<16xf32>
        %max3A_1167 = arith.maximumf %get3A_1160, %get3A_1166 : vector<16xf32>
        %add3A_1168 = arith.addf %get3A_1160, %get3A_1166 : vector<16xf32>
        %mul3A_1169 = arith.mulf %get3A_1166, %get3A_1166 : vector<16xf32>
        %add3A_1170 = arith.addf %mul3A_1161, %mul3A_1169 : vector<16xf32>
        %get3A_1171 = arith.constant 66 : i32
        %get3A_1172 = arith.index_cast %get3A_1171 : i32 to index
        %get3A_1173 = arith.index_cast %mul3A_523 : i32 to index
        %get3A_1174 = tpu.vector_load %arg13[%get3A_1172, %get3A_1173] {strides = array<i32>} : memref<128x256xf32, #tpu.memory_space<vmem>>, vector<1x16xf32>,
        %get3A_1175 = vector.shape_cast %get3A_1174 : vector<1x16xf32> to vector<16xf32>
        %max3A_1176 = arith.maximumf %max3A_1167, %get3A_1175 : vector<16xf32>
        %add3A_1177 = arith.addf %add3A_1168, %get3A_1175 : vector<16xf32>
        %mul3A_1178 = arith.mulf %get3A_1175, %get3A_1175 : vector<16xf32>
        %add3A_1179 = arith.addf %add3A_1170, %mul3A_1178 : vector<16xf32>
        %get3A_1180 = arith.constant 67 : i32
        %get3A_1181 = arith.index_cast %get3A_1180 : i32 to index
        %get3A_1182 = arith.index_cast %mul3A_523 : i32 to index
        %get3A_1183 = tpu.vector_load %arg13[%get3A_1181, %get3A_1182] {strides = array<i32>} : memref<128x256xf32, #tpu.memory_space<vmem>>, vector<1x16xf32>,
        %get3A_1184 = vector.shape_cast %get3A_1183 : vector<1x16xf32> to vector<16xf32>
        %max3A_1185 = arith.maximumf %max3A_1176, %get3A_1184 : vector<16xf32>
        %add3A_1186 = arith.addf %add3A_1177, %get3A_1184 : vector<16xf32>
        %mul3A_1187 = arith.mulf %get3A_1184, %get3A_1184 : vector<16xf32>
        %add3A_1188 = arith.addf %add3A_1179, %mul3A_1187 : vector<16xf32>
        %get3A_1189 = arith.constant 68 : i32
        %get3A_1190 = arith.index_cast %get3A_1189 : i32 to index
        %get3A_1191 = arith.index_cast %mul3A_523 : i32 to index
        %get3A_1192 = tpu.vector_load %arg13[%get3A_1190, %get3A_1191] {strides = array<i32>} : memref<128x256xf32, #tpu.memory_space<vmem>>, vector<1x16xf32>,
        %get3A_1193 = vector.shape_cast %get3A_1192 : vector<1x16xf32> to vector<16xf32>
        %max3A_1194 = arith.maximumf %max3A_1185, %get3A_1193 : vector<16xf32>
        %add3A_1195 = arith.addf %add3A_1186, %get3A_1193 : vector<16xf32>
        %mul3A_1196 = arith.mulf %get3A_1193, %get3A_1193 : vector<16xf32>
        %add3A_1197 = arith.addf %add3A_1188, %mul3A_1196 : vector<16xf32>
        %get3A_1198 = arith.constant 69 : i32
        %get3A_1199 = arith.index_cast %get3A_1198 : i32 to index
        %get3A_1200 = arith.index_cast %mul3A_523 : i32 to index
        %get3A_1201 = tpu.vector_load %arg13[%get3A_1199, %get3A_1200] {strides = array<i32>} : memref<128x256xf32, #tpu.memory_space<vmem>>, vector<1x16xf32>,
        %get3A_1202 = vector.shape_cast %get3A_1201 : vector<1x16xf32> to vector<16xf32>
        %max3A_1203 = arith.maximumf %max3A_1194, %get3A_1202 : vector<16xf32>
        %add3A_1204 = arith.addf %add3A_1195, %get3A_1202 : vector<16xf32>
        %mul3A_1205 = arith.mulf %get3A_1202, %get3A_1202 : vector<16xf32>
        %add3A_1206 = arith.addf %add3A_1197, %mul3A_1205 : vector<16xf32>
        %get3A_1207 = arith.constant 70 : i32
        %get3A_1208 = arith.index_cast %get3A_1207 : i32 to index
        %get3A_1209 = arith.index_cast %mul3A_523 : i32 to index
        %get3A_1210 = tpu.vector_load %arg13[%get3A_1208, %get3A_1209] {strides = array<i32>} : memref<128x256xf32, #tpu.memory_space<vmem>>, vector<1x16xf32>,
        %get3A_1211 = vector.shape_cast %get3A_1210 : vector<1x16xf32> to vector<16xf32>
        %max3A_1212 = arith.maximumf %max3A_1203, %get3A_1211 : vector<16xf32>
        %add3A_1213 = arith.addf %add3A_1204, %get3A_1211 : vector<16xf32>
        %mul3A_1214 = arith.mulf %get3A_1211, %get3A_1211 : vector<16xf32>
        %add3A_1215 = arith.addf %add3A_1206, %mul3A_1214 : vector<16xf32>
        %get3A_1216 = arith.constant 71 : i32
        %get3A_1217 = arith.index_cast %get3A_1216 : i32 to index
        %get3A_1218 = arith.index_cast %mul3A_523 : i32 to index
        %get3A_1219 = tpu.vector_load %arg13[%get3A_1217, %get3A_1218] {strides = array<i32>} : memref<128x256xf32, #tpu.memory_space<vmem>>, vector<1x16xf32>,
        %get3A_1220 = vector.shape_cast %get3A_1219 : vector<1x16xf32> to vector<16xf32>
        %max3A_1221 = arith.maximumf %max3A_1212, %get3A_1220 : vector<16xf32>
        %add3A_1222 = arith.addf %add3A_1213, %get3A_1220 : vector<16xf32>
        %mul3A_1223 = arith.mulf %get3A_1220, %get3A_1220 : vector<16xf32>
        %add3A_1224 = arith.addf %add3A_1215, %mul3A_1223 : vector<16xf32>
        %get3A_1225 = arith.constant 72 : i32
        %get3A_1226 = arith.index_cast %get3A_1225 : i32 to index
        %get3A_1227 = arith.index_cast %mul3A_523 : i32 to index
        %get3A_1228 = tpu.vector_load %arg13[%get3A_1226, %get3A_1227] {strides = array<i32>} : memref<128x256xf32, #tpu.memory_space<vmem>>, vector<1x16xf32>,
        %get3A_1229 = vector.shape_cast %get3A_1228 : vector<1x16xf32> to vector<16xf32>
        %max3A_1230 = arith.maximumf %max3A_1221, %get3A_1229 : vector<16xf32>
        %add3A_1231 = arith.addf %add3A_1222, %get3A_1229 : vector<16xf32>
        %mul3A_1232 = arith.mulf %get3A_1229, %get3A_1229 : vector<16xf32>
        %add3A_1233 = arith.addf %add3A_1224, %mul3A_1232 : vector<16xf32>
        %get3A_1234 = arith.constant 73 : i32
        %get3A_1235 = arith.index_cast %get3A_1234 : i32 to index
        %get3A_1236 = arith.index_cast %mul3A_523 : i32 to index
        %get3A_1237 = tpu.vector_load %arg13[%get3A_1235, %get3A_1236] {strides = array<i32>} : memref<128x256xf32, #tpu.memory_space<vmem>>, vector<1x16xf32>,
        %get3A_1238 = vector.shape_cast %get3A_1237 : vector<1x16xf32> to vector<16xf32>
        %max3A_1239 = arith.maximumf %max3A_1230, %get3A_1238 : vector<16xf32>
        %add3A_1240 = arith.addf %add3A_1231, %get3A_1238 : vector<16xf32>
        %mul3A_1241 = arith.mulf %get3A_1238, %get3A_1238 : vector<16xf32>
        %add3A_1242 = arith.addf %add3A_1233, %mul3A_1241 : vector<16xf32>
        %get3A_1243 = arith.constant 74 : i32
        %get3A_1244 = arith.index_cast %get3A_1243 : i32 to index
        %get3A_1245 = arith.index_cast %mul3A_523 : i32 to index
        %get3A_1246 = tpu.vector_load %arg13[%get3A_1244, %get3A_1245] {strides = array<i32>} : memref<128x256xf32, #tpu.memory_space<vmem>>, vector<1x16xf32>,
        %get3A_1247 = vector.shape_cast %get3A_1246 : vector<1x16xf32> to vector<16xf32>
        %max3A_1248 = arith.maximumf %max3A_1239, %get3A_1247 : vector<16xf32>
        %add3A_1249 = arith.addf %add3A_1240, %get3A_1247 : vector<16xf32>
        %mul3A_1250 = arith.mulf %get3A_1247, %get3A_1247 : vector<16xf32>
        %add3A_1251 = arith.addf %add3A_1242, %mul3A_1250 : vector<16xf32>
        %get3A_1252 = arith.constant 75 : i32
        %get3A_1253 = arith.index_cast %get3A_1252 : i32 to index
        %get3A_1254 = arith.index_cast %mul3A_523 : i32 to index
        %get3A_1255 = tpu.vector_load %arg13[%get3A_1253, %get3A_1254] {strides = array<i32>} : memref<128x256xf32, #tpu.memory_space<vmem>>, vector<1x16xf32>,
        %get3A_1256 = vector.shape_cast %get3A_1255 : vector<1x16xf32> to vector<16xf32>
        %max3A_1257 = arith.maximumf %max3A_1248, %get3A_1256 : vector<16xf32>
        %add3A_1258 = arith.addf %add3A_1249, %get3A_1256 : vector<16xf32>
        %mul3A_1259 = arith.mulf %get3A_1256, %get3A_1256 : vector<16xf32>
        %add3A_1260 = arith.addf %add3A_1251, %mul3A_1259 : vector<16xf32>
        %get3A_1261 = arith.constant 76 : i32
        %get3A_1262 = arith.index_cast %get3A_1261 : i32 to index
        %get3A_1263 = arith.index_cast %mul3A_523 : i32 to index
        %get3A_1264 = tpu.vector_load %arg13[%get3A_1262, %get3A_1263] {strides = array<i32>} : memref<128x256xf32, #tpu.memory_space<vmem>>, vector<1x16xf32>,
        %get3A_1265 = vector.shape_cast %get3A_1264 : vector<1x16xf32> to vector<16xf32>
        %max3A_1266 = arith.maximumf %max3A_1257, %get3A_1265 : vector<16xf32>
        %add3A_1267 = arith.addf %add3A_1258, %get3A_1265 : vector<16xf32>
        %mul3A_1268 = arith.mulf %get3A_1265, %get3A_1265 : vector<16xf32>
        %add3A_1269 = arith.addf %add3A_1260, %mul3A_1268 : vector<16xf32>
        %get3A_1270 = arith.constant 77 : i32
        %get3A_1271 = arith.index_cast %get3A_1270 : i32 to index
        %get3A_1272 = arith.index_cast %mul3A_523 : i32 to index
        %get3A_1273 = tpu.vector_load %arg13[%get3A_1271, %get3A_1272] {strides = array<i32>} : memref<128x256xf32, #tpu.memory_space<vmem>>, vector<1x16xf32>,
        %get3A_1274 = vector.shape_cast %get3A_1273 : vector<1x16xf32> to vector<16xf32>
        %max3A_1275 = arith.maximumf %max3A_1266, %get3A_1274 : vector<16xf32>
        %add3A_1276 = arith.addf %add3A_1267, %get3A_1274 : vector<16xf32>
        %mul3A_1277 = arith.mulf %get3A_1274, %get3A_1274 : vector<16xf32>
        %add3A_1278 = arith.addf %add3A_1269, %mul3A_1277 : vector<16xf32>
        %get3A_1279 = arith.constant 78 : i32
        %get3A_1280 = arith.index_cast %get3A_1279 : i32 to index
        %get3A_1281 = arith.index_cast %mul3A_523 : i32 to index
        %get3A_1282 = tpu.vector_load %arg13[%get3A_1280, %get3A_1281] {strides = array<i32>} : memref<128x256xf32, #tpu.memory_space<vmem>>, vector<1x16xf32>,
        %get3A_1283 = vector.shape_cast %get3A_1282 : vector<1x16xf32> to vector<16xf32>
        %max3A_1284 = arith.maximumf %max3A_1275, %get3A_1283 : vector<16xf32>
        %add3A_1285 = arith.addf %add3A_1276, %get3A_1283 : vector<16xf32>
        %mul3A_1286 = arith.mulf %get3A_1283, %get3A_1283 : vector<16xf32>
        %add3A_1287 = arith.addf %add3A_1278, %mul3A_1286 : vector<16xf32>
        %get3A_1288 = arith.constant 79 : i32
        %get3A_1289 = arith.index_cast %get3A_1288 : i32 to index
        %get3A_1290 = arith.index_cast %mul3A_523 : i32 to index
        %get3A_1291 = tpu.vector_load %arg13[%get3A_1289, %get3A_1290] {strides = array<i32>} : memref<128x256xf32, #tpu.memory_space<vmem>>, vector<1x16xf32>,
        %get3A_1292 = vector.shape_cast %get3A_1291 : vector<1x16xf32> to vector<16xf32>
        %max3A_1293 = arith.maximumf %max3A_1284, %get3A_1292 : vector<16xf32>
        %add3A_1294 = arith.addf %add3A_1285, %get3A_1292 : vector<16xf32>
        %mul3A_1295 = arith.mulf %get3A_1292, %get3A_1292 : vector<16xf32>
        %add3A_1296 = arith.addf %add3A_1287, %mul3A_1295 : vector<16xf32>
        %swap3A_1297 = arith.constant 4 : i32
        %swap3A_1298 = arith.index_cast %swap3A_1297 : i32 to index
        %swap3A_1299 = arith.index_cast %mul3A_523 : i32 to index
        %swap3A_1300 = tpu.vector_load %arg17[%swap3A_1298, %swap3A_1299] {strides = array<i32>} : memref<8x256xf32, #tpu.memory_space<vmem>>, vector<1x16xf32>,
        %swap3A_1301 = vector.shape_cast %swap3A_1300 : vector<1x16xf32> to vector<16xf32>
        %swap3A_1302 = vector.shape_cast %max3A_1293 : vector<16xf32> to vector<1x16xf32>
        tpu.vector_store %arg17[%swap3A_1298, %swap3A_1299], %swap3A_1302 {strides = array<i32>} : memref<8x256xf32, #tpu.memory_space<vmem>>, vector<1x16xf32>,
        %get3A_1303 = arith.constant 4 : i32
        %get3A_1304 = arith.index_cast %get3A_1303 : i32 to index
        %get3A_1305 = arith.index_cast %mul3A_523 : i32 to index
        %get3A_1306 = tpu.vector_load %arg15[%get3A_1304, %get3A_1305] {strides = array<i32>} : memref<8x256xf32, #tpu.memory_space<vmem>>, vector<1x16xf32>,
        %get3A_1307 = vector.shape_cast %get3A_1306 : vector<1x16xf32> to vector<16xf32>
        %mul3A_1308 = arith.mulf %add3A_1294, %get3A_1307 : vector<16xf32>
        %add3A_1309 = arith.addf %add3A_1153, %mul3A_1308 : vector<16xf32>
        %add3A_1310 = arith.addf %add3A_1154, %add3A_1294 : vector<16xf32>
        %add3A_1311 = arith.addf %add3A_1155, %add3A_1296 : vector<16xf32>
        %get3A_1312 = arith.constant 80 : i32
        %get3A_1313 = arith.index_cast %get3A_1312 : i32 to index
        %get3A_1314 = arith.index_cast %mul3A_523 : i32 to index
        %get3A_1315 = tpu.vector_load %arg13[%get3A_1313, %get3A_1314] {strides = array<i32>} : memref<128x256xf32, #tpu.memory_space<vmem>>, vector<1x16xf32>,
        %get3A_1316 = vector.shape_cast %get3A_1315 : vector<1x16xf32> to vector<16xf32>
        %mul3A_1317 = arith.mulf %get3A_1316, %get3A_1316 : vector<16xf32>
        %get3A_1318 = arith.constant 81 : i32
        %get3A_1319 = arith.index_cast %get3A_1318 : i32 to index
        %get3A_1320 = arith.index_cast %mul3A_523 : i32 to index
        %get3A_1321 = tpu.vector_load %arg13[%get3A_1319, %get3A_1320] {strides = array<i32>} : memref<128x256xf32, #tpu.memory_space<vmem>>, vector<1x16xf32>,
        %get3A_1322 = vector.shape_cast %get3A_1321 : vector<1x16xf32> to vector<16xf32>
        %max3A_1323 = arith.maximumf %get3A_1316, %get3A_1322 : vector<16xf32>
        %add3A_1324 = arith.addf %get3A_1316, %get3A_1322 : vector<16xf32>
        %mul3A_1325 = arith.mulf %get3A_1322, %get3A_1322 : vector<16xf32>
        %add3A_1326 = arith.addf %mul3A_1317, %mul3A_1325 : vector<16xf32>
        %get3A_1327 = arith.constant 82 : i32
        %get3A_1328 = arith.index_cast %get3A_1327 : i32 to index
        %get3A_1329 = arith.index_cast %mul3A_523 : i32 to index
        %get3A_1330 = tpu.vector_load %arg13[%get3A_1328, %get3A_1329] {strides = array<i32>} : memref<128x256xf32, #tpu.memory_space<vmem>>, vector<1x16xf32>,
        %get3A_1331 = vector.shape_cast %get3A_1330 : vector<1x16xf32> to vector<16xf32>
        %max3A_1332 = arith.maximumf %max3A_1323, %get3A_1331 : vector<16xf32>
        %add3A_1333 = arith.addf %add3A_1324, %get3A_1331 : vector<16xf32>
        %mul3A_1334 = arith.mulf %get3A_1331, %get3A_1331 : vector<16xf32>
        %add3A_1335 = arith.addf %add3A_1326, %mul3A_1334 : vector<16xf32>
        %get3A_1336 = arith.constant 83 : i32
        %get3A_1337 = arith.index_cast %get3A_1336 : i32 to index
        %get3A_1338 = arith.index_cast %mul3A_523 : i32 to index
        %get3A_1339 = tpu.vector_load %arg13[%get3A_1337, %get3A_1338] {strides = array<i32>} : memref<128x256xf32, #tpu.memory_space<vmem>>, vector<1x16xf32>,
        %get3A_1340 = vector.shape_cast %get3A_1339 : vector<1x16xf32> to vector<16xf32>
        %max3A_1341 = arith.maximumf %max3A_1332, %get3A_1340 : vector<16xf32>
        %add3A_1342 = arith.addf %add3A_1333, %get3A_1340 : vector<16xf32>
        %mul3A_1343 = arith.mulf %get3A_1340, %get3A_1340 : vector<16xf32>
        %add3A_1344 = arith.addf %add3A_1335, %mul3A_1343 : vector<16xf32>
        %get3A_1345 = arith.constant 84 : i32
        %get3A_1346 = arith.index_cast %get3A_1345 : i32 to index
        %get3A_1347 = arith.index_cast %mul3A_523 : i32 to index
        %get3A_1348 = tpu.vector_load %arg13[%get3A_1346, %get3A_1347] {strides = array<i32>} : memref<128x256xf32, #tpu.memory_space<vmem>>, vector<1x16xf32>,
        %get3A_1349 = vector.shape_cast %get3A_1348 : vector<1x16xf32> to vector<16xf32>
        %max3A_1350 = arith.maximumf %max3A_1341, %get3A_1349 : vector<16xf32>
        %add3A_1351 = arith.addf %add3A_1342, %get3A_1349 : vector<16xf32>
        %mul3A_1352 = arith.mulf %get3A_1349, %get3A_1349 : vector<16xf32>
        %add3A_1353 = arith.addf %add3A_1344, %mul3A_1352 : vector<16xf32>
        %get3A_1354 = arith.constant 85 : i32
        %get3A_1355 = arith.index_cast %get3A_1354 : i32 to index
        %get3A_1356 = arith.index_cast %mul3A_523 : i32 to index
        %get3A_1357 = tpu.vector_load %arg13[%get3A_1355, %get3A_1356] {strides = array<i32>} : memref<128x256xf32, #tpu.memory_space<vmem>>, vector<1x16xf32>,
        %get3A_1358 = vector.shape_cast %get3A_1357 : vector<1x16xf32> to vector<16xf32>
        %max3A_1359 = arith.maximumf %max3A_1350, %get3A_1358 : vector<16xf32>
        %add3A_1360 = arith.addf %add3A_1351, %get3A_1358 : vector<16xf32>
        %mul3A_1361 = arith.mulf %get3A_1358, %get3A_1358 : vector<16xf32>
        %add3A_1362 = arith.addf %add3A_1353, %mul3A_1361 : vector<16xf32>
        %get3A_1363 = arith.constant 86 : i32
        %get3A_1364 = arith.index_cast %get3A_1363 : i32 to index
        %get3A_1365 = arith.index_cast %mul3A_523 : i32 to index
        %get3A_1366 = tpu.vector_load %arg13[%get3A_1364, %get3A_1365] {strides = array<i32>} : memref<128x256xf32, #tpu.memory_space<vmem>>, vector<1x16xf32>,
        %get3A_1367 = vector.shape_cast %get3A_1366 : vector<1x16xf32> to vector<16xf32>
        %max3A_1368 = arith.maximumf %max3A_1359, %get3A_1367 : vector<16xf32>
        %add3A_1369 = arith.addf %add3A_1360, %get3A_1367 : vector<16xf32>
        %mul3A_1370 = arith.mulf %get3A_1367, %get3A_1367 : vector<16xf32>
        %add3A_1371 = arith.addf %add3A_1362, %mul3A_1370 : vector<16xf32>
        %get3A_1372 = arith.constant 87 : i32
        %get3A_1373 = arith.index_cast %get3A_1372 : i32 to index
        %get3A_1374 = arith.index_cast %mul3A_523 : i32 to index
        %get3A_1375 = tpu.vector_load %arg13[%get3A_1373, %get3A_1374] {strides = array<i32>} : memref<128x256xf32, #tpu.memory_space<vmem>>, vector<1x16xf32>,
        %get3A_1376 = vector.shape_cast %get3A_1375 : vector<1x16xf32> to vector<16xf32>
        %max3A_1377 = arith.maximumf %max3A_1368, %get3A_1376 : vector<16xf32>
        %add3A_1378 = arith.addf %add3A_1369, %get3A_1376 : vector<16xf32>
        %mul3A_1379 = arith.mulf %get3A_1376, %get3A_1376 : vector<16xf32>
        %add3A_1380 = arith.addf %add3A_1371, %mul3A_1379 : vector<16xf32>
        %get3A_1381 = arith.constant 88 : i32
        %get3A_1382 = arith.index_cast %get3A_1381 : i32 to index
        %get3A_1383 = arith.index_cast %mul3A_523 : i32 to index
        %get3A_1384 = tpu.vector_load %arg13[%get3A_1382, %get3A_1383] {strides = array<i32>} : memref<128x256xf32, #tpu.memory_space<vmem>>, vector<1x16xf32>,
        %get3A_1385 = vector.shape_cast %get3A_1384 : vector<1x16xf32> to vector<16xf32>
        %max3A_1386 = arith.maximumf %max3A_1377, %get3A_1385 : vector<16xf32>
        %add3A_1387 = arith.addf %add3A_1378, %get3A_1385 : vector<16xf32>
        %mul3A_1388 = arith.mulf %get3A_1385, %get3A_1385 : vector<16xf32>
        %add3A_1389 = arith.addf %add3A_1380, %mul3A_1388 : vector<16xf32>
        %get3A_1390 = arith.constant 89 : i32
        %get3A_1391 = arith.index_cast %get3A_1390 : i32 to index
        %get3A_1392 = arith.index_cast %mul3A_523 : i32 to index
        %get3A_1393 = tpu.vector_load %arg13[%get3A_1391, %get3A_1392] {strides = array<i32>} : memref<128x256xf32, #tpu.memory_space<vmem>>, vector<1x16xf32>,
        %get3A_1394 = vector.shape_cast %get3A_1393 : vector<1x16xf32> to vector<16xf32>
        %max3A_1395 = arith.maximumf %max3A_1386, %get3A_1394 : vector<16xf32>
        %add3A_1396 = arith.addf %add3A_1387, %get3A_1394 : vector<16xf32>
        %mul3A_1397 = arith.mulf %get3A_1394, %get3A_1394 : vector<16xf32>
        %add3A_1398 = arith.addf %add3A_1389, %mul3A_1397 : vector<16xf32>
        %get3A_1399 = arith.constant 90 : i32
        %get3A_1400 = arith.index_cast %get3A_1399 : i32 to index
        %get3A_1401 = arith.index_cast %mul3A_523 : i32 to index
        %get3A_1402 = tpu.vector_load %arg13[%get3A_1400, %get3A_1401] {strides = array<i32>} : memref<128x256xf32, #tpu.memory_space<vmem>>, vector<1x16xf32>,
        %get3A_1403 = vector.shape_cast %get3A_1402 : vector<1x16xf32> to vector<16xf32>
        %max3A_1404 = arith.maximumf %max3A_1395, %get3A_1403 : vector<16xf32>
        %add3A_1405 = arith.addf %add3A_1396, %get3A_1403 : vector<16xf32>
        %mul3A_1406 = arith.mulf %get3A_1403, %get3A_1403 : vector<16xf32>
        %add3A_1407 = arith.addf %add3A_1398, %mul3A_1406 : vector<16xf32>
        %get3A_1408 = arith.constant 91 : i32
        %get3A_1409 = arith.index_cast %get3A_1408 : i32 to index
        %get3A_1410 = arith.index_cast %mul3A_523 : i32 to index
        %get3A_1411 = tpu.vector_load %arg13[%get3A_1409, %get3A_1410] {strides = array<i32>} : memref<128x256xf32, #tpu.memory_space<vmem>>, vector<1x16xf32>,
        %get3A_1412 = vector.shape_cast %get3A_1411 : vector<1x16xf32> to vector<16xf32>
        %max3A_1413 = arith.maximumf %max3A_1404, %get3A_1412 : vector<16xf32>
        %add3A_1414 = arith.addf %add3A_1405, %get3A_1412 : vector<16xf32>
        %mul3A_1415 = arith.mulf %get3A_1412, %get3A_1412 : vector<16xf32>
        %add3A_1416 = arith.addf %add3A_1407, %mul3A_1415 : vector<16xf32>
        %get3A_1417 = arith.constant 92 : i32
        %get3A_1418 = arith.index_cast %get3A_1417 : i32 to index
        %get3A_1419 = arith.index_cast %mul3A_523 : i32 to index
        %get3A_1420 = tpu.vector_load %arg13[%get3A_1418, %get3A_1419] {strides = array<i32>} : memref<128x256xf32, #tpu.memory_space<vmem>>, vector<1x16xf32>,
        %get3A_1421 = vector.shape_cast %get3A_1420 : vector<1x16xf32> to vector<16xf32>
        %max3A_1422 = arith.maximumf %max3A_1413, %get3A_1421 : vector<16xf32>
        %add3A_1423 = arith.addf %add3A_1414, %get3A_1421 : vector<16xf32>
        %mul3A_1424 = arith.mulf %get3A_1421, %get3A_1421 : vector<16xf32>
        %add3A_1425 = arith.addf %add3A_1416, %mul3A_1424 : vector<16xf32>
        %get3A_1426 = arith.constant 93 : i32
        %get3A_1427 = arith.index_cast %get3A_1426 : i32 to index
        %get3A_1428 = arith.index_cast %mul3A_523 : i32 to index
        %get3A_1429 = tpu.vector_load %arg13[%get3A_1427, %get3A_1428] {strides = array<i32>} : memref<128x256xf32, #tpu.memory_space<vmem>>, vector<1x16xf32>,
        %get3A_1430 = vector.shape_cast %get3A_1429 : vector<1x16xf32> to vector<16xf32>
        %max3A_1431 = arith.maximumf %max3A_1422, %get3A_1430 : vector<16xf32>
        %add3A_1432 = arith.addf %add3A_1423, %get3A_1430 : vector<16xf32>
        %mul3A_1433 = arith.mulf %get3A_1430, %get3A_1430 : vector<16xf32>
        %add3A_1434 = arith.addf %add3A_1425, %mul3A_1433 : vector<16xf32>
        %get3A_1435 = arith.constant 94 : i32
        %get3A_1436 = arith.index_cast %get3A_1435 : i32 to index
        %get3A_1437 = arith.index_cast %mul3A_523 : i32 to index
        %get3A_1438 = tpu.vector_load %arg13[%get3A_1436, %get3A_1437] {strides = array<i32>} : memref<128x256xf32, #tpu.memory_space<vmem>>, vector<1x16xf32>,
        %get3A_1439 = vector.shape_cast %get3A_1438 : vector<1x16xf32> to vector<16xf32>
        %max3A_1440 = arith.maximumf %max3A_1431, %get3A_1439 : vector<16xf32>
        %add3A_1441 = arith.addf %add3A_1432, %get3A_1439 : vector<16xf32>
        %mul3A_1442 = arith.mulf %get3A_1439, %get3A_1439 : vector<16xf32>
        %add3A_1443 = arith.addf %add3A_1434, %mul3A_1442 : vector<16xf32>
        %get3A_1444 = arith.constant 95 : i32
        %get3A_1445 = arith.index_cast %get3A_1444 : i32 to index
        %get3A_1446 = arith.index_cast %mul3A_523 : i32 to index
        %get3A_1447 = tpu.vector_load %arg13[%get3A_1445, %get3A_1446] {strides = array<i32>} : memref<128x256xf32, #tpu.memory_space<vmem>>, vector<1x16xf32>,
        %get3A_1448 = vector.shape_cast %get3A_1447 : vector<1x16xf32> to vector<16xf32>
        %max3A_1449 = arith.maximumf %max3A_1440, %get3A_1448 : vector<16xf32>
        %add3A_1450 = arith.addf %add3A_1441, %get3A_1448 : vector<16xf32>
        %mul3A_1451 = arith.mulf %get3A_1448, %get3A_1448 : vector<16xf32>
        %add3A_1452 = arith.addf %add3A_1443, %mul3A_1451 : vector<16xf32>
        %swap3A_1453 = arith.constant 5 : i32
        %swap3A_1454 = arith.index_cast %swap3A_1453 : i32 to index
        %swap3A_1455 = arith.index_cast %mul3A_523 : i32 to index
        %swap3A_1456 = tpu.vector_load %arg17[%swap3A_1454, %swap3A_1455] {strides = array<i32>} : memref<8x256xf32, #tpu.memory_space<vmem>>, vector<1x16xf32>,
        %swap3A_1457 = vector.shape_cast %swap3A_1456 : vector<1x16xf32> to vector<16xf32>
        %swap3A_1458 = vector.shape_cast %max3A_1449 : vector<16xf32> to vector<1x16xf32>
        tpu.vector_store %arg17[%swap3A_1454, %swap3A_1455], %swap3A_1458 {strides = array<i32>} : memref<8x256xf32, #tpu.memory_space<vmem>>, vector<1x16xf32>,
        %get3A_1459 = arith.constant 5 : i32
        %get3A_1460 = arith.index_cast %get3A_1459 : i32 to index
        %get3A_1461 = arith.index_cast %mul3A_523 : i32 to index
        %get3A_1462 = tpu.vector_load %arg15[%get3A_1460, %get3A_1461] {strides = array<i32>} : memref<8x256xf32, #tpu.memory_space<vmem>>, vector<1x16xf32>,
        %get3A_1463 = vector.shape_cast %get3A_1462 : vector<1x16xf32> to vector<16xf32>
        %mul3A_1464 = arith.mulf %add3A_1450, %get3A_1463 : vector<16xf32>
        %add3A_1465 = arith.addf %add3A_1309, %mul3A_1464 : vector<16xf32>
        %add3A_1466 = arith.addf %add3A_1310, %add3A_1450 : vector<16xf32>
        %add3A_1467 = arith.addf %add3A_1311, %add3A_1452 : vector<16xf32>
        %get3A_1468 = arith.constant 96 : i32
        %get3A_1469 = arith.index_cast %get3A_1468 : i32 to index
        %get3A_1470 = arith.index_cast %mul3A_523 : i32 to index
        %get3A_1471 = tpu.vector_load %arg13[%get3A_1469, %get3A_1470] {strides = array<i32>} : memref<128x256xf32, #tpu.memory_space<vmem>>, vector<1x16xf32>,
        %get3A_1472 = vector.shape_cast %get3A_1471 : vector<1x16xf32> to vector<16xf32>
        %mul3A_1473 = arith.mulf %get3A_1472, %get3A_1472 : vector<16xf32>
        %get3A_1474 = arith.constant 97 : i32
        %get3A_1475 = arith.index_cast %get3A_1474 : i32 to index
        %get3A_1476 = arith.index_cast %mul3A_523 : i32 to index
        %get3A_1477 = tpu.vector_load %arg13[%get3A_1475, %get3A_1476] {strides = array<i32>} : memref<128x256xf32, #tpu.memory_space<vmem>>, vector<1x16xf32>,
        %get3A_1478 = vector.shape_cast %get3A_1477 : vector<1x16xf32> to vector<16xf32>
        %max3A_1479 = arith.maximumf %get3A_1472, %get3A_1478 : vector<16xf32>
        %add3A_1480 = arith.addf %get3A_1472, %get3A_1478 : vector<16xf32>
        %mul3A_1481 = arith.mulf %get3A_1478, %get3A_1478 : vector<16xf32>
        %add3A_1482 = arith.addf %mul3A_1473, %mul3A_1481 : vector<16xf32>
        %get3A_1483 = arith.constant 98 : i32
        %get3A_1484 = arith.index_cast %get3A_1483 : i32 to index
        %get3A_1485 = arith.index_cast %mul3A_523 : i32 to index
        %get3A_1486 = tpu.vector_load %arg13[%get3A_1484, %get3A_1485] {strides = array<i32>} : memref<128x256xf32, #tpu.memory_space<vmem>>, vector<1x16xf32>,
        %get3A_1487 = vector.shape_cast %get3A_1486 : vector<1x16xf32> to vector<16xf32>
        %max3A_1488 = arith.maximumf %max3A_1479, %get3A_1487 : vector<16xf32>
        %add3A_1489 = arith.addf %add3A_1480, %get3A_1487 : vector<16xf32>
        %mul3A_1490 = arith.mulf %get3A_1487, %get3A_1487 : vector<16xf32>
        %add3A_1491 = arith.addf %add3A_1482, %mul3A_1490 : vector<16xf32>
        %get3A_1492 = arith.constant 99 : i32
        %get3A_1493 = arith.index_cast %get3A_1492 : i32 to index
        %get3A_1494 = arith.index_cast %mul3A_523 : i32 to index
        %get3A_1495 = tpu.vector_load %arg13[%get3A_1493, %get3A_1494] {strides = array<i32>} : memref<128x256xf32, #tpu.memory_space<vmem>>, vector<1x16xf32>,
        %get3A_1496 = vector.shape_cast %get3A_1495 : vector<1x16xf32> to vector<16xf32>
        %max3A_1497 = arith.maximumf %max3A_1488, %get3A_1496 : vector<16xf32>
        %add3A_1498 = arith.addf %add3A_1489, %get3A_1496 : vector<16xf32>
        %mul3A_1499 = arith.mulf %get3A_1496, %get3A_1496 : vector<16xf32>
        %add3A_1500 = arith.addf %add3A_1491, %mul3A_1499 : vector<16xf32>
        %get3A_1501 = arith.constant 100 : i32
        %get3A_1502 = arith.index_cast %get3A_1501 : i32 to index
        %get3A_1503 = arith.index_cast %mul3A_523 : i32 to index
        %get3A_1504 = tpu.vector_load %arg13[%get3A_1502, %get3A_1503] {strides = array<i32>} : memref<128x256xf32, #tpu.memory_space<vmem>>, vector<1x16xf32>,
        %get3A_1505 = vector.shape_cast %get3A_1504 : vector<1x16xf32> to vector<16xf32>
        %max3A_1506 = arith.maximumf %max3A_1497, %get3A_1505 : vector<16xf32>
        %add3A_1507 = arith.addf %add3A_1498, %get3A_1505 : vector<16xf32>
        %mul3A_1508 = arith.mulf %get3A_1505, %get3A_1505 : vector<16xf32>
        %add3A_1509 = arith.addf %add3A_1500, %mul3A_1508 : vector<16xf32>
        %get3A_1510 = arith.constant 101 : i32
        %get3A_1511 = arith.index_cast %get3A_1510 : i32 to index
        %get3A_1512 = arith.index_cast %mul3A_523 : i32 to index
        %get3A_1513 = tpu.vector_load %arg13[%get3A_1511, %get3A_1512] {strides = array<i32>} : memref<128x256xf32, #tpu.memory_space<vmem>>, vector<1x16xf32>,
        %get3A_1514 = vector.shape_cast %get3A_1513 : vector<1x16xf32> to vector<16xf32>
        %max3A_1515 = arith.maximumf %max3A_1506, %get3A_1514 : vector<16xf32>
        %add3A_1516 = arith.addf %add3A_1507, %get3A_1514 : vector<16xf32>
        %mul3A_1517 = arith.mulf %get3A_1514, %get3A_1514 : vector<16xf32>
        %add3A_1518 = arith.addf %add3A_1509, %mul3A_1517 : vector<16xf32>
        %get3A_1519 = arith.constant 102 : i32
        %get3A_1520 = arith.index_cast %get3A_1519 : i32 to index
        %get3A_1521 = arith.index_cast %mul3A_523 : i32 to index
        %get3A_1522 = tpu.vector_load %arg13[%get3A_1520, %get3A_1521] {strides = array<i32>} : memref<128x256xf32, #tpu.memory_space<vmem>>, vector<1x16xf32>,
        %get3A_1523 = vector.shape_cast %get3A_1522 : vector<1x16xf32> to vector<16xf32>
        %max3A_1524 = arith.maximumf %max3A_1515, %get3A_1523 : vector<16xf32>
        %add3A_1525 = arith.addf %add3A_1516, %get3A_1523 : vector<16xf32>
        %mul3A_1526 = arith.mulf %get3A_1523, %get3A_1523 : vector<16xf32>
        %add3A_1527 = arith.addf %add3A_1518, %mul3A_1526 : vector<16xf32>
        %get3A_1528 = arith.constant 103 : i32
        %get3A_1529 = arith.index_cast %get3A_1528 : i32 to index
        %get3A_1530 = arith.index_cast %mul3A_523 : i32 to index
        %get3A_1531 = tpu.vector_load %arg13[%get3A_1529, %get3A_1530] {strides = array<i32>} : memref<128x256xf32, #tpu.memory_space<vmem>>, vector<1x16xf32>,
        %get3A_1532 = vector.shape_cast %get3A_1531 : vector<1x16xf32> to vector<16xf32>
        %max3A_1533 = arith.maximumf %max3A_1524, %get3A_1532 : vector<16xf32>
        %add3A_1534 = arith.addf %add3A_1525, %get3A_1532 : vector<16xf32>
        %mul3A_1535 = arith.mulf %get3A_1532, %get3A_1532 : vector<16xf32>
        %add3A_1536 = arith.addf %add3A_1527, %mul3A_1535 : vector<16xf32>
        %get3A_1537 = arith.constant 104 : i32
        %get3A_1538 = arith.index_cast %get3A_1537 : i32 to index
        %get3A_1539 = arith.index_cast %mul3A_523 : i32 to index
        %get3A_1540 = tpu.vector_load %arg13[%get3A_1538, %get3A_1539] {strides = array<i32>} : memref<128x256xf32, #tpu.memory_space<vmem>>, vector<1x16xf32>,
        %get3A_1541 = vector.shape_cast %get3A_1540 : vector<1x16xf32> to vector<16xf32>
        %max3A_1542 = arith.maximumf %max3A_1533, %get3A_1541 : vector<16xf32>
        %add3A_1543 = arith.addf %add3A_1534, %get3A_1541 : vector<16xf32>
        %mul3A_1544 = arith.mulf %get3A_1541, %get3A_1541 : vector<16xf32>
        %add3A_1545 = arith.addf %add3A_1536, %mul3A_1544 : vector<16xf32>
        %get3A_1546 = arith.constant 105 : i32
        %get3A_1547 = arith.index_cast %get3A_1546 : i32 to index
        %get3A_1548 = arith.index_cast %mul3A_523 : i32 to index
        %get3A_1549 = tpu.vector_load %arg13[%get3A_1547, %get3A_1548] {strides = array<i32>} : memref<128x256xf32, #tpu.memory_space<vmem>>, vector<1x16xf32>,
        %get3A_1550 = vector.shape_cast %get3A_1549 : vector<1x16xf32> to vector<16xf32>
        %max3A_1551 = arith.maximumf %max3A_1542, %get3A_1550 : vector<16xf32>
        %add3A_1552 = arith.addf %add3A_1543, %get3A_1550 : vector<16xf32>
        %mul3A_1553 = arith.mulf %get3A_1550, %get3A_1550 : vector<16xf32>
        %add3A_1554 = arith.addf %add3A_1545, %mul3A_1553 : vector<16xf32>
        %get3A_1555 = arith.constant 106 : i32
        %get3A_1556 = arith.index_cast %get3A_1555 : i32 to index
        %get3A_1557 = arith.index_cast %mul3A_523 : i32 to index
        %get3A_1558 = tpu.vector_load %arg13[%get3A_1556, %get3A_1557] {strides = array<i32>} : memref<128x256xf32, #tpu.memory_space<vmem>>, vector<1x16xf32>,
        %get3A_1559 = vector.shape_cast %get3A_1558 : vector<1x16xf32> to vector<16xf32>
        %max3A_1560 = arith.maximumf %max3A_1551, %get3A_1559 : vector<16xf32>
        %add3A_1561 = arith.addf %add3A_1552, %get3A_1559 : vector<16xf32>
        %mul3A_1562 = arith.mulf %get3A_1559, %get3A_1559 : vector<16xf32>
        %add3A_1563 = arith.addf %add3A_1554, %mul3A_1562 : vector<16xf32>
        %get3A_1564 = arith.constant 107 : i32
        %get3A_1565 = arith.index_cast %get3A_1564 : i32 to index
        %get3A_1566 = arith.index_cast %mul3A_523 : i32 to index
        %get3A_1567 = tpu.vector_load %arg13[%get3A_1565, %get3A_1566] {strides = array<i32>} : memref<128x256xf32, #tpu.memory_space<vmem>>, vector<1x16xf32>,
        %get3A_1568 = vector.shape_cast %get3A_1567 : vector<1x16xf32> to vector<16xf32>
        %max3A_1569 = arith.maximumf %max3A_1560, %get3A_1568 : vector<16xf32>
        %add3A_1570 = arith.addf %add3A_1561, %get3A_1568 : vector<16xf32>
        %mul3A_1571 = arith.mulf %get3A_1568, %get3A_1568 : vector<16xf32>
        %add3A_1572 = arith.addf %add3A_1563, %mul3A_1571 : vector<16xf32>
        %get3A_1573 = arith.constant 108 : i32
        %get3A_1574 = arith.index_cast %get3A_1573 : i32 to index
        %get3A_1575 = arith.index_cast %mul3A_523 : i32 to index
        %get3A_1576 = tpu.vector_load %arg13[%get3A_1574, %get3A_1575] {strides = array<i32>} : memref<128x256xf32, #tpu.memory_space<vmem>>, vector<1x16xf32>,
        %get3A_1577 = vector.shape_cast %get3A_1576 : vector<1x16xf32> to vector<16xf32>
        %max3A_1578 = arith.maximumf %max3A_1569, %get3A_1577 : vector<16xf32>
        %add3A_1579 = arith.addf %add3A_1570, %get3A_1577 : vector<16xf32>
        %mul3A_1580 = arith.mulf %get3A_1577, %get3A_1577 : vector<16xf32>
        %add3A_1581 = arith.addf %add3A_1572, %mul3A_1580 : vector<16xf32>
        %get3A_1582 = arith.constant 109 : i32
        %get3A_1583 = arith.index_cast %get3A_1582 : i32 to index
        %get3A_1584 = arith.index_cast %mul3A_523 : i32 to index
        %get3A_1585 = tpu.vector_load %arg13[%get3A_1583, %get3A_1584] {strides = array<i32>} : memref<128x256xf32, #tpu.memory_space<vmem>>, vector<1x16xf32>,
        %get3A_1586 = vector.shape_cast %get3A_1585 : vector<1x16xf32> to vector<16xf32>
        %max3A_1587 = arith.maximumf %max3A_1578, %get3A_1586 : vector<16xf32>
        %add3A_1588 = arith.addf %add3A_1579, %get3A_1586 : vector<16xf32>
        %mul3A_1589 = arith.mulf %get3A_1586, %get3A_1586 : vector<16xf32>
        %add3A_1590 = arith.addf %add3A_1581, %mul3A_1589 : vector<16xf32>
        %get3A_1591 = arith.constant 110 : i32
        %get3A_1592 = arith.index_cast %get3A_1591 : i32 to index
        %get3A_1593 = arith.index_cast %mul3A_523 : i32 to index
        %get3A_1594 = tpu.vector_load %arg13[%get3A_1592, %get3A_1593] {strides = array<i32>} : memref<128x256xf32, #tpu.memory_space<vmem>>, vector<1x16xf32>,
        %get3A_1595 = vector.shape_cast %get3A_1594 : vector<1x16xf32> to vector<16xf32>
        %max3A_1596 = arith.maximumf %max3A_1587, %get3A_1595 : vector<16xf32>
        %add3A_1597 = arith.addf %add3A_1588, %get3A_1595 : vector<16xf32>
        %mul3A_1598 = arith.mulf %get3A_1595, %get3A_1595 : vector<16xf32>
        %add3A_1599 = arith.addf %add3A_1590, %mul3A_1598 : vector<16xf32>
        %get3A_1600 = arith.constant 111 : i32
        %get3A_1601 = arith.index_cast %get3A_1600 : i32 to index
        %get3A_1602 = arith.index_cast %mul3A_523 : i32 to index
        %get3A_1603 = tpu.vector_load %arg13[%get3A_1601, %get3A_1602] {strides = array<i32>} : memref<128x256xf32, #tpu.memory_space<vmem>>, vector<1x16xf32>,
        %get3A_1604 = vector.shape_cast %get3A_1603 : vector<1x16xf32> to vector<16xf32>
        %max3A_1605 = arith.maximumf %max3A_1596, %get3A_1604 : vector<16xf32>
        %add3A_1606 = arith.addf %add3A_1597, %get3A_1604 : vector<16xf32>
        %mul3A_1607 = arith.mulf %get3A_1604, %get3A_1604 : vector<16xf32>
        %add3A_1608 = arith.addf %add3A_1599, %mul3A_1607 : vector<16xf32>
        %swap3A_1609 = arith.constant 6 : i32
        %swap3A_1610 = arith.index_cast %swap3A_1609 : i32 to index
        %swap3A_1611 = arith.index_cast %mul3A_523 : i32 to index
        %swap3A_1612 = tpu.vector_load %arg17[%swap3A_1610, %swap3A_1611] {strides = array<i32>} : memref<8x256xf32, #tpu.memory_space<vmem>>, vector<1x16xf32>,
        %swap3A_1613 = vector.shape_cast %swap3A_1612 : vector<1x16xf32> to vector<16xf32>
        %swap3A_1614 = vector.shape_cast %max3A_1605 : vector<16xf32> to vector<1x16xf32>
        tpu.vector_store %arg17[%swap3A_1610, %swap3A_1611], %swap3A_1614 {strides = array<i32>} : memref<8x256xf32, #tpu.memory_space<vmem>>, vector<1x16xf32>,
        %get3A_1615 = arith.constant 6 : i32
        %get3A_1616 = arith.index_cast %get3A_1615 : i32 to index
        %get3A_1617 = arith.index_cast %mul3A_523 : i32 to index
        %get3A_1618 = tpu.vector_load %arg15[%get3A_1616, %get3A_1617] {strides = array<i32>} : memref<8x256xf32, #tpu.memory_space<vmem>>, vector<1x16xf32>,
        %get3A_1619 = vector.shape_cast %get3A_1618 : vector<1x16xf32> to vector<16xf32>
        %mul3A_1620 = arith.mulf %add3A_1606, %get3A_1619 : vector<16xf32>
        %add3A_1621 = arith.addf %add3A_1465, %mul3A_1620 : vector<16xf32>
        %add3A_1622 = arith.addf %add3A_1466, %add3A_1606 : vector<16xf32>
        %add3A_1623 = arith.addf %add3A_1467, %add3A_1608 : vector<16xf32>
        %get3A_1624 = arith.constant 112 : i32
        %get3A_1625 = arith.index_cast %get3A_1624 : i32 to index
        %get3A_1626 = arith.index_cast %mul3A_523 : i32 to index
        %get3A_1627 = tpu.vector_load %arg13[%get3A_1625, %get3A_1626] {strides = array<i32>} : memref<128x256xf32, #tpu.memory_space<vmem>>, vector<1x16xf32>,
        %get3A_1628 = vector.shape_cast %get3A_1627 : vector<1x16xf32> to vector<16xf32>
        %mul3A_1629 = arith.mulf %get3A_1628, %get3A_1628 : vector<16xf32>
        %get3A_1630 = arith.constant 113 : i32
        %get3A_1631 = arith.index_cast %get3A_1630 : i32 to index
        %get3A_1632 = arith.index_cast %mul3A_523 : i32 to index
        %get3A_1633 = tpu.vector_load %arg13[%get3A_1631, %get3A_1632] {strides = array<i32>} : memref<128x256xf32, #tpu.memory_space<vmem>>, vector<1x16xf32>,
        %get3A_1634 = vector.shape_cast %get3A_1633 : vector<1x16xf32> to vector<16xf32>
        %max3A_1635 = arith.maximumf %get3A_1628, %get3A_1634 : vector<16xf32>
        %add3A_1636 = arith.addf %get3A_1628, %get3A_1634 : vector<16xf32>
        %mul3A_1637 = arith.mulf %get3A_1634, %get3A_1634 : vector<16xf32>
        %add3A_1638 = arith.addf %mul3A_1629, %mul3A_1637 : vector<16xf32>
        %get3A_1639 = arith.constant 114 : i32
        %get3A_1640 = arith.index_cast %get3A_1639 : i32 to index
        %get3A_1641 = arith.index_cast %mul3A_523 : i32 to index
        %get3A_1642 = tpu.vector_load %arg13[%get3A_1640, %get3A_1641] {strides = array<i32>} : memref<128x256xf32, #tpu.memory_space<vmem>>, vector<1x16xf32>,
        %get3A_1643 = vector.shape_cast %get3A_1642 : vector<1x16xf32> to vector<16xf32>
        %max3A_1644 = arith.maximumf %max3A_1635, %get3A_1643 : vector<16xf32>
        %add3A_1645 = arith.addf %add3A_1636, %get3A_1643 : vector<16xf32>
        %mul3A_1646 = arith.mulf %get3A_1643, %get3A_1643 : vector<16xf32>
        %add3A_1647 = arith.addf %add3A_1638, %mul3A_1646 : vector<16xf32>
        %get3A_1648 = arith.constant 115 : i32
        %get3A_1649 = arith.index_cast %get3A_1648 : i32 to index
        %get3A_1650 = arith.index_cast %mul3A_523 : i32 to index
        %get3A_1651 = tpu.vector_load %arg13[%get3A_1649, %get3A_1650] {strides = array<i32>} : memref<128x256xf32, #tpu.memory_space<vmem>>, vector<1x16xf32>,
        %get3A_1652 = vector.shape_cast %get3A_1651 : vector<1x16xf32> to vector<16xf32>
        %max3A_1653 = arith.maximumf %max3A_1644, %get3A_1652 : vector<16xf32>
        %add3A_1654 = arith.addf %add3A_1645, %get3A_1652 : vector<16xf32>
        %mul3A_1655 = arith.mulf %get3A_1652, %get3A_1652 : vector<16xf32>
        %add3A_1656 = arith.addf %add3A_1647, %mul3A_1655 : vector<16xf32>
        %get3A_1657 = arith.constant 116 : i32
        %get3A_1658 = arith.index_cast %get3A_1657 : i32 to index
        %get3A_1659 = arith.index_cast %mul3A_523 : i32 to index
        %get3A_1660 = tpu.vector_load %arg13[%get3A_1658, %get3A_1659] {strides = array<i32>} : memref<128x256xf32, #tpu.memory_space<vmem>>, vector<1x16xf32>,
        %get3A_1661 = vector.shape_cast %get3A_1660 : vector<1x16xf32> to vector<16xf32>
        %max3A_1662 = arith.maximumf %max3A_1653, %get3A_1661 : vector<16xf32>
        %add3A_1663 = arith.addf %add3A_1654, %get3A_1661 : vector<16xf32>
        %mul3A_1664 = arith.mulf %get3A_1661, %get3A_1661 : vector<16xf32>
        %add3A_1665 = arith.addf %add3A_1656, %mul3A_1664 : vector<16xf32>
        %get3A_1666 = arith.constant 117 : i32
        %get3A_1667 = arith.index_cast %get3A_1666 : i32 to index
        %get3A_1668 = arith.index_cast %mul3A_523 : i32 to index
        %get3A_1669 = tpu.vector_load %arg13[%get3A_1667, %get3A_1668] {strides = array<i32>} : memref<128x256xf32, #tpu.memory_space<vmem>>, vector<1x16xf32>,
        %get3A_1670 = vector.shape_cast %get3A_1669 : vector<1x16xf32> to vector<16xf32>
        %max3A_1671 = arith.maximumf %max3A_1662, %get3A_1670 : vector<16xf32>
        %add3A_1672 = arith.addf %add3A_1663, %get3A_1670 : vector<16xf32>
        %mul3A_1673 = arith.mulf %get3A_1670, %get3A_1670 : vector<16xf32>
        %add3A_1674 = arith.addf %add3A_1665, %mul3A_1673 : vector<16xf32>
        %get3A_1675 = arith.constant 118 : i32
        %get3A_1676 = arith.index_cast %get3A_1675 : i32 to index
        %get3A_1677 = arith.index_cast %mul3A_523 : i32 to index
        %get3A_1678 = tpu.vector_load %arg13[%get3A_1676, %get3A_1677] {strides = array<i32>} : memref<128x256xf32, #tpu.memory_space<vmem>>, vector<1x16xf32>,
        %get3A_1679 = vector.shape_cast %get3A_1678 : vector<1x16xf32> to vector<16xf32>
        %max3A_1680 = arith.maximumf %max3A_1671, %get3A_1679 : vector<16xf32>
        %add3A_1681 = arith.addf %add3A_1672, %get3A_1679 : vector<16xf32>
        %mul3A_1682 = arith.mulf %get3A_1679, %get3A_1679 : vector<16xf32>
        %add3A_1683 = arith.addf %add3A_1674, %mul3A_1682 : vector<16xf32>
        %get3A_1684 = arith.constant 119 : i32
        %get3A_1685 = arith.index_cast %get3A_1684 : i32 to index
        %get3A_1686 = arith.index_cast %mul3A_523 : i32 to index
        %get3A_1687 = tpu.vector_load %arg13[%get3A_1685, %get3A_1686] {strides = array<i32>} : memref<128x256xf32, #tpu.memory_space<vmem>>, vector<1x16xf32>,
        %get3A_1688 = vector.shape_cast %get3A_1687 : vector<1x16xf32> to vector<16xf32>
        %max3A_1689 = arith.maximumf %max3A_1680, %get3A_1688 : vector<16xf32>
        %add3A_1690 = arith.addf %add3A_1681, %get3A_1688 : vector<16xf32>
        %mul3A_1691 = arith.mulf %get3A_1688, %get3A_1688 : vector<16xf32>
        %add3A_1692 = arith.addf %add3A_1683, %mul3A_1691 : vector<16xf32>
        %get3A_1693 = arith.constant 120 : i32
        %get3A_1694 = arith.index_cast %get3A_1693 : i32 to index
        %get3A_1695 = arith.index_cast %mul3A_523 : i32 to index
        %get3A_1696 = tpu.vector_load %arg13[%get3A_1694, %get3A_1695] {strides = array<i32>} : memref<128x256xf32, #tpu.memory_space<vmem>>, vector<1x16xf32>,
        %get3A_1697 = vector.shape_cast %get3A_1696 : vector<1x16xf32> to vector<16xf32>
        %max3A_1698 = arith.maximumf %max3A_1689, %get3A_1697 : vector<16xf32>
        %add3A_1699 = arith.addf %add3A_1690, %get3A_1697 : vector<16xf32>
        %mul3A_1700 = arith.mulf %get3A_1697, %get3A_1697 : vector<16xf32>
        %add3A_1701 = arith.addf %add3A_1692, %mul3A_1700 : vector<16xf32>
        %get3A_1702 = arith.constant 121 : i32
        %get3A_1703 = arith.index_cast %get3A_1702 : i32 to index
        %get3A_1704 = arith.index_cast %mul3A_523 : i32 to index
        %get3A_1705 = tpu.vector_load %arg13[%get3A_1703, %get3A_1704] {strides = array<i32>} : memref<128x256xf32, #tpu.memory_space<vmem>>, vector<1x16xf32>,
        %get3A_1706 = vector.shape_cast %get3A_1705 : vector<1x16xf32> to vector<16xf32>
        %max3A_1707 = arith.maximumf %max3A_1698, %get3A_1706 : vector<16xf32>
        %add3A_1708 = arith.addf %add3A_1699, %get3A_1706 : vector<16xf32>
        %mul3A_1709 = arith.mulf %get3A_1706, %get3A_1706 : vector<16xf32>
        %add3A_1710 = arith.addf %add3A_1701, %mul3A_1709 : vector<16xf32>
        %get3A_1711 = arith.constant 122 : i32
        %get3A_1712 = arith.index_cast %get3A_1711 : i32 to index
        %get3A_1713 = arith.index_cast %mul3A_523 : i32 to index
        %get3A_1714 = tpu.vector_load %arg13[%get3A_1712, %get3A_1713] {strides = array<i32>} : memref<128x256xf32, #tpu.memory_space<vmem>>, vector<1x16xf32>,
        %get3A_1715 = vector.shape_cast %get3A_1714 : vector<1x16xf32> to vector<16xf32>
        %max3A_1716 = arith.maximumf %max3A_1707, %get3A_1715 : vector<16xf32>
        %add3A_1717 = arith.addf %add3A_1708, %get3A_1715 : vector<16xf32>
        %mul3A_1718 = arith.mulf %get3A_1715, %get3A_1715 : vector<16xf32>
        %add3A_1719 = arith.addf %add3A_1710, %mul3A_1718 : vector<16xf32>
        %get3A_1720 = arith.constant 123 : i32
        %get3A_1721 = arith.index_cast %get3A_1720 : i32 to index
        %get3A_1722 = arith.index_cast %mul3A_523 : i32 to index
        %get3A_1723 = tpu.vector_load %arg13[%get3A_1721, %get3A_1722] {strides = array<i32>} : memref<128x256xf32, #tpu.memory_space<vmem>>, vector<1x16xf32>,
        %get3A_1724 = vector.shape_cast %get3A_1723 : vector<1x16xf32> to vector<16xf32>
        %max3A_1725 = arith.maximumf %max3A_1716, %get3A_1724 : vector<16xf32>
        %add3A_1726 = arith.addf %add3A_1717, %get3A_1724 : vector<16xf32>
        %mul3A_1727 = arith.mulf %get3A_1724, %get3A_1724 : vector<16xf32>
        %add3A_1728 = arith.addf %add3A_1719, %mul3A_1727 : vector<16xf32>
        %get3A_1729 = arith.constant 124 : i32
        %get3A_1730 = arith.index_cast %get3A_1729 : i32 to index
        %get3A_1731 = arith.index_cast %mul3A_523 : i32 to index
        %get3A_1732 = tpu.vector_load %arg13[%get3A_1730, %get3A_1731] {strides = array<i32>} : memref<128x256xf32, #tpu.memory_space<vmem>>, vector<1x16xf32>,
        %get3A_1733 = vector.shape_cast %get3A_1732 : vector<1x16xf32> to vector<16xf32>
        %max3A_1734 = arith.maximumf %max3A_1725, %get3A_1733 : vector<16xf32>
        %add3A_1735 = arith.addf %add3A_1726, %get3A_1733 : vector<16xf32>
        %mul3A_1736 = arith.mulf %get3A_1733, %get3A_1733 : vector<16xf32>
        %add3A_1737 = arith.addf %add3A_1728, %mul3A_1736 : vector<16xf32>
        %get3A_1738 = arith.constant 125 : i32
        %get3A_1739 = arith.index_cast %get3A_1738 : i32 to index
        %get3A_1740 = arith.index_cast %mul3A_523 : i32 to index
        %get3A_1741 = tpu.vector_load %arg13[%get3A_1739, %get3A_1740] {strides = array<i32>} : memref<128x256xf32, #tpu.memory_space<vmem>>, vector<1x16xf32>,
        %get3A_1742 = vector.shape_cast %get3A_1741 : vector<1x16xf32> to vector<16xf32>
        %max3A_1743 = arith.maximumf %max3A_1734, %get3A_1742 : vector<16xf32>
        %add3A_1744 = arith.addf %add3A_1735, %get3A_1742 : vector<16xf32>
        %mul3A_1745 = arith.mulf %get3A_1742, %get3A_1742 : vector<16xf32>
        %add3A_1746 = arith.addf %add3A_1737, %mul3A_1745 : vector<16xf32>
        %get3A_1747 = arith.constant 126 : i32
        %get3A_1748 = arith.index_cast %get3A_1747 : i32 to index
        %get3A_1749 = arith.index_cast %mul3A_523 : i32 to index
        %get3A_1750 = tpu.vector_load %arg13[%get3A_1748, %get3A_1749] {strides = array<i32>} : memref<128x256xf32, #tpu.memory_space<vmem>>, vector<1x16xf32>,
        %get3A_1751 = vector.shape_cast %get3A_1750 : vector<1x16xf32> to vector<16xf32>
        %max3A_1752 = arith.maximumf %max3A_1743, %get3A_1751 : vector<16xf32>
        %add3A_1753 = arith.addf %add3A_1744, %get3A_1751 : vector<16xf32>
        %mul3A_1754 = arith.mulf %get3A_1751, %get3A_1751 : vector<16xf32>
        %add3A_1755 = arith.addf %add3A_1746, %mul3A_1754 : vector<16xf32>
        %get3A_1756 = arith.constant 127 : i32
        %get3A_1757 = arith.index_cast %get3A_1756 : i32 to index
        %get3A_1758 = arith.index_cast %mul3A_523 : i32 to index
        %get3A_1759 = tpu.vector_load %arg13[%get3A_1757, %get3A_1758] {strides = array<i32>} : memref<128x256xf32, #tpu.memory_space<vmem>>, vector<1x16xf32>,
        %get3A_1760 = vector.shape_cast %get3A_1759 : vector<1x16xf32> to vector<16xf32>
        %max3A_1761 = arith.maximumf %max3A_1752, %get3A_1760 : vector<16xf32>
        %add3A_1762 = arith.addf %add3A_1753, %get3A_1760 : vector<16xf32>
        %mul3A_1763 = arith.mulf %get3A_1760, %get3A_1760 : vector<16xf32>
        %add3A_1764 = arith.addf %add3A_1755, %mul3A_1763 : vector<16xf32>
        %swap3A_1765 = arith.constant 7 : i32
        %swap3A_1766 = arith.index_cast %swap3A_1765 : i32 to index
        %swap3A_1767 = arith.index_cast %mul3A_523 : i32 to index
        %swap3A_1768 = tpu.vector_load %arg17[%swap3A_1766, %swap3A_1767] {strides = array<i32>} : memref<8x256xf32, #tpu.memory_space<vmem>>, vector<1x16xf32>,
        %swap3A_1769 = vector.shape_cast %swap3A_1768 : vector<1x16xf32> to vector<16xf32>
        %swap3A_1770 = vector.shape_cast %max3A_1761 : vector<16xf32> to vector<1x16xf32>
        tpu.vector_store %arg17[%swap3A_1766, %swap3A_1767], %swap3A_1770 {strides = array<i32>} : memref<8x256xf32, #tpu.memory_space<vmem>>, vector<1x16xf32>,
        %get3A_1771 = arith.constant 7 : i32
        %get3A_1772 = arith.index_cast %get3A_1771 : i32 to index
        %get3A_1773 = arith.index_cast %mul3A_523 : i32 to index
        %get3A_1774 = tpu.vector_load %arg15[%get3A_1772, %get3A_1773] {strides = array<i32>} : memref<8x256xf32, #tpu.memory_space<vmem>>, vector<1x16xf32>,
        %get3A_1775 = vector.shape_cast %get3A_1774 : vector<1x16xf32> to vector<16xf32>
        %mul3A_1776 = arith.mulf %add3A_1762, %get3A_1775 : vector<16xf32>
        %add3A_1777 = arith.addf %add3A_1621, %mul3A_1776 : vector<16xf32>
        %add3A_1778 = arith.addf %add3A_1622, %add3A_1762 : vector<16xf32>
        %add3A_1779 = arith.addf %add3A_1623, %add3A_1764 : vector<16xf32>
        %swap3A_1780 = arith.index_cast %mul3A_523 : i32 to index
        %swap3A_1781 = tpu.vector_load %arg19[%swap3A_1780] {strides = array<i32>} : memref<256xf32, #tpu.memory_space<vmem>>, vector<16xf32>,
        %swap3A_1782 = vector.shape_cast %swap3A_1781 : vector<16xf32> to vector<16xf32>
        %swap3A_1783 = vector.shape_cast %add3A_1777 : vector<16xf32> to vector<16xf32>
        tpu.vector_store %arg19[%swap3A_1780], %swap3A_1783 {strides = array<i32>} : memref<256xf32, #tpu.memory_space<vmem>>, vector<16xf32>,
        %swap3A_1784 = arith.index_cast %mul3A_523 : i32 to index
        %swap3A_1785 = tpu.vector_load %arg20[%swap3A_1784] {strides = array<i32>} : memref<256xf32, #tpu.memory_space<vmem>>, vector<16xf32>,
        %swap3A_1786 = vector.shape_cast %swap3A_1785 : vector<16xf32> to vector<16xf32>
        %swap3A_1787 = vector.shape_cast %add3A_1778 : vector<16xf32> to vector<16xf32>
        tpu.vector_store %arg20[%swap3A_1784], %swap3A_1787 {strides = array<i32>} : memref<256xf32, #tpu.memory_space<vmem>>, vector<16xf32>,
        %swap3A_1788 = arith.index_cast %mul3A_523 : i32 to index
        %swap3A_1789 = tpu.vector_load %arg21[%swap3A_1788] {strides = array<i32>} : memref<256xf32, #tpu.memory_space<vmem>>, vector<16xf32>,
        %swap3A_1790 = vector.shape_cast %swap3A_1789 : vector<16xf32> to vector<16xf32>
        %swap3A_1791 = vector.shape_cast %add3A_1779 : vector<16xf32> to vector<16xf32>
        tpu.vector_store %arg21[%swap3A_1788], %swap3A_1791 {strides = array<i32>} : memref<256xf32, #tpu.memory_space<vmem>>, vector<16xf32>,
        %scan3A_1792 = arith.constant 0 : i32
        scf.yield %scan3A_1792 : i32
      }
      %scan3A_462 = arith.constant 16 : i32
      %mul3A_463 = arith.constant 512 : i32
      %mul3A_464 = arith.muli %add3A, %mul3A_463 : i32
      %mul3A_465 = arith.constant 8 : i32
      %mul3A_466 = arith.muli %mul3A_340, %mul3A_465 : i32
      %add3A_467 = arith.addi %mul3A_464, %mul3A_466 : i32
      %dma_start3A_468 = arith.constant 0 : i32
      %dma_start3A_469 = tpu.memref_slice %arg5[%add3A_467, %dma_start3A_468] : memref<16384x256xf32, #tpu.memory_space<hbm>> -> memref<8x256xf32, #tpu.memory_space<hbm>>
      %dma_start3A_470 = arith.constant 0 : i32
      %dma_start3A_471 = tpu.memref_slice %arg5[%add3A_467, %dma_start3A_470] : memref<16384x256xf32, #tpu.memory_space<hbm>> -> memref<8x256xf32, #tpu.memory_space<hbm>>
      tpu.enqueue_dma source(%arg17 : memref<8x256xf32, #tpu.memory_space<vmem>>) target(%dma_start3A_471 : memref<8x256xf32, #tpu.memory_space<hbm>>) target_semaphore(%arg26 : memref<!tpu.dma_semaphore, #tpu.memory_space<semaphore_mem>>)
      %add3A_472 = arith.constant 2 : i32
      %add3A_473 = arith.addi %mul3A_340, %add3A_472 : i32
      %lt3A_474 = arith.constant 64 : i32
      %lt3A_475 = arith.cmpi slt, %add3A_473, %lt3A_474 : i32
      %convert_element_type3A_476 = arith.extui %lt3A_475 : i1 to i32
      %cond3A_477 = arith.constant 0 : i32
      %cond3A_478 = arith.cmpi ne, %convert_element_type3A_476, %cond3A_477 : i32
      scf.if %cond3A_478 {
        %add3A_520 = arith.constant 2 : i32
        %add3A_521 = arith.addi %mul3A_340, %add3A_520 : i32
        %mul3A_522 = arith.constant 512 : i32
        %mul3A_523 = arith.muli %add3A, %mul3A_522 : i32
        %mul3A_524 = arith.constant 8 : i32
        %mul3A_525 = arith.muli %add3A_521, %mul3A_524 : i32
        %add3A_526 = arith.addi %mul3A_523, %mul3A_525 : i32
        %mul3A_527 = arith.constant 16 : i32
        %mul3A_528 = arith.muli %add3A_526, %mul3A_527 : i32
        %dma_wait3A_529 = tpu.memref_slice %arg4[%mul3A_528] : memref<262144xi32, #tpu.memory_space<hbm>> -> memref<128xi32, #tpu.memory_space<hbm>>
        %dma_wait3A_530 = tpu.memref_slice %arg4[%mul3A_528] : memref<262144xi32, #tpu.memory_space<hbm>> -> memref<128xi32, #tpu.memory_space<hbm>>
        tpu.wait_dma2 semaphore(%arg22 : memref<!tpu.dma_semaphore, #tpu.memory_space<semaphore_mem>>) src(%dma_wait3A_530 : memref<128xi32, #tpu.memory_space<hbm>>) dst(%arg9 : memref<128xi32, #tpu.memory_space<vmem>>)
        %add3A_531 = arith.constant 2 : i32
        %add3A_532 = arith.addi %mul3A_340, %add3A_531 : i32
        %get3A_533 = arith.constant 0 : index
        %get3A_534 = tpu.vector_load %arg9[%get3A_533] {strides = array<i32>} : memref<128xi32, #tpu.memory_space<vmem>>, vector<16xi32>,
        %get3A_535 = vector.shape_cast %get3A_534 : vector<16xi32> to vector<16xi32>
        %add3A_536 = vector.broadcast %mul3A_18 : i32 to vector<16xi32>
        %add3A_537 = arith.addi %get3A_535, %add3A_536 : vector<16xi32>
        %swap3A_538 = arith.constant 0 : index
        %swap3A_539 = tpu.vector_load %arg11[%swap3A_538] {strides = array<i32>} : memref<128xi32, #tpu.memory_space<vmem>>, vector<16xi32>,
        %swap3A_540 = vector.shape_cast %swap3A_539 : vector<16xi32> to vector<16xi32>
        %swap3A_541 = vector.shape_cast %add3A_537 : vector<16xi32> to vector<16xi32>
        tpu.vector_store %arg11[%swap3A_538], %swap3A_541 {strides = array<i32>} : memref<128xi32, #tpu.memory_space<vmem>>, vector<16xi32>,
        %get3A_542 = arith.constant 16 : index
        %get3A_543 = tpu.vector_load %arg9[%get3A_542] {strides = array<i32>} : memref<128xi32, #tpu.memory_space<vmem>>, vector<16xi32>,
        %get3A_544 = vector.shape_cast %get3A_543 : vector<16xi32> to vector<16xi32>
        %add3A_545 = vector.broadcast %mul3A_18 : i32 to vector<16xi32>
        %add3A_546 = arith.addi %get3A_544, %add3A_545 : vector<16xi32>
        %swap3A_547 = arith.constant 16 : index
        %swap3A_548 = tpu.vector_load %arg11[%swap3A_547] {strides = array<i32>} : memref<128xi32, #tpu.memory_space<vmem>>, vector<16xi32>,
        %swap3A_549 = vector.shape_cast %swap3A_548 : vector<16xi32> to vector<16xi32>
        %swap3A_550 = vector.shape_cast %add3A_546 : vector<16xi32> to vector<16xi32>
        tpu.vector_store %arg11[%swap3A_547], %swap3A_550 {strides = array<i32>} : memref<128xi32, #tpu.memory_space<vmem>>, vector<16xi32>,
        %get3A_551 = arith.constant 32 : index
        %get3A_552 = tpu.vector_load %arg9[%get3A_551] {strides = array<i32>} : memref<128xi32, #tpu.memory_space<vmem>>, vector<16xi32>,
        %get3A_553 = vector.shape_cast %get3A_552 : vector<16xi32> to vector<16xi32>
        %add3A_554 = vector.broadcast %mul3A_18 : i32 to vector<16xi32>
        %add3A_555 = arith.addi %get3A_553, %add3A_554 : vector<16xi32>
        %swap3A_556 = arith.constant 32 : index
        %swap3A_557 = tpu.vector_load %arg11[%swap3A_556] {strides = array<i32>} : memref<128xi32, #tpu.memory_space<vmem>>, vector<16xi32>,
        %swap3A_558 = vector.shape_cast %swap3A_557 : vector<16xi32> to vector<16xi32>
        %swap3A_559 = vector.shape_cast %add3A_555 : vector<16xi32> to vector<16xi32>
        tpu.vector_store %arg11[%swap3A_556], %swap3A_559 {strides = array<i32>} : memref<128xi32, #tpu.memory_space<vmem>>, vector<16xi32>,
        %get3A_560 = arith.constant 48 : index
        %get3A_561 = tpu.vector_load %arg9[%get3A_560] {strides = array<i32>} : memref<128xi32, #tpu.memory_space<vmem>>, vector<16xi32>,
        %get3A_562 = vector.shape_cast %get3A_561 : vector<16xi32> to vector<16xi32>
        %add3A_563 = vector.broadcast %mul3A_18 : i32 to vector<16xi32>
        %add3A_564 = arith.addi %get3A_562, %add3A_563 : vector<16xi32>
        %swap3A_565 = arith.constant 48 : index
        %swap3A_566 = tpu.vector_load %arg11[%swap3A_565] {strides = array<i32>} : memref<128xi32, #tpu.memory_space<vmem>>, vector<16xi32>,
        %swap3A_567 = vector.shape_cast %swap3A_566 : vector<16xi32> to vector<16xi32>
        %swap3A_568 = vector.shape_cast %add3A_564 : vector<16xi32> to vector<16xi32>
        tpu.vector_store %arg11[%swap3A_565], %swap3A_568 {strides = array<i32>} : memref<128xi32, #tpu.memory_space<vmem>>, vector<16xi32>,
        %get3A_569 = arith.constant 64 : index
        %get3A_570 = tpu.vector_load %arg9[%get3A_569] {strides = array<i32>} : memref<128xi32, #tpu.memory_space<vmem>>, vector<16xi32>,
        %get3A_571 = vector.shape_cast %get3A_570 : vector<16xi32> to vector<16xi32>
        %add3A_572 = vector.broadcast %mul3A_18 : i32 to vector<16xi32>
        %add3A_573 = arith.addi %get3A_571, %add3A_572 : vector<16xi32>
        %swap3A_574 = arith.constant 64 : index
        %swap3A_575 = tpu.vector_load %arg11[%swap3A_574] {strides = array<i32>} : memref<128xi32, #tpu.memory_space<vmem>>, vector<16xi32>,
        %swap3A_576 = vector.shape_cast %swap3A_575 : vector<16xi32> to vector<16xi32>
        %swap3A_577 = vector.shape_cast %add3A_573 : vector<16xi32> to vector<16xi32>
        tpu.vector_store %arg11[%swap3A_574], %swap3A_577 {strides = array<i32>} : memref<128xi32, #tpu.memory_space<vmem>>, vector<16xi32>,
        %get3A_578 = arith.constant 80 : index
        %get3A_579 = tpu.vector_load %arg9[%get3A_578] {strides = array<i32>} : memref<128xi32, #tpu.memory_space<vmem>>, vector<16xi32>,
        %get3A_580 = vector.shape_cast %get3A_579 : vector<16xi32> to vector<16xi32>
        %add3A_581 = vector.broadcast %mul3A_18 : i32 to vector<16xi32>
        %add3A_582 = arith.addi %get3A_580, %add3A_581 : vector<16xi32>
        %swap3A_583 = arith.constant 80 : index
        %swap3A_584 = tpu.vector_load %arg11[%swap3A_583] {strides = array<i32>} : memref<128xi32, #tpu.memory_space<vmem>>, vector<16xi32>,
        %swap3A_585 = vector.shape_cast %swap3A_584 : vector<16xi32> to vector<16xi32>
        %swap3A_586 = vector.shape_cast %add3A_582 : vector<16xi32> to vector<16xi32>
        tpu.vector_store %arg11[%swap3A_583], %swap3A_586 {strides = array<i32>} : memref<128xi32, #tpu.memory_space<vmem>>, vector<16xi32>,
        %get3A_587 = arith.constant 96 : index
        %get3A_588 = tpu.vector_load %arg9[%get3A_587] {strides = array<i32>} : memref<128xi32, #tpu.memory_space<vmem>>, vector<16xi32>,
        %get3A_589 = vector.shape_cast %get3A_588 : vector<16xi32> to vector<16xi32>
        %add3A_590 = vector.broadcast %mul3A_18 : i32 to vector<16xi32>
        %add3A_591 = arith.addi %get3A_589, %add3A_590 : vector<16xi32>
        %swap3A_592 = arith.constant 96 : index
        %swap3A_593 = tpu.vector_load %arg11[%swap3A_592] {strides = array<i32>} : memref<128xi32, #tpu.memory_space<vmem>>, vector<16xi32>,
        %swap3A_594 = vector.shape_cast %swap3A_593 : vector<16xi32> to vector<16xi32>
        %swap3A_595 = vector.shape_cast %add3A_591 : vector<16xi32> to vector<16xi32>
        tpu.vector_store %arg11[%swap3A_592], %swap3A_595 {strides = array<i32>} : memref<128xi32, #tpu.memory_space<vmem>>, vector<16xi32>,
        %get3A_596 = arith.constant 112 : index
        %get3A_597 = tpu.vector_load %arg9[%get3A_596] {strides = array<i32>} : memref<128xi32, #tpu.memory_space<vmem>>, vector<16xi32>,
        %get3A_598 = vector.shape_cast %get3A_597 : vector<16xi32> to vector<16xi32>
        %add3A_599 = vector.broadcast %mul3A_18 : i32 to vector<16xi32>
        %add3A_600 = arith.addi %get3A_598, %add3A_599 : vector<16xi32>
        %swap3A_601 = arith.constant 112 : index
        %swap3A_602 = tpu.vector_load %arg11[%swap3A_601] {strides = array<i32>} : memref<128xi32, #tpu.memory_space<vmem>>, vector<16xi32>,
        %swap3A_603 = vector.shape_cast %swap3A_602 : vector<16xi32> to vector<16xi32>
        %swap3A_604 = vector.shape_cast %add3A_600 : vector<16xi32> to vector<16xi32>
        tpu.vector_store %arg11[%swap3A_601], %swap3A_604 {strides = array<i32>} : memref<128xi32, #tpu.memory_space<vmem>>, vector<16xi32>,
        %dma_start3A_605 = arith.constant 0 : i32
        %dma_start3A_606 = arith.constant 0 : i32
        %dma_start3A_607 = tpu.memref_slice %arg2[%dma_start3A_605, %dma_start3A_606] : memref<16384x256xf32, #tpu.memory_space<hbm>> -> memref<16384x256xf32, #tpu.memory_space<hbm>>
        tpu.enqueue_indirect_dma source(%dma_start3A_607 : memref<16384x256xf32, #tpu.memory_space<hbm>>) target(%arg13 : memref<128x256xf32, #tpu.memory_space<vmem>>) offsets(%arg11 : memref<128xi32, #tpu.memory_space<vmem>>) semaphore(%arg24 : memref<!tpu.dma_semaphore, #tpu.memory_space<semaphore_mem>>)
        %mul3A_608 = arith.constant 512 : i32
        %mul3A_609 = arith.muli %add3A, %mul3A_608 : i32
        %mul3A_610 = arith.constant 8 : i32
        %mul3A_611 = arith.muli %add3A_532, %mul3A_610 : i32
        %add3A_612 = arith.addi %mul3A_609, %mul3A_611 : i32
        %dma_start3A_613 = arith.constant 0 : i32
        %dma_start3A_614 = tpu.memref_slice %arg3[%add3A_612, %dma_start3A_613] : memref<16384x256xf32, #tpu.memory_space<hbm>> -> memref<8x256xf32, #tpu.memory_space<hbm>>
        %dma_start3A_615 = arith.constant 0 : i32
        %dma_start3A_616 = tpu.memref_slice %arg3[%add3A_612, %dma_start3A_615] : memref<16384x256xf32, #tpu.memory_space<hbm>> -> memref<8x256xf32, #tpu.memory_space<hbm>>
        tpu.enqueue_dma source(%dma_start3A_616 : memref<8x256xf32, #tpu.memory_space<hbm>>) target(%arg15 : memref<8x256xf32, #tpu.memory_space<vmem>>) target_semaphore(%arg24 : memref<!tpu.dma_semaphore, #tpu.memory_space<semaphore_mem>>)
      } else {
      }
      %add3A_479 = arith.constant 2 : i32
      %add3A_480 = arith.addi %add3A_342, %add3A_479 : i32
      %lt3A_481 = arith.constant 64 : i32
      %lt3A_482 = arith.cmpi slt, %add3A_480, %lt3A_481 : i32
      %convert_element_type3A_483 = arith.extui %lt3A_482 : i1 to i32
      %cond3A_484 = arith.constant 0 : i32
      %cond3A_485 = arith.cmpi ne, %convert_element_type3A_483, %cond3A_484 : i32
      scf.if %cond3A_485 {
        %add3A_520 = arith.constant 2 : i32
        %add3A_521 = arith.addi %add3A_342, %add3A_520 : i32
        %mul3A_522 = arith.constant 512 : i32
        %mul3A_523 = arith.muli %add3A, %mul3A_522 : i32
        %mul3A_524 = arith.constant 8 : i32
        %mul3A_525 = arith.muli %add3A_521, %mul3A_524 : i32
        %add3A_526 = arith.addi %mul3A_523, %mul3A_525 : i32
        %mul3A_527 = arith.constant 16 : i32
        %mul3A_528 = arith.muli %add3A_526, %mul3A_527 : i32
        %dma_start3A_529 = tpu.memref_slice %arg4[%mul3A_528] : memref<262144xi32, #tpu.memory_space<hbm>> -> memref<128xi32, #tpu.memory_space<hbm>>
        %dma_start3A_530 = tpu.memref_slice %arg4[%mul3A_528] : memref<262144xi32, #tpu.memory_space<hbm>> -> memref<128xi32, #tpu.memory_space<hbm>>
        tpu.enqueue_dma source(%dma_start3A_530 : memref<128xi32, #tpu.memory_space<hbm>>) target(%arg10 : memref<128xi32, #tpu.memory_space<vmem>>) target_semaphore(%arg23 : memref<!tpu.dma_semaphore, #tpu.memory_space<semaphore_mem>>)
      } else {
      }
      %dma_wait3A_486 = arith.constant 0 : i32
      %dma_wait3A_487 = arith.constant 0 : i32
      %dma_wait3A_488 = tpu.memref_slice %arg2[%dma_wait3A_486, %dma_wait3A_487] : memref<16384x256xf32, #tpu.memory_space<hbm>> -> memref<16384x256xf32, #tpu.memory_space<hbm>>
      tpu.wait_indirect_dma semaphore(%arg25 : memref<!tpu.dma_semaphore, #tpu.memory_space<semaphore_mem>>) src(%dma_wait3A_488 : memref<16384x256xf32, #tpu.memory_space<hbm>>) dst(%arg14 : memref<128x256xf32, #tpu.memory_space<vmem>>)
      %mul3A_489 = arith.constant 512 : i32
      %mul3A_490 = arith.muli %add3A, %mul3A_489 : i32
      %mul3A_491 = arith.constant 8 : i32
      %mul3A_492 = arith.muli %add3A_342, %mul3A_491 : i32
      %add3A_493 = arith.addi %mul3A_490, %mul3A_492 : i32
      %dma_wait3A_494 = arith.constant 0 : i32
      %dma_wait3A_495 = tpu.memref_slice %arg3[%add3A_493, %dma_wait3A_494] : memref<16384x256xf32, #tpu.memory_space<hbm>> -> memref<8x256xf32, #tpu.memory_space<hbm>>
      %dma_wait3A_496 = arith.constant 0 : i32
      %dma_wait3A_497 = tpu.memref_slice %arg3[%add3A_493, %dma_wait3A_496] : memref<16384x256xf32, #tpu.memory_space<hbm>> -> memref<8x256xf32, #tpu.memory_space<hbm>>
      tpu.wait_dma2 semaphore(%arg25 : memref<!tpu.dma_semaphore, #tpu.memory_space<semaphore_mem>>) src(%dma_wait3A_497 : memref<8x256xf32, #tpu.memory_space<hbm>>) dst(%arg16 : memref<8x256xf32, #tpu.memory_space<vmem>>)
      %ge3A_498 = arith.constant 2 : i32
      %ge3A_499 = arith.cmpi sge, %add3A_342, %ge3A_498 : i32
      %convert_element_type3A_500 = arith.extui %ge3A_499 : i1 to i32
      %cond3A_501 = arith.constant 0 : i32
      %cond3A_502 = arith.cmpi ne, %convert_element_type3A_500, %cond3A_501 : i32
      scf.if %cond3A_502 {
        %mul3A_520 = arith.constant 512 : i32
        %mul3A_521 = arith.muli %add3A, %mul3A_520 : i32
        %sub3A_522 = arith.constant 2 : i32
        %sub3A_523 = arith.subi %add3A_342, %sub3A_522 : i32
        %mul3A_524 = arith.constant 8 : i32
        %mul3A_525 = arith.muli %sub3A_523, %mul3A_524 : i32
        %add3A_526 = arith.addi %mul3A_521, %mul3A_525 : i32
        %dma_wait3A_527 = arith.constant 0 : i32
        %dma_wait3A_528 = tpu.memref_slice %arg5[%add3A_526, %dma_wait3A_527] : memref<16384x256xf32, #tpu.memory_space<hbm>> -> memref<8x256xf32, #tpu.memory_space<hbm>>
        %dma_wait3A_529 = arith.constant 0 : i32
        %dma_wait3A_530 = tpu.memref_slice %arg5[%add3A_526, %dma_wait3A_529] : memref<16384x256xf32, #tpu.memory_space<hbm>> -> memref<8x256xf32, #tpu.memory_space<hbm>>
        tpu.wait_dma2 semaphore(%arg27 : memref<!tpu.dma_semaphore, #tpu.memory_space<semaphore_mem>>) src(%arg18 : memref<8x256xf32, #tpu.memory_space<vmem>>) dst(%dma_wait3A_530 : memref<8x256xf32, #tpu.memory_space<hbm>>)
      } else {
      }
      %scan3A_503 = arith.constant 0 : i32
      %scan3A_504 = arith.constant 0 : i32
      %scan3A_505 = arith.constant 16 : i32
      %scan3A_506 = arith.addi %scan3A_504, %scan3A_505 : i32
      %scan3A_507 = arith.constant 1 : i32
      %scan3A_508 = scf.for %scan3A_520 = %scan3A_504 to %scan3A_506 step %scan3A_507 iter_args(%scan3A_521 = %scan3A_503) -> (i32)  : i32 {
        %mul3A_522 = arith.constant 16 : i32
        %mul3A_523 = arith.muli %scan3A_520, %mul3A_522 : i32
        %get3A_524 = arith.index_cast %mul3A_523 : i32 to index
        %get3A_525 = tpu.vector_load %arg19[%get3A_524] {strides = array<i32>} : memref<256xf32, #tpu.memory_space<vmem>>, vector<16xf32>,
        %get3A_526 = vector.shape_cast %get3A_525 : vector<16xf32> to vector<16xf32>
        %get3A_527 = arith.index_cast %mul3A_523 : i32 to index
        %get3A_528 = tpu.vector_load %arg20[%get3A_527] {strides = array<i32>} : memref<256xf32, #tpu.memory_space<vmem>>, vector<16xf32>,
        %get3A_529 = vector.shape_cast %get3A_528 : vector<16xf32> to vector<16xf32>
        %get3A_530 = arith.index_cast %mul3A_523 : i32 to index
        %get3A_531 = tpu.vector_load %arg21[%get3A_530] {strides = array<i32>} : memref<256xf32, #tpu.memory_space<vmem>>, vector<16xf32>,
        %get3A_532 = vector.shape_cast %get3A_531 : vector<16xf32> to vector<16xf32>
        %get3A_533 = arith.constant 0 : i32
        %get3A_534 = arith.index_cast %get3A_533 : i32 to index
        %get3A_535 = arith.index_cast %mul3A_523 : i32 to index
        %get3A_536 = tpu.vector_load %arg14[%get3A_534, %get3A_535] {strides = array<i32>} : memref<128x256xf32, #tpu.memory_space<vmem>>, vector<1x16xf32>,
        %get3A_537 = vector.shape_cast %get3A_536 : vector<1x16xf32> to vector<16xf32>
        %mul3A_538 = arith.mulf %get3A_537, %get3A_537 : vector<16xf32>
        %get3A_539 = arith.constant 1 : i32
        %get3A_540 = arith.index_cast %get3A_539 : i32 to index
        %get3A_541 = arith.index_cast %mul3A_523 : i32 to index
        %get3A_542 = tpu.vector_load %arg14[%get3A_540, %get3A_541] {strides = array<i32>} : memref<128x256xf32, #tpu.memory_space<vmem>>, vector<1x16xf32>,
        %get3A_543 = vector.shape_cast %get3A_542 : vector<1x16xf32> to vector<16xf32>
        %max3A = arith.maximumf %get3A_537, %get3A_543 : vector<16xf32>
        %add3A_544 = arith.addf %get3A_537, %get3A_543 : vector<16xf32>
        %mul3A_545 = arith.mulf %get3A_543, %get3A_543 : vector<16xf32>
        %add3A_546 = arith.addf %mul3A_538, %mul3A_545 : vector<16xf32>
        %get3A_547 = arith.constant 2 : i32
        %get3A_548 = arith.index_cast %get3A_547 : i32 to index
        %get3A_549 = arith.index_cast %mul3A_523 : i32 to index
        %get3A_550 = tpu.vector_load %arg14[%get3A_548, %get3A_549] {strides = array<i32>} : memref<128x256xf32, #tpu.memory_space<vmem>>, vector<1x16xf32>,
        %get3A_551 = vector.shape_cast %get3A_550 : vector<1x16xf32> to vector<16xf32>
        %max3A_552 = arith.maximumf %max3A, %get3A_551 : vector<16xf32>
        %add3A_553 = arith.addf %add3A_544, %get3A_551 : vector<16xf32>
        %mul3A_554 = arith.mulf %get3A_551, %get3A_551 : vector<16xf32>
        %add3A_555 = arith.addf %add3A_546, %mul3A_554 : vector<16xf32>
        %get3A_556 = arith.constant 3 : i32
        %get3A_557 = arith.index_cast %get3A_556 : i32 to index
        %get3A_558 = arith.index_cast %mul3A_523 : i32 to index
        %get3A_559 = tpu.vector_load %arg14[%get3A_557, %get3A_558] {strides = array<i32>} : memref<128x256xf32, #tpu.memory_space<vmem>>, vector<1x16xf32>,
        %get3A_560 = vector.shape_cast %get3A_559 : vector<1x16xf32> to vector<16xf32>
        %max3A_561 = arith.maximumf %max3A_552, %get3A_560 : vector<16xf32>
        %add3A_562 = arith.addf %add3A_553, %get3A_560 : vector<16xf32>
        %mul3A_563 = arith.mulf %get3A_560, %get3A_560 : vector<16xf32>
        %add3A_564 = arith.addf %add3A_555, %mul3A_563 : vector<16xf32>
        %get3A_565 = arith.constant 4 : i32
        %get3A_566 = arith.index_cast %get3A_565 : i32 to index
        %get3A_567 = arith.index_cast %mul3A_523 : i32 to index
        %get3A_568 = tpu.vector_load %arg14[%get3A_566, %get3A_567] {strides = array<i32>} : memref<128x256xf32, #tpu.memory_space<vmem>>, vector<1x16xf32>,
        %get3A_569 = vector.shape_cast %get3A_568 : vector<1x16xf32> to vector<16xf32>
        %max3A_570 = arith.maximumf %max3A_561, %get3A_569 : vector<16xf32>
        %add3A_571 = arith.addf %add3A_562, %get3A_569 : vector<16xf32>
        %mul3A_572 = arith.mulf %get3A_569, %get3A_569 : vector<16xf32>
        %add3A_573 = arith.addf %add3A_564, %mul3A_572 : vector<16xf32>
        %get3A_574 = arith.constant 5 : i32
        %get3A_575 = arith.index_cast %get3A_574 : i32 to index
        %get3A_576 = arith.index_cast %mul3A_523 : i32 to index
        %get3A_577 = tpu.vector_load %arg14[%get3A_575, %get3A_576] {strides = array<i32>} : memref<128x256xf32, #tpu.memory_space<vmem>>, vector<1x16xf32>,
        %get3A_578 = vector.shape_cast %get3A_577 : vector<1x16xf32> to vector<16xf32>
        %max3A_579 = arith.maximumf %max3A_570, %get3A_578 : vector<16xf32>
        %add3A_580 = arith.addf %add3A_571, %get3A_578 : vector<16xf32>
        %mul3A_581 = arith.mulf %get3A_578, %get3A_578 : vector<16xf32>
        %add3A_582 = arith.addf %add3A_573, %mul3A_581 : vector<16xf32>
        %get3A_583 = arith.constant 6 : i32
        %get3A_584 = arith.index_cast %get3A_583 : i32 to index
        %get3A_585 = arith.index_cast %mul3A_523 : i32 to index
        %get3A_586 = tpu.vector_load %arg14[%get3A_584, %get3A_585] {strides = array<i32>} : memref<128x256xf32, #tpu.memory_space<vmem>>, vector<1x16xf32>,
        %get3A_587 = vector.shape_cast %get3A_586 : vector<1x16xf32> to vector<16xf32>
        %max3A_588 = arith.maximumf %max3A_579, %get3A_587 : vector<16xf32>
        %add3A_589 = arith.addf %add3A_580, %get3A_587 : vector<16xf32>
        %mul3A_590 = arith.mulf %get3A_587, %get3A_587 : vector<16xf32>
        %add3A_591 = arith.addf %add3A_582, %mul3A_590 : vector<16xf32>
        %get3A_592 = arith.constant 7 : i32
        %get3A_593 = arith.index_cast %get3A_592 : i32 to index
        %get3A_594 = arith.index_cast %mul3A_523 : i32 to index
        %get3A_595 = tpu.vector_load %arg14[%get3A_593, %get3A_594] {strides = array<i32>} : memref<128x256xf32, #tpu.memory_space<vmem>>, vector<1x16xf32>,
        %get3A_596 = vector.shape_cast %get3A_595 : vector<1x16xf32> to vector<16xf32>
        %max3A_597 = arith.maximumf %max3A_588, %get3A_596 : vector<16xf32>
        %add3A_598 = arith.addf %add3A_589, %get3A_596 : vector<16xf32>
        %mul3A_599 = arith.mulf %get3A_596, %get3A_596 : vector<16xf32>
        %add3A_600 = arith.addf %add3A_591, %mul3A_599 : vector<16xf32>
        %get3A_601 = arith.constant 8 : i32
        %get3A_602 = arith.index_cast %get3A_601 : i32 to index
        %get3A_603 = arith.index_cast %mul3A_523 : i32 to index
        %get3A_604 = tpu.vector_load %arg14[%get3A_602, %get3A_603] {strides = array<i32>} : memref<128x256xf32, #tpu.memory_space<vmem>>, vector<1x16xf32>,
        %get3A_605 = vector.shape_cast %get3A_604 : vector<1x16xf32> to vector<16xf32>
        %max3A_606 = arith.maximumf %max3A_597, %get3A_605 : vector<16xf32>
        %add3A_607 = arith.addf %add3A_598, %get3A_605 : vector<16xf32>
        %mul3A_608 = arith.mulf %get3A_605, %get3A_605 : vector<16xf32>
        %add3A_609 = arith.addf %add3A_600, %mul3A_608 : vector<16xf32>
        %get3A_610 = arith.constant 9 : i32
        %get3A_611 = arith.index_cast %get3A_610 : i32 to index
        %get3A_612 = arith.index_cast %mul3A_523 : i32 to index
        %get3A_613 = tpu.vector_load %arg14[%get3A_611, %get3A_612] {strides = array<i32>} : memref<128x256xf32, #tpu.memory_space<vmem>>, vector<1x16xf32>,
        %get3A_614 = vector.shape_cast %get3A_613 : vector<1x16xf32> to vector<16xf32>
        %max3A_615 = arith.maximumf %max3A_606, %get3A_614 : vector<16xf32>
        %add3A_616 = arith.addf %add3A_607, %get3A_614 : vector<16xf32>
        %mul3A_617 = arith.mulf %get3A_614, %get3A_614 : vector<16xf32>
        %add3A_618 = arith.addf %add3A_609, %mul3A_617 : vector<16xf32>
        %get3A_619 = arith.constant 10 : i32
        %get3A_620 = arith.index_cast %get3A_619 : i32 to index
        %get3A_621 = arith.index_cast %mul3A_523 : i32 to index
        %get3A_622 = tpu.vector_load %arg14[%get3A_620, %get3A_621] {strides = array<i32>} : memref<128x256xf32, #tpu.memory_space<vmem>>, vector<1x16xf32>,
        %get3A_623 = vector.shape_cast %get3A_622 : vector<1x16xf32> to vector<16xf32>
        %max3A_624 = arith.maximumf %max3A_615, %get3A_623 : vector<16xf32>
        %add3A_625 = arith.addf %add3A_616, %get3A_623 : vector<16xf32>
        %mul3A_626 = arith.mulf %get3A_623, %get3A_623 : vector<16xf32>
        %add3A_627 = arith.addf %add3A_618, %mul3A_626 : vector<16xf32>
        %get3A_628 = arith.constant 11 : i32
        %get3A_629 = arith.index_cast %get3A_628 : i32 to index
        %get3A_630 = arith.index_cast %mul3A_523 : i32 to index
        %get3A_631 = tpu.vector_load %arg14[%get3A_629, %get3A_630] {strides = array<i32>} : memref<128x256xf32, #tpu.memory_space<vmem>>, vector<1x16xf32>,
        %get3A_632 = vector.shape_cast %get3A_631 : vector<1x16xf32> to vector<16xf32>
        %max3A_633 = arith.maximumf %max3A_624, %get3A_632 : vector<16xf32>
        %add3A_634 = arith.addf %add3A_625, %get3A_632 : vector<16xf32>
        %mul3A_635 = arith.mulf %get3A_632, %get3A_632 : vector<16xf32>
        %add3A_636 = arith.addf %add3A_627, %mul3A_635 : vector<16xf32>
        %get3A_637 = arith.constant 12 : i32
        %get3A_638 = arith.index_cast %get3A_637 : i32 to index
        %get3A_639 = arith.index_cast %mul3A_523 : i32 to index
        %get3A_640 = tpu.vector_load %arg14[%get3A_638, %get3A_639] {strides = array<i32>} : memref<128x256xf32, #tpu.memory_space<vmem>>, vector<1x16xf32>,
        %get3A_641 = vector.shape_cast %get3A_640 : vector<1x16xf32> to vector<16xf32>
        %max3A_642 = arith.maximumf %max3A_633, %get3A_641 : vector<16xf32>
        %add3A_643 = arith.addf %add3A_634, %get3A_641 : vector<16xf32>
        %mul3A_644 = arith.mulf %get3A_641, %get3A_641 : vector<16xf32>
        %add3A_645 = arith.addf %add3A_636, %mul3A_644 : vector<16xf32>
        %get3A_646 = arith.constant 13 : i32
        %get3A_647 = arith.index_cast %get3A_646 : i32 to index
        %get3A_648 = arith.index_cast %mul3A_523 : i32 to index
        %get3A_649 = tpu.vector_load %arg14[%get3A_647, %get3A_648] {strides = array<i32>} : memref<128x256xf32, #tpu.memory_space<vmem>>, vector<1x16xf32>,
        %get3A_650 = vector.shape_cast %get3A_649 : vector<1x16xf32> to vector<16xf32>
        %max3A_651 = arith.maximumf %max3A_642, %get3A_650 : vector<16xf32>
        %add3A_652 = arith.addf %add3A_643, %get3A_650 : vector<16xf32>
        %mul3A_653 = arith.mulf %get3A_650, %get3A_650 : vector<16xf32>
        %add3A_654 = arith.addf %add3A_645, %mul3A_653 : vector<16xf32>
        %get3A_655 = arith.constant 14 : i32
        %get3A_656 = arith.index_cast %get3A_655 : i32 to index
        %get3A_657 = arith.index_cast %mul3A_523 : i32 to index
        %get3A_658 = tpu.vector_load %arg14[%get3A_656, %get3A_657] {strides = array<i32>} : memref<128x256xf32, #tpu.memory_space<vmem>>, vector<1x16xf32>,
        %get3A_659 = vector.shape_cast %get3A_658 : vector<1x16xf32> to vector<16xf32>
        %max3A_660 = arith.maximumf %max3A_651, %get3A_659 : vector<16xf32>
        %add3A_661 = arith.addf %add3A_652, %get3A_659 : vector<16xf32>
        %mul3A_662 = arith.mulf %get3A_659, %get3A_659 : vector<16xf32>
        %add3A_663 = arith.addf %add3A_654, %mul3A_662 : vector<16xf32>
        %get3A_664 = arith.constant 15 : i32
        %get3A_665 = arith.index_cast %get3A_664 : i32 to index
        %get3A_666 = arith.index_cast %mul3A_523 : i32 to index
        %get3A_667 = tpu.vector_load %arg14[%get3A_665, %get3A_666] {strides = array<i32>} : memref<128x256xf32, #tpu.memory_space<vmem>>, vector<1x16xf32>,
        %get3A_668 = vector.shape_cast %get3A_667 : vector<1x16xf32> to vector<16xf32>
        %max3A_669 = arith.maximumf %max3A_660, %get3A_668 : vector<16xf32>
        %add3A_670 = arith.addf %add3A_661, %get3A_668 : vector<16xf32>
        %mul3A_671 = arith.mulf %get3A_668, %get3A_668 : vector<16xf32>
        %add3A_672 = arith.addf %add3A_663, %mul3A_671 : vector<16xf32>
        %swap3A_673 = arith.constant 0 : i32
        %swap3A_674 = arith.index_cast %swap3A_673 : i32 to index
        %swap3A_675 = arith.index_cast %mul3A_523 : i32 to index
        %swap3A_676 = tpu.vector_load %arg18[%swap3A_674, %swap3A_675] {strides = array<i32>} : memref<8x256xf32, #tpu.memory_space<vmem>>, vector<1x16xf32>,
        %swap3A_677 = vector.shape_cast %swap3A_676 : vector<1x16xf32> to vector<16xf32>
        %swap3A_678 = vector.shape_cast %max3A_669 : vector<16xf32> to vector<1x16xf32>
        tpu.vector_store %arg18[%swap3A_674, %swap3A_675], %swap3A_678 {strides = array<i32>} : memref<8x256xf32, #tpu.memory_space<vmem>>, vector<1x16xf32>,
        %get3A_679 = arith.constant 0 : i32
        %get3A_680 = arith.index_cast %get3A_679 : i32 to index
        %get3A_681 = arith.index_cast %mul3A_523 : i32 to index
        %get3A_682 = tpu.vector_load %arg16[%get3A_680, %get3A_681] {strides = array<i32>} : memref<8x256xf32, #tpu.memory_space<vmem>>, vector<1x16xf32>,
        %get3A_683 = vector.shape_cast %get3A_682 : vector<1x16xf32> to vector<16xf32>
        %mul3A_684 = arith.mulf %add3A_670, %get3A_683 : vector<16xf32>
        %add3A_685 = arith.addf %get3A_526, %mul3A_684 : vector<16xf32>
        %add3A_686 = arith.addf %get3A_529, %add3A_670 : vector<16xf32>
        %add3A_687 = arith.addf %get3A_532, %add3A_672 : vector<16xf32>
        %get3A_688 = arith.constant 16 : i32
        %get3A_689 = arith.index_cast %get3A_688 : i32 to index
        %get3A_690 = arith.index_cast %mul3A_523 : i32 to index
        %get3A_691 = tpu.vector_load %arg14[%get3A_689, %get3A_690] {strides = array<i32>} : memref<128x256xf32, #tpu.memory_space<vmem>>, vector<1x16xf32>,
        %get3A_692 = vector.shape_cast %get3A_691 : vector<1x16xf32> to vector<16xf32>
        %mul3A_693 = arith.mulf %get3A_692, %get3A_692 : vector<16xf32>
        %get3A_694 = arith.constant 17 : i32
        %get3A_695 = arith.index_cast %get3A_694 : i32 to index
        %get3A_696 = arith.index_cast %mul3A_523 : i32 to index
        %get3A_697 = tpu.vector_load %arg14[%get3A_695, %get3A_696] {strides = array<i32>} : memref<128x256xf32, #tpu.memory_space<vmem>>, vector<1x16xf32>,
        %get3A_698 = vector.shape_cast %get3A_697 : vector<1x16xf32> to vector<16xf32>
        %max3A_699 = arith.maximumf %get3A_692, %get3A_698 : vector<16xf32>
        %add3A_700 = arith.addf %get3A_692, %get3A_698 : vector<16xf32>
        %mul3A_701 = arith.mulf %get3A_698, %get3A_698 : vector<16xf32>
        %add3A_702 = arith.addf %mul3A_693, %mul3A_701 : vector<16xf32>
        %get3A_703 = arith.constant 18 : i32
        %get3A_704 = arith.index_cast %get3A_703 : i32 to index
        %get3A_705 = arith.index_cast %mul3A_523 : i32 to index
        %get3A_706 = tpu.vector_load %arg14[%get3A_704, %get3A_705] {strides = array<i32>} : memref<128x256xf32, #tpu.memory_space<vmem>>, vector<1x16xf32>,
        %get3A_707 = vector.shape_cast %get3A_706 : vector<1x16xf32> to vector<16xf32>
        %max3A_708 = arith.maximumf %max3A_699, %get3A_707 : vector<16xf32>
        %add3A_709 = arith.addf %add3A_700, %get3A_707 : vector<16xf32>
        %mul3A_710 = arith.mulf %get3A_707, %get3A_707 : vector<16xf32>
        %add3A_711 = arith.addf %add3A_702, %mul3A_710 : vector<16xf32>
        %get3A_712 = arith.constant 19 : i32
        %get3A_713 = arith.index_cast %get3A_712 : i32 to index
        %get3A_714 = arith.index_cast %mul3A_523 : i32 to index
        %get3A_715 = tpu.vector_load %arg14[%get3A_713, %get3A_714] {strides = array<i32>} : memref<128x256xf32, #tpu.memory_space<vmem>>, vector<1x16xf32>,
        %get3A_716 = vector.shape_cast %get3A_715 : vector<1x16xf32> to vector<16xf32>
        %max3A_717 = arith.maximumf %max3A_708, %get3A_716 : vector<16xf32>
        %add3A_718 = arith.addf %add3A_709, %get3A_716 : vector<16xf32>
        %mul3A_719 = arith.mulf %get3A_716, %get3A_716 : vector<16xf32>
        %add3A_720 = arith.addf %add3A_711, %mul3A_719 : vector<16xf32>
        %get3A_721 = arith.constant 20 : i32
        %get3A_722 = arith.index_cast %get3A_721 : i32 to index
        %get3A_723 = arith.index_cast %mul3A_523 : i32 to index
        %get3A_724 = tpu.vector_load %arg14[%get3A_722, %get3A_723] {strides = array<i32>} : memref<128x256xf32, #tpu.memory_space<vmem>>, vector<1x16xf32>,
        %get3A_725 = vector.shape_cast %get3A_724 : vector<1x16xf32> to vector<16xf32>
        %max3A_726 = arith.maximumf %max3A_717, %get3A_725 : vector<16xf32>
        %add3A_727 = arith.addf %add3A_718, %get3A_725 : vector<16xf32>
        %mul3A_728 = arith.mulf %get3A_725, %get3A_725 : vector<16xf32>
        %add3A_729 = arith.addf %add3A_720, %mul3A_728 : vector<16xf32>
        %get3A_730 = arith.constant 21 : i32
        %get3A_731 = arith.index_cast %get3A_730 : i32 to index
        %get3A_732 = arith.index_cast %mul3A_523 : i32 to index
        %get3A_733 = tpu.vector_load %arg14[%get3A_731, %get3A_732] {strides = array<i32>} : memref<128x256xf32, #tpu.memory_space<vmem>>, vector<1x16xf32>,
        %get3A_734 = vector.shape_cast %get3A_733 : vector<1x16xf32> to vector<16xf32>
        %max3A_735 = arith.maximumf %max3A_726, %get3A_734 : vector<16xf32>
        %add3A_736 = arith.addf %add3A_727, %get3A_734 : vector<16xf32>
        %mul3A_737 = arith.mulf %get3A_734, %get3A_734 : vector<16xf32>
        %add3A_738 = arith.addf %add3A_729, %mul3A_737 : vector<16xf32>
        %get3A_739 = arith.constant 22 : i32
        %get3A_740 = arith.index_cast %get3A_739 : i32 to index
        %get3A_741 = arith.index_cast %mul3A_523 : i32 to index
        %get3A_742 = tpu.vector_load %arg14[%get3A_740, %get3A_741] {strides = array<i32>} : memref<128x256xf32, #tpu.memory_space<vmem>>, vector<1x16xf32>,
        %get3A_743 = vector.shape_cast %get3A_742 : vector<1x16xf32> to vector<16xf32>
        %max3A_744 = arith.maximumf %max3A_735, %get3A_743 : vector<16xf32>
        %add3A_745 = arith.addf %add3A_736, %get3A_743 : vector<16xf32>
        %mul3A_746 = arith.mulf %get3A_743, %get3A_743 : vector<16xf32>
        %add3A_747 = arith.addf %add3A_738, %mul3A_746 : vector<16xf32>
        %get3A_748 = arith.constant 23 : i32
        %get3A_749 = arith.index_cast %get3A_748 : i32 to index
        %get3A_750 = arith.index_cast %mul3A_523 : i32 to index
        %get3A_751 = tpu.vector_load %arg14[%get3A_749, %get3A_750] {strides = array<i32>} : memref<128x256xf32, #tpu.memory_space<vmem>>, vector<1x16xf32>,
        %get3A_752 = vector.shape_cast %get3A_751 : vector<1x16xf32> to vector<16xf32>
        %max3A_753 = arith.maximumf %max3A_744, %get3A_752 : vector<16xf32>
        %add3A_754 = arith.addf %add3A_745, %get3A_752 : vector<16xf32>
        %mul3A_755 = arith.mulf %get3A_752, %get3A_752 : vector<16xf32>
        %add3A_756 = arith.addf %add3A_747, %mul3A_755 : vector<16xf32>
        %get3A_757 = arith.constant 24 : i32
        %get3A_758 = arith.index_cast %get3A_757 : i32 to index
        %get3A_759 = arith.index_cast %mul3A_523 : i32 to index
        %get3A_760 = tpu.vector_load %arg14[%get3A_758, %get3A_759] {strides = array<i32>} : memref<128x256xf32, #tpu.memory_space<vmem>>, vector<1x16xf32>,
        %get3A_761 = vector.shape_cast %get3A_760 : vector<1x16xf32> to vector<16xf32>
        %max3A_762 = arith.maximumf %max3A_753, %get3A_761 : vector<16xf32>
        %add3A_763 = arith.addf %add3A_754, %get3A_761 : vector<16xf32>
        %mul3A_764 = arith.mulf %get3A_761, %get3A_761 : vector<16xf32>
        %add3A_765 = arith.addf %add3A_756, %mul3A_764 : vector<16xf32>
        %get3A_766 = arith.constant 25 : i32
        %get3A_767 = arith.index_cast %get3A_766 : i32 to index
        %get3A_768 = arith.index_cast %mul3A_523 : i32 to index
        %get3A_769 = tpu.vector_load %arg14[%get3A_767, %get3A_768] {strides = array<i32>} : memref<128x256xf32, #tpu.memory_space<vmem>>, vector<1x16xf32>,
        %get3A_770 = vector.shape_cast %get3A_769 : vector<1x16xf32> to vector<16xf32>
        %max3A_771 = arith.maximumf %max3A_762, %get3A_770 : vector<16xf32>
        %add3A_772 = arith.addf %add3A_763, %get3A_770 : vector<16xf32>
        %mul3A_773 = arith.mulf %get3A_770, %get3A_770 : vector<16xf32>
        %add3A_774 = arith.addf %add3A_765, %mul3A_773 : vector<16xf32>
        %get3A_775 = arith.constant 26 : i32
        %get3A_776 = arith.index_cast %get3A_775 : i32 to index
        %get3A_777 = arith.index_cast %mul3A_523 : i32 to index
        %get3A_778 = tpu.vector_load %arg14[%get3A_776, %get3A_777] {strides = array<i32>} : memref<128x256xf32, #tpu.memory_space<vmem>>, vector<1x16xf32>,
        %get3A_779 = vector.shape_cast %get3A_778 : vector<1x16xf32> to vector<16xf32>
        %max3A_780 = arith.maximumf %max3A_771, %get3A_779 : vector<16xf32>
        %add3A_781 = arith.addf %add3A_772, %get3A_779 : vector<16xf32>
        %mul3A_782 = arith.mulf %get3A_779, %get3A_779 : vector<16xf32>
        %add3A_783 = arith.addf %add3A_774, %mul3A_782 : vector<16xf32>
        %get3A_784 = arith.constant 27 : i32
        %get3A_785 = arith.index_cast %get3A_784 : i32 to index
        %get3A_786 = arith.index_cast %mul3A_523 : i32 to index
        %get3A_787 = tpu.vector_load %arg14[%get3A_785, %get3A_786] {strides = array<i32>} : memref<128x256xf32, #tpu.memory_space<vmem>>, vector<1x16xf32>,
        %get3A_788 = vector.shape_cast %get3A_787 : vector<1x16xf32> to vector<16xf32>
        %max3A_789 = arith.maximumf %max3A_780, %get3A_788 : vector<16xf32>
        %add3A_790 = arith.addf %add3A_781, %get3A_788 : vector<16xf32>
        %mul3A_791 = arith.mulf %get3A_788, %get3A_788 : vector<16xf32>
        %add3A_792 = arith.addf %add3A_783, %mul3A_791 : vector<16xf32>
        %get3A_793 = arith.constant 28 : i32
        %get3A_794 = arith.index_cast %get3A_793 : i32 to index
        %get3A_795 = arith.index_cast %mul3A_523 : i32 to index
        %get3A_796 = tpu.vector_load %arg14[%get3A_794, %get3A_795] {strides = array<i32>} : memref<128x256xf32, #tpu.memory_space<vmem>>, vector<1x16xf32>,
        %get3A_797 = vector.shape_cast %get3A_796 : vector<1x16xf32> to vector<16xf32>
        %max3A_798 = arith.maximumf %max3A_789, %get3A_797 : vector<16xf32>
        %add3A_799 = arith.addf %add3A_790, %get3A_797 : vector<16xf32>
        %mul3A_800 = arith.mulf %get3A_797, %get3A_797 : vector<16xf32>
        %add3A_801 = arith.addf %add3A_792, %mul3A_800 : vector<16xf32>
        %get3A_802 = arith.constant 29 : i32
        %get3A_803 = arith.index_cast %get3A_802 : i32 to index
        %get3A_804 = arith.index_cast %mul3A_523 : i32 to index
        %get3A_805 = tpu.vector_load %arg14[%get3A_803, %get3A_804] {strides = array<i32>} : memref<128x256xf32, #tpu.memory_space<vmem>>, vector<1x16xf32>,
        %get3A_806 = vector.shape_cast %get3A_805 : vector<1x16xf32> to vector<16xf32>
        %max3A_807 = arith.maximumf %max3A_798, %get3A_806 : vector<16xf32>
        %add3A_808 = arith.addf %add3A_799, %get3A_806 : vector<16xf32>
        %mul3A_809 = arith.mulf %get3A_806, %get3A_806 : vector<16xf32>
        %add3A_810 = arith.addf %add3A_801, %mul3A_809 : vector<16xf32>
        %get3A_811 = arith.constant 30 : i32
        %get3A_812 = arith.index_cast %get3A_811 : i32 to index
        %get3A_813 = arith.index_cast %mul3A_523 : i32 to index
        %get3A_814 = tpu.vector_load %arg14[%get3A_812, %get3A_813] {strides = array<i32>} : memref<128x256xf32, #tpu.memory_space<vmem>>, vector<1x16xf32>,
        %get3A_815 = vector.shape_cast %get3A_814 : vector<1x16xf32> to vector<16xf32>
        %max3A_816 = arith.maximumf %max3A_807, %get3A_815 : vector<16xf32>
        %add3A_817 = arith.addf %add3A_808, %get3A_815 : vector<16xf32>
        %mul3A_818 = arith.mulf %get3A_815, %get3A_815 : vector<16xf32>
        %add3A_819 = arith.addf %add3A_810, %mul3A_818 : vector<16xf32>
        %get3A_820 = arith.constant 31 : i32
        %get3A_821 = arith.index_cast %get3A_820 : i32 to index
        %get3A_822 = arith.index_cast %mul3A_523 : i32 to index
        %get3A_823 = tpu.vector_load %arg14[%get3A_821, %get3A_822] {strides = array<i32>} : memref<128x256xf32, #tpu.memory_space<vmem>>, vector<1x16xf32>,
        %get3A_824 = vector.shape_cast %get3A_823 : vector<1x16xf32> to vector<16xf32>
        %max3A_825 = arith.maximumf %max3A_816, %get3A_824 : vector<16xf32>
        %add3A_826 = arith.addf %add3A_817, %get3A_824 : vector<16xf32>
        %mul3A_827 = arith.mulf %get3A_824, %get3A_824 : vector<16xf32>
        %add3A_828 = arith.addf %add3A_819, %mul3A_827 : vector<16xf32>
        %swap3A_829 = arith.constant 1 : i32
        %swap3A_830 = arith.index_cast %swap3A_829 : i32 to index
        %swap3A_831 = arith.index_cast %mul3A_523 : i32 to index
        %swap3A_832 = tpu.vector_load %arg18[%swap3A_830, %swap3A_831] {strides = array<i32>} : memref<8x256xf32, #tpu.memory_space<vmem>>, vector<1x16xf32>,
        %swap3A_833 = vector.shape_cast %swap3A_832 : vector<1x16xf32> to vector<16xf32>
        %swap3A_834 = vector.shape_cast %max3A_825 : vector<16xf32> to vector<1x16xf32>
        tpu.vector_store %arg18[%swap3A_830, %swap3A_831], %swap3A_834 {strides = array<i32>} : memref<8x256xf32, #tpu.memory_space<vmem>>, vector<1x16xf32>,
        %get3A_835 = arith.constant 1 : i32
        %get3A_836 = arith.index_cast %get3A_835 : i32 to index
        %get3A_837 = arith.index_cast %mul3A_523 : i32 to index
        %get3A_838 = tpu.vector_load %arg16[%get3A_836, %get3A_837] {strides = array<i32>} : memref<8x256xf32, #tpu.memory_space<vmem>>, vector<1x16xf32>,
        %get3A_839 = vector.shape_cast %get3A_838 : vector<1x16xf32> to vector<16xf32>
        %mul3A_840 = arith.mulf %add3A_826, %get3A_839 : vector<16xf32>
        %add3A_841 = arith.addf %add3A_685, %mul3A_840 : vector<16xf32>
        %add3A_842 = arith.addf %add3A_686, %add3A_826 : vector<16xf32>
        %add3A_843 = arith.addf %add3A_687, %add3A_828 : vector<16xf32>
        %get3A_844 = arith.constant 32 : i32
        %get3A_845 = arith.index_cast %get3A_844 : i32 to index
        %get3A_846 = arith.index_cast %mul3A_523 : i32 to index
        %get3A_847 = tpu.vector_load %arg14[%get3A_845, %get3A_846] {strides = array<i32>} : memref<128x256xf32, #tpu.memory_space<vmem>>, vector<1x16xf32>,
        %get3A_848 = vector.shape_cast %get3A_847 : vector<1x16xf32> to vector<16xf32>
        %mul3A_849 = arith.mulf %get3A_848, %get3A_848 : vector<16xf32>
        %get3A_850 = arith.constant 33 : i32
        %get3A_851 = arith.index_cast %get3A_850 : i32 to index
        %get3A_852 = arith.index_cast %mul3A_523 : i32 to index
        %get3A_853 = tpu.vector_load %arg14[%get3A_851, %get3A_852] {strides = array<i32>} : memref<128x256xf32, #tpu.memory_space<vmem>>, vector<1x16xf32>,
        %get3A_854 = vector.shape_cast %get3A_853 : vector<1x16xf32> to vector<16xf32>
        %max3A_855 = arith.maximumf %get3A_848, %get3A_854 : vector<16xf32>
        %add3A_856 = arith.addf %get3A_848, %get3A_854 : vector<16xf32>
        %mul3A_857 = arith.mulf %get3A_854, %get3A_854 : vector<16xf32>
        %add3A_858 = arith.addf %mul3A_849, %mul3A_857 : vector<16xf32>
        %get3A_859 = arith.constant 34 : i32
        %get3A_860 = arith.index_cast %get3A_859 : i32 to index
        %get3A_861 = arith.index_cast %mul3A_523 : i32 to index
        %get3A_862 = tpu.vector_load %arg14[%get3A_860, %get3A_861] {strides = array<i32>} : memref<128x256xf32, #tpu.memory_space<vmem>>, vector<1x16xf32>,
        %get3A_863 = vector.shape_cast %get3A_862 : vector<1x16xf32> to vector<16xf32>
        %max3A_864 = arith.maximumf %max3A_855, %get3A_863 : vector<16xf32>
        %add3A_865 = arith.addf %add3A_856, %get3A_863 : vector<16xf32>
        %mul3A_866 = arith.mulf %get3A_863, %get3A_863 : vector<16xf32>
        %add3A_867 = arith.addf %add3A_858, %mul3A_866 : vector<16xf32>
        %get3A_868 = arith.constant 35 : i32
        %get3A_869 = arith.index_cast %get3A_868 : i32 to index
        %get3A_870 = arith.index_cast %mul3A_523 : i32 to index
        %get3A_871 = tpu.vector_load %arg14[%get3A_869, %get3A_870] {strides = array<i32>} : memref<128x256xf32, #tpu.memory_space<vmem>>, vector<1x16xf32>,
        %get3A_872 = vector.shape_cast %get3A_871 : vector<1x16xf32> to vector<16xf32>
        %max3A_873 = arith.maximumf %max3A_864, %get3A_872 : vector<16xf32>
        %add3A_874 = arith.addf %add3A_865, %get3A_872 : vector<16xf32>
        %mul3A_875 = arith.mulf %get3A_872, %get3A_872 : vector<16xf32>
        %add3A_876 = arith.addf %add3A_867, %mul3A_875 : vector<16xf32>
        %get3A_877 = arith.constant 36 : i32
        %get3A_878 = arith.index_cast %get3A_877 : i32 to index
        %get3A_879 = arith.index_cast %mul3A_523 : i32 to index
        %get3A_880 = tpu.vector_load %arg14[%get3A_878, %get3A_879] {strides = array<i32>} : memref<128x256xf32, #tpu.memory_space<vmem>>, vector<1x16xf32>,
        %get3A_881 = vector.shape_cast %get3A_880 : vector<1x16xf32> to vector<16xf32>
        %max3A_882 = arith.maximumf %max3A_873, %get3A_881 : vector<16xf32>
        %add3A_883 = arith.addf %add3A_874, %get3A_881 : vector<16xf32>
        %mul3A_884 = arith.mulf %get3A_881, %get3A_881 : vector<16xf32>
        %add3A_885 = arith.addf %add3A_876, %mul3A_884 : vector<16xf32>
        %get3A_886 = arith.constant 37 : i32
        %get3A_887 = arith.index_cast %get3A_886 : i32 to index
        %get3A_888 = arith.index_cast %mul3A_523 : i32 to index
        %get3A_889 = tpu.vector_load %arg14[%get3A_887, %get3A_888] {strides = array<i32>} : memref<128x256xf32, #tpu.memory_space<vmem>>, vector<1x16xf32>,
        %get3A_890 = vector.shape_cast %get3A_889 : vector<1x16xf32> to vector<16xf32>
        %max3A_891 = arith.maximumf %max3A_882, %get3A_890 : vector<16xf32>
        %add3A_892 = arith.addf %add3A_883, %get3A_890 : vector<16xf32>
        %mul3A_893 = arith.mulf %get3A_890, %get3A_890 : vector<16xf32>
        %add3A_894 = arith.addf %add3A_885, %mul3A_893 : vector<16xf32>
        %get3A_895 = arith.constant 38 : i32
        %get3A_896 = arith.index_cast %get3A_895 : i32 to index
        %get3A_897 = arith.index_cast %mul3A_523 : i32 to index
        %get3A_898 = tpu.vector_load %arg14[%get3A_896, %get3A_897] {strides = array<i32>} : memref<128x256xf32, #tpu.memory_space<vmem>>, vector<1x16xf32>,
        %get3A_899 = vector.shape_cast %get3A_898 : vector<1x16xf32> to vector<16xf32>
        %max3A_900 = arith.maximumf %max3A_891, %get3A_899 : vector<16xf32>
        %add3A_901 = arith.addf %add3A_892, %get3A_899 : vector<16xf32>
        %mul3A_902 = arith.mulf %get3A_899, %get3A_899 : vector<16xf32>
        %add3A_903 = arith.addf %add3A_894, %mul3A_902 : vector<16xf32>
        %get3A_904 = arith.constant 39 : i32
        %get3A_905 = arith.index_cast %get3A_904 : i32 to index
        %get3A_906 = arith.index_cast %mul3A_523 : i32 to index
        %get3A_907 = tpu.vector_load %arg14[%get3A_905, %get3A_906] {strides = array<i32>} : memref<128x256xf32, #tpu.memory_space<vmem>>, vector<1x16xf32>,
        %get3A_908 = vector.shape_cast %get3A_907 : vector<1x16xf32> to vector<16xf32>
        %max3A_909 = arith.maximumf %max3A_900, %get3A_908 : vector<16xf32>
        %add3A_910 = arith.addf %add3A_901, %get3A_908 : vector<16xf32>
        %mul3A_911 = arith.mulf %get3A_908, %get3A_908 : vector<16xf32>
        %add3A_912 = arith.addf %add3A_903, %mul3A_911 : vector<16xf32>
        %get3A_913 = arith.constant 40 : i32
        %get3A_914 = arith.index_cast %get3A_913 : i32 to index
        %get3A_915 = arith.index_cast %mul3A_523 : i32 to index
        %get3A_916 = tpu.vector_load %arg14[%get3A_914, %get3A_915] {strides = array<i32>} : memref<128x256xf32, #tpu.memory_space<vmem>>, vector<1x16xf32>,
        %get3A_917 = vector.shape_cast %get3A_916 : vector<1x16xf32> to vector<16xf32>
        %max3A_918 = arith.maximumf %max3A_909, %get3A_917 : vector<16xf32>
        %add3A_919 = arith.addf %add3A_910, %get3A_917 : vector<16xf32>
        %mul3A_920 = arith.mulf %get3A_917, %get3A_917 : vector<16xf32>
        %add3A_921 = arith.addf %add3A_912, %mul3A_920 : vector<16xf32>
        %get3A_922 = arith.constant 41 : i32
        %get3A_923 = arith.index_cast %get3A_922 : i32 to index
        %get3A_924 = arith.index_cast %mul3A_523 : i32 to index
        %get3A_925 = tpu.vector_load %arg14[%get3A_923, %get3A_924] {strides = array<i32>} : memref<128x256xf32, #tpu.memory_space<vmem>>, vector<1x16xf32>,
        %get3A_926 = vector.shape_cast %get3A_925 : vector<1x16xf32> to vector<16xf32>
        %max3A_927 = arith.maximumf %max3A_918, %get3A_926 : vector<16xf32>
        %add3A_928 = arith.addf %add3A_919, %get3A_926 : vector<16xf32>
        %mul3A_929 = arith.mulf %get3A_926, %get3A_926 : vector<16xf32>
        %add3A_930 = arith.addf %add3A_921, %mul3A_929 : vector<16xf32>
        %get3A_931 = arith.constant 42 : i32
        %get3A_932 = arith.index_cast %get3A_931 : i32 to index
        %get3A_933 = arith.index_cast %mul3A_523 : i32 to index
        %get3A_934 = tpu.vector_load %arg14[%get3A_932, %get3A_933] {strides = array<i32>} : memref<128x256xf32, #tpu.memory_space<vmem>>, vector<1x16xf32>,
        %get3A_935 = vector.shape_cast %get3A_934 : vector<1x16xf32> to vector<16xf32>
        %max3A_936 = arith.maximumf %max3A_927, %get3A_935 : vector<16xf32>
        %add3A_937 = arith.addf %add3A_928, %get3A_935 : vector<16xf32>
        %mul3A_938 = arith.mulf %get3A_935, %get3A_935 : vector<16xf32>
        %add3A_939 = arith.addf %add3A_930, %mul3A_938 : vector<16xf32>
        %get3A_940 = arith.constant 43 : i32
        %get3A_941 = arith.index_cast %get3A_940 : i32 to index
        %get3A_942 = arith.index_cast %mul3A_523 : i32 to index
        %get3A_943 = tpu.vector_load %arg14[%get3A_941, %get3A_942] {strides = array<i32>} : memref<128x256xf32, #tpu.memory_space<vmem>>, vector<1x16xf32>,
        %get3A_944 = vector.shape_cast %get3A_943 : vector<1x16xf32> to vector<16xf32>
        %max3A_945 = arith.maximumf %max3A_936, %get3A_944 : vector<16xf32>
        %add3A_946 = arith.addf %add3A_937, %get3A_944 : vector<16xf32>
        %mul3A_947 = arith.mulf %get3A_944, %get3A_944 : vector<16xf32>
        %add3A_948 = arith.addf %add3A_939, %mul3A_947 : vector<16xf32>
        %get3A_949 = arith.constant 44 : i32
        %get3A_950 = arith.index_cast %get3A_949 : i32 to index
        %get3A_951 = arith.index_cast %mul3A_523 : i32 to index
        %get3A_952 = tpu.vector_load %arg14[%get3A_950, %get3A_951] {strides = array<i32>} : memref<128x256xf32, #tpu.memory_space<vmem>>, vector<1x16xf32>,
        %get3A_953 = vector.shape_cast %get3A_952 : vector<1x16xf32> to vector<16xf32>
        %max3A_954 = arith.maximumf %max3A_945, %get3A_953 : vector<16xf32>
        %add3A_955 = arith.addf %add3A_946, %get3A_953 : vector<16xf32>
        %mul3A_956 = arith.mulf %get3A_953, %get3A_953 : vector<16xf32>
        %add3A_957 = arith.addf %add3A_948, %mul3A_956 : vector<16xf32>
        %get3A_958 = arith.constant 45 : i32
        %get3A_959 = arith.index_cast %get3A_958 : i32 to index
        %get3A_960 = arith.index_cast %mul3A_523 : i32 to index
        %get3A_961 = tpu.vector_load %arg14[%get3A_959, %get3A_960] {strides = array<i32>} : memref<128x256xf32, #tpu.memory_space<vmem>>, vector<1x16xf32>,
        %get3A_962 = vector.shape_cast %get3A_961 : vector<1x16xf32> to vector<16xf32>
        %max3A_963 = arith.maximumf %max3A_954, %get3A_962 : vector<16xf32>
        %add3A_964 = arith.addf %add3A_955, %get3A_962 : vector<16xf32>
        %mul3A_965 = arith.mulf %get3A_962, %get3A_962 : vector<16xf32>
        %add3A_966 = arith.addf %add3A_957, %mul3A_965 : vector<16xf32>
        %get3A_967 = arith.constant 46 : i32
        %get3A_968 = arith.index_cast %get3A_967 : i32 to index
        %get3A_969 = arith.index_cast %mul3A_523 : i32 to index
        %get3A_970 = tpu.vector_load %arg14[%get3A_968, %get3A_969] {strides = array<i32>} : memref<128x256xf32, #tpu.memory_space<vmem>>, vector<1x16xf32>,
        %get3A_971 = vector.shape_cast %get3A_970 : vector<1x16xf32> to vector<16xf32>
        %max3A_972 = arith.maximumf %max3A_963, %get3A_971 : vector<16xf32>
        %add3A_973 = arith.addf %add3A_964, %get3A_971 : vector<16xf32>
        %mul3A_974 = arith.mulf %get3A_971, %get3A_971 : vector<16xf32>
        %add3A_975 = arith.addf %add3A_966, %mul3A_974 : vector<16xf32>
        %get3A_976 = arith.constant 47 : i32
        %get3A_977 = arith.index_cast %get3A_976 : i32 to index
        %get3A_978 = arith.index_cast %mul3A_523 : i32 to index
        %get3A_979 = tpu.vector_load %arg14[%get3A_977, %get3A_978] {strides = array<i32>} : memref<128x256xf32, #tpu.memory_space<vmem>>, vector<1x16xf32>,
        %get3A_980 = vector.shape_cast %get3A_979 : vector<1x16xf32> to vector<16xf32>
        %max3A_981 = arith.maximumf %max3A_972, %get3A_980 : vector<16xf32>
        %add3A_982 = arith.addf %add3A_973, %get3A_980 : vector<16xf32>
        %mul3A_983 = arith.mulf %get3A_980, %get3A_980 : vector<16xf32>
        %add3A_984 = arith.addf %add3A_975, %mul3A_983 : vector<16xf32>
        %swap3A_985 = arith.constant 2 : i32
        %swap3A_986 = arith.index_cast %swap3A_985 : i32 to index
        %swap3A_987 = arith.index_cast %mul3A_523 : i32 to index
        %swap3A_988 = tpu.vector_load %arg18[%swap3A_986, %swap3A_987] {strides = array<i32>} : memref<8x256xf32, #tpu.memory_space<vmem>>, vector<1x16xf32>,
        %swap3A_989 = vector.shape_cast %swap3A_988 : vector<1x16xf32> to vector<16xf32>
        %swap3A_990 = vector.shape_cast %max3A_981 : vector<16xf32> to vector<1x16xf32>
        tpu.vector_store %arg18[%swap3A_986, %swap3A_987], %swap3A_990 {strides = array<i32>} : memref<8x256xf32, #tpu.memory_space<vmem>>, vector<1x16xf32>,
        %get3A_991 = arith.constant 2 : i32
        %get3A_992 = arith.index_cast %get3A_991 : i32 to index
        %get3A_993 = arith.index_cast %mul3A_523 : i32 to index
        %get3A_994 = tpu.vector_load %arg16[%get3A_992, %get3A_993] {strides = array<i32>} : memref<8x256xf32, #tpu.memory_space<vmem>>, vector<1x16xf32>,
        %get3A_995 = vector.shape_cast %get3A_994 : vector<1x16xf32> to vector<16xf32>
        %mul3A_996 = arith.mulf %add3A_982, %get3A_995 : vector<16xf32>
        %add3A_997 = arith.addf %add3A_841, %mul3A_996 : vector<16xf32>
        %add3A_998 = arith.addf %add3A_842, %add3A_982 : vector<16xf32>
        %add3A_999 = arith.addf %add3A_843, %add3A_984 : vector<16xf32>
        %get3A_1000 = arith.constant 48 : i32
        %get3A_1001 = arith.index_cast %get3A_1000 : i32 to index
        %get3A_1002 = arith.index_cast %mul3A_523 : i32 to index
        %get3A_1003 = tpu.vector_load %arg14[%get3A_1001, %get3A_1002] {strides = array<i32>} : memref<128x256xf32, #tpu.memory_space<vmem>>, vector<1x16xf32>,
        %get3A_1004 = vector.shape_cast %get3A_1003 : vector<1x16xf32> to vector<16xf32>
        %mul3A_1005 = arith.mulf %get3A_1004, %get3A_1004 : vector<16xf32>
        %get3A_1006 = arith.constant 49 : i32
        %get3A_1007 = arith.index_cast %get3A_1006 : i32 to index
        %get3A_1008 = arith.index_cast %mul3A_523 : i32 to index
        %get3A_1009 = tpu.vector_load %arg14[%get3A_1007, %get3A_1008] {strides = array<i32>} : memref<128x256xf32, #tpu.memory_space<vmem>>, vector<1x16xf32>,
        %get3A_1010 = vector.shape_cast %get3A_1009 : vector<1x16xf32> to vector<16xf32>
        %max3A_1011 = arith.maximumf %get3A_1004, %get3A_1010 : vector<16xf32>
        %add3A_1012 = arith.addf %get3A_1004, %get3A_1010 : vector<16xf32>
        %mul3A_1013 = arith.mulf %get3A_1010, %get3A_1010 : vector<16xf32>
        %add3A_1014 = arith.addf %mul3A_1005, %mul3A_1013 : vector<16xf32>
        %get3A_1015 = arith.constant 50 : i32
        %get3A_1016 = arith.index_cast %get3A_1015 : i32 to index
        %get3A_1017 = arith.index_cast %mul3A_523 : i32 to index
        %get3A_1018 = tpu.vector_load %arg14[%get3A_1016, %get3A_1017] {strides = array<i32>} : memref<128x256xf32, #tpu.memory_space<vmem>>, vector<1x16xf32>,
        %get3A_1019 = vector.shape_cast %get3A_1018 : vector<1x16xf32> to vector<16xf32>
        %max3A_1020 = arith.maximumf %max3A_1011, %get3A_1019 : vector<16xf32>
        %add3A_1021 = arith.addf %add3A_1012, %get3A_1019 : vector<16xf32>
        %mul3A_1022 = arith.mulf %get3A_1019, %get3A_1019 : vector<16xf32>
        %add3A_1023 = arith.addf %add3A_1014, %mul3A_1022 : vector<16xf32>
        %get3A_1024 = arith.constant 51 : i32
        %get3A_1025 = arith.index_cast %get3A_1024 : i32 to index
        %get3A_1026 = arith.index_cast %mul3A_523 : i32 to index
        %get3A_1027 = tpu.vector_load %arg14[%get3A_1025, %get3A_1026] {strides = array<i32>} : memref<128x256xf32, #tpu.memory_space<vmem>>, vector<1x16xf32>,
        %get3A_1028 = vector.shape_cast %get3A_1027 : vector<1x16xf32> to vector<16xf32>
        %max3A_1029 = arith.maximumf %max3A_1020, %get3A_1028 : vector<16xf32>
        %add3A_1030 = arith.addf %add3A_1021, %get3A_1028 : vector<16xf32>
        %mul3A_1031 = arith.mulf %get3A_1028, %get3A_1028 : vector<16xf32>
        %add3A_1032 = arith.addf %add3A_1023, %mul3A_1031 : vector<16xf32>
        %get3A_1033 = arith.constant 52 : i32
        %get3A_1034 = arith.index_cast %get3A_1033 : i32 to index
        %get3A_1035 = arith.index_cast %mul3A_523 : i32 to index
        %get3A_1036 = tpu.vector_load %arg14[%get3A_1034, %get3A_1035] {strides = array<i32>} : memref<128x256xf32, #tpu.memory_space<vmem>>, vector<1x16xf32>,
        %get3A_1037 = vector.shape_cast %get3A_1036 : vector<1x16xf32> to vector<16xf32>
        %max3A_1038 = arith.maximumf %max3A_1029, %get3A_1037 : vector<16xf32>
        %add3A_1039 = arith.addf %add3A_1030, %get3A_1037 : vector<16xf32>
        %mul3A_1040 = arith.mulf %get3A_1037, %get3A_1037 : vector<16xf32>
        %add3A_1041 = arith.addf %add3A_1032, %mul3A_1040 : vector<16xf32>
        %get3A_1042 = arith.constant 53 : i32
        %get3A_1043 = arith.index_cast %get3A_1042 : i32 to index
        %get3A_1044 = arith.index_cast %mul3A_523 : i32 to index
        %get3A_1045 = tpu.vector_load %arg14[%get3A_1043, %get3A_1044] {strides = array<i32>} : memref<128x256xf32, #tpu.memory_space<vmem>>, vector<1x16xf32>,
        %get3A_1046 = vector.shape_cast %get3A_1045 : vector<1x16xf32> to vector<16xf32>
        %max3A_1047 = arith.maximumf %max3A_1038, %get3A_1046 : vector<16xf32>
        %add3A_1048 = arith.addf %add3A_1039, %get3A_1046 : vector<16xf32>
        %mul3A_1049 = arith.mulf %get3A_1046, %get3A_1046 : vector<16xf32>
        %add3A_1050 = arith.addf %add3A_1041, %mul3A_1049 : vector<16xf32>
        %get3A_1051 = arith.constant 54 : i32
        %get3A_1052 = arith.index_cast %get3A_1051 : i32 to index
        %get3A_1053 = arith.index_cast %mul3A_523 : i32 to index
        %get3A_1054 = tpu.vector_load %arg14[%get3A_1052, %get3A_1053] {strides = array<i32>} : memref<128x256xf32, #tpu.memory_space<vmem>>, vector<1x16xf32>,
        %get3A_1055 = vector.shape_cast %get3A_1054 : vector<1x16xf32> to vector<16xf32>
        %max3A_1056 = arith.maximumf %max3A_1047, %get3A_1055 : vector<16xf32>
        %add3A_1057 = arith.addf %add3A_1048, %get3A_1055 : vector<16xf32>
        %mul3A_1058 = arith.mulf %get3A_1055, %get3A_1055 : vector<16xf32>
        %add3A_1059 = arith.addf %add3A_1050, %mul3A_1058 : vector<16xf32>
        %get3A_1060 = arith.constant 55 : i32
        %get3A_1061 = arith.index_cast %get3A_1060 : i32 to index
        %get3A_1062 = arith.index_cast %mul3A_523 : i32 to index
        %get3A_1063 = tpu.vector_load %arg14[%get3A_1061, %get3A_1062] {strides = array<i32>} : memref<128x256xf32, #tpu.memory_space<vmem>>, vector<1x16xf32>,
        %get3A_1064 = vector.shape_cast %get3A_1063 : vector<1x16xf32> to vector<16xf32>
        %max3A_1065 = arith.maximumf %max3A_1056, %get3A_1064 : vector<16xf32>
        %add3A_1066 = arith.addf %add3A_1057, %get3A_1064 : vector<16xf32>
        %mul3A_1067 = arith.mulf %get3A_1064, %get3A_1064 : vector<16xf32>
        %add3A_1068 = arith.addf %add3A_1059, %mul3A_1067 : vector<16xf32>
        %get3A_1069 = arith.constant 56 : i32
        %get3A_1070 = arith.index_cast %get3A_1069 : i32 to index
        %get3A_1071 = arith.index_cast %mul3A_523 : i32 to index
        %get3A_1072 = tpu.vector_load %arg14[%get3A_1070, %get3A_1071] {strides = array<i32>} : memref<128x256xf32, #tpu.memory_space<vmem>>, vector<1x16xf32>,
        %get3A_1073 = vector.shape_cast %get3A_1072 : vector<1x16xf32> to vector<16xf32>
        %max3A_1074 = arith.maximumf %max3A_1065, %get3A_1073 : vector<16xf32>
        %add3A_1075 = arith.addf %add3A_1066, %get3A_1073 : vector<16xf32>
        %mul3A_1076 = arith.mulf %get3A_1073, %get3A_1073 : vector<16xf32>
        %add3A_1077 = arith.addf %add3A_1068, %mul3A_1076 : vector<16xf32>
        %get3A_1078 = arith.constant 57 : i32
        %get3A_1079 = arith.index_cast %get3A_1078 : i32 to index
        %get3A_1080 = arith.index_cast %mul3A_523 : i32 to index
        %get3A_1081 = tpu.vector_load %arg14[%get3A_1079, %get3A_1080] {strides = array<i32>} : memref<128x256xf32, #tpu.memory_space<vmem>>, vector<1x16xf32>,
        %get3A_1082 = vector.shape_cast %get3A_1081 : vector<1x16xf32> to vector<16xf32>
        %max3A_1083 = arith.maximumf %max3A_1074, %get3A_1082 : vector<16xf32>
        %add3A_1084 = arith.addf %add3A_1075, %get3A_1082 : vector<16xf32>
        %mul3A_1085 = arith.mulf %get3A_1082, %get3A_1082 : vector<16xf32>
        %add3A_1086 = arith.addf %add3A_1077, %mul3A_1085 : vector<16xf32>
        %get3A_1087 = arith.constant 58 : i32
        %get3A_1088 = arith.index_cast %get3A_1087 : i32 to index
        %get3A_1089 = arith.index_cast %mul3A_523 : i32 to index
        %get3A_1090 = tpu.vector_load %arg14[%get3A_1088, %get3A_1089] {strides = array<i32>} : memref<128x256xf32, #tpu.memory_space<vmem>>, vector<1x16xf32>,
        %get3A_1091 = vector.shape_cast %get3A_1090 : vector<1x16xf32> to vector<16xf32>
        %max3A_1092 = arith.maximumf %max3A_1083, %get3A_1091 : vector<16xf32>
        %add3A_1093 = arith.addf %add3A_1084, %get3A_1091 : vector<16xf32>
        %mul3A_1094 = arith.mulf %get3A_1091, %get3A_1091 : vector<16xf32>
        %add3A_1095 = arith.addf %add3A_1086, %mul3A_1094 : vector<16xf32>
        %get3A_1096 = arith.constant 59 : i32
        %get3A_1097 = arith.index_cast %get3A_1096 : i32 to index
        %get3A_1098 = arith.index_cast %mul3A_523 : i32 to index
        %get3A_1099 = tpu.vector_load %arg14[%get3A_1097, %get3A_1098] {strides = array<i32>} : memref<128x256xf32, #tpu.memory_space<vmem>>, vector<1x16xf32>,
        %get3A_1100 = vector.shape_cast %get3A_1099 : vector<1x16xf32> to vector<16xf32>
        %max3A_1101 = arith.maximumf %max3A_1092, %get3A_1100 : vector<16xf32>
        %add3A_1102 = arith.addf %add3A_1093, %get3A_1100 : vector<16xf32>
        %mul3A_1103 = arith.mulf %get3A_1100, %get3A_1100 : vector<16xf32>
        %add3A_1104 = arith.addf %add3A_1095, %mul3A_1103 : vector<16xf32>
        %get3A_1105 = arith.constant 60 : i32
        %get3A_1106 = arith.index_cast %get3A_1105 : i32 to index
        %get3A_1107 = arith.index_cast %mul3A_523 : i32 to index
        %get3A_1108 = tpu.vector_load %arg14[%get3A_1106, %get3A_1107] {strides = array<i32>} : memref<128x256xf32, #tpu.memory_space<vmem>>, vector<1x16xf32>,
        %get3A_1109 = vector.shape_cast %get3A_1108 : vector<1x16xf32> to vector<16xf32>
        %max3A_1110 = arith.maximumf %max3A_1101, %get3A_1109 : vector<16xf32>
        %add3A_1111 = arith.addf %add3A_1102, %get3A_1109 : vector<16xf32>
        %mul3A_1112 = arith.mulf %get3A_1109, %get3A_1109 : vector<16xf32>
        %add3A_1113 = arith.addf %add3A_1104, %mul3A_1112 : vector<16xf32>
        %get3A_1114 = arith.constant 61 : i32
        %get3A_1115 = arith.index_cast %get3A_1114 : i32 to index
        %get3A_1116 = arith.index_cast %mul3A_523 : i32 to index
        %get3A_1117 = tpu.vector_load %arg14[%get3A_1115, %get3A_1116] {strides = array<i32>} : memref<128x256xf32, #tpu.memory_space<vmem>>, vector<1x16xf32>,
        %get3A_1118 = vector.shape_cast %get3A_1117 : vector<1x16xf32> to vector<16xf32>
        %max3A_1119 = arith.maximumf %max3A_1110, %get3A_1118 : vector<16xf32>
        %add3A_1120 = arith.addf %add3A_1111, %get3A_1118 : vector<16xf32>
        %mul3A_1121 = arith.mulf %get3A_1118, %get3A_1118 : vector<16xf32>
        %add3A_1122 = arith.addf %add3A_1113, %mul3A_1121 : vector<16xf32>
        %get3A_1123 = arith.constant 62 : i32
        %get3A_1124 = arith.index_cast %get3A_1123 : i32 to index
        %get3A_1125 = arith.index_cast %mul3A_523 : i32 to index
        %get3A_1126 = tpu.vector_load %arg14[%get3A_1124, %get3A_1125] {strides = array<i32>} : memref<128x256xf32, #tpu.memory_space<vmem>>, vector<1x16xf32>,
        %get3A_1127 = vector.shape_cast %get3A_1126 : vector<1x16xf32> to vector<16xf32>
        %max3A_1128 = arith.maximumf %max3A_1119, %get3A_1127 : vector<16xf32>
        %add3A_1129 = arith.addf %add3A_1120, %get3A_1127 : vector<16xf32>
        %mul3A_1130 = arith.mulf %get3A_1127, %get3A_1127 : vector<16xf32>
        %add3A_1131 = arith.addf %add3A_1122, %mul3A_1130 : vector<16xf32>
        %get3A_1132 = arith.constant 63 : i32
        %get3A_1133 = arith.index_cast %get3A_1132 : i32 to index
        %get3A_1134 = arith.index_cast %mul3A_523 : i32 to index
        %get3A_1135 = tpu.vector_load %arg14[%get3A_1133, %get3A_1134] {strides = array<i32>} : memref<128x256xf32, #tpu.memory_space<vmem>>, vector<1x16xf32>,
        %get3A_1136 = vector.shape_cast %get3A_1135 : vector<1x16xf32> to vector<16xf32>
        %max3A_1137 = arith.maximumf %max3A_1128, %get3A_1136 : vector<16xf32>
        %add3A_1138 = arith.addf %add3A_1129, %get3A_1136 : vector<16xf32>
        %mul3A_1139 = arith.mulf %get3A_1136, %get3A_1136 : vector<16xf32>
        %add3A_1140 = arith.addf %add3A_1131, %mul3A_1139 : vector<16xf32>
        %swap3A_1141 = arith.constant 3 : i32
        %swap3A_1142 = arith.index_cast %swap3A_1141 : i32 to index
        %swap3A_1143 = arith.index_cast %mul3A_523 : i32 to index
        %swap3A_1144 = tpu.vector_load %arg18[%swap3A_1142, %swap3A_1143] {strides = array<i32>} : memref<8x256xf32, #tpu.memory_space<vmem>>, vector<1x16xf32>,
        %swap3A_1145 = vector.shape_cast %swap3A_1144 : vector<1x16xf32> to vector<16xf32>
        %swap3A_1146 = vector.shape_cast %max3A_1137 : vector<16xf32> to vector<1x16xf32>
        tpu.vector_store %arg18[%swap3A_1142, %swap3A_1143], %swap3A_1146 {strides = array<i32>} : memref<8x256xf32, #tpu.memory_space<vmem>>, vector<1x16xf32>,
        %get3A_1147 = arith.constant 3 : i32
        %get3A_1148 = arith.index_cast %get3A_1147 : i32 to index
        %get3A_1149 = arith.index_cast %mul3A_523 : i32 to index
        %get3A_1150 = tpu.vector_load %arg16[%get3A_1148, %get3A_1149] {strides = array<i32>} : memref<8x256xf32, #tpu.memory_space<vmem>>, vector<1x16xf32>,
        %get3A_1151 = vector.shape_cast %get3A_1150 : vector<1x16xf32> to vector<16xf32>
        %mul3A_1152 = arith.mulf %add3A_1138, %get3A_1151 : vector<16xf32>
        %add3A_1153 = arith.addf %add3A_997, %mul3A_1152 : vector<16xf32>
        %add3A_1154 = arith.addf %add3A_998, %add3A_1138 : vector<16xf32>
        %add3A_1155 = arith.addf %add3A_999, %add3A_1140 : vector<16xf32>
        %get3A_1156 = arith.constant 64 : i32
        %get3A_1157 = arith.index_cast %get3A_1156 : i32 to index
        %get3A_1158 = arith.index_cast %mul3A_523 : i32 to index
        %get3A_1159 = tpu.vector_load %arg14[%get3A_1157, %get3A_1158] {strides = array<i32>} : memref<128x256xf32, #tpu.memory_space<vmem>>, vector<1x16xf32>,
        %get3A_1160 = vector.shape_cast %get3A_1159 : vector<1x16xf32> to vector<16xf32>
        %mul3A_1161 = arith.mulf %get3A_1160, %get3A_1160 : vector<16xf32>
        %get3A_1162 = arith.constant 65 : i32
        %get3A_1163 = arith.index_cast %get3A_1162 : i32 to index
        %get3A_1164 = arith.index_cast %mul3A_523 : i32 to index
        %get3A_1165 = tpu.vector_load %arg14[%get3A_1163, %get3A_1164] {strides = array<i32>} : memref<128x256xf32, #tpu.memory_space<vmem>>, vector<1x16xf32>,
        %get3A_1166 = vector.shape_cast %get3A_1165 : vector<1x16xf32> to vector<16xf32>
        %max3A_1167 = arith.maximumf %get3A_1160, %get3A_1166 : vector<16xf32>
        %add3A_1168 = arith.addf %get3A_1160, %get3A_1166 : vector<16xf32>
        %mul3A_1169 = arith.mulf %get3A_1166, %get3A_1166 : vector<16xf32>
        %add3A_1170 = arith.addf %mul3A_1161, %mul3A_1169 : vector<16xf32>
        %get3A_1171 = arith.constant 66 : i32
        %get3A_1172 = arith.index_cast %get3A_1171 : i32 to index
        %get3A_1173 = arith.index_cast %mul3A_523 : i32 to index
        %get3A_1174 = tpu.vector_load %arg14[%get3A_1172, %get3A_1173] {strides = array<i32>} : memref<128x256xf32, #tpu.memory_space<vmem>>, vector<1x16xf32>,
        %get3A_1175 = vector.shape_cast %get3A_1174 : vector<1x16xf32> to vector<16xf32>
        %max3A_1176 = arith.maximumf %max3A_1167, %get3A_1175 : vector<16xf32>
        %add3A_1177 = arith.addf %add3A_1168, %get3A_1175 : vector<16xf32>
        %mul3A_1178 = arith.mulf %get3A_1175, %get3A_1175 : vector<16xf32>
        %add3A_1179 = arith.addf %add3A_1170, %mul3A_1178 : vector<16xf32>
        %get3A_1180 = arith.constant 67 : i32
        %get3A_1181 = arith.index_cast %get3A_1180 : i32 to index
        %get3A_1182 = arith.index_cast %mul3A_523 : i32 to index
        %get3A_1183 = tpu.vector_load %arg14[%get3A_1181, %get3A_1182] {strides = array<i32>} : memref<128x256xf32, #tpu.memory_space<vmem>>, vector<1x16xf32>,
        %get3A_1184 = vector.shape_cast %get3A_1183 : vector<1x16xf32> to vector<16xf32>
        %max3A_1185 = arith.maximumf %max3A_1176, %get3A_1184 : vector<16xf32>
        %add3A_1186 = arith.addf %add3A_1177, %get3A_1184 : vector<16xf32>
        %mul3A_1187 = arith.mulf %get3A_1184, %get3A_1184 : vector<16xf32>
        %add3A_1188 = arith.addf %add3A_1179, %mul3A_1187 : vector<16xf32>
        %get3A_1189 = arith.constant 68 : i32
        %get3A_1190 = arith.index_cast %get3A_1189 : i32 to index
        %get3A_1191 = arith.index_cast %mul3A_523 : i32 to index
        %get3A_1192 = tpu.vector_load %arg14[%get3A_1190, %get3A_1191] {strides = array<i32>} : memref<128x256xf32, #tpu.memory_space<vmem>>, vector<1x16xf32>,
        %get3A_1193 = vector.shape_cast %get3A_1192 : vector<1x16xf32> to vector<16xf32>
        %max3A_1194 = arith.maximumf %max3A_1185, %get3A_1193 : vector<16xf32>
        %add3A_1195 = arith.addf %add3A_1186, %get3A_1193 : vector<16xf32>
        %mul3A_1196 = arith.mulf %get3A_1193, %get3A_1193 : vector<16xf32>
        %add3A_1197 = arith.addf %add3A_1188, %mul3A_1196 : vector<16xf32>
        %get3A_1198 = arith.constant 69 : i32
        %get3A_1199 = arith.index_cast %get3A_1198 : i32 to index
        %get3A_1200 = arith.index_cast %mul3A_523 : i32 to index
        %get3A_1201 = tpu.vector_load %arg14[%get3A_1199, %get3A_1200] {strides = array<i32>} : memref<128x256xf32, #tpu.memory_space<vmem>>, vector<1x16xf32>,
        %get3A_1202 = vector.shape_cast %get3A_1201 : vector<1x16xf32> to vector<16xf32>
        %max3A_1203 = arith.maximumf %max3A_1194, %get3A_1202 : vector<16xf32>
        %add3A_1204 = arith.addf %add3A_1195, %get3A_1202 : vector<16xf32>
        %mul3A_1205 = arith.mulf %get3A_1202, %get3A_1202 : vector<16xf32>
        %add3A_1206 = arith.addf %add3A_1197, %mul3A_1205 : vector<16xf32>
        %get3A_1207 = arith.constant 70 : i32
        %get3A_1208 = arith.index_cast %get3A_1207 : i32 to index
        %get3A_1209 = arith.index_cast %mul3A_523 : i32 to index
        %get3A_1210 = tpu.vector_load %arg14[%get3A_1208, %get3A_1209] {strides = array<i32>} : memref<128x256xf32, #tpu.memory_space<vmem>>, vector<1x16xf32>,
        %get3A_1211 = vector.shape_cast %get3A_1210 : vector<1x16xf32> to vector<16xf32>
        %max3A_1212 = arith.maximumf %max3A_1203, %get3A_1211 : vector<16xf32>
        %add3A_1213 = arith.addf %add3A_1204, %get3A_1211 : vector<16xf32>
        %mul3A_1214 = arith.mulf %get3A_1211, %get3A_1211 : vector<16xf32>
        %add3A_1215 = arith.addf %add3A_1206, %mul3A_1214 : vector<16xf32>
        %get3A_1216 = arith.constant 71 : i32
        %get3A_1217 = arith.index_cast %get3A_1216 : i32 to index
        %get3A_1218 = arith.index_cast %mul3A_523 : i32 to index
        %get3A_1219 = tpu.vector_load %arg14[%get3A_1217, %get3A_1218] {strides = array<i32>} : memref<128x256xf32, #tpu.memory_space<vmem>>, vector<1x16xf32>,
        %get3A_1220 = vector.shape_cast %get3A_1219 : vector<1x16xf32> to vector<16xf32>
        %max3A_1221 = arith.maximumf %max3A_1212, %get3A_1220 : vector<16xf32>
        %add3A_1222 = arith.addf %add3A_1213, %get3A_1220 : vector<16xf32>
        %mul3A_1223 = arith.mulf %get3A_1220, %get3A_1220 : vector<16xf32>
        %add3A_1224 = arith.addf %add3A_1215, %mul3A_1223 : vector<16xf32>
        %get3A_1225 = arith.constant 72 : i32
        %get3A_1226 = arith.index_cast %get3A_1225 : i32 to index
        %get3A_1227 = arith.index_cast %mul3A_523 : i32 to index
        %get3A_1228 = tpu.vector_load %arg14[%get3A_1226, %get3A_1227] {strides = array<i32>} : memref<128x256xf32, #tpu.memory_space<vmem>>, vector<1x16xf32>,
        %get3A_1229 = vector.shape_cast %get3A_1228 : vector<1x16xf32> to vector<16xf32>
        %max3A_1230 = arith.maximumf %max3A_1221, %get3A_1229 : vector<16xf32>
        %add3A_1231 = arith.addf %add3A_1222, %get3A_1229 : vector<16xf32>
        %mul3A_1232 = arith.mulf %get3A_1229, %get3A_1229 : vector<16xf32>
        %add3A_1233 = arith.addf %add3A_1224, %mul3A_1232 : vector<16xf32>
        %get3A_1234 = arith.constant 73 : i32
        %get3A_1235 = arith.index_cast %get3A_1234 : i32 to index
        %get3A_1236 = arith.index_cast %mul3A_523 : i32 to index
        %get3A_1237 = tpu.vector_load %arg14[%get3A_1235, %get3A_1236] {strides = array<i32>} : memref<128x256xf32, #tpu.memory_space<vmem>>, vector<1x16xf32>,
        %get3A_1238 = vector.shape_cast %get3A_1237 : vector<1x16xf32> to vector<16xf32>
        %max3A_1239 = arith.maximumf %max3A_1230, %get3A_1238 : vector<16xf32>
        %add3A_1240 = arith.addf %add3A_1231, %get3A_1238 : vector<16xf32>
        %mul3A_1241 = arith.mulf %get3A_1238, %get3A_1238 : vector<16xf32>
        %add3A_1242 = arith.addf %add3A_1233, %mul3A_1241 : vector<16xf32>
        %get3A_1243 = arith.constant 74 : i32
        %get3A_1244 = arith.index_cast %get3A_1243 : i32 to index
        %get3A_1245 = arith.index_cast %mul3A_523 : i32 to index
        %get3A_1246 = tpu.vector_load %arg14[%get3A_1244, %get3A_1245] {strides = array<i32>} : memref<128x256xf32, #tpu.memory_space<vmem>>, vector<1x16xf32>,
        %get3A_1247 = vector.shape_cast %get3A_1246 : vector<1x16xf32> to vector<16xf32>
        %max3A_1248 = arith.maximumf %max3A_1239, %get3A_1247 : vector<16xf32>
        %add3A_1249 = arith.addf %add3A_1240, %get3A_1247 : vector<16xf32>
        %mul3A_1250 = arith.mulf %get3A_1247, %get3A_1247 : vector<16xf32>
        %add3A_1251 = arith.addf %add3A_1242, %mul3A_1250 : vector<16xf32>
        %get3A_1252 = arith.constant 75 : i32
        %get3A_1253 = arith.index_cast %get3A_1252 : i32 to index
        %get3A_1254 = arith.index_cast %mul3A_523 : i32 to index
        %get3A_1255 = tpu.vector_load %arg14[%get3A_1253, %get3A_1254] {strides = array<i32>} : memref<128x256xf32, #tpu.memory_space<vmem>>, vector<1x16xf32>,
        %get3A_1256 = vector.shape_cast %get3A_1255 : vector<1x16xf32> to vector<16xf32>
        %max3A_1257 = arith.maximumf %max3A_1248, %get3A_1256 : vector<16xf32>
        %add3A_1258 = arith.addf %add3A_1249, %get3A_1256 : vector<16xf32>
        %mul3A_1259 = arith.mulf %get3A_1256, %get3A_1256 : vector<16xf32>
        %add3A_1260 = arith.addf %add3A_1251, %mul3A_1259 : vector<16xf32>
        %get3A_1261 = arith.constant 76 : i32
        %get3A_1262 = arith.index_cast %get3A_1261 : i32 to index
        %get3A_1263 = arith.index_cast %mul3A_523 : i32 to index
        %get3A_1264 = tpu.vector_load %arg14[%get3A_1262, %get3A_1263] {strides = array<i32>} : memref<128x256xf32, #tpu.memory_space<vmem>>, vector<1x16xf32>,
        %get3A_1265 = vector.shape_cast %get3A_1264 : vector<1x16xf32> to vector<16xf32>
        %max3A_1266 = arith.maximumf %max3A_1257, %get3A_1265 : vector<16xf32>
        %add3A_1267 = arith.addf %add3A_1258, %get3A_1265 : vector<16xf32>
        %mul3A_1268 = arith.mulf %get3A_1265, %get3A_1265 : vector<16xf32>
        %add3A_1269 = arith.addf %add3A_1260, %mul3A_1268 : vector<16xf32>
        %get3A_1270 = arith.constant 77 : i32
        %get3A_1271 = arith.index_cast %get3A_1270 : i32 to index
        %get3A_1272 = arith.index_cast %mul3A_523 : i32 to index
        %get3A_1273 = tpu.vector_load %arg14[%get3A_1271, %get3A_1272] {strides = array<i32>} : memref<128x256xf32, #tpu.memory_space<vmem>>, vector<1x16xf32>,
        %get3A_1274 = vector.shape_cast %get3A_1273 : vector<1x16xf32> to vector<16xf32>
        %max3A_1275 = arith.maximumf %max3A_1266, %get3A_1274 : vector<16xf32>
        %add3A_1276 = arith.addf %add3A_1267, %get3A_1274 : vector<16xf32>
        %mul3A_1277 = arith.mulf %get3A_1274, %get3A_1274 : vector<16xf32>
        %add3A_1278 = arith.addf %add3A_1269, %mul3A_1277 : vector<16xf32>
        %get3A_1279 = arith.constant 78 : i32
        %get3A_1280 = arith.index_cast %get3A_1279 : i32 to index
        %get3A_1281 = arith.index_cast %mul3A_523 : i32 to index
        %get3A_1282 = tpu.vector_load %arg14[%get3A_1280, %get3A_1281] {strides = array<i32>} : memref<128x256xf32, #tpu.memory_space<vmem>>, vector<1x16xf32>,
        %get3A_1283 = vector.shape_cast %get3A_1282 : vector<1x16xf32> to vector<16xf32>
        %max3A_1284 = arith.maximumf %max3A_1275, %get3A_1283 : vector<16xf32>
        %add3A_1285 = arith.addf %add3A_1276, %get3A_1283 : vector<16xf32>
        %mul3A_1286 = arith.mulf %get3A_1283, %get3A_1283 : vector<16xf32>
        %add3A_1287 = arith.addf %add3A_1278, %mul3A_1286 : vector<16xf32>
        %get3A_1288 = arith.constant 79 : i32
        %get3A_1289 = arith.index_cast %get3A_1288 : i32 to index
        %get3A_1290 = arith.index_cast %mul3A_523 : i32 to index
        %get3A_1291 = tpu.vector_load %arg14[%get3A_1289, %get3A_1290] {strides = array<i32>} : memref<128x256xf32, #tpu.memory_space<vmem>>, vector<1x16xf32>,
        %get3A_1292 = vector.shape_cast %get3A_1291 : vector<1x16xf32> to vector<16xf32>
        %max3A_1293 = arith.maximumf %max3A_1284, %get3A_1292 : vector<16xf32>
        %add3A_1294 = arith.addf %add3A_1285, %get3A_1292 : vector<16xf32>
        %mul3A_1295 = arith.mulf %get3A_1292, %get3A_1292 : vector<16xf32>
        %add3A_1296 = arith.addf %add3A_1287, %mul3A_1295 : vector<16xf32>
        %swap3A_1297 = arith.constant 4 : i32
        %swap3A_1298 = arith.index_cast %swap3A_1297 : i32 to index
        %swap3A_1299 = arith.index_cast %mul3A_523 : i32 to index
        %swap3A_1300 = tpu.vector_load %arg18[%swap3A_1298, %swap3A_1299] {strides = array<i32>} : memref<8x256xf32, #tpu.memory_space<vmem>>, vector<1x16xf32>,
        %swap3A_1301 = vector.shape_cast %swap3A_1300 : vector<1x16xf32> to vector<16xf32>
        %swap3A_1302 = vector.shape_cast %max3A_1293 : vector<16xf32> to vector<1x16xf32>
        tpu.vector_store %arg18[%swap3A_1298, %swap3A_1299], %swap3A_1302 {strides = array<i32>} : memref<8x256xf32, #tpu.memory_space<vmem>>, vector<1x16xf32>,
        %get3A_1303 = arith.constant 4 : i32
        %get3A_1304 = arith.index_cast %get3A_1303 : i32 to index
        %get3A_1305 = arith.index_cast %mul3A_523 : i32 to index
        %get3A_1306 = tpu.vector_load %arg16[%get3A_1304, %get3A_1305] {strides = array<i32>} : memref<8x256xf32, #tpu.memory_space<vmem>>, vector<1x16xf32>,
        %get3A_1307 = vector.shape_cast %get3A_1306 : vector<1x16xf32> to vector<16xf32>
        %mul3A_1308 = arith.mulf %add3A_1294, %get3A_1307 : vector<16xf32>
        %add3A_1309 = arith.addf %add3A_1153, %mul3A_1308 : vector<16xf32>
        %add3A_1310 = arith.addf %add3A_1154, %add3A_1294 : vector<16xf32>
        %add3A_1311 = arith.addf %add3A_1155, %add3A_1296 : vector<16xf32>
        %get3A_1312 = arith.constant 80 : i32
        %get3A_1313 = arith.index_cast %get3A_1312 : i32 to index
        %get3A_1314 = arith.index_cast %mul3A_523 : i32 to index
        %get3A_1315 = tpu.vector_load %arg14[%get3A_1313, %get3A_1314] {strides = array<i32>} : memref<128x256xf32, #tpu.memory_space<vmem>>, vector<1x16xf32>,
        %get3A_1316 = vector.shape_cast %get3A_1315 : vector<1x16xf32> to vector<16xf32>
        %mul3A_1317 = arith.mulf %get3A_1316, %get3A_1316 : vector<16xf32>
        %get3A_1318 = arith.constant 81 : i32
        %get3A_1319 = arith.index_cast %get3A_1318 : i32 to index
        %get3A_1320 = arith.index_cast %mul3A_523 : i32 to index
        %get3A_1321 = tpu.vector_load %arg14[%get3A_1319, %get3A_1320] {strides = array<i32>} : memref<128x256xf32, #tpu.memory_space<vmem>>, vector<1x16xf32>,
        %get3A_1322 = vector.shape_cast %get3A_1321 : vector<1x16xf32> to vector<16xf32>
        %max3A_1323 = arith.maximumf %get3A_1316, %get3A_1322 : vector<16xf32>
        %add3A_1324 = arith.addf %get3A_1316, %get3A_1322 : vector<16xf32>
        %mul3A_1325 = arith.mulf %get3A_1322, %get3A_1322 : vector<16xf32>
        %add3A_1326 = arith.addf %mul3A_1317, %mul3A_1325 : vector<16xf32>
        %get3A_1327 = arith.constant 82 : i32
        %get3A_1328 = arith.index_cast %get3A_1327 : i32 to index
        %get3A_1329 = arith.index_cast %mul3A_523 : i32 to index
        %get3A_1330 = tpu.vector_load %arg14[%get3A_1328, %get3A_1329] {strides = array<i32>} : memref<128x256xf32, #tpu.memory_space<vmem>>, vector<1x16xf32>,
        %get3A_1331 = vector.shape_cast %get3A_1330 : vector<1x16xf32> to vector<16xf32>
        %max3A_1332 = arith.maximumf %max3A_1323, %get3A_1331 : vector<16xf32>
        %add3A_1333 = arith.addf %add3A_1324, %get3A_1331 : vector<16xf32>
        %mul3A_1334 = arith.mulf %get3A_1331, %get3A_1331 : vector<16xf32>
        %add3A_1335 = arith.addf %add3A_1326, %mul3A_1334 : vector<16xf32>
        %get3A_1336 = arith.constant 83 : i32
        %get3A_1337 = arith.index_cast %get3A_1336 : i32 to index
        %get3A_1338 = arith.index_cast %mul3A_523 : i32 to index
        %get3A_1339 = tpu.vector_load %arg14[%get3A_1337, %get3A_1338] {strides = array<i32>} : memref<128x256xf32, #tpu.memory_space<vmem>>, vector<1x16xf32>,
        %get3A_1340 = vector.shape_cast %get3A_1339 : vector<1x16xf32> to vector<16xf32>
        %max3A_1341 = arith.maximumf %max3A_1332, %get3A_1340 : vector<16xf32>
        %add3A_1342 = arith.addf %add3A_1333, %get3A_1340 : vector<16xf32>
        %mul3A_1343 = arith.mulf %get3A_1340, %get3A_1340 : vector<16xf32>
        %add3A_1344 = arith.addf %add3A_1335, %mul3A_1343 : vector<16xf32>
        %get3A_1345 = arith.constant 84 : i32
        %get3A_1346 = arith.index_cast %get3A_1345 : i32 to index
        %get3A_1347 = arith.index_cast %mul3A_523 : i32 to index
        %get3A_1348 = tpu.vector_load %arg14[%get3A_1346, %get3A_1347] {strides = array<i32>} : memref<128x256xf32, #tpu.memory_space<vmem>>, vector<1x16xf32>,
        %get3A_1349 = vector.shape_cast %get3A_1348 : vector<1x16xf32> to vector<16xf32>
        %max3A_1350 = arith.maximumf %max3A_1341, %get3A_1349 : vector<16xf32>
        %add3A_1351 = arith.addf %add3A_1342, %get3A_1349 : vector<16xf32>
        %mul3A_1352 = arith.mulf %get3A_1349, %get3A_1349 : vector<16xf32>
        %add3A_1353 = arith.addf %add3A_1344, %mul3A_1352 : vector<16xf32>
        %get3A_1354 = arith.constant 85 : i32
        %get3A_1355 = arith.index_cast %get3A_1354 : i32 to index
        %get3A_1356 = arith.index_cast %mul3A_523 : i32 to index
        %get3A_1357 = tpu.vector_load %arg14[%get3A_1355, %get3A_1356] {strides = array<i32>} : memref<128x256xf32, #tpu.memory_space<vmem>>, vector<1x16xf32>,
        %get3A_1358 = vector.shape_cast %get3A_1357 : vector<1x16xf32> to vector<16xf32>
        %max3A_1359 = arith.maximumf %max3A_1350, %get3A_1358 : vector<16xf32>
        %add3A_1360 = arith.addf %add3A_1351, %get3A_1358 : vector<16xf32>
        %mul3A_1361 = arith.mulf %get3A_1358, %get3A_1358 : vector<16xf32>
        %add3A_1362 = arith.addf %add3A_1353, %mul3A_1361 : vector<16xf32>
        %get3A_1363 = arith.constant 86 : i32
        %get3A_1364 = arith.index_cast %get3A_1363 : i32 to index
        %get3A_1365 = arith.index_cast %mul3A_523 : i32 to index
        %get3A_1366 = tpu.vector_load %arg14[%get3A_1364, %get3A_1365] {strides = array<i32>} : memref<128x256xf32, #tpu.memory_space<vmem>>, vector<1x16xf32>,
        %get3A_1367 = vector.shape_cast %get3A_1366 : vector<1x16xf32> to vector<16xf32>
        %max3A_1368 = arith.maximumf %max3A_1359, %get3A_1367 : vector<16xf32>
        %add3A_1369 = arith.addf %add3A_1360, %get3A_1367 : vector<16xf32>
        %mul3A_1370 = arith.mulf %get3A_1367, %get3A_1367 : vector<16xf32>
        %add3A_1371 = arith.addf %add3A_1362, %mul3A_1370 : vector<16xf32>
        %get3A_1372 = arith.constant 87 : i32
        %get3A_1373 = arith.index_cast %get3A_1372 : i32 to index
        %get3A_1374 = arith.index_cast %mul3A_523 : i32 to index
        %get3A_1375 = tpu.vector_load %arg14[%get3A_1373, %get3A_1374] {strides = array<i32>} : memref<128x256xf32, #tpu.memory_space<vmem>>, vector<1x16xf32>,
        %get3A_1376 = vector.shape_cast %get3A_1375 : vector<1x16xf32> to vector<16xf32>
        %max3A_1377 = arith.maximumf %max3A_1368, %get3A_1376 : vector<16xf32>
        %add3A_1378 = arith.addf %add3A_1369, %get3A_1376 : vector<16xf32>
        %mul3A_1379 = arith.mulf %get3A_1376, %get3A_1376 : vector<16xf32>
        %add3A_1380 = arith.addf %add3A_1371, %mul3A_1379 : vector<16xf32>
        %get3A_1381 = arith.constant 88 : i32
        %get3A_1382 = arith.index_cast %get3A_1381 : i32 to index
        %get3A_1383 = arith.index_cast %mul3A_523 : i32 to index
        %get3A_1384 = tpu.vector_load %arg14[%get3A_1382, %get3A_1383] {strides = array<i32>} : memref<128x256xf32, #tpu.memory_space<vmem>>, vector<1x16xf32>,
        %get3A_1385 = vector.shape_cast %get3A_1384 : vector<1x16xf32> to vector<16xf32>
        %max3A_1386 = arith.maximumf %max3A_1377, %get3A_1385 : vector<16xf32>
        %add3A_1387 = arith.addf %add3A_1378, %get3A_1385 : vector<16xf32>
        %mul3A_1388 = arith.mulf %get3A_1385, %get3A_1385 : vector<16xf32>
        %add3A_1389 = arith.addf %add3A_1380, %mul3A_1388 : vector<16xf32>
        %get3A_1390 = arith.constant 89 : i32
        %get3A_1391 = arith.index_cast %get3A_1390 : i32 to index
        %get3A_1392 = arith.index_cast %mul3A_523 : i32 to index
        %get3A_1393 = tpu.vector_load %arg14[%get3A_1391, %get3A_1392] {strides = array<i32>} : memref<128x256xf32, #tpu.memory_space<vmem>>, vector<1x16xf32>,
        %get3A_1394 = vector.shape_cast %get3A_1393 : vector<1x16xf32> to vector<16xf32>
        %max3A_1395 = arith.maximumf %max3A_1386, %get3A_1394 : vector<16xf32>
        %add3A_1396 = arith.addf %add3A_1387, %get3A_1394 : vector<16xf32>
        %mul3A_1397 = arith.mulf %get3A_1394, %get3A_1394 : vector<16xf32>
        %add3A_1398 = arith.addf %add3A_1389, %mul3A_1397 : vector<16xf32>
        %get3A_1399 = arith.constant 90 : i32
        %get3A_1400 = arith.index_cast %get3A_1399 : i32 to index
        %get3A_1401 = arith.index_cast %mul3A_523 : i32 to index
        %get3A_1402 = tpu.vector_load %arg14[%get3A_1400, %get3A_1401] {strides = array<i32>} : memref<128x256xf32, #tpu.memory_space<vmem>>, vector<1x16xf32>,
        %get3A_1403 = vector.shape_cast %get3A_1402 : vector<1x16xf32> to vector<16xf32>
        %max3A_1404 = arith.maximumf %max3A_1395, %get3A_1403 : vector<16xf32>
        %add3A_1405 = arith.addf %add3A_1396, %get3A_1403 : vector<16xf32>
        %mul3A_1406 = arith.mulf %get3A_1403, %get3A_1403 : vector<16xf32>
        %add3A_1407 = arith.addf %add3A_1398, %mul3A_1406 : vector<16xf32>
        %get3A_1408 = arith.constant 91 : i32
        %get3A_1409 = arith.index_cast %get3A_1408 : i32 to index
        %get3A_1410 = arith.index_cast %mul3A_523 : i32 to index
        %get3A_1411 = tpu.vector_load %arg14[%get3A_1409, %get3A_1410] {strides = array<i32>} : memref<128x256xf32, #tpu.memory_space<vmem>>, vector<1x16xf32>,
        %get3A_1412 = vector.shape_cast %get3A_1411 : vector<1x16xf32> to vector<16xf32>
        %max3A_1413 = arith.maximumf %max3A_1404, %get3A_1412 : vector<16xf32>
        %add3A_1414 = arith.addf %add3A_1405, %get3A_1412 : vector<16xf32>
        %mul3A_1415 = arith.mulf %get3A_1412, %get3A_1412 : vector<16xf32>
        %add3A_1416 = arith.addf %add3A_1407, %mul3A_1415 : vector<16xf32>
        %get3A_1417 = arith.constant 92 : i32
        %get3A_1418 = arith.index_cast %get3A_1417 : i32 to index
        %get3A_1419 = arith.index_cast %mul3A_523 : i32 to index
        %get3A_1420 = tpu.vector_load %arg14[%get3A_1418, %get3A_1419] {strides = array<i32>} : memref<128x256xf32, #tpu.memory_space<vmem>>, vector<1x16xf32>,
        %get3A_1421 = vector.shape_cast %get3A_1420 : vector<1x16xf32> to vector<16xf32>
        %max3A_1422 = arith.maximumf %max3A_1413, %get3A_1421 : vector<16xf32>
        %add3A_1423 = arith.addf %add3A_1414, %get3A_1421 : vector<16xf32>
        %mul3A_1424 = arith.mulf %get3A_1421, %get3A_1421 : vector<16xf32>
        %add3A_1425 = arith.addf %add3A_1416, %mul3A_1424 : vector<16xf32>
        %get3A_1426 = arith.constant 93 : i32
        %get3A_1427 = arith.index_cast %get3A_1426 : i32 to index
        %get3A_1428 = arith.index_cast %mul3A_523 : i32 to index
        %get3A_1429 = tpu.vector_load %arg14[%get3A_1427, %get3A_1428] {strides = array<i32>} : memref<128x256xf32, #tpu.memory_space<vmem>>, vector<1x16xf32>,
        %get3A_1430 = vector.shape_cast %get3A_1429 : vector<1x16xf32> to vector<16xf32>
        %max3A_1431 = arith.maximumf %max3A_1422, %get3A_1430 : vector<16xf32>
        %add3A_1432 = arith.addf %add3A_1423, %get3A_1430 : vector<16xf32>
        %mul3A_1433 = arith.mulf %get3A_1430, %get3A_1430 : vector<16xf32>
        %add3A_1434 = arith.addf %add3A_1425, %mul3A_1433 : vector<16xf32>
        %get3A_1435 = arith.constant 94 : i32
        %get3A_1436 = arith.index_cast %get3A_1435 : i32 to index
        %get3A_1437 = arith.index_cast %mul3A_523 : i32 to index
        %get3A_1438 = tpu.vector_load %arg14[%get3A_1436, %get3A_1437] {strides = array<i32>} : memref<128x256xf32, #tpu.memory_space<vmem>>, vector<1x16xf32>,
        %get3A_1439 = vector.shape_cast %get3A_1438 : vector<1x16xf32> to vector<16xf32>
        %max3A_1440 = arith.maximumf %max3A_1431, %get3A_1439 : vector<16xf32>
        %add3A_1441 = arith.addf %add3A_1432, %get3A_1439 : vector<16xf32>
        %mul3A_1442 = arith.mulf %get3A_1439, %get3A_1439 : vector<16xf32>
        %add3A_1443 = arith.addf %add3A_1434, %mul3A_1442 : vector<16xf32>
        %get3A_1444 = arith.constant 95 : i32
        %get3A_1445 = arith.index_cast %get3A_1444 : i32 to index
        %get3A_1446 = arith.index_cast %mul3A_523 : i32 to index
        %get3A_1447 = tpu.vector_load %arg14[%get3A_1445, %get3A_1446] {strides = array<i32>} : memref<128x256xf32, #tpu.memory_space<vmem>>, vector<1x16xf32>,
        %get3A_1448 = vector.shape_cast %get3A_1447 : vector<1x16xf32> to vector<16xf32>
        %max3A_1449 = arith.maximumf %max3A_1440, %get3A_1448 : vector<16xf32>
        %add3A_1450 = arith.addf %add3A_1441, %get3A_1448 : vector<16xf32>
        %mul3A_1451 = arith.mulf %get3A_1448, %get3A_1448 : vector<16xf32>
        %add3A_1452 = arith.addf %add3A_1443, %mul3A_1451 : vector<16xf32>
        %swap3A_1453 = arith.constant 5 : i32
        %swap3A_1454 = arith.index_cast %swap3A_1453 : i32 to index
        %swap3A_1455 = arith.index_cast %mul3A_523 : i32 to index
        %swap3A_1456 = tpu.vector_load %arg18[%swap3A_1454, %swap3A_1455] {strides = array<i32>} : memref<8x256xf32, #tpu.memory_space<vmem>>, vector<1x16xf32>,
        %swap3A_1457 = vector.shape_cast %swap3A_1456 : vector<1x16xf32> to vector<16xf32>
        %swap3A_1458 = vector.shape_cast %max3A_1449 : vector<16xf32> to vector<1x16xf32>
        tpu.vector_store %arg18[%swap3A_1454, %swap3A_1455], %swap3A_1458 {strides = array<i32>} : memref<8x256xf32, #tpu.memory_space<vmem>>, vector<1x16xf32>,
        %get3A_1459 = arith.constant 5 : i32
        %get3A_1460 = arith.index_cast %get3A_1459 : i32 to index
        %get3A_1461 = arith.index_cast %mul3A_523 : i32 to index
        %get3A_1462 = tpu.vector_load %arg16[%get3A_1460, %get3A_1461] {strides = array<i32>} : memref<8x256xf32, #tpu.memory_space<vmem>>, vector<1x16xf32>,
        %get3A_1463 = vector.shape_cast %get3A_1462 : vector<1x16xf32> to vector<16xf32>
        %mul3A_1464 = arith.mulf %add3A_1450, %get3A_1463 : vector<16xf32>
        %add3A_1465 = arith.addf %add3A_1309, %mul3A_1464 : vector<16xf32>
        %add3A_1466 = arith.addf %add3A_1310, %add3A_1450 : vector<16xf32>
        %add3A_1467 = arith.addf %add3A_1311, %add3A_1452 : vector<16xf32>
        %get3A_1468 = arith.constant 96 : i32
        %get3A_1469 = arith.index_cast %get3A_1468 : i32 to index
        %get3A_1470 = arith.index_cast %mul3A_523 : i32 to index
        %get3A_1471 = tpu.vector_load %arg14[%get3A_1469, %get3A_1470] {strides = array<i32>} : memref<128x256xf32, #tpu.memory_space<vmem>>, vector<1x16xf32>,
        %get3A_1472 = vector.shape_cast %get3A_1471 : vector<1x16xf32> to vector<16xf32>
        %mul3A_1473 = arith.mulf %get3A_1472, %get3A_1472 : vector<16xf32>
        %get3A_1474 = arith.constant 97 : i32
        %get3A_1475 = arith.index_cast %get3A_1474 : i32 to index
        %get3A_1476 = arith.index_cast %mul3A_523 : i32 to index
        %get3A_1477 = tpu.vector_load %arg14[%get3A_1475, %get3A_1476] {strides = array<i32>} : memref<128x256xf32, #tpu.memory_space<vmem>>, vector<1x16xf32>,
        %get3A_1478 = vector.shape_cast %get3A_1477 : vector<1x16xf32> to vector<16xf32>
        %max3A_1479 = arith.maximumf %get3A_1472, %get3A_1478 : vector<16xf32>
        %add3A_1480 = arith.addf %get3A_1472, %get3A_1478 : vector<16xf32>
        %mul3A_1481 = arith.mulf %get3A_1478, %get3A_1478 : vector<16xf32>
        %add3A_1482 = arith.addf %mul3A_1473, %mul3A_1481 : vector<16xf32>
        %get3A_1483 = arith.constant 98 : i32
        %get3A_1484 = arith.index_cast %get3A_1483 : i32 to index
        %get3A_1485 = arith.index_cast %mul3A_523 : i32 to index
        %get3A_1486 = tpu.vector_load %arg14[%get3A_1484, %get3A_1485] {strides = array<i32>} : memref<128x256xf32, #tpu.memory_space<vmem>>, vector<1x16xf32>,
        %get3A_1487 = vector.shape_cast %get3A_1486 : vector<1x16xf32> to vector<16xf32>
        %max3A_1488 = arith.maximumf %max3A_1479, %get3A_1487 : vector<16xf32>
        %add3A_1489 = arith.addf %add3A_1480, %get3A_1487 : vector<16xf32>
        %mul3A_1490 = arith.mulf %get3A_1487, %get3A_1487 : vector<16xf32>
        %add3A_1491 = arith.addf %add3A_1482, %mul3A_1490 : vector<16xf32>
        %get3A_1492 = arith.constant 99 : i32
        %get3A_1493 = arith.index_cast %get3A_1492 : i32 to index
        %get3A_1494 = arith.index_cast %mul3A_523 : i32 to index
        %get3A_1495 = tpu.vector_load %arg14[%get3A_1493, %get3A_1494] {strides = array<i32>} : memref<128x256xf32, #tpu.memory_space<vmem>>, vector<1x16xf32>,
        %get3A_1496 = vector.shape_cast %get3A_1495 : vector<1x16xf32> to vector<16xf32>
        %max3A_1497 = arith.maximumf %max3A_1488, %get3A_1496 : vector<16xf32>
        %add3A_1498 = arith.addf %add3A_1489, %get3A_1496 : vector<16xf32>
        %mul3A_1499 = arith.mulf %get3A_1496, %get3A_1496 : vector<16xf32>
        %add3A_1500 = arith.addf %add3A_1491, %mul3A_1499 : vector<16xf32>
        %get3A_1501 = arith.constant 100 : i32
        %get3A_1502 = arith.index_cast %get3A_1501 : i32 to index
        %get3A_1503 = arith.index_cast %mul3A_523 : i32 to index
        %get3A_1504 = tpu.vector_load %arg14[%get3A_1502, %get3A_1503] {strides = array<i32>} : memref<128x256xf32, #tpu.memory_space<vmem>>, vector<1x16xf32>,
        %get3A_1505 = vector.shape_cast %get3A_1504 : vector<1x16xf32> to vector<16xf32>
        %max3A_1506 = arith.maximumf %max3A_1497, %get3A_1505 : vector<16xf32>
        %add3A_1507 = arith.addf %add3A_1498, %get3A_1505 : vector<16xf32>
        %mul3A_1508 = arith.mulf %get3A_1505, %get3A_1505 : vector<16xf32>
        %add3A_1509 = arith.addf %add3A_1500, %mul3A_1508 : vector<16xf32>
        %get3A_1510 = arith.constant 101 : i32
        %get3A_1511 = arith.index_cast %get3A_1510 : i32 to index
        %get3A_1512 = arith.index_cast %mul3A_523 : i32 to index
        %get3A_1513 = tpu.vector_load %arg14[%get3A_1511, %get3A_1512] {strides = array<i32>} : memref<128x256xf32, #tpu.memory_space<vmem>>, vector<1x16xf32>,
        %get3A_1514 = vector.shape_cast %get3A_1513 : vector<1x16xf32> to vector<16xf32>
        %max3A_1515 = arith.maximumf %max3A_1506, %get3A_1514 : vector<16xf32>
        %add3A_1516 = arith.addf %add3A_1507, %get3A_1514 : vector<16xf32>
        %mul3A_1517 = arith.mulf %get3A_1514, %get3A_1514 : vector<16xf32>
        %add3A_1518 = arith.addf %add3A_1509, %mul3A_1517 : vector<16xf32>
        %get3A_1519 = arith.constant 102 : i32
        %get3A_1520 = arith.index_cast %get3A_1519 : i32 to index
        %get3A_1521 = arith.index_cast %mul3A_523 : i32 to index
        %get3A_1522 = tpu.vector_load %arg14[%get3A_1520, %get3A_1521] {strides = array<i32>} : memref<128x256xf32, #tpu.memory_space<vmem>>, vector<1x16xf32>,
        %get3A_1523 = vector.shape_cast %get3A_1522 : vector<1x16xf32> to vector<16xf32>
        %max3A_1524 = arith.maximumf %max3A_1515, %get3A_1523 : vector<16xf32>
        %add3A_1525 = arith.addf %add3A_1516, %get3A_1523 : vector<16xf32>
        %mul3A_1526 = arith.mulf %get3A_1523, %get3A_1523 : vector<16xf32>
        %add3A_1527 = arith.addf %add3A_1518, %mul3A_1526 : vector<16xf32>
        %get3A_1528 = arith.constant 103 : i32
        %get3A_1529 = arith.index_cast %get3A_1528 : i32 to index
        %get3A_1530 = arith.index_cast %mul3A_523 : i32 to index
        %get3A_1531 = tpu.vector_load %arg14[%get3A_1529, %get3A_1530] {strides = array<i32>} : memref<128x256xf32, #tpu.memory_space<vmem>>, vector<1x16xf32>,
        %get3A_1532 = vector.shape_cast %get3A_1531 : vector<1x16xf32> to vector<16xf32>
        %max3A_1533 = arith.maximumf %max3A_1524, %get3A_1532 : vector<16xf32>
        %add3A_1534 = arith.addf %add3A_1525, %get3A_1532 : vector<16xf32>
        %mul3A_1535 = arith.mulf %get3A_1532, %get3A_1532 : vector<16xf32>
        %add3A_1536 = arith.addf %add3A_1527, %mul3A_1535 : vector<16xf32>
        %get3A_1537 = arith.constant 104 : i32
        %get3A_1538 = arith.index_cast %get3A_1537 : i32 to index
        %get3A_1539 = arith.index_cast %mul3A_523 : i32 to index
        %get3A_1540 = tpu.vector_load %arg14[%get3A_1538, %get3A_1539] {strides = array<i32>} : memref<128x256xf32, #tpu.memory_space<vmem>>, vector<1x16xf32>,
        %get3A_1541 = vector.shape_cast %get3A_1540 : vector<1x16xf32> to vector<16xf32>
        %max3A_1542 = arith.maximumf %max3A_1533, %get3A_1541 : vector<16xf32>
        %add3A_1543 = arith.addf %add3A_1534, %get3A_1541 : vector<16xf32>
        %mul3A_1544 = arith.mulf %get3A_1541, %get3A_1541 : vector<16xf32>
        %add3A_1545 = arith.addf %add3A_1536, %mul3A_1544 : vector<16xf32>
        %get3A_1546 = arith.constant 105 : i32
        %get3A_1547 = arith.index_cast %get3A_1546 : i32 to index
        %get3A_1548 = arith.index_cast %mul3A_523 : i32 to index
        %get3A_1549 = tpu.vector_load %arg14[%get3A_1547, %get3A_1548] {strides = array<i32>} : memref<128x256xf32, #tpu.memory_space<vmem>>, vector<1x16xf32>,
        %get3A_1550 = vector.shape_cast %get3A_1549 : vector<1x16xf32> to vector<16xf32>
        %max3A_1551 = arith.maximumf %max3A_1542, %get3A_1550 : vector<16xf32>
        %add3A_1552 = arith.addf %add3A_1543, %get3A_1550 : vector<16xf32>
        %mul3A_1553 = arith.mulf %get3A_1550, %get3A_1550 : vector<16xf32>
        %add3A_1554 = arith.addf %add3A_1545, %mul3A_1553 : vector<16xf32>
        %get3A_1555 = arith.constant 106 : i32
        %get3A_1556 = arith.index_cast %get3A_1555 : i32 to index
        %get3A_1557 = arith.index_cast %mul3A_523 : i32 to index
        %get3A_1558 = tpu.vector_load %arg14[%get3A_1556, %get3A_1557] {strides = array<i32>} : memref<128x256xf32, #tpu.memory_space<vmem>>, vector<1x16xf32>,
        %get3A_1559 = vector.shape_cast %get3A_1558 : vector<1x16xf32> to vector<16xf32>
        %max3A_1560 = arith.maximumf %max3A_1551, %get3A_1559 : vector<16xf32>
        %add3A_1561 = arith.addf %add3A_1552, %get3A_1559 : vector<16xf32>
        %mul3A_1562 = arith.mulf %get3A_1559, %get3A_1559 : vector<16xf32>
        %add3A_1563 = arith.addf %add3A_1554, %mul3A_1562 : vector<16xf32>
        %get3A_1564 = arith.constant 107 : i32
        %get3A_1565 = arith.index_cast %get3A_1564 : i32 to index
        %get3A_1566 = arith.index_cast %mul3A_523 : i32 to index
        %get3A_1567 = tpu.vector_load %arg14[%get3A_1565, %get3A_1566] {strides = array<i32>} : memref<128x256xf32, #tpu.memory_space<vmem>>, vector<1x16xf32>,
        %get3A_1568 = vector.shape_cast %get3A_1567 : vector<1x16xf32> to vector<16xf32>
        %max3A_1569 = arith.maximumf %max3A_1560, %get3A_1568 : vector<16xf32>
        %add3A_1570 = arith.addf %add3A_1561, %get3A_1568 : vector<16xf32>
        %mul3A_1571 = arith.mulf %get3A_1568, %get3A_1568 : vector<16xf32>
        %add3A_1572 = arith.addf %add3A_1563, %mul3A_1571 : vector<16xf32>
        %get3A_1573 = arith.constant 108 : i32
        %get3A_1574 = arith.index_cast %get3A_1573 : i32 to index
        %get3A_1575 = arith.index_cast %mul3A_523 : i32 to index
        %get3A_1576 = tpu.vector_load %arg14[%get3A_1574, %get3A_1575] {strides = array<i32>} : memref<128x256xf32, #tpu.memory_space<vmem>>, vector<1x16xf32>,
        %get3A_1577 = vector.shape_cast %get3A_1576 : vector<1x16xf32> to vector<16xf32>
        %max3A_1578 = arith.maximumf %max3A_1569, %get3A_1577 : vector<16xf32>
        %add3A_1579 = arith.addf %add3A_1570, %get3A_1577 : vector<16xf32>
        %mul3A_1580 = arith.mulf %get3A_1577, %get3A_1577 : vector<16xf32>
        %add3A_1581 = arith.addf %add3A_1572, %mul3A_1580 : vector<16xf32>
        %get3A_1582 = arith.constant 109 : i32
        %get3A_1583 = arith.index_cast %get3A_1582 : i32 to index
        %get3A_1584 = arith.index_cast %mul3A_523 : i32 to index
        %get3A_1585 = tpu.vector_load %arg14[%get3A_1583, %get3A_1584] {strides = array<i32>} : memref<128x256xf32, #tpu.memory_space<vmem>>, vector<1x16xf32>,
        %get3A_1586 = vector.shape_cast %get3A_1585 : vector<1x16xf32> to vector<16xf32>
        %max3A_1587 = arith.maximumf %max3A_1578, %get3A_1586 : vector<16xf32>
        %add3A_1588 = arith.addf %add3A_1579, %get3A_1586 : vector<16xf32>
        %mul3A_1589 = arith.mulf %get3A_1586, %get3A_1586 : vector<16xf32>
        %add3A_1590 = arith.addf %add3A_1581, %mul3A_1589 : vector<16xf32>
        %get3A_1591 = arith.constant 110 : i32
        %get3A_1592 = arith.index_cast %get3A_1591 : i32 to index
        %get3A_1593 = arith.index_cast %mul3A_523 : i32 to index
        %get3A_1594 = tpu.vector_load %arg14[%get3A_1592, %get3A_1593] {strides = array<i32>} : memref<128x256xf32, #tpu.memory_space<vmem>>, vector<1x16xf32>,
        %get3A_1595 = vector.shape_cast %get3A_1594 : vector<1x16xf32> to vector<16xf32>
        %max3A_1596 = arith.maximumf %max3A_1587, %get3A_1595 : vector<16xf32>
        %add3A_1597 = arith.addf %add3A_1588, %get3A_1595 : vector<16xf32>
        %mul3A_1598 = arith.mulf %get3A_1595, %get3A_1595 : vector<16xf32>
        %add3A_1599 = arith.addf %add3A_1590, %mul3A_1598 : vector<16xf32>
        %get3A_1600 = arith.constant 111 : i32
        %get3A_1601 = arith.index_cast %get3A_1600 : i32 to index
        %get3A_1602 = arith.index_cast %mul3A_523 : i32 to index
        %get3A_1603 = tpu.vector_load %arg14[%get3A_1601, %get3A_1602] {strides = array<i32>} : memref<128x256xf32, #tpu.memory_space<vmem>>, vector<1x16xf32>,
        %get3A_1604 = vector.shape_cast %get3A_1603 : vector<1x16xf32> to vector<16xf32>
        %max3A_1605 = arith.maximumf %max3A_1596, %get3A_1604 : vector<16xf32>
        %add3A_1606 = arith.addf %add3A_1597, %get3A_1604 : vector<16xf32>
        %mul3A_1607 = arith.mulf %get3A_1604, %get3A_1604 : vector<16xf32>
        %add3A_1608 = arith.addf %add3A_1599, %mul3A_1607 : vector<16xf32>
        %swap3A_1609 = arith.constant 6 : i32
        %swap3A_1610 = arith.index_cast %swap3A_1609 : i32 to index
        %swap3A_1611 = arith.index_cast %mul3A_523 : i32 to index
        %swap3A_1612 = tpu.vector_load %arg18[%swap3A_1610, %swap3A_1611] {strides = array<i32>} : memref<8x256xf32, #tpu.memory_space<vmem>>, vector<1x16xf32>,
        %swap3A_1613 = vector.shape_cast %swap3A_1612 : vector<1x16xf32> to vector<16xf32>
        %swap3A_1614 = vector.shape_cast %max3A_1605 : vector<16xf32> to vector<1x16xf32>
        tpu.vector_store %arg18[%swap3A_1610, %swap3A_1611], %swap3A_1614 {strides = array<i32>} : memref<8x256xf32, #tpu.memory_space<vmem>>, vector<1x16xf32>,
        %get3A_1615 = arith.constant 6 : i32
        %get3A_1616 = arith.index_cast %get3A_1615 : i32 to index
        %get3A_1617 = arith.index_cast %mul3A_523 : i32 to index
        %get3A_1618 = tpu.vector_load %arg16[%get3A_1616, %get3A_1617] {strides = array<i32>} : memref<8x256xf32, #tpu.memory_space<vmem>>, vector<1x16xf32>,
        %get3A_1619 = vector.shape_cast %get3A_1618 : vector<1x16xf32> to vector<16xf32>
        %mul3A_1620 = arith.mulf %add3A_1606, %get3A_1619 : vector<16xf32>
        %add3A_1621 = arith.addf %add3A_1465, %mul3A_1620 : vector<16xf32>
        %add3A_1622 = arith.addf %add3A_1466, %add3A_1606 : vector<16xf32>
        %add3A_1623 = arith.addf %add3A_1467, %add3A_1608 : vector<16xf32>
        %get3A_1624 = arith.constant 112 : i32
        %get3A_1625 = arith.index_cast %get3A_1624 : i32 to index
        %get3A_1626 = arith.index_cast %mul3A_523 : i32 to index
        %get3A_1627 = tpu.vector_load %arg14[%get3A_1625, %get3A_1626] {strides = array<i32>} : memref<128x256xf32, #tpu.memory_space<vmem>>, vector<1x16xf32>,
        %get3A_1628 = vector.shape_cast %get3A_1627 : vector<1x16xf32> to vector<16xf32>
        %mul3A_1629 = arith.mulf %get3A_1628, %get3A_1628 : vector<16xf32>
        %get3A_1630 = arith.constant 113 : i32
        %get3A_1631 = arith.index_cast %get3A_1630 : i32 to index
        %get3A_1632 = arith.index_cast %mul3A_523 : i32 to index
        %get3A_1633 = tpu.vector_load %arg14[%get3A_1631, %get3A_1632] {strides = array<i32>} : memref<128x256xf32, #tpu.memory_space<vmem>>, vector<1x16xf32>,
        %get3A_1634 = vector.shape_cast %get3A_1633 : vector<1x16xf32> to vector<16xf32>
        %max3A_1635 = arith.maximumf %get3A_1628, %get3A_1634 : vector<16xf32>
        %add3A_1636 = arith.addf %get3A_1628, %get3A_1634 : vector<16xf32>
        %mul3A_1637 = arith.mulf %get3A_1634, %get3A_1634 : vector<16xf32>
        %add3A_1638 = arith.addf %mul3A_1629, %mul3A_1637 : vector<16xf32>
        %get3A_1639 = arith.constant 114 : i32
        %get3A_1640 = arith.index_cast %get3A_1639 : i32 to index
        %get3A_1641 = arith.index_cast %mul3A_523 : i32 to index
        %get3A_1642 = tpu.vector_load %arg14[%get3A_1640, %get3A_1641] {strides = array<i32>} : memref<128x256xf32, #tpu.memory_space<vmem>>, vector<1x16xf32>,
        %get3A_1643 = vector.shape_cast %get3A_1642 : vector<1x16xf32> to vector<16xf32>
        %max3A_1644 = arith.maximumf %max3A_1635, %get3A_1643 : vector<16xf32>
        %add3A_1645 = arith.addf %add3A_1636, %get3A_1643 : vector<16xf32>
        %mul3A_1646 = arith.mulf %get3A_1643, %get3A_1643 : vector<16xf32>
        %add3A_1647 = arith.addf %add3A_1638, %mul3A_1646 : vector<16xf32>
        %get3A_1648 = arith.constant 115 : i32
        %get3A_1649 = arith.index_cast %get3A_1648 : i32 to index
        %get3A_1650 = arith.index_cast %mul3A_523 : i32 to index
        %get3A_1651 = tpu.vector_load %arg14[%get3A_1649, %get3A_1650] {strides = array<i32>} : memref<128x256xf32, #tpu.memory_space<vmem>>, vector<1x16xf32>,
        %get3A_1652 = vector.shape_cast %get3A_1651 : vector<1x16xf32> to vector<16xf32>
        %max3A_1653 = arith.maximumf %max3A_1644, %get3A_1652 : vector<16xf32>
        %add3A_1654 = arith.addf %add3A_1645, %get3A_1652 : vector<16xf32>
        %mul3A_1655 = arith.mulf %get3A_1652, %get3A_1652 : vector<16xf32>
        %add3A_1656 = arith.addf %add3A_1647, %mul3A_1655 : vector<16xf32>
        %get3A_1657 = arith.constant 116 : i32
        %get3A_1658 = arith.index_cast %get3A_1657 : i32 to index
        %get3A_1659 = arith.index_cast %mul3A_523 : i32 to index
        %get3A_1660 = tpu.vector_load %arg14[%get3A_1658, %get3A_1659] {strides = array<i32>} : memref<128x256xf32, #tpu.memory_space<vmem>>, vector<1x16xf32>,
        %get3A_1661 = vector.shape_cast %get3A_1660 : vector<1x16xf32> to vector<16xf32>
        %max3A_1662 = arith.maximumf %max3A_1653, %get3A_1661 : vector<16xf32>
        %add3A_1663 = arith.addf %add3A_1654, %get3A_1661 : vector<16xf32>
        %mul3A_1664 = arith.mulf %get3A_1661, %get3A_1661 : vector<16xf32>
        %add3A_1665 = arith.addf %add3A_1656, %mul3A_1664 : vector<16xf32>
        %get3A_1666 = arith.constant 117 : i32
        %get3A_1667 = arith.index_cast %get3A_1666 : i32 to index
        %get3A_1668 = arith.index_cast %mul3A_523 : i32 to index
        %get3A_1669 = tpu.vector_load %arg14[%get3A_1667, %get3A_1668] {strides = array<i32>} : memref<128x256xf32, #tpu.memory_space<vmem>>, vector<1x16xf32>,
        %get3A_1670 = vector.shape_cast %get3A_1669 : vector<1x16xf32> to vector<16xf32>
        %max3A_1671 = arith.maximumf %max3A_1662, %get3A_1670 : vector<16xf32>
        %add3A_1672 = arith.addf %add3A_1663, %get3A_1670 : vector<16xf32>
        %mul3A_1673 = arith.mulf %get3A_1670, %get3A_1670 : vector<16xf32>
        %add3A_1674 = arith.addf %add3A_1665, %mul3A_1673 : vector<16xf32>
        %get3A_1675 = arith.constant 118 : i32
        %get3A_1676 = arith.index_cast %get3A_1675 : i32 to index
        %get3A_1677 = arith.index_cast %mul3A_523 : i32 to index
        %get3A_1678 = tpu.vector_load %arg14[%get3A_1676, %get3A_1677] {strides = array<i32>} : memref<128x256xf32, #tpu.memory_space<vmem>>, vector<1x16xf32>,
        %get3A_1679 = vector.shape_cast %get3A_1678 : vector<1x16xf32> to vector<16xf32>
        %max3A_1680 = arith.maximumf %max3A_1671, %get3A_1679 : vector<16xf32>
        %add3A_1681 = arith.addf %add3A_1672, %get3A_1679 : vector<16xf32>
        %mul3A_1682 = arith.mulf %get3A_1679, %get3A_1679 : vector<16xf32>
        %add3A_1683 = arith.addf %add3A_1674, %mul3A_1682 : vector<16xf32>
        %get3A_1684 = arith.constant 119 : i32
        %get3A_1685 = arith.index_cast %get3A_1684 : i32 to index
        %get3A_1686 = arith.index_cast %mul3A_523 : i32 to index
        %get3A_1687 = tpu.vector_load %arg14[%get3A_1685, %get3A_1686] {strides = array<i32>} : memref<128x256xf32, #tpu.memory_space<vmem>>, vector<1x16xf32>,
        %get3A_1688 = vector.shape_cast %get3A_1687 : vector<1x16xf32> to vector<16xf32>
        %max3A_1689 = arith.maximumf %max3A_1680, %get3A_1688 : vector<16xf32>
        %add3A_1690 = arith.addf %add3A_1681, %get3A_1688 : vector<16xf32>
        %mul3A_1691 = arith.mulf %get3A_1688, %get3A_1688 : vector<16xf32>
        %add3A_1692 = arith.addf %add3A_1683, %mul3A_1691 : vector<16xf32>
        %get3A_1693 = arith.constant 120 : i32
        %get3A_1694 = arith.index_cast %get3A_1693 : i32 to index
        %get3A_1695 = arith.index_cast %mul3A_523 : i32 to index
        %get3A_1696 = tpu.vector_load %arg14[%get3A_1694, %get3A_1695] {strides = array<i32>} : memref<128x256xf32, #tpu.memory_space<vmem>>, vector<1x16xf32>,
        %get3A_1697 = vector.shape_cast %get3A_1696 : vector<1x16xf32> to vector<16xf32>
        %max3A_1698 = arith.maximumf %max3A_1689, %get3A_1697 : vector<16xf32>
        %add3A_1699 = arith.addf %add3A_1690, %get3A_1697 : vector<16xf32>
        %mul3A_1700 = arith.mulf %get3A_1697, %get3A_1697 : vector<16xf32>
        %add3A_1701 = arith.addf %add3A_1692, %mul3A_1700 : vector<16xf32>
        %get3A_1702 = arith.constant 121 : i32
        %get3A_1703 = arith.index_cast %get3A_1702 : i32 to index
        %get3A_1704 = arith.index_cast %mul3A_523 : i32 to index
        %get3A_1705 = tpu.vector_load %arg14[%get3A_1703, %get3A_1704] {strides = array<i32>} : memref<128x256xf32, #tpu.memory_space<vmem>>, vector<1x16xf32>,
        %get3A_1706 = vector.shape_cast %get3A_1705 : vector<1x16xf32> to vector<16xf32>
        %max3A_1707 = arith.maximumf %max3A_1698, %get3A_1706 : vector<16xf32>
        %add3A_1708 = arith.addf %add3A_1699, %get3A_1706 : vector<16xf32>
        %mul3A_1709 = arith.mulf %get3A_1706, %get3A_1706 : vector<16xf32>
        %add3A_1710 = arith.addf %add3A_1701, %mul3A_1709 : vector<16xf32>
        %get3A_1711 = arith.constant 122 : i32
        %get3A_1712 = arith.index_cast %get3A_1711 : i32 to index
        %get3A_1713 = arith.index_cast %mul3A_523 : i32 to index
        %get3A_1714 = tpu.vector_load %arg14[%get3A_1712, %get3A_1713] {strides = array<i32>} : memref<128x256xf32, #tpu.memory_space<vmem>>, vector<1x16xf32>,
        %get3A_1715 = vector.shape_cast %get3A_1714 : vector<1x16xf32> to vector<16xf32>
        %max3A_1716 = arith.maximumf %max3A_1707, %get3A_1715 : vector<16xf32>
        %add3A_1717 = arith.addf %add3A_1708, %get3A_1715 : vector<16xf32>
        %mul3A_1718 = arith.mulf %get3A_1715, %get3A_1715 : vector<16xf32>
        %add3A_1719 = arith.addf %add3A_1710, %mul3A_1718 : vector<16xf32>
        %get3A_1720 = arith.constant 123 : i32
        %get3A_1721 = arith.index_cast %get3A_1720 : i32 to index
        %get3A_1722 = arith.index_cast %mul3A_523 : i32 to index
        %get3A_1723 = tpu.vector_load %arg14[%get3A_1721, %get3A_1722] {strides = array<i32>} : memref<128x256xf32, #tpu.memory_space<vmem>>, vector<1x16xf32>,
        %get3A_1724 = vector.shape_cast %get3A_1723 : vector<1x16xf32> to vector<16xf32>
        %max3A_1725 = arith.maximumf %max3A_1716, %get3A_1724 : vector<16xf32>
        %add3A_1726 = arith.addf %add3A_1717, %get3A_1724 : vector<16xf32>
        %mul3A_1727 = arith.mulf %get3A_1724, %get3A_1724 : vector<16xf32>
        %add3A_1728 = arith.addf %add3A_1719, %mul3A_1727 : vector<16xf32>
        %get3A_1729 = arith.constant 124 : i32
        %get3A_1730 = arith.index_cast %get3A_1729 : i32 to index
        %get3A_1731 = arith.index_cast %mul3A_523 : i32 to index
        %get3A_1732 = tpu.vector_load %arg14[%get3A_1730, %get3A_1731] {strides = array<i32>} : memref<128x256xf32, #tpu.memory_space<vmem>>, vector<1x16xf32>,
        %get3A_1733 = vector.shape_cast %get3A_1732 : vector<1x16xf32> to vector<16xf32>
        %max3A_1734 = arith.maximumf %max3A_1725, %get3A_1733 : vector<16xf32>
        %add3A_1735 = arith.addf %add3A_1726, %get3A_1733 : vector<16xf32>
        %mul3A_1736 = arith.mulf %get3A_1733, %get3A_1733 : vector<16xf32>
        %add3A_1737 = arith.addf %add3A_1728, %mul3A_1736 : vector<16xf32>
        %get3A_1738 = arith.constant 125 : i32
        %get3A_1739 = arith.index_cast %get3A_1738 : i32 to index
        %get3A_1740 = arith.index_cast %mul3A_523 : i32 to index
        %get3A_1741 = tpu.vector_load %arg14[%get3A_1739, %get3A_1740] {strides = array<i32>} : memref<128x256xf32, #tpu.memory_space<vmem>>, vector<1x16xf32>,
        %get3A_1742 = vector.shape_cast %get3A_1741 : vector<1x16xf32> to vector<16xf32>
        %max3A_1743 = arith.maximumf %max3A_1734, %get3A_1742 : vector<16xf32>
        %add3A_1744 = arith.addf %add3A_1735, %get3A_1742 : vector<16xf32>
        %mul3A_1745 = arith.mulf %get3A_1742, %get3A_1742 : vector<16xf32>
        %add3A_1746 = arith.addf %add3A_1737, %mul3A_1745 : vector<16xf32>
        %get3A_1747 = arith.constant 126 : i32
        %get3A_1748 = arith.index_cast %get3A_1747 : i32 to index
        %get3A_1749 = arith.index_cast %mul3A_523 : i32 to index
        %get3A_1750 = tpu.vector_load %arg14[%get3A_1748, %get3A_1749] {strides = array<i32>} : memref<128x256xf32, #tpu.memory_space<vmem>>, vector<1x16xf32>,
        %get3A_1751 = vector.shape_cast %get3A_1750 : vector<1x16xf32> to vector<16xf32>
        %max3A_1752 = arith.maximumf %max3A_1743, %get3A_1751 : vector<16xf32>
        %add3A_1753 = arith.addf %add3A_1744, %get3A_1751 : vector<16xf32>
        %mul3A_1754 = arith.mulf %get3A_1751, %get3A_1751 : vector<16xf32>
        %add3A_1755 = arith.addf %add3A_1746, %mul3A_1754 : vector<16xf32>
        %get3A_1756 = arith.constant 127 : i32
        %get3A_1757 = arith.index_cast %get3A_1756 : i32 to index
        %get3A_1758 = arith.index_cast %mul3A_523 : i32 to index
        %get3A_1759 = tpu.vector_load %arg14[%get3A_1757, %get3A_1758] {strides = array<i32>} : memref<128x256xf32, #tpu.memory_space<vmem>>, vector<1x16xf32>,
        %get3A_1760 = vector.shape_cast %get3A_1759 : vector<1x16xf32> to vector<16xf32>
        %max3A_1761 = arith.maximumf %max3A_1752, %get3A_1760 : vector<16xf32>
        %add3A_1762 = arith.addf %add3A_1753, %get3A_1760 : vector<16xf32>
        %mul3A_1763 = arith.mulf %get3A_1760, %get3A_1760 : vector<16xf32>
        %add3A_1764 = arith.addf %add3A_1755, %mul3A_1763 : vector<16xf32>
        %swap3A_1765 = arith.constant 7 : i32
        %swap3A_1766 = arith.index_cast %swap3A_1765 : i32 to index
        %swap3A_1767 = arith.index_cast %mul3A_523 : i32 to index
        %swap3A_1768 = tpu.vector_load %arg18[%swap3A_1766, %swap3A_1767] {strides = array<i32>} : memref<8x256xf32, #tpu.memory_space<vmem>>, vector<1x16xf32>,
        %swap3A_1769 = vector.shape_cast %swap3A_1768 : vector<1x16xf32> to vector<16xf32>
        %swap3A_1770 = vector.shape_cast %max3A_1761 : vector<16xf32> to vector<1x16xf32>
        tpu.vector_store %arg18[%swap3A_1766, %swap3A_1767], %swap3A_1770 {strides = array<i32>} : memref<8x256xf32, #tpu.memory_space<vmem>>, vector<1x16xf32>,
        %get3A_1771 = arith.constant 7 : i32
        %get3A_1772 = arith.index_cast %get3A_1771 : i32 to index
        %get3A_1773 = arith.index_cast %mul3A_523 : i32 to index
        %get3A_1774 = tpu.vector_load %arg16[%get3A_1772, %get3A_1773] {strides = array<i32>} : memref<8x256xf32, #tpu.memory_space<vmem>>, vector<1x16xf32>,
        %get3A_1775 = vector.shape_cast %get3A_1774 : vector<1x16xf32> to vector<16xf32>
        %mul3A_1776 = arith.mulf %add3A_1762, %get3A_1775 : vector<16xf32>
        %add3A_1777 = arith.addf %add3A_1621, %mul3A_1776 : vector<16xf32>
        %add3A_1778 = arith.addf %add3A_1622, %add3A_1762 : vector<16xf32>
        %add3A_1779 = arith.addf %add3A_1623, %add3A_1764 : vector<16xf32>
        %swap3A_1780 = arith.index_cast %mul3A_523 : i32 to index
        %swap3A_1781 = tpu.vector_load %arg19[%swap3A_1780] {strides = array<i32>} : memref<256xf32, #tpu.memory_space<vmem>>, vector<16xf32>,
        %swap3A_1782 = vector.shape_cast %swap3A_1781 : vector<16xf32> to vector<16xf32>
        %swap3A_1783 = vector.shape_cast %add3A_1777 : vector<16xf32> to vector<16xf32>
        tpu.vector_store %arg19[%swap3A_1780], %swap3A_1783 {strides = array<i32>} : memref<256xf32, #tpu.memory_space<vmem>>, vector<16xf32>,
        %swap3A_1784 = arith.index_cast %mul3A_523 : i32 to index
        %swap3A_1785 = tpu.vector_load %arg20[%swap3A_1784] {strides = array<i32>} : memref<256xf32, #tpu.memory_space<vmem>>, vector<16xf32>,
        %swap3A_1786 = vector.shape_cast %swap3A_1785 : vector<16xf32> to vector<16xf32>
        %swap3A_1787 = vector.shape_cast %add3A_1778 : vector<16xf32> to vector<16xf32>
        tpu.vector_store %arg20[%swap3A_1784], %swap3A_1787 {strides = array<i32>} : memref<256xf32, #tpu.memory_space<vmem>>, vector<16xf32>,
        %swap3A_1788 = arith.index_cast %mul3A_523 : i32 to index
        %swap3A_1789 = tpu.vector_load %arg21[%swap3A_1788] {strides = array<i32>} : memref<256xf32, #tpu.memory_space<vmem>>, vector<16xf32>,
        %swap3A_1790 = vector.shape_cast %swap3A_1789 : vector<16xf32> to vector<16xf32>
        %swap3A_1791 = vector.shape_cast %add3A_1779 : vector<16xf32> to vector<16xf32>
        tpu.vector_store %arg21[%swap3A_1788], %swap3A_1791 {strides = array<i32>} : memref<256xf32, #tpu.memory_space<vmem>>, vector<16xf32>,
        %scan3A_1792 = arith.constant 0 : i32
        scf.yield %scan3A_1792 : i32
      }
      %scan3A_509 = arith.constant 16 : i32
      %mul3A_510 = arith.constant 512 : i32
      %mul3A_511 = arith.muli %add3A, %mul3A_510 : i32
      %mul3A_512 = arith.constant 8 : i32
      %mul3A_513 = arith.muli %add3A_342, %mul3A_512 : i32
      %add3A_514 = arith.addi %mul3A_511, %mul3A_513 : i32
      %dma_start3A_515 = arith.constant 0 : i32
      %dma_start3A_516 = tpu.memref_slice %arg5[%add3A_514, %dma_start3A_515] : memref<16384x256xf32, #tpu.memory_space<hbm>> -> memref<8x256xf32, #tpu.memory_space<hbm>>
      %dma_start3A_517 = arith.constant 0 : i32
      %dma_start3A_518 = tpu.memref_slice %arg5[%add3A_514, %dma_start3A_517] : memref<16384x256xf32, #tpu.memory_space<hbm>> -> memref<8x256xf32, #tpu.memory_space<hbm>>
      tpu.enqueue_dma source(%arg18 : memref<8x256xf32, #tpu.memory_space<vmem>>) target(%dma_start3A_518 : memref<8x256xf32, #tpu.memory_space<hbm>>) target_semaphore(%arg27 : memref<!tpu.dma_semaphore, #tpu.memory_space<semaphore_mem>>)
      %scan3A_519 = arith.constant 0 : i32
      scf.yield %scan3A_519 : i32
    }
    %scan3A_320 = arith.constant 32 : i32
    %mul3A_321 = arith.constant 512 : i32
    %mul3A_322 = arith.muli %add3A, %mul3A_321 : i32
    %add3A_323 = arith.constant 496 : i32
    %add3A_324 = arith.addi %mul3A_322, %add3A_323 : i32
    %dma_wait3A_325 = arith.constant 0 : i32
    %dma_wait3A_326 = tpu.memref_slice %arg5[%add3A_324, %dma_wait3A_325] : memref<16384x256xf32, #tpu.memory_space<hbm>> -> memref<8x256xf32, #tpu.memory_space<hbm>>
    %dma_wait3A_327 = arith.constant 0 : i32
    %dma_wait3A_328 = tpu.memref_slice %arg5[%add3A_324, %dma_wait3A_327] : memref<16384x256xf32, #tpu.memory_space<hbm>> -> memref<8x256xf32, #tpu.memory_space<hbm>>
    tpu.wait_dma2 semaphore(%arg26 : memref<!tpu.dma_semaphore, #tpu.memory_space<semaphore_mem>>) src(%arg17 : memref<8x256xf32, #tpu.memory_space<vmem>>) dst(%dma_wait3A_328 : memref<8x256xf32, #tpu.memory_space<hbm>>)
    %mul3A_329 = arith.constant 512 : i32
    %mul3A_330 = arith.muli %add3A, %mul3A_329 : i32
    %add3A_331 = arith.constant 504 : i32
    %add3A_332 = arith.addi %mul3A_330, %add3A_331 : i32
    %dma_wait3A_333 = arith.constant 0 : i32
    %dma_wait3A_334 = tpu.memref_slice %arg5[%add3A_332, %dma_wait3A_333] : memref<16384x256xf32, #tpu.memory_space<hbm>> -> memref<8x256xf32, #tpu.memory_space<hbm>>
    %dma_wait3A_335 = arith.constant 0 : i32
    %dma_wait3A_336 = tpu.memref_slice %arg5[%add3A_332, %dma_wait3A_335] : memref<16384x256xf32, #tpu.memory_space<hbm>> -> memref<8x256xf32, #tpu.memory_space<hbm>>
    tpu.wait_dma2 semaphore(%arg27 : memref<!tpu.dma_semaphore, #tpu.memory_space<semaphore_mem>>) src(%arg18 : memref<8x256xf32, #tpu.memory_space<vmem>>) dst(%dma_wait3A_336 : memref<8x256xf32, #tpu.memory_space<hbm>>)
    "tpu.region"() ({
      %run_scoped3A = tpu.sem_alloc : memref<!tpu.dma_semaphore, #tpu.memory_space<semaphore_mem>>
      %dma_start3A_337 = arith.constant 0 : i32
      %dma_start3A_338 = tpu.memref_slice %arg6[%add3A, %dma_start3A_337] : memref<32x256xf32, #tpu.memory_space<hbm>> -> memref<1x256xf32, #tpu.memory_space<hbm>>
      %dma_start3A_339 = tpu.memref_squeeze %dma_start3A_338 : memref<1x256xf32, #tpu.memory_space<hbm>> -> memref<256xf32, #tpu.memory_space<hbm>>
      %dma_start3A_340 = arith.constant 0 : i32
      %dma_start3A_341 = tpu.memref_slice %arg6[%add3A, %dma_start3A_340] : memref<32x256xf32, #tpu.memory_space<hbm>> -> memref<1x256xf32, #tpu.memory_space<hbm>>
      %dma_start3A_342 = tpu.memref_squeeze %dma_start3A_341 : memref<1x256xf32, #tpu.memory_space<hbm>> -> memref<256xf32, #tpu.memory_space<hbm>>
      tpu.enqueue_dma source(%arg19 : memref<256xf32, #tpu.memory_space<vmem>>) target(%dma_start3A_342 : memref<256xf32, #tpu.memory_space<hbm>>) target_semaphore(%run_scoped3A : memref<!tpu.dma_semaphore, #tpu.memory_space<semaphore_mem>>)
      %dma_wait3A_343 = arith.constant 0 : i32
      %dma_wait3A_344 = tpu.memref_slice %arg6[%add3A, %dma_wait3A_343] : memref<32x256xf32, #tpu.memory_space<hbm>> -> memref<1x256xf32, #tpu.memory_space<hbm>>
      %dma_wait3A_345 = tpu.memref_squeeze %dma_wait3A_344 : memref<1x256xf32, #tpu.memory_space<hbm>> -> memref<256xf32, #tpu.memory_space<hbm>>
      %dma_wait3A_346 = arith.constant 0 : i32
      %dma_wait3A_347 = tpu.memref_slice %arg6[%add3A, %dma_wait3A_346] : memref<32x256xf32, #tpu.memory_space<hbm>> -> memref<1x256xf32, #tpu.memory_space<hbm>>
      %dma_wait3A_348 = tpu.memref_squeeze %dma_wait3A_347 : memref<1x256xf32, #tpu.memory_space<hbm>> -> memref<256xf32, #tpu.memory_space<hbm>>
      tpu.wait_dma2 semaphore(%run_scoped3A : memref<!tpu.dma_semaphore, #tpu.memory_space<semaphore_mem>>) src(%arg19 : memref<256xf32, #tpu.memory_space<vmem>>) dst(%dma_wait3A_348 : memref<256xf32, #tpu.memory_space<hbm>>)
      tpu.yield
    }) : () -> ()
    "tpu.region"() ({
      %run_scoped3A = tpu.sem_alloc : memref<!tpu.dma_semaphore, #tpu.memory_space<semaphore_mem>>
      %dma_start3A_337 = arith.constant 0 : i32
      %dma_start3A_338 = tpu.memref_slice %arg7[%add3A, %dma_start3A_337] : memref<32x256xf32, #tpu.memory_space<hbm>> -> memref<1x256xf32, #tpu.memory_space<hbm>>
      %dma_start3A_339 = tpu.memref_squeeze %dma_start3A_338 : memref<1x256xf32, #tpu.memory_space<hbm>> -> memref<256xf32, #tpu.memory_space<hbm>>
      %dma_start3A_340 = arith.constant 0 : i32
      %dma_start3A_341 = tpu.memref_slice %arg7[%add3A, %dma_start3A_340] : memref<32x256xf32, #tpu.memory_space<hbm>> -> memref<1x256xf32, #tpu.memory_space<hbm>>
      %dma_start3A_342 = tpu.memref_squeeze %dma_start3A_341 : memref<1x256xf32, #tpu.memory_space<hbm>> -> memref<256xf32, #tpu.memory_space<hbm>>
      tpu.enqueue_dma source(%arg20 : memref<256xf32, #tpu.memory_space<vmem>>) target(%dma_start3A_342 : memref<256xf32, #tpu.memory_space<hbm>>) target_semaphore(%run_scoped3A : memref<!tpu.dma_semaphore, #tpu.memory_space<semaphore_mem>>)
      %dma_wait3A_343 = arith.constant 0 : i32
      %dma_wait3A_344 = tpu.memref_slice %arg7[%add3A, %dma_wait3A_343] : memref<32x256xf32, #tpu.memory_space<hbm>> -> memref<1x256xf32, #tpu.memory_space<hbm>>
      %dma_wait3A_345 = tpu.memref_squeeze %dma_wait3A_344 : memref<1x256xf32, #tpu.memory_space<hbm>> -> memref<256xf32, #tpu.memory_space<hbm>>
      %dma_wait3A_346 = arith.constant 0 : i32
      %dma_wait3A_347 = tpu.memref_slice %arg7[%add3A, %dma_wait3A_346] : memref<32x256xf32, #tpu.memory_space<hbm>> -> memref<1x256xf32, #tpu.memory_space<hbm>>
      %dma_wait3A_348 = tpu.memref_squeeze %dma_wait3A_347 : memref<1x256xf32, #tpu.memory_space<hbm>> -> memref<256xf32, #tpu.memory_space<hbm>>
      tpu.wait_dma2 semaphore(%run_scoped3A : memref<!tpu.dma_semaphore, #tpu.memory_space<semaphore_mem>>) src(%arg20 : memref<256xf32, #tpu.memory_space<vmem>>) dst(%dma_wait3A_348 : memref<256xf32, #tpu.memory_space<hbm>>)
      tpu.yield
    }) : () -> ()
    "tpu.region"() ({
      %run_scoped3A = tpu.sem_alloc : memref<!tpu.dma_semaphore, #tpu.memory_space<semaphore_mem>>
      %dma_start3A_337 = arith.constant 0 : i32
      %dma_start3A_338 = tpu.memref_slice %arg8[%add3A, %dma_start3A_337] : memref<32x256xf32, #tpu.memory_space<hbm>> -> memref<1x256xf32, #tpu.memory_space<hbm>>
      %dma_start3A_339 = tpu.memref_squeeze %dma_start3A_338 : memref<1x256xf32, #tpu.memory_space<hbm>> -> memref<256xf32, #tpu.memory_space<hbm>>
      %dma_start3A_340 = arith.constant 0 : i32
      %dma_start3A_341 = tpu.memref_slice %arg8[%add3A, %dma_start3A_340] : memref<32x256xf32, #tpu.memory_space<hbm>> -> memref<1x256xf32, #tpu.memory_space<hbm>>
      %dma_start3A_342 = tpu.memref_squeeze %dma_start3A_341 : memref<1x256xf32, #tpu.memory_space<hbm>> -> memref<256xf32, #tpu.memory_space<hbm>>
      tpu.enqueue_dma source(%arg21 : memref<256xf32, #tpu.memory_space<vmem>>) target(%dma_start3A_342 : memref<256xf32, #tpu.memory_space<hbm>>) target_semaphore(%run_scoped3A : memref<!tpu.dma_semaphore, #tpu.memory_space<semaphore_mem>>)
      %dma_wait3A_343 = arith.constant 0 : i32
      %dma_wait3A_344 = tpu.memref_slice %arg8[%add3A, %dma_wait3A_343] : memref<32x256xf32, #tpu.memory_space<hbm>> -> memref<1x256xf32, #tpu.memory_space<hbm>>
      %dma_wait3A_345 = tpu.memref_squeeze %dma_wait3A_344 : memref<1x256xf32, #tpu.memory_space<hbm>> -> memref<256xf32, #tpu.memory_space<hbm>>
      %dma_wait3A_346 = arith.constant 0 : i32
      %dma_wait3A_347 = tpu.memref_slice %arg8[%add3A, %dma_wait3A_346] : memref<32x256xf32, #tpu.memory_space<hbm>> -> memref<1x256xf32, #tpu.memory_space<hbm>>
      %dma_wait3A_348 = tpu.memref_squeeze %dma_wait3A_347 : memref<1x256xf32, #tpu.memory_space<hbm>> -> memref<256xf32, #tpu.memory_space<hbm>>
      tpu.wait_dma2 semaphore(%run_scoped3A : memref<!tpu.dma_semaphore, #tpu.memory_space<semaphore_mem>>) src(%arg21 : memref<256xf32, #tpu.memory_space<vmem>>) dst(%dma_wait3A_348 : memref<256xf32, #tpu.memory_space<hbm>>)
      tpu.yield
    }) : () -> ()
    return
  }
}

module attributes {stable_mosaic.version = 14 : i64} {
  func.func @_k2_body(%arg0: i32, %arg1: i32, %arg2: memref<1x512x3xf32, #tpu.memory_space<vmem>>, %arg3: memref<1x3x2048xf32, #tpu.memory_space<vmem>>, %arg4: memref<1x512x16xi32, #tpu.memory_space<vmem>>) attributes {dimension_semantics = [#tpu.dimension_semantics<arbitrary>, #tpu.dimension_semantics<arbitrary>], iteration_bounds = array<i64: 8, 4>, scalar_prefetch = 0 : i64, scratch_operands = 0 : i64, tpu.core_type = #tpu.core_type<tc>, window_params = [{transform_indices = @transform_0, window_bounds = array<i64: 1, 512, 3>}, {transform_indices = @transform_1, window_bounds = array<i64: 1, 3, 2048>}, {transform_indices = @transform_2, window_bounds = array<i64: 1, 512, 16>}]} {
    %get3A = arith.constant 0 : index
    %get3A_0 = arith.constant 0 : index
    %get3A_1 = arith.constant 0 : index
    %get3A_2 = vector.load %arg2[%get3A, %get3A_0, %get3A_1] : memref<1x512x3xf32, #tpu.memory_space<vmem>>, vector<1x512x3xf32>
    %get3A_3 = vector.shape_cast %get3A_2 : vector<1x512x3xf32> to vector<512x3xf32>
    %get3A_4 = arith.constant 0 : index
    %get3A_5 = arith.constant 0 : index
    %get3A_6 = arith.constant 0 : index
    %get3A_7 = vector.load %arg3[%get3A_4, %get3A_5, %get3A_6] : memref<1x3x2048xf32, #tpu.memory_space<vmem>>, vector<1x3x2048xf32>
    %get3A_8 = vector.shape_cast %get3A_7 : vector<1x3x2048xf32> to vector<3x2048xf32>
    %dot_general3A = arith.constant dense<0.000000e+00> : vector<512x2048xf32>
    %dot_general3A_9 = tpu.matmul %get3A_3, %get3A_8, %dot_general3A {dimension_numbers = #tpu.dot_dimension_numbers<[1], [0], [0], [1], [0, 0, 1, 1], [], []>, transpose_lhs_hint = false} : vector<512x3xf32>, vector<3x2048xf32>, vector<512x2048xf32> -> vector<512x2048xf32>
    %mul3A = arith.mulf %get3A_3, %get3A_3 : vector<512x3xf32>
    %reduce_sum3A = arith.constant dense<0.000000e+00> : vector<512xf32>
    %reduce_sum3A_10 = vector.multi_reduction <add>, %mul3A, %reduce_sum3A [1] : vector<512x3xf32> to vector<512xf32>
    %broadcast_in_dim3A = vector.shape_cast %reduce_sum3A_10 : vector<512xf32> to vector<512x1xf32>
    %mul3A_11 = arith.mulf %get3A_8, %get3A_8 : vector<3x2048xf32>
    %reduce_sum3A_12 = arith.constant dense<0.000000e+00> : vector<2048xf32>
    %reduce_sum3A_13 = vector.multi_reduction <add>, %mul3A_11, %reduce_sum3A_12 [0] : vector<3x2048xf32> to vector<2048xf32>
    %broadcast_in_dim3A_14 = vector.shape_cast %reduce_sum3A_13 : vector<2048xf32> to vector<1x2048xf32>
    %mul3A_15 = arith.constant -2.000000e+00 : f32
    %mul3A_16 = vector.broadcast %mul3A_15 : f32 to vector<512x2048xf32>
    %mul3A_17 = arith.mulf %mul3A_16, %dot_general3A_9 : vector<512x2048xf32>
    %add3A = vector.broadcast %broadcast_in_dim3A : vector<512x1xf32> to vector<512x2048xf32>
    %add3A_18 = arith.addf %mul3A_17, %add3A : vector<512x2048xf32>
    %add3A_19 = vector.broadcast %broadcast_in_dim3A_14 : vector<1x2048xf32> to vector<512x2048xf32>
    %add3A_20 = arith.addf %add3A_18, %add3A_19 : vector<512x2048xf32>
    %iota3A = tpu.iota {dimensions = array<i32: 1>} : vector<512x2048xi32>
    %convert_element_type3A = arith.sitofp %iota3A : vector<512x2048xi32> to vector<512x2048xf32>
    %reduce_min3A = arith.constant dense<0x7F800000> : vector<512xf32>
    %reduce_min3A_21 = vector.multi_reduction <minimumf>, %add3A_20, %reduce_min3A [1] : vector<512x2048xf32> to vector<512xf32>
    %broadcast_in_dim3A_22 = vector.shape_cast %reduce_min3A_21 : vector<512xf32> to vector<512x1xf32>
    %eq3A = vector.broadcast %broadcast_in_dim3A_22 : vector<512x1xf32> to vector<512x2048xf32>
    %eq3A_23 = arith.cmpf oeq, %add3A_20, %eq3A : vector<512x2048xf32>
    %jit3A = arith.constant 2.048000e+03 : f32
    %broadcast_in_dim3A_24 = vector.broadcast %jit3A : f32 to vector<512x2048xf32>
    %select_n3A = arith.select %eq3A_23, %convert_element_type3A, %broadcast_in_dim3A_24 : vector<512x2048xi1>, vector<512x2048xf32>
    %reduce_min3A_25 = arith.constant dense<0x7F800000> : vector<512xf32>
    %reduce_min3A_26 = vector.multi_reduction <minimumf>, %select_n3A, %reduce_min3A_25 [1] : vector<512x2048xf32> to vector<512xf32>
    %broadcast_in_dim3A_27 = vector.shape_cast %reduce_min3A_26 : vector<512xf32> to vector<512x1xf32>
    %convert_element_type3A_28 = arith.fptosi %broadcast_in_dim3A_27 : vector<512x1xf32> to vector<512x1xi32>
    %eq3A_29 = vector.broadcast %broadcast_in_dim3A_27 : vector<512x1xf32> to vector<512x2048xf32>
    %eq3A_30 = arith.cmpf oeq, %convert_element_type3A, %eq3A_29 : vector<512x2048xf32>
    %jit3A_31 = arith.constant 0x7F800000 : f32
    %broadcast_in_dim3A_32 = vector.broadcast %jit3A_31 : f32 to vector<512x2048xf32>
    %select_n3A_33 = arith.select %eq3A_30, %broadcast_in_dim3A_32, %add3A_20 : vector<512x2048xi1>, vector<512x2048xf32>
    %reduce_min3A_34 = arith.constant dense<0x7F800000> : vector<512xf32>
    %reduce_min3A_35 = vector.multi_reduction <minimumf>, %select_n3A_33, %reduce_min3A_34 [1] : vector<512x2048xf32> to vector<512xf32>
    %broadcast_in_dim3A_36 = vector.shape_cast %reduce_min3A_35 : vector<512xf32> to vector<512x1xf32>
    %eq3A_37 = vector.broadcast %broadcast_in_dim3A_36 : vector<512x1xf32> to vector<512x2048xf32>
    %eq3A_38 = arith.cmpf oeq, %select_n3A_33, %eq3A_37 : vector<512x2048xf32>
    %jit3A_39 = arith.constant 2.048000e+03 : f32
    %broadcast_in_dim3A_40 = vector.broadcast %jit3A_39 : f32 to vector<512x2048xf32>
    %select_n3A_41 = arith.select %eq3A_38, %convert_element_type3A, %broadcast_in_dim3A_40 : vector<512x2048xi1>, vector<512x2048xf32>
    %reduce_min3A_42 = arith.constant dense<0x7F800000> : vector<512xf32>
    %reduce_min3A_43 = vector.multi_reduction <minimumf>, %select_n3A_41, %reduce_min3A_42 [1] : vector<512x2048xf32> to vector<512xf32>
    %broadcast_in_dim3A_44 = vector.shape_cast %reduce_min3A_43 : vector<512xf32> to vector<512x1xf32>
    %convert_element_type3A_45 = arith.fptosi %broadcast_in_dim3A_44 : vector<512x1xf32> to vector<512x1xi32>
    %eq3A_46 = vector.broadcast %broadcast_in_dim3A_44 : vector<512x1xf32> to vector<512x2048xf32>
    %eq3A_47 = arith.cmpf oeq, %convert_element_type3A, %eq3A_46 : vector<512x2048xf32>
    %jit3A_48 = arith.constant 0x7F800000 : f32
    %broadcast_in_dim3A_49 = vector.broadcast %jit3A_48 : f32 to vector<512x2048xf32>
    %select_n3A_50 = arith.select %eq3A_47, %broadcast_in_dim3A_49, %select_n3A_33 : vector<512x2048xi1>, vector<512x2048xf32>
    %reduce_min3A_51 = arith.constant dense<0x7F800000> : vector<512xf32>
    %reduce_min3A_52 = vector.multi_reduction <minimumf>, %select_n3A_50, %reduce_min3A_51 [1] : vector<512x2048xf32> to vector<512xf32>
    %broadcast_in_dim3A_53 = vector.shape_cast %reduce_min3A_52 : vector<512xf32> to vector<512x1xf32>
    %eq3A_54 = vector.broadcast %broadcast_in_dim3A_53 : vector<512x1xf32> to vector<512x2048xf32>
    %eq3A_55 = arith.cmpf oeq, %select_n3A_50, %eq3A_54 : vector<512x2048xf32>
    %jit3A_56 = arith.constant 2.048000e+03 : f32
    %broadcast_in_dim3A_57 = vector.broadcast %jit3A_56 : f32 to vector<512x2048xf32>
    %select_n3A_58 = arith.select %eq3A_55, %convert_element_type3A, %broadcast_in_dim3A_57 : vector<512x2048xi1>, vector<512x2048xf32>
    %reduce_min3A_59 = arith.constant dense<0x7F800000> : vector<512xf32>
    %reduce_min3A_60 = vector.multi_reduction <minimumf>, %select_n3A_58, %reduce_min3A_59 [1] : vector<512x2048xf32> to vector<512xf32>
    %broadcast_in_dim3A_61 = vector.shape_cast %reduce_min3A_60 : vector<512xf32> to vector<512x1xf32>
    %convert_element_type3A_62 = arith.fptosi %broadcast_in_dim3A_61 : vector<512x1xf32> to vector<512x1xi32>
    %eq3A_63 = vector.broadcast %broadcast_in_dim3A_61 : vector<512x1xf32> to vector<512x2048xf32>
    %eq3A_64 = arith.cmpf oeq, %convert_element_type3A, %eq3A_63 : vector<512x2048xf32>
    %jit3A_65 = arith.constant 0x7F800000 : f32
    %broadcast_in_dim3A_66 = vector.broadcast %jit3A_65 : f32 to vector<512x2048xf32>
    %select_n3A_67 = arith.select %eq3A_64, %broadcast_in_dim3A_66, %select_n3A_50 : vector<512x2048xi1>, vector<512x2048xf32>
    %reduce_min3A_68 = arith.constant dense<0x7F800000> : vector<512xf32>
    %reduce_min3A_69 = vector.multi_reduction <minimumf>, %select_n3A_67, %reduce_min3A_68 [1] : vector<512x2048xf32> to vector<512xf32>
    %broadcast_in_dim3A_70 = vector.shape_cast %reduce_min3A_69 : vector<512xf32> to vector<512x1xf32>
    %eq3A_71 = vector.broadcast %broadcast_in_dim3A_70 : vector<512x1xf32> to vector<512x2048xf32>
    %eq3A_72 = arith.cmpf oeq, %select_n3A_67, %eq3A_71 : vector<512x2048xf32>
    %jit3A_73 = arith.constant 2.048000e+03 : f32
    %broadcast_in_dim3A_74 = vector.broadcast %jit3A_73 : f32 to vector<512x2048xf32>
    %select_n3A_75 = arith.select %eq3A_72, %convert_element_type3A, %broadcast_in_dim3A_74 : vector<512x2048xi1>, vector<512x2048xf32>
    %reduce_min3A_76 = arith.constant dense<0x7F800000> : vector<512xf32>
    %reduce_min3A_77 = vector.multi_reduction <minimumf>, %select_n3A_75, %reduce_min3A_76 [1] : vector<512x2048xf32> to vector<512xf32>
    %broadcast_in_dim3A_78 = vector.shape_cast %reduce_min3A_77 : vector<512xf32> to vector<512x1xf32>
    %convert_element_type3A_79 = arith.fptosi %broadcast_in_dim3A_78 : vector<512x1xf32> to vector<512x1xi32>
    %eq3A_80 = vector.broadcast %broadcast_in_dim3A_78 : vector<512x1xf32> to vector<512x2048xf32>
    %eq3A_81 = arith.cmpf oeq, %convert_element_type3A, %eq3A_80 : vector<512x2048xf32>
    %jit3A_82 = arith.constant 0x7F800000 : f32
    %broadcast_in_dim3A_83 = vector.broadcast %jit3A_82 : f32 to vector<512x2048xf32>
    %select_n3A_84 = arith.select %eq3A_81, %broadcast_in_dim3A_83, %select_n3A_67 : vector<512x2048xi1>, vector<512x2048xf32>
    %reduce_min3A_85 = arith.constant dense<0x7F800000> : vector<512xf32>
    %reduce_min3A_86 = vector.multi_reduction <minimumf>, %select_n3A_84, %reduce_min3A_85 [1] : vector<512x2048xf32> to vector<512xf32>
    %broadcast_in_dim3A_87 = vector.shape_cast %reduce_min3A_86 : vector<512xf32> to vector<512x1xf32>
    %eq3A_88 = vector.broadcast %broadcast_in_dim3A_87 : vector<512x1xf32> to vector<512x2048xf32>
    %eq3A_89 = arith.cmpf oeq, %select_n3A_84, %eq3A_88 : vector<512x2048xf32>
    %jit3A_90 = arith.constant 2.048000e+03 : f32
    %broadcast_in_dim3A_91 = vector.broadcast %jit3A_90 : f32 to vector<512x2048xf32>
    %select_n3A_92 = arith.select %eq3A_89, %convert_element_type3A, %broadcast_in_dim3A_91 : vector<512x2048xi1>, vector<512x2048xf32>
    %reduce_min3A_93 = arith.constant dense<0x7F800000> : vector<512xf32>
    %reduce_min3A_94 = vector.multi_reduction <minimumf>, %select_n3A_92, %reduce_min3A_93 [1] : vector<512x2048xf32> to vector<512xf32>
    %broadcast_in_dim3A_95 = vector.shape_cast %reduce_min3A_94 : vector<512xf32> to vector<512x1xf32>
    %convert_element_type3A_96 = arith.fptosi %broadcast_in_dim3A_95 : vector<512x1xf32> to vector<512x1xi32>
    %eq3A_97 = vector.broadcast %broadcast_in_dim3A_95 : vector<512x1xf32> to vector<512x2048xf32>
    %eq3A_98 = arith.cmpf oeq, %convert_element_type3A, %eq3A_97 : vector<512x2048xf32>
    %jit3A_99 = arith.constant 0x7F800000 : f32
    %broadcast_in_dim3A_100 = vector.broadcast %jit3A_99 : f32 to vector<512x2048xf32>
    %select_n3A_101 = arith.select %eq3A_98, %broadcast_in_dim3A_100, %select_n3A_84 : vector<512x2048xi1>, vector<512x2048xf32>
    %reduce_min3A_102 = arith.constant dense<0x7F800000> : vector<512xf32>
    %reduce_min3A_103 = vector.multi_reduction <minimumf>, %select_n3A_101, %reduce_min3A_102 [1] : vector<512x2048xf32> to vector<512xf32>
    %broadcast_in_dim3A_104 = vector.shape_cast %reduce_min3A_103 : vector<512xf32> to vector<512x1xf32>
    %eq3A_105 = vector.broadcast %broadcast_in_dim3A_104 : vector<512x1xf32> to vector<512x2048xf32>
    %eq3A_106 = arith.cmpf oeq, %select_n3A_101, %eq3A_105 : vector<512x2048xf32>
    %jit3A_107 = arith.constant 2.048000e+03 : f32
    %broadcast_in_dim3A_108 = vector.broadcast %jit3A_107 : f32 to vector<512x2048xf32>
    %select_n3A_109 = arith.select %eq3A_106, %convert_element_type3A, %broadcast_in_dim3A_108 : vector<512x2048xi1>, vector<512x2048xf32>
    %reduce_min3A_110 = arith.constant dense<0x7F800000> : vector<512xf32>
    %reduce_min3A_111 = vector.multi_reduction <minimumf>, %select_n3A_109, %reduce_min3A_110 [1] : vector<512x2048xf32> to vector<512xf32>
    %broadcast_in_dim3A_112 = vector.shape_cast %reduce_min3A_111 : vector<512xf32> to vector<512x1xf32>
    %convert_element_type3A_113 = arith.fptosi %broadcast_in_dim3A_112 : vector<512x1xf32> to vector<512x1xi32>
    %eq3A_114 = vector.broadcast %broadcast_in_dim3A_112 : vector<512x1xf32> to vector<512x2048xf32>
    %eq3A_115 = arith.cmpf oeq, %convert_element_type3A, %eq3A_114 : vector<512x2048xf32>
    %jit3A_116 = arith.constant 0x7F800000 : f32
    %broadcast_in_dim3A_117 = vector.broadcast %jit3A_116 : f32 to vector<512x2048xf32>
    %select_n3A_118 = arith.select %eq3A_115, %broadcast_in_dim3A_117, %select_n3A_101 : vector<512x2048xi1>, vector<512x2048xf32>
    %reduce_min3A_119 = arith.constant dense<0x7F800000> : vector<512xf32>
    %reduce_min3A_120 = vector.multi_reduction <minimumf>, %select_n3A_118, %reduce_min3A_119 [1] : vector<512x2048xf32> to vector<512xf32>
    %broadcast_in_dim3A_121 = vector.shape_cast %reduce_min3A_120 : vector<512xf32> to vector<512x1xf32>
    %eq3A_122 = vector.broadcast %broadcast_in_dim3A_121 : vector<512x1xf32> to vector<512x2048xf32>
    %eq3A_123 = arith.cmpf oeq, %select_n3A_118, %eq3A_122 : vector<512x2048xf32>
    %jit3A_124 = arith.constant 2.048000e+03 : f32
    %broadcast_in_dim3A_125 = vector.broadcast %jit3A_124 : f32 to vector<512x2048xf32>
    %select_n3A_126 = arith.select %eq3A_123, %convert_element_type3A, %broadcast_in_dim3A_125 : vector<512x2048xi1>, vector<512x2048xf32>
    %reduce_min3A_127 = arith.constant dense<0x7F800000> : vector<512xf32>
    %reduce_min3A_128 = vector.multi_reduction <minimumf>, %select_n3A_126, %reduce_min3A_127 [1] : vector<512x2048xf32> to vector<512xf32>
    %broadcast_in_dim3A_129 = vector.shape_cast %reduce_min3A_128 : vector<512xf32> to vector<512x1xf32>
    %convert_element_type3A_130 = arith.fptosi %broadcast_in_dim3A_129 : vector<512x1xf32> to vector<512x1xi32>
    %eq3A_131 = vector.broadcast %broadcast_in_dim3A_129 : vector<512x1xf32> to vector<512x2048xf32>
    %eq3A_132 = arith.cmpf oeq, %convert_element_type3A, %eq3A_131 : vector<512x2048xf32>
    %jit3A_133 = arith.constant 0x7F800000 : f32
    %broadcast_in_dim3A_134 = vector.broadcast %jit3A_133 : f32 to vector<512x2048xf32>
    %select_n3A_135 = arith.select %eq3A_132, %broadcast_in_dim3A_134, %select_n3A_118 : vector<512x2048xi1>, vector<512x2048xf32>
    %reduce_min3A_136 = arith.constant dense<0x7F800000> : vector<512xf32>
    %reduce_min3A_137 = vector.multi_reduction <minimumf>, %select_n3A_135, %reduce_min3A_136 [1] : vector<512x2048xf32> to vector<512xf32>
    %broadcast_in_dim3A_138 = vector.shape_cast %reduce_min3A_137 : vector<512xf32> to vector<512x1xf32>
    %eq3A_139 = vector.broadcast %broadcast_in_dim3A_138 : vector<512x1xf32> to vector<512x2048xf32>
    %eq3A_140 = arith.cmpf oeq, %select_n3A_135, %eq3A_139 : vector<512x2048xf32>
    %jit3A_141 = arith.constant 2.048000e+03 : f32
    %broadcast_in_dim3A_142 = vector.broadcast %jit3A_141 : f32 to vector<512x2048xf32>
    %select_n3A_143 = arith.select %eq3A_140, %convert_element_type3A, %broadcast_in_dim3A_142 : vector<512x2048xi1>, vector<512x2048xf32>
    %reduce_min3A_144 = arith.constant dense<0x7F800000> : vector<512xf32>
    %reduce_min3A_145 = vector.multi_reduction <minimumf>, %select_n3A_143, %reduce_min3A_144 [1] : vector<512x2048xf32> to vector<512xf32>
    %broadcast_in_dim3A_146 = vector.shape_cast %reduce_min3A_145 : vector<512xf32> to vector<512x1xf32>
    %convert_element_type3A_147 = arith.fptosi %broadcast_in_dim3A_146 : vector<512x1xf32> to vector<512x1xi32>
    %eq3A_148 = vector.broadcast %broadcast_in_dim3A_146 : vector<512x1xf32> to vector<512x2048xf32>
    %eq3A_149 = arith.cmpf oeq, %convert_element_type3A, %eq3A_148 : vector<512x2048xf32>
    %jit3A_150 = arith.constant 0x7F800000 : f32
    %broadcast_in_dim3A_151 = vector.broadcast %jit3A_150 : f32 to vector<512x2048xf32>
    %select_n3A_152 = arith.select %eq3A_149, %broadcast_in_dim3A_151, %select_n3A_135 : vector<512x2048xi1>, vector<512x2048xf32>
    %reduce_min3A_153 = arith.constant dense<0x7F800000> : vector<512xf32>
    %reduce_min3A_154 = vector.multi_reduction <minimumf>, %select_n3A_152, %reduce_min3A_153 [1] : vector<512x2048xf32> to vector<512xf32>
    %broadcast_in_dim3A_155 = vector.shape_cast %reduce_min3A_154 : vector<512xf32> to vector<512x1xf32>
    %eq3A_156 = vector.broadcast %broadcast_in_dim3A_155 : vector<512x1xf32> to vector<512x2048xf32>
    %eq3A_157 = arith.cmpf oeq, %select_n3A_152, %eq3A_156 : vector<512x2048xf32>
    %jit3A_158 = arith.constant 2.048000e+03 : f32
    %broadcast_in_dim3A_159 = vector.broadcast %jit3A_158 : f32 to vector<512x2048xf32>
    %select_n3A_160 = arith.select %eq3A_157, %convert_element_type3A, %broadcast_in_dim3A_159 : vector<512x2048xi1>, vector<512x2048xf32>
    %reduce_min3A_161 = arith.constant dense<0x7F800000> : vector<512xf32>
    %reduce_min3A_162 = vector.multi_reduction <minimumf>, %select_n3A_160, %reduce_min3A_161 [1] : vector<512x2048xf32> to vector<512xf32>
    %broadcast_in_dim3A_163 = vector.shape_cast %reduce_min3A_162 : vector<512xf32> to vector<512x1xf32>
    %convert_element_type3A_164 = arith.fptosi %broadcast_in_dim3A_163 : vector<512x1xf32> to vector<512x1xi32>
    %eq3A_165 = vector.broadcast %broadcast_in_dim3A_163 : vector<512x1xf32> to vector<512x2048xf32>
    %eq3A_166 = arith.cmpf oeq, %convert_element_type3A, %eq3A_165 : vector<512x2048xf32>
    %jit3A_167 = arith.constant 0x7F800000 : f32
    %broadcast_in_dim3A_168 = vector.broadcast %jit3A_167 : f32 to vector<512x2048xf32>
    %select_n3A_169 = arith.select %eq3A_166, %broadcast_in_dim3A_168, %select_n3A_152 : vector<512x2048xi1>, vector<512x2048xf32>
    %reduce_min3A_170 = arith.constant dense<0x7F800000> : vector<512xf32>
    %reduce_min3A_171 = vector.multi_reduction <minimumf>, %select_n3A_169, %reduce_min3A_170 [1] : vector<512x2048xf32> to vector<512xf32>
    %broadcast_in_dim3A_172 = vector.shape_cast %reduce_min3A_171 : vector<512xf32> to vector<512x1xf32>
    %eq3A_173 = vector.broadcast %broadcast_in_dim3A_172 : vector<512x1xf32> to vector<512x2048xf32>
    %eq3A_174 = arith.cmpf oeq, %select_n3A_169, %eq3A_173 : vector<512x2048xf32>
    %jit3A_175 = arith.constant 2.048000e+03 : f32
    %broadcast_in_dim3A_176 = vector.broadcast %jit3A_175 : f32 to vector<512x2048xf32>
    %select_n3A_177 = arith.select %eq3A_174, %convert_element_type3A, %broadcast_in_dim3A_176 : vector<512x2048xi1>, vector<512x2048xf32>
    %reduce_min3A_178 = arith.constant dense<0x7F800000> : vector<512xf32>
    %reduce_min3A_179 = vector.multi_reduction <minimumf>, %select_n3A_177, %reduce_min3A_178 [1] : vector<512x2048xf32> to vector<512xf32>
    %broadcast_in_dim3A_180 = vector.shape_cast %reduce_min3A_179 : vector<512xf32> to vector<512x1xf32>
    %convert_element_type3A_181 = arith.fptosi %broadcast_in_dim3A_180 : vector<512x1xf32> to vector<512x1xi32>
    %eq3A_182 = vector.broadcast %broadcast_in_dim3A_180 : vector<512x1xf32> to vector<512x2048xf32>
    %eq3A_183 = arith.cmpf oeq, %convert_element_type3A, %eq3A_182 : vector<512x2048xf32>
    %jit3A_184 = arith.constant 0x7F800000 : f32
    %broadcast_in_dim3A_185 = vector.broadcast %jit3A_184 : f32 to vector<512x2048xf32>
    %select_n3A_186 = arith.select %eq3A_183, %broadcast_in_dim3A_185, %select_n3A_169 : vector<512x2048xi1>, vector<512x2048xf32>
    %reduce_min3A_187 = arith.constant dense<0x7F800000> : vector<512xf32>
    %reduce_min3A_188 = vector.multi_reduction <minimumf>, %select_n3A_186, %reduce_min3A_187 [1] : vector<512x2048xf32> to vector<512xf32>
    %broadcast_in_dim3A_189 = vector.shape_cast %reduce_min3A_188 : vector<512xf32> to vector<512x1xf32>
    %eq3A_190 = vector.broadcast %broadcast_in_dim3A_189 : vector<512x1xf32> to vector<512x2048xf32>
    %eq3A_191 = arith.cmpf oeq, %select_n3A_186, %eq3A_190 : vector<512x2048xf32>
    %jit3A_192 = arith.constant 2.048000e+03 : f32
    %broadcast_in_dim3A_193 = vector.broadcast %jit3A_192 : f32 to vector<512x2048xf32>
    %select_n3A_194 = arith.select %eq3A_191, %convert_element_type3A, %broadcast_in_dim3A_193 : vector<512x2048xi1>, vector<512x2048xf32>
    %reduce_min3A_195 = arith.constant dense<0x7F800000> : vector<512xf32>
    %reduce_min3A_196 = vector.multi_reduction <minimumf>, %select_n3A_194, %reduce_min3A_195 [1] : vector<512x2048xf32> to vector<512xf32>
    %broadcast_in_dim3A_197 = vector.shape_cast %reduce_min3A_196 : vector<512xf32> to vector<512x1xf32>
    %convert_element_type3A_198 = arith.fptosi %broadcast_in_dim3A_197 : vector<512x1xf32> to vector<512x1xi32>
    %eq3A_199 = vector.broadcast %broadcast_in_dim3A_197 : vector<512x1xf32> to vector<512x2048xf32>
    %eq3A_200 = arith.cmpf oeq, %convert_element_type3A, %eq3A_199 : vector<512x2048xf32>
    %jit3A_201 = arith.constant 0x7F800000 : f32
    %broadcast_in_dim3A_202 = vector.broadcast %jit3A_201 : f32 to vector<512x2048xf32>
    %select_n3A_203 = arith.select %eq3A_200, %broadcast_in_dim3A_202, %select_n3A_186 : vector<512x2048xi1>, vector<512x2048xf32>
    %reduce_min3A_204 = arith.constant dense<0x7F800000> : vector<512xf32>
    %reduce_min3A_205 = vector.multi_reduction <minimumf>, %select_n3A_203, %reduce_min3A_204 [1] : vector<512x2048xf32> to vector<512xf32>
    %broadcast_in_dim3A_206 = vector.shape_cast %reduce_min3A_205 : vector<512xf32> to vector<512x1xf32>
    %eq3A_207 = vector.broadcast %broadcast_in_dim3A_206 : vector<512x1xf32> to vector<512x2048xf32>
    %eq3A_208 = arith.cmpf oeq, %select_n3A_203, %eq3A_207 : vector<512x2048xf32>
    %jit3A_209 = arith.constant 2.048000e+03 : f32
    %broadcast_in_dim3A_210 = vector.broadcast %jit3A_209 : f32 to vector<512x2048xf32>
    %select_n3A_211 = arith.select %eq3A_208, %convert_element_type3A, %broadcast_in_dim3A_210 : vector<512x2048xi1>, vector<512x2048xf32>
    %reduce_min3A_212 = arith.constant dense<0x7F800000> : vector<512xf32>
    %reduce_min3A_213 = vector.multi_reduction <minimumf>, %select_n3A_211, %reduce_min3A_212 [1] : vector<512x2048xf32> to vector<512xf32>
    %broadcast_in_dim3A_214 = vector.shape_cast %reduce_min3A_213 : vector<512xf32> to vector<512x1xf32>
    %convert_element_type3A_215 = arith.fptosi %broadcast_in_dim3A_214 : vector<512x1xf32> to vector<512x1xi32>
    %eq3A_216 = vector.broadcast %broadcast_in_dim3A_214 : vector<512x1xf32> to vector<512x2048xf32>
    %eq3A_217 = arith.cmpf oeq, %convert_element_type3A, %eq3A_216 : vector<512x2048xf32>
    %jit3A_218 = arith.constant 0x7F800000 : f32
    %broadcast_in_dim3A_219 = vector.broadcast %jit3A_218 : f32 to vector<512x2048xf32>
    %select_n3A_220 = arith.select %eq3A_217, %broadcast_in_dim3A_219, %select_n3A_203 : vector<512x2048xi1>, vector<512x2048xf32>
    %reduce_min3A_221 = arith.constant dense<0x7F800000> : vector<512xf32>
    %reduce_min3A_222 = vector.multi_reduction <minimumf>, %select_n3A_220, %reduce_min3A_221 [1] : vector<512x2048xf32> to vector<512xf32>
    %broadcast_in_dim3A_223 = vector.shape_cast %reduce_min3A_222 : vector<512xf32> to vector<512x1xf32>
    %eq3A_224 = vector.broadcast %broadcast_in_dim3A_223 : vector<512x1xf32> to vector<512x2048xf32>
    %eq3A_225 = arith.cmpf oeq, %select_n3A_220, %eq3A_224 : vector<512x2048xf32>
    %jit3A_226 = arith.constant 2.048000e+03 : f32
    %broadcast_in_dim3A_227 = vector.broadcast %jit3A_226 : f32 to vector<512x2048xf32>
    %select_n3A_228 = arith.select %eq3A_225, %convert_element_type3A, %broadcast_in_dim3A_227 : vector<512x2048xi1>, vector<512x2048xf32>
    %reduce_min3A_229 = arith.constant dense<0x7F800000> : vector<512xf32>
    %reduce_min3A_230 = vector.multi_reduction <minimumf>, %select_n3A_228, %reduce_min3A_229 [1] : vector<512x2048xf32> to vector<512xf32>
    %broadcast_in_dim3A_231 = vector.shape_cast %reduce_min3A_230 : vector<512xf32> to vector<512x1xf32>
    %convert_element_type3A_232 = arith.fptosi %broadcast_in_dim3A_231 : vector<512x1xf32> to vector<512x1xi32>
    %eq3A_233 = vector.broadcast %broadcast_in_dim3A_231 : vector<512x1xf32> to vector<512x2048xf32>
    %eq3A_234 = arith.cmpf oeq, %convert_element_type3A, %eq3A_233 : vector<512x2048xf32>
    %jit3A_235 = arith.constant 0x7F800000 : f32
    %broadcast_in_dim3A_236 = vector.broadcast %jit3A_235 : f32 to vector<512x2048xf32>
    %select_n3A_237 = arith.select %eq3A_234, %broadcast_in_dim3A_236, %select_n3A_220 : vector<512x2048xi1>, vector<512x2048xf32>
    %reduce_min3A_238 = arith.constant dense<0x7F800000> : vector<512xf32>
    %reduce_min3A_239 = vector.multi_reduction <minimumf>, %select_n3A_237, %reduce_min3A_238 [1] : vector<512x2048xf32> to vector<512xf32>
    %broadcast_in_dim3A_240 = vector.shape_cast %reduce_min3A_239 : vector<512xf32> to vector<512x1xf32>
    %eq3A_241 = vector.broadcast %broadcast_in_dim3A_240 : vector<512x1xf32> to vector<512x2048xf32>
    %eq3A_242 = arith.cmpf oeq, %select_n3A_237, %eq3A_241 : vector<512x2048xf32>
    %jit3A_243 = arith.constant 2.048000e+03 : f32
    %broadcast_in_dim3A_244 = vector.broadcast %jit3A_243 : f32 to vector<512x2048xf32>
    %select_n3A_245 = arith.select %eq3A_242, %convert_element_type3A, %broadcast_in_dim3A_244 : vector<512x2048xi1>, vector<512x2048xf32>
    %reduce_min3A_246 = arith.constant dense<0x7F800000> : vector<512xf32>
    %reduce_min3A_247 = vector.multi_reduction <minimumf>, %select_n3A_245, %reduce_min3A_246 [1] : vector<512x2048xf32> to vector<512xf32>
    %broadcast_in_dim3A_248 = vector.shape_cast %reduce_min3A_247 : vector<512xf32> to vector<512x1xf32>
    %convert_element_type3A_249 = arith.fptosi %broadcast_in_dim3A_248 : vector<512x1xf32> to vector<512x1xi32>
    %eq3A_250 = vector.broadcast %broadcast_in_dim3A_248 : vector<512x1xf32> to vector<512x2048xf32>
    %eq3A_251 = arith.cmpf oeq, %convert_element_type3A, %eq3A_250 : vector<512x2048xf32>
    %jit3A_252 = arith.constant 0x7F800000 : f32
    %broadcast_in_dim3A_253 = vector.broadcast %jit3A_252 : f32 to vector<512x2048xf32>
    %select_n3A_254 = arith.select %eq3A_251, %broadcast_in_dim3A_253, %select_n3A_237 : vector<512x2048xi1>, vector<512x2048xf32>
    %reduce_min3A_255 = arith.constant dense<0x7F800000> : vector<512xf32>
    %reduce_min3A_256 = vector.multi_reduction <minimumf>, %select_n3A_254, %reduce_min3A_255 [1] : vector<512x2048xf32> to vector<512xf32>
    %broadcast_in_dim3A_257 = vector.shape_cast %reduce_min3A_256 : vector<512xf32> to vector<512x1xf32>
    %eq3A_258 = vector.broadcast %broadcast_in_dim3A_257 : vector<512x1xf32> to vector<512x2048xf32>
    %eq3A_259 = arith.cmpf oeq, %select_n3A_254, %eq3A_258 : vector<512x2048xf32>
    %jit3A_260 = arith.constant 2.048000e+03 : f32
    %broadcast_in_dim3A_261 = vector.broadcast %jit3A_260 : f32 to vector<512x2048xf32>
    %select_n3A_262 = arith.select %eq3A_259, %convert_element_type3A, %broadcast_in_dim3A_261 : vector<512x2048xi1>, vector<512x2048xf32>
    %reduce_min3A_263 = arith.constant dense<0x7F800000> : vector<512xf32>
    %reduce_min3A_264 = vector.multi_reduction <minimumf>, %select_n3A_262, %reduce_min3A_263 [1] : vector<512x2048xf32> to vector<512xf32>
    %broadcast_in_dim3A_265 = vector.shape_cast %reduce_min3A_264 : vector<512xf32> to vector<512x1xf32>
    %convert_element_type3A_266 = arith.fptosi %broadcast_in_dim3A_265 : vector<512x1xf32> to vector<512x1xi32>
    %eq3A_267 = vector.broadcast %broadcast_in_dim3A_265 : vector<512x1xf32> to vector<512x2048xf32>
    %eq3A_268 = arith.cmpf oeq, %convert_element_type3A, %eq3A_267 : vector<512x2048xf32>
    %jit3A_269 = arith.constant 0x7F800000 : f32
    %broadcast_in_dim3A_270 = vector.broadcast %jit3A_269 : f32 to vector<512x2048xf32>
    %select_n3A_271 = arith.select %eq3A_268, %broadcast_in_dim3A_270, %select_n3A_254 : vector<512x2048xi1>, vector<512x2048xf32>
    %reduce_min3A_272 = arith.constant dense<0x7F800000> : vector<512xf32>
    %reduce_min3A_273 = vector.multi_reduction <minimumf>, %select_n3A_271, %reduce_min3A_272 [1] : vector<512x2048xf32> to vector<512xf32>
    %broadcast_in_dim3A_274 = vector.shape_cast %reduce_min3A_273 : vector<512xf32> to vector<512x1xf32>
    %eq3A_275 = vector.broadcast %broadcast_in_dim3A_274 : vector<512x1xf32> to vector<512x2048xf32>
    %eq3A_276 = arith.cmpf oeq, %select_n3A_271, %eq3A_275 : vector<512x2048xf32>
    %jit3A_277 = arith.constant 2.048000e+03 : f32
    %broadcast_in_dim3A_278 = vector.broadcast %jit3A_277 : f32 to vector<512x2048xf32>
    %select_n3A_279 = arith.select %eq3A_276, %convert_element_type3A, %broadcast_in_dim3A_278 : vector<512x2048xi1>, vector<512x2048xf32>
    %reduce_min3A_280 = arith.constant dense<0x7F800000> : vector<512xf32>
    %reduce_min3A_281 = vector.multi_reduction <minimumf>, %select_n3A_279, %reduce_min3A_280 [1] : vector<512x2048xf32> to vector<512xf32>
    %broadcast_in_dim3A_282 = vector.shape_cast %reduce_min3A_281 : vector<512xf32> to vector<512x1xf32>
    %convert_element_type3A_283 = arith.fptosi %broadcast_in_dim3A_282 : vector<512x1xf32> to vector<512x1xi32>
    %concatenate3A = tpu.concatenate %convert_element_type3A_28, %convert_element_type3A_45, %convert_element_type3A_62, %convert_element_type3A_79, %convert_element_type3A_96, %convert_element_type3A_113, %convert_element_type3A_130, %convert_element_type3A_147, %convert_element_type3A_164, %convert_element_type3A_181, %convert_element_type3A_198, %convert_element_type3A_215, %convert_element_type3A_232, %convert_element_type3A_249, %convert_element_type3A_266, %convert_element_type3A_283 in 1 : vector<512x1xi32>, vector<512x1xi32>, vector<512x1xi32>, vector<512x1xi32>, vector<512x1xi32>, vector<512x1xi32>, vector<512x1xi32>, vector<512x1xi32>, vector<512x1xi32>, vector<512x1xi32>, vector<512x1xi32>, vector<512x1xi32>, vector<512x1xi32>, vector<512x1xi32>, vector<512x1xi32>, vector<512x1xi32> -> vector<512x16xi32>
    %swap3A = arith.constant 0 : index
    %swap3A_284 = arith.constant 0 : index
    %swap3A_285 = arith.constant 0 : index
    %swap3A_286 = vector.load %arg4[%swap3A, %swap3A_284, %swap3A_285] : memref<1x512x16xi32, #tpu.memory_space<vmem>>, vector<1x512x16xi32>
    %swap3A_287 = vector.shape_cast %swap3A_286 : vector<1x512x16xi32> to vector<512x16xi32>
    %swap3A_288 = vector.shape_cast %concatenate3A : vector<512x16xi32> to vector<1x512x16xi32>
    tpu.vector_store %arg4[%swap3A, %swap3A_284, %swap3A_285], %swap3A_288 {strides = array<i32>} : memref<1x512x16xi32, #tpu.memory_space<vmem>>, vector<1x512x16xi32>,
    return
  }
  func.func @transform_0(%arg0: i32, %arg1: i32) -> (i32, i32, i32) {
    %c0_i32 = arith.constant 0 : i32
    %c0_i32_0 = arith.constant 0 : i32
    return %arg0, %arg1, %c0_i32 : i32, i32, i32
  }
  func.func @transform_1(%arg0: i32, %arg1: i32) -> (i32, i32, i32) {
    %c0_i32 = arith.constant 0 : i32
    %c0_i32_0 = arith.constant 0 : i32
    %c0_i32_1 = arith.constant 0 : i32
    return %arg0, %c0_i32, %c0_i32_0 : i32, i32, i32
  }
  func.func @transform_2(%arg0: i32, %arg1: i32) -> (i32, i32, i32) {
    %c0_i32 = arith.constant 0 : i32
    %c0_i32_0 = arith.constant 0 : i32
    return %arg0, %arg1, %c0_i32 : i32, i32, i32
  }
}

module attributes {stable_mosaic.version = 14 : i64} {
  func.func @_k1_body(%arg0: i32, %arg1: memref<1x3x2048xf32, #tpu.memory_space<vmem>>, %arg2: memref<3x64xf32, #tpu.memory_space<vmem>>, %arg3: memref<1x64xf32, #tpu.memory_space<vmem>>, %arg4: memref<128x256xf32, #tpu.memory_space<vmem>>, %arg5: memref<1x2048x256xf32, #tpu.memory_space<vmem>>, %arg6: memref<1x2048x256xf32, #tpu.memory_space<vmem>>) attributes {dimension_semantics = [#tpu.dimension_semantics<arbitrary>], iteration_bounds = array<i64: 8>, scalar_prefetch = 0 : i64, scratch_operands = 0 : i64, tpu.core_type = #tpu.core_type<tc>, window_params = [{transform_indices = @transform_0, window_bounds = array<i64: 1, 3, 2048>}, {pipeline_mode = #tpu.pipeline_mode<synchronous>, transform_indices = @transform_1, window_bounds = array<i64: 3, 64>}, {pipeline_mode = #tpu.pipeline_mode<synchronous>, transform_indices = @transform_2, window_bounds = array<i64: 1, 64>}, {pipeline_mode = #tpu.pipeline_mode<synchronous>, transform_indices = @transform_3, window_bounds = array<i64: 128, 256>}, {transform_indices = @transform_4, window_bounds = array<i64: 1, 2048, 256>}, {transform_indices = @transform_5, window_bounds = array<i64: 1, 2048, 256>}]} {
    %get3A = arith.constant 0 : index
    %get3A_0 = arith.constant 0 : index
    %get3A_1 = arith.constant 0 : index
    %get3A_2 = vector.load %arg1[%get3A, %get3A_0, %get3A_1] : memref<1x3x2048xf32, #tpu.memory_space<vmem>>, vector<1x3x2048xf32>
    %get3A_3 = vector.shape_cast %get3A_2 : vector<1x3x2048xf32> to vector<3x2048xf32>
    %get3A_4 = arith.constant 0 : index
    %get3A_5 = arith.constant 0 : index
    %get3A_6 = vector.load %arg2[%get3A_4, %get3A_5] : memref<3x64xf32, #tpu.memory_space<vmem>>, vector<3x64xf32>
    %dot_general3A = arith.constant dense<0.000000e+00> : vector<2048x64xf32>
    %dot_general3A_7 = tpu.matmul %get3A_3, %get3A_6, %dot_general3A {dimension_numbers = #tpu.dot_dimension_numbers<[0], [0], [1], [1], [0, 1, 1, 1], [], []>, transpose_lhs_hint = false} : vector<3x2048xf32>, vector<3x64xf32>, vector<2048x64xf32> -> vector<2048x64xf32>
    %get3A_8 = arith.constant 0 : index
    %get3A_9 = arith.constant 0 : index
    %get3A_10 = vector.load %arg3[%get3A_8, %get3A_9] : memref<1x64xf32, #tpu.memory_space<vmem>>, vector<1x64xf32>
    %add3A = vector.broadcast %get3A_10 : vector<1x64xf32> to vector<2048x64xf32>
    %add3A_11 = arith.addf %dot_general3A_7, %add3A : vector<2048x64xf32>
    %get3A_12 = arith.constant 0 : index
    %get3A_13 = arith.constant 0 : index
    %get3A_14 = vector.load %arg4[%get3A_12, %get3A_13] : memref<128x256xf32, #tpu.memory_space<vmem>>, vector<64x256xf32>
    %get3A_15 = arith.constant 64 : index
    %get3A_16 = arith.constant 0 : index
    %get3A_17 = vector.load %arg4[%get3A_15, %get3A_16] : memref<128x256xf32, #tpu.memory_space<vmem>>, vector<64x256xf32>
    %dot_general3A_18 = arith.constant dense<0.000000e+00> : vector<2048x256xf32>
    %dot_general3A_19 = tpu.matmul %add3A_11, %get3A_14, %dot_general3A_18 {dimension_numbers = #tpu.dot_dimension_numbers<[1], [0], [0], [1], [0, 0, 1, 1], [], []>, transpose_lhs_hint = false} : vector<2048x64xf32>, vector<64x256xf32>, vector<2048x256xf32> -> vector<2048x256xf32>
    %swap3A = arith.constant 0 : index
    %swap3A_20 = arith.constant 0 : index
    %swap3A_21 = arith.constant 0 : index
    %swap3A_22 = vector.load %arg5[%swap3A, %swap3A_20, %swap3A_21] : memref<1x2048x256xf32, #tpu.memory_space<vmem>>, vector<1x2048x256xf32>
    %swap3A_23 = vector.shape_cast %swap3A_22 : vector<1x2048x256xf32> to vector<2048x256xf32>
    %swap3A_24 = vector.shape_cast %dot_general3A_19 : vector<2048x256xf32> to vector<1x2048x256xf32>
    tpu.vector_store %arg5[%swap3A, %swap3A_20, %swap3A_21], %swap3A_24 {strides = array<i32>} : memref<1x2048x256xf32, #tpu.memory_space<vmem>>, vector<1x2048x256xf32>,
    %sub3A = arith.subf %get3A_17, %get3A_14 : vector<64x256xf32>
    %dot_general3A_25 = arith.constant dense<0.000000e+00> : vector<2048x256xf32>
    %dot_general3A_26 = tpu.matmul %add3A_11, %sub3A, %dot_general3A_25 {dimension_numbers = #tpu.dot_dimension_numbers<[1], [0], [0], [1], [0, 0, 1, 1], [], []>, transpose_lhs_hint = false} : vector<2048x64xf32>, vector<64x256xf32>, vector<2048x256xf32> -> vector<2048x256xf32>
    %swap3A_27 = arith.constant 0 : index
    %swap3A_28 = arith.constant 0 : index
    %swap3A_29 = arith.constant 0 : index
    %swap3A_30 = vector.load %arg6[%swap3A_27, %swap3A_28, %swap3A_29] : memref<1x2048x256xf32, #tpu.memory_space<vmem>>, vector<1x2048x256xf32>
    %swap3A_31 = vector.shape_cast %swap3A_30 : vector<1x2048x256xf32> to vector<2048x256xf32>
    %swap3A_32 = vector.shape_cast %dot_general3A_26 : vector<2048x256xf32> to vector<1x2048x256xf32>
    tpu.vector_store %arg6[%swap3A_27, %swap3A_28, %swap3A_29], %swap3A_32 {strides = array<i32>} : memref<1x2048x256xf32, #tpu.memory_space<vmem>>, vector<1x2048x256xf32>,
    return
  }
  func.func @transform_0(%arg0: i32) -> (i32, i32, i32) {
    %c0_i32 = arith.constant 0 : i32
    %c0_i32_0 = arith.constant 0 : i32
    %c0_i32_1 = arith.constant 0 : i32
    return %arg0, %c0_i32, %c0_i32_0 : i32, i32, i32
  }
  func.func @transform_1(%arg0: i32) -> (i32, i32) {
    %c0_i32 = arith.constant 0 : i32
    %c0_i32_0 = arith.constant 0 : i32
    %c0_i32_1 = arith.constant 0 : i32
    return %c0_i32, %c0_i32_0 : i32, i32
  }
  func.func @transform_2(%arg0: i32) -> (i32, i32) {
    %c0_i32 = arith.constant 0 : i32
    %c0_i32_0 = arith.constant 0 : i32
    %c0_i32_1 = arith.constant 0 : i32
    return %c0_i32, %c0_i32_0 : i32, i32
  }
  func.func @transform_3(%arg0: i32) -> (i32, i32) {
    %c0_i32 = arith.constant 0 : i32
    %c0_i32_0 = arith.constant 0 : i32
    %c0_i32_1 = arith.constant 0 : i32
    return %c0_i32, %c0_i32_0 : i32, i32
  }
  func.func @transform_4(%arg0: i32) -> (i32, i32, i32) {
    %c0_i32 = arith.constant 0 : i32
    %c0_i32_0 = arith.constant 0 : i32
    %c0_i32_1 = arith.constant 0 : i32
    return %arg0, %c0_i32, %c0_i32_0 : i32, i32, i32
  }
  func.func @transform_5(%arg0: i32) -> (i32, i32, i32) {
    %c0_i32 = arith.constant 0 : i32
    %c0_i32_0 = arith.constant 0 : i32
    %c0_i32_1 = arith.constant 0 : i32
    return %arg0, %c0_i32, %c0_i32_0 : i32, i32, i32
  }
}

module attributes {stable_mosaic.version = 14 : i64} {
  func.func @_k3_body(%arg0: i32, %arg1: memref<8x3x2048xf32, #tpu.memory_space<vmem>>, %arg2: memref<8x512xi32, #tpu.memory_space<vmem>>) attributes {dimension_semantics = [#tpu.dimension_semantics<arbitrary>], iteration_bounds = array<i64: 1>, scalar_prefetch = 0 : i64, scratch_operands = 0 : i64, tpu.core_type = #tpu.core_type<tc>, window_params = [{pipeline_mode = #tpu.pipeline_mode<synchronous>, transform_indices = @transform_0, window_bounds = array<i64: 8, 3, 2048>}, {pipeline_mode = #tpu.pipeline_mode<synchronous>, transform_indices = @transform_1, window_bounds = array<i64: 8, 512>}]} {
    %get3A = arith.constant 0 : index
    %get3A_0 = arith.constant 0 : index
    %get3A_1 = arith.constant 0 : index
    %get3A_2 = vector.load %arg1[%get3A, %get3A_0, %get3A_1] : memref<8x3x2048xf32, #tpu.memory_space<vmem>>, vector<8x1x2048xf32>
    %get3A_3 = vector.shape_cast %get3A_2 : vector<8x1x2048xf32> to vector<8x2048xf32>
    %get3A_4 = arith.constant 0 : index
    %get3A_5 = arith.constant 1 : index
    %get3A_6 = arith.constant 0 : index
    %get3A_7 = vector.load %arg1[%get3A_4, %get3A_5, %get3A_6] : memref<8x3x2048xf32, #tpu.memory_space<vmem>>, vector<8x1x2048xf32>
    %get3A_8 = vector.shape_cast %get3A_7 : vector<8x1x2048xf32> to vector<8x2048xf32>
    %get3A_9 = arith.constant 0 : index
    %get3A_10 = arith.constant 2 : index
    %get3A_11 = arith.constant 0 : index
    %get3A_12 = vector.load %arg1[%get3A_9, %get3A_10, %get3A_11] : memref<8x3x2048xf32, #tpu.memory_space<vmem>>, vector<8x1x2048xf32>
    %get3A_13 = vector.shape_cast %get3A_12 : vector<8x1x2048xf32> to vector<8x2048xf32>
    %concatenate3A = tpu.concatenate %get3A_3, %get3A_8, %get3A_13 in 0 : vector<8x2048xf32>, vector<8x2048xf32>, vector<8x2048xf32> -> vector<24x2048xf32>
    %iota3A = tpu.iota {dimensions = array<i32: 1>} : vector<8x2048xi32>
    %convert_element_type3A = arith.sitofp %iota3A : vector<8x2048xi32> to vector<8x2048xf32>
    %iota3A_14 = tpu.iota {dimensions = array<i32: 1>} : vector<24x2048xi32>
    %convert_element_type3A_15 = arith.sitofp %iota3A_14 : vector<24x2048xi32> to vector<24x2048xf32>
    %iota3A_16 = tpu.iota {dimensions = array<i32: 1>} : vector<8x512xi32>
    %mul3A = arith.constant 0.000000e+00 : f32
    %mul3A_17 = vector.broadcast %mul3A : f32 to vector<8x2048xf32>
    %mul3A_18 = arith.mulf %mul3A_17, %get3A_3 : vector<8x2048xf32>
    %add3A = arith.constant 1.000000e+10 : f32
    %add3A_19 = vector.broadcast %add3A : f32 to vector<8x2048xf32>
    %add3A_20 = arith.addf %add3A_19, %mul3A_18 : vector<8x2048xf32>
    %reduce_min3A = arith.constant dense<0x7F800000> : vector<8xf32>
    %reduce_min3A_21 = vector.multi_reduction <minimumf>, %get3A_3, %reduce_min3A [1] : vector<8x2048xf32> to vector<8xf32>
    %broadcast_in_dim3A = vector.shape_cast %reduce_min3A_21 : vector<8xf32> to vector<8x1xf32>
    %mul3A_22 = arith.constant 0.000000e+00 : f32
    %mul3A_23 = vector.broadcast %mul3A_22 : f32 to vector<8x1xf32>
    %mul3A_24 = arith.mulf %mul3A_23, %broadcast_in_dim3A : vector<8x1xf32>
    %slice3A = vector.extract_strided_slice %get3A_3 {offsets = [0, 0], sizes = [8, 512], strides = [1, 1]} : vector<8x2048xf32> to vector<8x512xf32>
    %mul3A_25 = arith.constant 0.000000e+00 : f32
    %mul3A_26 = vector.broadcast %mul3A_25 : f32 to vector<8x512xf32>
    %mul3A_27 = arith.mulf %mul3A_26, %slice3A : vector<8x512xf32>
    %convert_element_type3A_28 = arith.fptosi %mul3A_27 : vector<8x512xf32> to vector<8x512xi32>
    %scan3A = arith.constant 0 : i32
    %scan3A_29 = arith.constant 512 : i32
    %scan3A_30 = arith.addi %scan3A, %scan3A_29 : i32
    %scan3A_31 = arith.constant 1 : i32
    %scan3A_32:3 = scf.for %scan3A_36 = %scan3A to %scan3A_30 step %scan3A_31 iter_args(%scan3A_37 = %add3A_20, %scan3A_38 = %mul3A_24, %scan3A_39 = %convert_element_type3A_28) -> (vector<8x2048xf32>, vector<8x1xf32>, vector<8x512xi32>)  : i32 {
      %convert_element_type3A_40 = arith.fptosi %scan3A_38 : vector<8x1xf32> to vector<8x1xi32>
      %mul3A_41 = arith.constant 0 : i32
      %mul3A_42 = vector.broadcast %mul3A_41 : i32 to vector<8x512xi32>
      %mul3A_43 = arith.muli %mul3A_42, %iota3A_16 : vector<8x512xi32>
      %add3A_44 = vector.broadcast %convert_element_type3A_40 : vector<8x1xi32> to vector<8x512xi32>
      %add3A_45 = arith.addi %add3A_44, %mul3A_43 : vector<8x512xi32>
      %eq3A = vector.broadcast %scan3A_36 : i32 to vector<8x512xi32>
      %eq3A_46 = arith.cmpi eq, %iota3A_16, %eq3A : vector<8x512xi32>
      %select_n3A = arith.select %eq3A_46, %add3A_45, %scan3A_39 : vector<8x512xi1>, vector<8x512xi32>
      %concatenate3A_47 = tpu.concatenate %scan3A_38, %scan3A_38, %scan3A_38 in 0 : vector<8x1xf32>, vector<8x1xf32>, vector<8x1xf32> -> vector<24x1xf32>
      %eq3A_48 = vector.broadcast %concatenate3A_47 : vector<24x1xf32> to vector<24x2048xf32>
      %eq3A_49 = arith.cmpf oeq, %convert_element_type3A_15, %eq3A_48 : vector<24x2048xf32>
      %jit3A = arith.constant 0.000000e+00 : f32
      %broadcast_in_dim3A_50 = vector.broadcast %jit3A : f32 to vector<24x2048xf32>
      %select_n3A_51 = arith.select %eq3A_49, %concatenate3A, %broadcast_in_dim3A_50 : vector<24x2048xi1>, vector<24x2048xf32>
      %reduce_sum3A = arith.constant dense<0.000000e+00> : vector<24xf32>
      %reduce_sum3A_52 = vector.multi_reduction <add>, %select_n3A_51, %reduce_sum3A [1] : vector<24x2048xf32> to vector<24xf32>
      %broadcast_in_dim3A_53 = vector.shape_cast %reduce_sum3A_52 : vector<24xf32> to vector<24x1xf32>
      %slice3A_54 = vector.extract_strided_slice %broadcast_in_dim3A_53 {offsets = [0, 0], sizes = [8, 1], strides = [1, 1]} : vector<24x1xf32> to vector<8x1xf32>
      %slice3A_55 = vector.extract_strided_slice %broadcast_in_dim3A_53 {offsets = [8, 0], sizes = [8, 1], strides = [1, 1]} : vector<24x1xf32> to vector<8x1xf32>
      %slice3A_56 = vector.extract_strided_slice %broadcast_in_dim3A_53 {offsets = [16, 0], sizes = [8, 1], strides = [1, 1]} : vector<24x1xf32> to vector<8x1xf32>
      %sub3A = vector.broadcast %slice3A_54 : vector<8x1xf32> to vector<8x2048xf32>
      %sub3A_57 = arith.subf %get3A_3, %sub3A : vector<8x2048xf32>
      %sub3A_58 = vector.broadcast %slice3A_55 : vector<8x1xf32> to vector<8x2048xf32>
      %sub3A_59 = arith.subf %get3A_8, %sub3A_58 : vector<8x2048xf32>
      %sub3A_60 = vector.broadcast %slice3A_56 : vector<8x1xf32> to vector<8x2048xf32>
      %sub3A_61 = arith.subf %get3A_13, %sub3A_60 : vector<8x2048xf32>
      %mul3A_62 = arith.mulf %sub3A_57, %sub3A_57 : vector<8x2048xf32>
      %mul3A_63 = arith.mulf %sub3A_59, %sub3A_59 : vector<8x2048xf32>
      %add3A_64 = arith.addf %mul3A_62, %mul3A_63 : vector<8x2048xf32>
      %mul3A_65 = arith.mulf %sub3A_61, %sub3A_61 : vector<8x2048xf32>
      %add3A_66 = arith.addf %add3A_64, %mul3A_65 : vector<8x2048xf32>
      %min3A = arith.minimumf %scan3A_37, %add3A_66 : vector<8x2048xf32>
      %reduce_max3A = arith.constant dense<0xFF800000> : vector<8xf32>
      %reduce_max3A_67 = vector.multi_reduction <maximumf>, %min3A, %reduce_max3A [1] : vector<8x2048xf32> to vector<8xf32>
      %broadcast_in_dim3A_68 = vector.shape_cast %reduce_max3A_67 : vector<8xf32> to vector<8x1xf32>
      %eq3A_69 = vector.broadcast %broadcast_in_dim3A_68 : vector<8x1xf32> to vector<8x2048xf32>
      %eq3A_70 = arith.cmpf oeq, %min3A, %eq3A_69 : vector<8x2048xf32>
      %jit3A_71 = arith.constant 2.048000e+03 : f32
      %broadcast_in_dim3A_72 = vector.broadcast %jit3A_71 : f32 to vector<8x2048xf32>
      %select_n3A_73 = arith.select %eq3A_70, %convert_element_type3A, %broadcast_in_dim3A_72 : vector<8x2048xi1>, vector<8x2048xf32>
      %reduce_min3A_74 = arith.constant dense<0x7F800000> : vector<8xf32>
      %reduce_min3A_75 = vector.multi_reduction <minimumf>, %select_n3A_73, %reduce_min3A_74 [1] : vector<8x2048xf32> to vector<8xf32>
      %broadcast_in_dim3A_76 = vector.shape_cast %reduce_min3A_75 : vector<8xf32> to vector<8x1xf32>
      scf.yield %min3A, %broadcast_in_dim3A_76, %select_n3A : vector<8x2048xf32>, vector<8x1xf32>, vector<8x512xi32>
    }
    %scan3A_33 = arith.constant 512 : i32
    %swap3A = arith.constant 0 : index
    %swap3A_34 = arith.constant 0 : index
    %swap3A_35 = vector.load %arg2[%swap3A, %swap3A_34] : memref<8x512xi32, #tpu.memory_space<vmem>>, vector<8x512xi32>
    tpu.vector_store %arg2[%swap3A, %swap3A_34], %scan3A_32#2 {strides = array<i32>} : memref<8x512xi32, #tpu.memory_space<vmem>>, vector<8x512xi32>,
    return
  }
  func.func @transform_0(%arg0: i32) -> (i32, i32, i32) {
    %c0_i32 = arith.constant 0 : i32
    %c0_i32_0 = arith.constant 0 : i32
    %c0_i32_1 = arith.constant 0 : i32
    %c0_i32_2 = arith.constant 0 : i32
    return %c0_i32, %c0_i32_0, %c0_i32_1 : i32, i32, i32
  }
  func.func @transform_1(%arg0: i32) -> (i32, i32) {
    %c0_i32 = arith.constant 0 : i32
    %c0_i32_0 = arith.constant 0 : i32
    %c0_i32_1 = arith.constant 0 : i32
    return %c0_i32, %c0_i32_0 : i32, i32
  }
}

module attributes {stable_mosaic.version = 14 : i64} {
  func.func @_k5_body(%arg0: i32, %arg1: memref<1x2048x256xf32, #tpu.memory_space<vmem>>, %arg2: memref<1x2048x256xf32, #tpu.memory_space<vmem>>, %arg3: memref<1x2048x256xf32, #tpu.memory_space<vmem>>, %arg4: memref<1x4x256xf32, #tpu.memory_space<vmem>>, %arg5: memref<1x4x256xf32, #tpu.memory_space<vmem>>, %arg6: memref<1x4x256xf32, #tpu.memory_space<vmem>>, %arg7: memref<1x1x512xi32, #tpu.memory_space<vmem>>, %arg8: memref<1x3x2048xf32, #tpu.memory_space<vmem>>, %arg9: memref<1x256xf32, #tpu.memory_space<vmem>>, %arg10: memref<1x256xf32, #tpu.memory_space<vmem>>, %arg11: memref<1x3x512xf32, #tpu.memory_space<vmem>>, %arg12: memref<1x256x512xf32, #tpu.memory_space<vmem>>) attributes {dimension_semantics = [#tpu.dimension_semantics<arbitrary>], iteration_bounds = array<i64: 8>, scalar_prefetch = 0 : i64, scratch_operands = 0 : i64, tpu.core_type = #tpu.core_type<tc>, window_params = [{transform_indices = @transform_0, window_bounds = array<i64: 1, 2048, 256>}, {transform_indices = @transform_1, window_bounds = array<i64: 1, 2048, 256>}, {transform_indices = @transform_2, window_bounds = array<i64: 1, 2048, 256>}, {transform_indices = @transform_3, window_bounds = array<i64: 1, 4, 256>}, {transform_indices = @transform_4, window_bounds = array<i64: 1, 4, 256>}, {transform_indices = @transform_5, window_bounds = array<i64: 1, 4, 256>}, {transform_indices = @transform_6, window_bounds = array<i64: 1, 1, 512>}, {transform_indices = @transform_7, window_bounds = array<i64: 1, 3, 2048>}, {pipeline_mode = #tpu.pipeline_mode<synchronous>, transform_indices = @transform_8, window_bounds = array<i64: 1, 256>}, {pipeline_mode = #tpu.pipeline_mode<synchronous>, transform_indices = @transform_9, window_bounds = array<i64: 1, 256>}, {transform_indices = @transform_10, window_bounds = array<i64: 1, 3, 512>}, {transform_indices = @transform_11, window_bounds = array<i64: 1, 256, 512>}]} {
    %get3A = arith.constant 0 : index
    %get3A_0 = arith.constant 0 : index
    %get3A_1 = arith.constant 0 : index
    %get3A_2 = vector.load %arg2[%get3A, %get3A_0, %get3A_1] : memref<1x2048x256xf32, #tpu.memory_space<vmem>>, vector<1x2048x256xf32>
    %get3A_3 = vector.shape_cast %get3A_2 : vector<1x2048x256xf32> to vector<2048x256xf32>
    %get3A_4 = arith.constant 0 : index
    %get3A_5 = arith.constant 0 : index
    %get3A_6 = arith.constant 0 : index
    %get3A_7 = vector.load %arg3[%get3A_4, %get3A_5, %get3A_6] : memref<1x2048x256xf32, #tpu.memory_space<vmem>>, vector<1x2048x256xf32>
    %get3A_8 = vector.shape_cast %get3A_7 : vector<1x2048x256xf32> to vector<2048x256xf32>
    %get3A_9 = arith.constant 0 : index
    %get3A_10 = arith.constant 0 : index
    %get3A_11 = arith.constant 0 : index
    %get3A_12 = vector.load %arg6[%get3A_9, %get3A_10, %get3A_11] : memref<1x4x256xf32, #tpu.memory_space<vmem>>, vector<1x4x256xf32>
    %get3A_13 = vector.shape_cast %get3A_12 : vector<1x4x256xf32> to vector<4x256xf32>
    %reduce_sum3A = arith.constant dense<0.000000e+00> : vector<256xf32>
    %reduce_sum3A_14 = vector.multi_reduction <add>, %get3A_13, %reduce_sum3A [0] : vector<4x256xf32> to vector<256xf32>
    %broadcast_in_dim3A = vector.shape_cast %reduce_sum3A_14 : vector<256xf32> to vector<1x256xf32>
    %get3A_15 = arith.constant 0 : index
    %get3A_16 = arith.constant 0 : index
    %get3A_17 = arith.constant 0 : index
    %get3A_18 = vector.load %arg4[%get3A_15, %get3A_16, %get3A_17] : memref<1x4x256xf32, #tpu.memory_space<vmem>>, vector<1x4x256xf32>
    %get3A_19 = vector.shape_cast %get3A_18 : vector<1x4x256xf32> to vector<4x256xf32>
    %reduce_sum3A_20 = arith.constant dense<0.000000e+00> : vector<256xf32>
    %reduce_sum3A_21 = vector.multi_reduction <add>, %get3A_19, %reduce_sum3A_20 [0] : vector<4x256xf32> to vector<256xf32>
    %broadcast_in_dim3A_22 = vector.shape_cast %reduce_sum3A_21 : vector<256xf32> to vector<1x256xf32>
    %get3A_23 = arith.constant 0 : index
    %get3A_24 = arith.constant 0 : index
    %get3A_25 = arith.constant 0 : index
    %get3A_26 = vector.load %arg5[%get3A_23, %get3A_24, %get3A_25] : memref<1x4x256xf32, #tpu.memory_space<vmem>>, vector<1x4x256xf32>
    %get3A_27 = vector.shape_cast %get3A_26 : vector<1x4x256xf32> to vector<4x256xf32>
    %reduce_sum3A_28 = arith.constant dense<0.000000e+00> : vector<256xf32>
    %reduce_sum3A_29 = vector.multi_reduction <add>, %get3A_27, %reduce_sum3A_28 [0] : vector<4x256xf32> to vector<256xf32>
    %broadcast_in_dim3A_30 = vector.shape_cast %reduce_sum3A_29 : vector<256xf32> to vector<1x256xf32>
    %reduce_sum3A_31 = arith.constant dense<0.000000e+00> : vector<256xf32>
    %reduce_sum3A_32 = vector.multi_reduction <add>, %get3A_3, %reduce_sum3A_31 [0] : vector<2048x256xf32> to vector<256xf32>
    %broadcast_in_dim3A_33 = vector.shape_cast %reduce_sum3A_32 : vector<256xf32> to vector<1x256xf32>
    %mul3A = arith.mulf %get3A_3, %get3A_3 : vector<2048x256xf32>
    %reduce_sum3A_34 = arith.constant dense<0.000000e+00> : vector<256xf32>
    %reduce_sum3A_35 = vector.multi_reduction <add>, %mul3A, %reduce_sum3A_34 [0] : vector<2048x256xf32> to vector<256xf32>
    %broadcast_in_dim3A_36 = vector.shape_cast %reduce_sum3A_35 : vector<256xf32> to vector<1x256xf32>
    %mul3A_37 = arith.constant 1.600000e+01 : f32
    %mul3A_38 = vector.broadcast %mul3A_37 : f32 to vector<1x256xf32>
    %mul3A_39 = arith.mulf %mul3A_38, %broadcast_in_dim3A_33 : vector<1x256xf32>
    %add3A = arith.addf %broadcast_in_dim3A_22, %mul3A_39 : vector<1x256xf32>
    %mul3A_40 = arith.constant 2.000000e+00 : f32
    %mul3A_41 = vector.broadcast %mul3A_40 : f32 to vector<1x256xf32>
    %mul3A_42 = arith.mulf %mul3A_41, %broadcast_in_dim3A : vector<1x256xf32>
    %add3A_43 = arith.addf %broadcast_in_dim3A_30, %mul3A_42 : vector<1x256xf32>
    %mul3A_44 = arith.constant 1.600000e+01 : f32
    %mul3A_45 = vector.broadcast %mul3A_44 : f32 to vector<1x256xf32>
    %mul3A_46 = arith.mulf %mul3A_45, %broadcast_in_dim3A_36 : vector<1x256xf32>
    %add3A_47 = arith.addf %add3A_43, %mul3A_46 : vector<1x256xf32>
    %iota3A = tpu.iota {dimensions = array<i32: 0>} : vector<256x4xi32>
    %jit3A = arith.constant 64 : i32
    %div3A = vector.broadcast %jit3A : i32 to vector<256x4xi32>
    %div3A_48 = arith.divsi %iota3A, %div3A : vector<256x4xi32>
    %sign3A = arith.constant 0 : i32
    %sign3A_49 = vector.broadcast %sign3A : i32 to vector<256x4xi32>
    %sign3A_50 = arith.cmpi sgt, %iota3A, %sign3A_49 : vector<256x4xi32>
    %sign3A_51 = arith.extui %sign3A_50 : vector<256x4xi1> to vector<256x4xi32>
    %sign3A_52 = arith.constant 0 : i32
    %sign3A_53 = vector.broadcast %sign3A_52 : i32 to vector<256x4xi32>
    %sign3A_54 = arith.cmpi slt, %iota3A, %sign3A_53 : vector<256x4xi32>
    %sign3A_55 = arith.extui %sign3A_54 : vector<256x4xi1> to vector<256x4xi32>
    %sign3A_56 = arith.subi %sign3A_51, %sign3A_55 : vector<256x4xi32>
    %sign3A_57 = arith.constant 0 : i32
    %sign3A_58 = arith.cmpi sgt, %jit3A, %sign3A_57 : i32
    %sign3A_59 = arith.extui %sign3A_58 : i1 to i32
    %sign3A_60 = arith.constant 0 : i32
    %sign3A_61 = arith.cmpi slt, %jit3A, %sign3A_60 : i32
    %sign3A_62 = arith.extui %sign3A_61 : i1 to i32
    %sign3A_63 = arith.subi %sign3A_59, %sign3A_62 : i32
    %ne3A = vector.broadcast %sign3A_63 : i32 to vector<256x4xi32>
    %ne3A_64 = arith.cmpi ne, %sign3A_56, %ne3A : vector<256x4xi32>
    %rem3A = vector.broadcast %jit3A : i32 to vector<256x4xi32>
    %rem3A_65 = arith.remsi %iota3A, %rem3A : vector<256x4xi32>
    %ne3A_66 = arith.constant 0 : i32
    %ne3A_67 = vector.broadcast %ne3A_66 : i32 to vector<256x4xi32>
    %ne3A_68 = arith.cmpi ne, %rem3A_65, %ne3A_67 : vector<256x4xi32>
    %and3A = arith.andi %ne3A_64, %ne3A_68 : vector<256x4xi1>
    %sub3A = arith.constant 1 : i32
    %sub3A_69 = vector.broadcast %sub3A : i32 to vector<256x4xi32>
    %sub3A_70 = arith.subi %div3A_48, %sub3A_69 : vector<256x4xi32>
    %select_n3A = arith.select %and3A, %sub3A_70, %div3A_48 : vector<256x4xi1>, vector<256x4xi32>
    %iota3A_71 = tpu.iota {dimensions = array<i32: 1>} : vector<256x4xi32>
    %eq3A = arith.cmpi eq, %select_n3A, %iota3A_71 : vector<256x4xi32>
    %convert_element_type3A = arith.extui %eq3A : vector<256x4xi1> to vector<256x4xi32>
    %convert_element_type3A_72 = arith.sitofp %convert_element_type3A : vector<256x4xi32> to vector<256x4xf32>
    %dot_general3A = arith.constant dense<0.000000e+00> : vector<1x4xf32>
    %dot_general3A_73 = tpu.matmul %add3A, %convert_element_type3A_72, %dot_general3A {dimension_numbers = #tpu.dot_dimension_numbers<[1], [0], [0], [1], [0, 0, 1, 1], [], []>, precision = #tpu.contract_precision<fp32>, transpose_lhs_hint = false} : vector<1x256xf32>, vector<256x4xf32>, vector<1x4xf32> -> vector<1x4xf32>
    %dot_general3A_74 = arith.constant dense<0.000000e+00> : vector<1x4xf32>
    %dot_general3A_75 = tpu.matmul %add3A_47, %convert_element_type3A_72, %dot_general3A_74 {dimension_numbers = #tpu.dot_dimension_numbers<[1], [0], [0], [1], [0, 0, 1, 1], [], []>, precision = #tpu.contract_precision<fp32>, transpose_lhs_hint = false} : vector<1x256xf32>, vector<256x4xf32>, vector<1x4xf32> -> vector<1x4xf32>
    %div3A_76 = arith.constant 0x4A000000 : f32
    %div3A_77 = vector.broadcast %div3A_76 : f32 to vector<1x4xf32>
    %div3A_78 = arith.divf %dot_general3A_73, %div3A_77 : vector<1x4xf32>
    %div3A_79 = arith.constant 0x4A000000 : f32
    %div3A_80 = vector.broadcast %div3A_79 : f32 to vector<1x4xf32>
    %div3A_81 = arith.divf %dot_general3A_75, %div3A_80 : vector<1x4xf32>
    %mul3A_82 = arith.mulf %div3A_78, %div3A_78 : vector<1x4xf32>
    %sub3A_83 = arith.subf %div3A_81, %mul3A_82 : vector<1x4xf32>
    %add3A_84 = arith.constant 9.99999974E-6 : f32
    %add3A_85 = vector.broadcast %add3A_84 : f32 to vector<1x4xf32>
    %add3A_86 = arith.addf %sub3A_83, %add3A_85 : vector<1x4xf32>
    %rsqrt3A = math.rsqrt %add3A_86 : vector<1x4xf32>
    %iota3A_87 = tpu.iota {dimensions = array<i32: 0>} : vector<4x256xi32>
    %iota3A_88 = tpu.iota {dimensions = array<i32: 1>} : vector<4x256xi32>
    %jit3A_89 = arith.constant 64 : i32
    %div3A_90 = vector.broadcast %jit3A_89 : i32 to vector<4x256xi32>
    %div3A_91 = arith.divsi %iota3A_88, %div3A_90 : vector<4x256xi32>
    %sign3A_92 = arith.constant 0 : i32
    %sign3A_93 = vector.broadcast %sign3A_92 : i32 to vector<4x256xi32>
    %sign3A_94 = arith.cmpi sgt, %iota3A_88, %sign3A_93 : vector<4x256xi32>
    %sign3A_95 = arith.extui %sign3A_94 : vector<4x256xi1> to vector<4x256xi32>
    %sign3A_96 = arith.constant 0 : i32
    %sign3A_97 = vector.broadcast %sign3A_96 : i32 to vector<4x256xi32>
    %sign3A_98 = arith.cmpi slt, %iota3A_88, %sign3A_97 : vector<4x256xi32>
    %sign3A_99 = arith.extui %sign3A_98 : vector<4x256xi1> to vector<4x256xi32>
    %sign3A_100 = arith.subi %sign3A_95, %sign3A_99 : vector<4x256xi32>
    %sign3A_101 = arith.constant 0 : i32
    %sign3A_102 = arith.cmpi sgt, %jit3A_89, %sign3A_101 : i32
    %sign3A_103 = arith.extui %sign3A_102 : i1 to i32
    %sign3A_104 = arith.constant 0 : i32
    %sign3A_105 = arith.cmpi slt, %jit3A_89, %sign3A_104 : i32
    %sign3A_106 = arith.extui %sign3A_105 : i1 to i32
    %sign3A_107 = arith.subi %sign3A_103, %sign3A_106 : i32
    %ne3A_108 = vector.broadcast %sign3A_107 : i32 to vector<4x256xi32>
    %ne3A_109 = arith.cmpi ne, %sign3A_100, %ne3A_108 : vector<4x256xi32>
    %rem3A_110 = vector.broadcast %jit3A_89 : i32 to vector<4x256xi32>
    %rem3A_111 = arith.remsi %iota3A_88, %rem3A_110 : vector<4x256xi32>
    %ne3A_112 = arith.constant 0 : i32
    %ne3A_113 = vector.broadcast %ne3A_112 : i32 to vector<4x256xi32>
    %ne3A_114 = arith.cmpi ne, %rem3A_111, %ne3A_113 : vector<4x256xi32>
    %and3A_115 = arith.andi %ne3A_109, %ne3A_114 : vector<4x256xi1>
    %sub3A_116 = arith.constant 1 : i32
    %sub3A_117 = vector.broadcast %sub3A_116 : i32 to vector<4x256xi32>
    %sub3A_118 = arith.subi %div3A_91, %sub3A_117 : vector<4x256xi32>
    %select_n3A_119 = arith.select %and3A_115, %sub3A_118, %div3A_91 : vector<4x256xi1>, vector<4x256xi32>
    %eq3A_120 = arith.cmpi eq, %iota3A_87, %select_n3A_119 : vector<4x256xi32>
    %convert_element_type3A_121 = arith.extui %eq3A_120 : vector<4x256xi1> to vector<4x256xi32>
    %convert_element_type3A_122 = arith.sitofp %convert_element_type3A_121 : vector<4x256xi32> to vector<4x256xf32>
    %dot_general3A_123 = arith.constant dense<0.000000e+00> : vector<1x256xf32>
    %dot_general3A_124 = tpu.matmul %rsqrt3A, %convert_element_type3A_122, %dot_general3A_123 {dimension_numbers = #tpu.dot_dimension_numbers<[1], [0], [0], [1], [0, 0, 1, 1], [], []>, precision = #tpu.contract_precision<fp32>, transpose_lhs_hint = false} : vector<1x4xf32>, vector<4x256xf32>, vector<1x256xf32> -> vector<1x256xf32>
    %dot_general3A_125 = arith.constant dense<0.000000e+00> : vector<1x256xf32>
    %dot_general3A_126 = tpu.matmul %div3A_78, %convert_element_type3A_122, %dot_general3A_125 {dimension_numbers = #tpu.dot_dimension_numbers<[1], [0], [0], [1], [0, 0, 1, 1], [], []>, precision = #tpu.contract_precision<fp32>, transpose_lhs_hint = false} : vector<1x4xf32>, vector<4x256xf32>, vector<1x256xf32> -> vector<1x256xf32>
    %get3A_127 = arith.constant 0 : index
    %get3A_128 = arith.constant 0 : index
    %get3A_129 = vector.load %arg9[%get3A_127, %get3A_128] : memref<1x256xf32, #tpu.memory_space<vmem>>, vector<1x256xf32>
    %mul3A_130 = arith.mulf %get3A_129, %dot_general3A_124 : vector<1x256xf32>
    %get3A_131 = arith.constant 0 : index
    %get3A_132 = arith.constant 0 : index
    %get3A_133 = vector.load %arg10[%get3A_131, %get3A_132] : memref<1x256xf32, #tpu.memory_space<vmem>>, vector<1x256xf32>
    %mul3A_134 = arith.mulf %dot_general3A_126, %mul3A_130 : vector<1x256xf32>
    %sub3A_135 = arith.subf %get3A_133, %mul3A_134 : vector<1x256xf32>
    %add3A_136 = arith.addf %get3A_8, %get3A_3 : vector<2048x256xf32>
    %mul3A_137 = vector.broadcast %mul3A_130 : vector<1x256xf32> to vector<2048x256xf32>
    %mul3A_138 = arith.mulf %add3A_136, %mul3A_137 : vector<2048x256xf32>
    %add3A_139 = vector.broadcast %sub3A_135 : vector<1x256xf32> to vector<2048x256xf32>
    %add3A_140 = arith.addf %mul3A_138, %add3A_139 : vector<2048x256xf32>
    %ge3A = arith.constant 0.000000e+00 : f32
    %ge3A_141 = vector.broadcast %ge3A : f32 to vector<2048x256xf32>
    %ge3A_142 = arith.cmpf oge, %add3A_140, %ge3A_141 : vector<2048x256xf32>
    %mul3A_143 = arith.constant 2.000000e-01 : f32
    %mul3A_144 = vector.broadcast %mul3A_143 : f32 to vector<2048x256xf32>
    %mul3A_145 = arith.mulf %mul3A_144, %add3A_140 : vector<2048x256xf32>
    %select_n3A_146 = arith.select %ge3A_142, %add3A_140, %mul3A_145 : vector<2048x256xi1>, vector<2048x256xf32>
    %get3A_147 = arith.constant 0 : index
    %get3A_148 = arith.constant 0 : index
    %get3A_149 = arith.constant 0 : index
    %get3A_150 = vector.load %arg7[%get3A_147, %get3A_148, %get3A_149] : memref<1x1x512xi32, #tpu.memory_space<vmem>>, vector<1x1x512xi32>
    %get3A_151 = vector.shape_cast %get3A_150 : vector<1x1x512xi32> to vector<1x512xi32>
    %iota3A_152 = tpu.iota {dimensions = array<i32: 0>} : vector<2048x512xi32>
    %eq3A_153 = vector.broadcast %get3A_151 : vector<1x512xi32> to vector<2048x512xi32>
    %eq3A_154 = arith.cmpi eq, %iota3A_152, %eq3A_153 : vector<2048x512xi32>
    %convert_element_type3A_155 = arith.extui %eq3A_154 : vector<2048x512xi1> to vector<2048x512xi32>
    %convert_element_type3A_156 = arith.sitofp %convert_element_type3A_155 : vector<2048x512xi32> to vector<2048x512xf32>
    %dot_general3A_157 = arith.constant dense<0.000000e+00> : vector<256x512xf32>
    %dot_general3A_158 = tpu.matmul %select_n3A_146, %convert_element_type3A_156, %dot_general3A_157 {dimension_numbers = #tpu.dot_dimension_numbers<[0], [0], [1], [1], [0, 1, 1, 1], [], []>, precision = #tpu.contract_precision<fp32>, transpose_lhs_hint = false} : vector<2048x256xf32>, vector<2048x512xf32>, vector<256x512xf32> -> vector<256x512xf32>
    %swap3A = arith.constant 0 : index
    %swap3A_159 = arith.constant 0 : index
    %swap3A_160 = arith.constant 0 : index
    %swap3A_161 = vector.load %arg12[%swap3A, %swap3A_159, %swap3A_160] : memref<1x256x512xf32, #tpu.memory_space<vmem>>, vector<1x256x512xf32>
    %swap3A_162 = vector.shape_cast %swap3A_161 : vector<1x256x512xf32> to vector<256x512xf32>
    %swap3A_163 = vector.shape_cast %dot_general3A_158 : vector<256x512xf32> to vector<1x256x512xf32>
    tpu.vector_store %arg12[%swap3A, %swap3A_159, %swap3A_160], %swap3A_163 {strides = array<i32>} : memref<1x256x512xf32, #tpu.memory_space<vmem>>, vector<1x256x512xf32>,
    %get3A_164 = arith.constant 0 : index
    %get3A_165 = arith.constant 0 : index
    %get3A_166 = arith.constant 0 : index
    %get3A_167 = vector.load %arg8[%get3A_164, %get3A_165, %get3A_166] : memref<1x3x2048xf32, #tpu.memory_space<vmem>>, vector<1x3x2048xf32>
    %get3A_168 = vector.shape_cast %get3A_167 : vector<1x3x2048xf32> to vector<3x2048xf32>
    %dot_general3A_169 = arith.constant dense<0.000000e+00> : vector<3x512xf32>
    %dot_general3A_170 = tpu.matmul %get3A_168, %convert_element_type3A_156, %dot_general3A_169 {dimension_numbers = #tpu.dot_dimension_numbers<[1], [0], [0], [1], [0, 0, 1, 1], [], []>, precision = #tpu.contract_precision<fp32>, transpose_lhs_hint = false} : vector<3x2048xf32>, vector<2048x512xf32>, vector<3x512xf32> -> vector<3x512xf32>
    %swap3A_171 = arith.constant 0 : index
    %swap3A_172 = arith.constant 0 : index
    %swap3A_173 = arith.constant 0 : index
    %swap3A_174 = vector.load %arg11[%swap3A_171, %swap3A_172, %swap3A_173] : memref<1x3x512xf32, #tpu.memory_space<vmem>>, vector<1x3x512xf32>
    %swap3A_175 = vector.shape_cast %swap3A_174 : vector<1x3x512xf32> to vector<3x512xf32>
    %swap3A_176 = vector.shape_cast %dot_general3A_170 : vector<3x512xf32> to vector<1x3x512xf32>
    tpu.vector_store %arg11[%swap3A_171, %swap3A_172, %swap3A_173], %swap3A_176 {strides = array<i32>} : memref<1x3x512xf32, #tpu.memory_space<vmem>>, vector<1x3x512xf32>,
    return
  }
  func.func @transform_0(%arg0: i32) -> (i32, i32, i32) {
    %c0_i32 = arith.constant 0 : i32
    %c0_i32_0 = arith.constant 0 : i32
    %c0_i32_1 = arith.constant 0 : i32
    return %arg0, %c0_i32, %c0_i32_0 : i32, i32, i32
  }
  func.func @transform_1(%arg0: i32) -> (i32, i32, i32) {
    %c0_i32 = arith.constant 0 : i32
    %c0_i32_0 = arith.constant 0 : i32
    %c0_i32_1 = arith.constant 0 : i32
    return %arg0, %c0_i32, %c0_i32_0 : i32, i32, i32
  }
  func.func @transform_2(%arg0: i32) -> (i32, i32, i32) {
    %c0_i32 = arith.constant 0 : i32
    %c0_i32_0 = arith.constant 0 : i32
    %c0_i32_1 = arith.constant 0 : i32
    return %arg0, %c0_i32, %c0_i32_0 : i32, i32, i32
  }
  func.func @transform_3(%arg0: i32) -> (i32, i32, i32) {
    %c0_i32 = arith.constant 0 : i32
    %c0_i32_0 = arith.constant 0 : i32
    %c0_i32_1 = arith.constant 0 : i32
    return %arg0, %c0_i32, %c0_i32_0 : i32, i32, i32
  }
  func.func @transform_4(%arg0: i32) -> (i32, i32, i32) {
    %c0_i32 = arith.constant 0 : i32
    %c0_i32_0 = arith.constant 0 : i32
    %c0_i32_1 = arith.constant 0 : i32
    return %arg0, %c0_i32, %c0_i32_0 : i32, i32, i32
  }
  func.func @transform_5(%arg0: i32) -> (i32, i32, i32) {
    %c0_i32 = arith.constant 0 : i32
    %c0_i32_0 = arith.constant 0 : i32
    %c0_i32_1 = arith.constant 0 : i32
    return %arg0, %c0_i32, %c0_i32_0 : i32, i32, i32
  }
  func.func @transform_6(%arg0: i32) -> (i32, i32, i32) {
    %c0_i32 = arith.constant 0 : i32
    %c0_i32_0 = arith.constant 0 : i32
    %c0_i32_1 = arith.constant 0 : i32
    return %arg0, %c0_i32, %c0_i32_0 : i32, i32, i32
  }
  func.func @transform_7(%arg0: i32) -> (i32, i32, i32) {
    %c0_i32 = arith.constant 0 : i32
    %c0_i32_0 = arith.constant 0 : i32
    %c0_i32_1 = arith.constant 0 : i32
    return %arg0, %c0_i32, %c0_i32_0 : i32, i32, i32
  }
  func.func @transform_8(%arg0: i32) -> (i32, i32) {
    %c0_i32 = arith.constant 0 : i32
    %c0_i32_0 = arith.constant 0 : i32
    %c0_i32_1 = arith.constant 0 : i32
    return %c0_i32, %c0_i32_0 : i32, i32
  }
  func.func @transform_9(%arg0: i32) -> (i32, i32) {
    %c0_i32 = arith.constant 0 : i32
    %c0_i32_0 = arith.constant 0 : i32
    %c0_i32_1 = arith.constant 0 : i32
    return %c0_i32, %c0_i32_0 : i32, i32
  }
  func.func @transform_10(%arg0: i32) -> (i32, i32, i32) {
    %c0_i32 = arith.constant 0 : i32
    %c0_i32_0 = arith.constant 0 : i32
    %c0_i32_1 = arith.constant 0 : i32
    return %arg0, %c0_i32, %c0_i32_0 : i32, i32, i32
  }
  func.func @transform_11(%arg0: i32) -> (i32, i32, i32) {
    %c0_i32 = arith.constant 0 : i32
    %c0_i32_0 = arith.constant 0 : i32
    %c0_i32_1 = arith.constant 0 : i32
    return %arg0, %c0_i32, %c0_i32_0 : i32, i32, i32
  }
}

</mosaic_0001>

<sc_bundles>
// kernel: kernel.7.cloned.1.call-start
scs
__scs_entry_jumppad:
0x0: {  	(pc) =	sbr.rel $0x88, $3  }
0x1: {  	(tag) =	ssettag $0x0;
	lr =	simm.s32 $0x1  }
0x2: {  	[smem:$0x3F9A] =	sst lr;
	_ =	strace $0xD0000000  }
0x3: {  	_ = 	snop  }
0x4: {  	_ = 	snop  }
0x5: {  	_ = 	snop  }
0x6: {  	_ = 	snop  }
0x7: {  	_ = 	snop  }
__scs_overlays_trampoline_lowered:
0x8: {  	[smem:$0x3FA9] =	sst s0  }
0x9: {  	[smem:$0x3FAA] =	sst s1  }
0xa: {  	[smem:$0x3FAB] =	sst s2  }
0xb: {  	[smem:$0x3FAC] =	sst s3  }
0xc: {  	[smem:$0x3FAD] =	sst s4  }
0xd: {  	[smem:$0x3FAE] =	sst s5  }
0xe: {  	[smem:$0x3FAF] =	sst s6  }
0xf: {  	[smem:$0x3FB0] =	sst s7  }
0x10: {  	[smem:$0x3FB1] =	sst s8  }
0x11: {  	[smem:$0x3FB2] =	sst s9;
	s0 =	simm.s32 @!p0 $0x0  }
0x12: {  	s1 =	sld [smem:$0x3F98];
	s0 =	simm.s32 @p0 $0x1  }
0x13: {  	[smem:$0x3FB3] =	sst s0;
	s0 =	simm.s32 @!p1 $0x0  }
0x14: {  	s2 =	sld [smem:$0x3F97];
	s0 =	simm.s32 @p1 $0x1  }
0x15: {  	[smem:$0x3FB4] =	sst s0;
	s0 =	simm.s32 @!p2 $0x0  }
0x16: {  	s3 =	sld [smem:$0x3FDB];
	s0 =	simm.s32 @p2 $0x1  }
0x17: {  	s4 =	simm.s32 $0x1BF5;
	[smem:$0x3FB6] =	sst s0  }
0x18: {  	s0 =	sld [smem:$0x3F99];
	_ =	swait.ge [sflag:s4], $0x0  }
0x19: {  	s7 =	sld [smem:$0x3F9A]  }
0x1a: {  	s8 =	sadd.s32 $0xFFFFE003, lr  }
0x1b: {  	s9 =	sadd.s32 $0xFFFFFEF7, lr;
	s5 =	simm.s32 $0xFFFFFFFF;
	p2 =	slt.u32 s8, $0xFFFFF086  }
0x1c: {  	p1 =	slt.u32 s9, $0xF7A;
	s5 =	simm.s32 @!p2 $0x0  }
0x1d: {  	s5 =	simm.s32 @p1 $0x1;
	p0 =	seq.s32 s7, s2  }
0x1e: {  	s7 =	smul.u32 @!p0 $0xF7A, s2;
	p2 =	seq.s32 @!p0 s5, $0x0  }
0x1f: {  	s9 =	smul.u32 $0xF7A, s1;
	s8 =	simm.s32 @!p0 $0x1BF5;
	p2 =	por !p2, p0  }
0x20: {  	[sflag:s8] =	ssyncset.s32 @!p0 $0xFFFFF086;
	s6 =	sadd.s32 @!p0 s3, s7;
	s7 =	simm.s32 @!p0 $0x108  }
0x21: {  	s3 =	sadd.s32 s3, s9;
	s6 =	sadd.s32 @!p0 $0x88, s6;
	s7 =	simm.s32 @p2 $0x1082  }
0x22: {  	[simem:s7], [sflag:s8] =	dma.local @!p0 [hbm:s6], $0xF7A  }
0x23: {  	s9 =	sor.u32 $0xD0000000, s2;
	s6 =	simm.s32 $0x108;
	_ =	swait.ge @!p0 [sflag:s8], $0x0  }
0x24: {  	s3 =	sadd.s32 $0x88, s3;
	s6 =	simm.s32 @!p1 $0x1082;
	[sflag:s4] =	ssyncset.s32 $0xFFFFF086  }
0x25: {  	[simem:s6], [sflag:s4] =	dma.local [hbm:s3], $0xF7A  }
0x26: {  	[smem:$0x3F9A] =	sst s1;
	(tag) =	ssettag s2;
	_ =	strace s9  }
0x27: {  	s1 =	sld [smem:$0x3FAA]  }
0x28: {  	s2 =	sld [smem:$0x3FAB]  }
0x29: {  	s4 =	sld [smem:$0x3FAD]  }
0x2a: {  	p0 =	seq.s32 s5, $0x0;
	s5 =	sld [smem:$0x3FAE]  }
0x2b: {  	s6 =	sld [smem:$0x3FAF]  }
0x2c: {  	s7 =	sld [smem:$0x3FB0]  }
0x2d: {  	s3 =	simm.s32 $0x108;
	s8 =	sld [smem:$0x3FB1]  }
0x2e: {  	s3 =	simm.s32 @!p0 $0x1082;
	s9 =	sld [smem:$0x3FB2]  }
0x2f: {  	lr =	sadd.s32 s0, s3;
	s0 =	sld [smem:$0x3FA9]  }
0x30: {  	s3 =	sld [smem:$0x3FAC]  }
0x31: {  	[smem:$0x3FB5] =	sst s10  }
0x32: {  	s10 =	sld [smem:$0x3FB3];
	_ =	sdelay $0x3  }
0x33: {  	p0 =	seq.s32 s10, $0x1;
	s10 =	sld [smem:$0x3FB5];
	_ =	sdelay $0x3  }
0x34: {  	[smem:$0x3FB5] =	sst s10  }
0x35: {  	s10 =	sld [smem:$0x3FB4];
	_ =	sdelay $0x3  }
0x36: {  	p1 =	seq.s32 s10, $0x1;
	s10 =	sld [smem:$0x3FB5];
	_ =	sdelay $0x3  }
0x37: {  	[smem:$0x3FB5] =	sst s10  }
0x38: {  	s10 =	sld [smem:$0x3FB6]  }
0x39: {  	_ = 	snop;
	(pc) =	sbr.ind lr, $3  }
0x3a: {  	_ = 	snop  }
0x3b: {  	_ = 	snop  }
0x3c: {  	p2 =	seq.s32 s10, $0x1;
	s10 =	sld [smem:$0x3FB5]  }
0x3d: {  	_ =	shalt  }
0x3e: {  	_ =	shalt  }
0x3f: {  	_ =	shalt  }
0x40: {  	_ =	shalt  }
0x41: {  	_ =	shalt  }
0x42: {  	_ =	shalt  }
0x43: {  	_ =	shalt  }
0x44: {  	_ =	shalt  }
0x45: {  	_ =	shalt  }
0x46: {  	_ =	shalt  }
0x47: {  	_ =	shalt  }
0x48: {  	_ =	shalt  }
0x49: {  	_ =	shalt  }
0x4a: {  	_ =	shalt  }
0x4b: {  	_ =	shalt  }
0x4c: {  	_ =	shalt  }
0x4d: {  	_ =	shalt  }
0x4e: {  	_ =	shalt  }
0x4f: {  	_ =	shalt  }
0x50: {  	_ =	shalt  }
0x51: {  	_ =	shalt  }
0x52: {  	_ =	shalt  }
0x53: {  	_ =	shalt  }
0x54: {  	_ =	shalt  }
0x55: {  	_ =	shalt  }
0x56: {  	_ =	shalt  }
0x57: {  	_ =	shalt  }
0x58: {  	_ =	shalt  }
0x59: {  	_ =	shalt  }
0x5a: {  	_ =	shalt  }
0x5b: {  	_ =	shalt  }
0x5c: {  	_ =	shalt  }
0x5d: {  	_ =	shalt  }
0x5e: {  	_ =	shalt  }
0x5f: {  	_ =	shalt  }
0x60: {  	_ =	shalt  }
0x61: {  	_ =	shalt  }
0x62: {  	_ =	shalt  }
0x63: {  	_ =	shalt  }
0x64: {  	_ =	shalt  }
0x65: {  	_ =	shalt  }
0x66: {  	_ =	shalt  }
0x67: {  	_ =	shalt  }
0x68: {  	_ =	shalt  }
0x69: {  	_ =	shalt  }
0x6a: {  	_ =	shalt  }
0x6b: {  	_ =	shalt  }
0x6c: {  	_ =	shalt  }
0x6d: {  	_ =	shalt  }
0x6e: {  	_ =	shalt  }
0x6f: {  	_ =	shalt  }
0x70: {  	_ =	shalt  }
0x71: {  	_ =	shalt  }
0x72: {  	_ =	shalt  }
0x73: {  	_ =	shalt  }
0x74: {  	_ =	shalt  }
0x75: {  	_ =	shalt  }
0x76: {  	_ =	shalt  }
0x77: {  	_ =	shalt  }
0x78: {  	_ =	shalt  }
0x79: {  	_ =	shalt  }
0x7a: {  	_ =	shalt  }
0x7b: {  	_ =	shalt  }
0x7c: {  	_ =	shalt  }
0x7d: {  	_ =	shalt  }
0x7e: {  	_ =	shalt  }
0x7f: {  	_ =	shalt  }
0x80: {  	_ =	shalt  }
0x81: {  	_ =	shalt  }
0x82: {  	_ =	shalt  }
0x83: {  	_ =	shalt  }
0x84: {  	_ =	shalt  }
0x85: {  	_ =	shalt  }
0x86: {  	_ =	shalt  }
0x87: {  	_ =	shalt  }
.Lfunc_end0:
.L_simem_size_0:
called_computation_lowered:
.L_overlay_start_0:
0x88: {  	s2 =	sld [smem:$0x3FD9]  }
0x89: {  	s3 =	sld [smem:$0x3FFE];
	_ =	sdelay $0x1  }
0x8a: {  	s1 =	srdreg.scid  }
0x8b: {  	s0 =	sand.u32 $0x1, s1  }
0x8c: {  	s14 =	sshll.u32 s0, $0xA;
	s2 =	sadd.s32 s3, s2  }
0x8d: {  	s2 =	sadd.s32 s2, s14  }
0x8e: {  	[smem:$0x3FC1] =	sst s2  }
0x8f: {  	_ = 	snop  }
0x90: {  	s2 =	sld [smem:$0x3FD0];
	_ =	sdelay $0x2  }
0x91: {  	s15 =	simm.s32 $0xA;
	s4 =	simm.s32 $0x10  }
0x92: {  	[smem:s4], [sflag:s15] =	dma.local [hbm:s2], $0x1  }
0x93: {  	_ =	swait.eq [sflag:s15], $0x1  }
0x94: {  	[sflag:s15] =	ssyncset.done $0x0  }
0x95: {  	s16 =	sld [smem:$0x10];
	[sflag:s15] =	ssyncadd.s32 $0xFFFFFFFF  }
0x96: {  	s17 =	sld [smem:$0x11];
	(tm) =	ssettm $0x1  }
0x97: {  	s18 =	sld [smem:$0x3FFB];
	_ =	sdelay $0x3  }
0x98: {  	_ =	strace s18  }
0x99: {  	s4 =	sld [smem:$0x3FFC];
	_ =	sdelay $0x3  }
0x9a: {  	_ =	strace s4  }
0x9b: {  	s4 =	sld [smem:$0x3FFD];
	_ =	sdelay $0x3  }
0x9c: {  	_ =	strace s4  }
0x9d: {  	_ =	strace $0x8FFFFFFF  }
0x9e: {  	s19 =	sld [smem:$0x3FDB];
	_ =	sdelay $0x1  }
0x9f: {  	s5 =	simm.s32 $_scs_section_size  }
0xa0: {  	s6 =	simm.s32 $_size__tile_overlayer_lowered;
	s7 =	simm.s32 $_tile_overlayer_lowered  }
0xa1: {  	s22 =	simm.s32 $0x1BFF;
	s21 =	sshll.u32 s7, $0x1;
	s4 =	sadd.s32 s5, s19  }
0xa2: {  	s8 =	simm.s32 $0x0;
	s20 =	sshll.u32 s6, $0x1;
	s6 =	sadd.s32 s21, s4  }
0xa3: {  	[timem:s8], [sflag:s22] =	dma.local [hbm:s6], s20  }
0xa4: {  	_ =	swait.ge [sflag:s22], s20  }
0xa5: {  	s5 =	ssub.s32 $0x0, s20;
	[sflag:s22] =	ssyncset.done $0x0  }
0xa6: {  	[sflag:s22] =	ssyncadd.s32 s5;
	_ =	sdelay $0x1  }
0xa7: {  	s23 =	simm.s32 $0x1B8B  }
0xa8: {  	_ =	swait.ge [sflag:s23], $0x1  }
0xa9: {  	[sflag:s23] =	ssyncset.done $0x0  }
0xaa: {  	s25 =	simm.s32 $0x1B8E;
	s24 =	sld [smem:$0x3FFE];
	[sflag:s23] =	ssyncadd.s32 $0xFFFFFFFF  }
0xab: {  	s26 =	simm.s32 $execute0_lowered;
	[smem:$0x3FD2] =	sst s25  }
0xac: {  	s6 =	sshll.u32 s26, $0x1;
	_ =	strace $0x80000046;
	[dreg:$0x1] =	wrdreg $0xFFFFFFFF  }
0xad: {  	s28 =	simm.s32 $_size_execute0_lowered;
	s4 =	sadd.s32 s4, s6;
	[dreg:$0x0] =	wrdreg $0x0  }
0xae: {  	s6 =	sshll.u32 s28, $0x1;
	[dreg:$0x2] =	wrdreg s4  }
0xaf: {  	[dreg:$0x3] =	wrdreg s6  }
0xb0: {  	[dreg:$0x4] =	wrdreg $0xC0  }
0xb1: {  	_ =	task [dreg:s8], $0x5FFFF  }
0xb2: {  	[dreg:$0x1] =	wrdreg $0xFFFFFFFF  }
0xb3: {  	[dreg:$0x0] =	wrdreg $0x60  }
0xb4: {  	[dreg:$0x2] =	wrdreg s24  }
0xb5: {  	[dreg:$0x3] =	wrdreg s17  }
0xb6: {  	[dreg:$0x4] =	wrdreg s16  }
0xb7: {  	[dreg:$0x5] =	wrdreg $0x9  }
0xb8: {  	_ =	task.clear_ibuf [dreg:s8], $0x6FFFF;
	_ =	strace $0x90000046  }
0xb9: {  	s29 =	simm.s32 $0x9;
	_ =	strace $0x80000048  }
0xba: {  	_ =	swait.ge [sflag:s29], $0x1  }
0xbb: {  	[sflag:s29] =	ssyncadd.s32 $0xFFFFFFFF  }
0xbc: {  	_ =	strace $0x90000048  }
0xbd: {  	_ =	sfence  }
0xbe: {  	s30 =	sld [smem:$0x0];
	_ =	sdelay $0x2  }
0xbf: {  	s31 =	sshll.u32 s1, $0xD;
	s1 =	sshrl.u32 s1, $0x2  }
0xc0: {  	s3 =	sand.u32 $0x4000, s31;
	s1 =	sadd.s32 s1, s30  }
0xc1: {  	s0 =	sor.u32 s3, s0;
	s1 =	sshll.u32 s1, $0x11  }
0xc2: {  	s0 =	sor.u32 s1, s0  }
0xc3: {  	s0 =	sadd.s32 $0x8F2B, s0  }
0xc4: {  	[sflag:s0] =	ssyncadd.remote.s32 $0x1  }
0xc5: {  	_ =	sfence.sel $0xFFFF  }
0xc6: {  	[dreg:$0x0] =	wrdreg $0xFFFFFFFF;
	(pc) =	sbr.abs _section_cstart, $3  }
0xc7: {  	[dreg:$0x1] =	wrdreg $0xFFFFFFFF  }
0xc8: {  	_ =	task.clear_ibuf [dreg:s8], $0x2FFFF;
	_ =	strace $0x9FFFFFFF  }
0xc9: {  	(tm) =	ssettm $0x7FFFFFFF  }
tec
execute0_lowered:
.L_overlay_start_1:
0x0: {  	(tag) =	ssettag $0x1  }
0x1: {  	s0 =	rddreg [dreg:$0x0]  }
0x2: {  	s1 =	rddreg [dreg:$0x1]  }
0x3: {  	s7 =	rddreg [dreg:$0x2]  }
0x4: {  	s2 =	simm.s32 $0x0;
	s3 =	srdreg.scid;
	s13 =	stileid.u32  }
0x5: {  	s14 =	simm.s32 $0x80;
	s17 =	simm.s32 $0x1;
	s31 =	simm.s32 $0xF200  }
0x6: {  	s16 =	simm.s32 $0x4;
	s18 =	simm.s32 $0x0;
	[smem:$0x7FF] =	sst s2  }
0x7: {  	s6 =	sand.u32 $0x1, s3;
	s24 =	sshll.u32 s13, $0x1;
	s3 =	sadd.s32 $0x81A00, s0  }
0x8: {  	s5 =	sshll.u32 s13, $0x6;
	s4 =	sadd.s32 $0x1A00, s0;
	s26 =	sshll.u32 s13, $0xA  }
0x9: {  	_ =	strace $0x80000047;
	s8 =	sor.u32 s6, s24;
	s10 =	sand.u32 $0x300, s5  }
0xa: {  	s5 =	sadd.s32 $0x102200, s0;
	s6 =	ssub.s32 $0x2, s6;
	s13 =	sand.u32 $0x3800, s26  }
0xb: {  	s9 =	sshll.u32 s8, $0x4;
	s25 =	sshrl.u32 s6, $0x1;
	s11 =	sshll.u32 s8, $0xA  }
0xc: {  	s28 =	sshll.u32 s8, $0xE;
	s9 =	sand.u32 $0x70, s9;
	s12 =	ssub.s32 s6, s25  }
0xd: {  	s6 =	sadd.s32 s1, s11;
	s8 =	sadd.s32 s4, s28;
	s15 =	sor.u32 $0x100, s28  }
0xe: {  	s10 =	sor.u32 s10, s9;
	s1 =	sadd.s32 $0x10, s6;
	s9 =	sadd.s32 s5, s28  }
0xf: {  	s11 =	sadd.s32 $0x30, s6;
	s30 =	smax.u32 s12, $0x1;
	[dreg:$0x4] =	wrdreg s1  }
0x10: {  	s12 =	simm.s32 $0x2;
	s0 =	sadd.s32 s10, s0;
	[dreg:$0x5] =	wrdreg s11  }
0x11: {  	s7 =	sadd.s32 s7, s10;
	[dreg:$0x9] =	wrdreg s30;
	s1 =	simm.s32 $0x10A00  }
0x12: {  	v4 =	vlaneseq.u32;
	v1 =	vimm.f32 $0.0e+00;
	s11 =	simm.s32 $0x11200;
	[dreg:$0x6] =	wrdreg s7;
	s29 =	sadd.s32 $0x101A00, s0  }
0x13: {  	vm0 =	vmmov $0xffff;
	v2 =	vand.u32 $0x7, v4;
	v3 =	vshrl.u32 v4, $0x3;
	s10 =	simm.s32 $0x11A00;
	s0 =	sadd.s32 $0x101E00, s0;
	[dreg:$0x7] =	wrdreg s29  }
0x14: {  	v4 =	vor.u32 $0x8, v4;
	v3 =	vmul.u32 $0x8, v3;
	v0 =	vmov s13;
	s7 =	simm.s32 $0x3;
	[dreg:$0x8] =	wrdreg s0;
	s0 =	simm.s32 $0xFA00  }
.LBB2_1:
0x15: {  	[tilespmem:$0x12200] =	vst v1  }
0x16: {  	[tilespmem:$0x12300] =	vst v1  }
0x17: {  	[tilespmem:$0x12400] =	vst v1  }
0x18: {  	[tilespmem:$0x12210] =	vst v1  }
0x19: {  	[tilespmem:$0x12310] =	vst v1  }
0x1a: {  	[tilespmem:$0x12410] =	vst v1  }
0x1b: {  	[tilespmem:$0x12220] =	vst v1  }
0x1c: {  	[tilespmem:$0x12320] =	vst v1  }
0x1d: {  	[tilespmem:$0x12420] =	vst v1  }
0x1e: {  	[tilespmem:$0x12230] =	vst v1  }
0x1f: {  	[tilespmem:$0x12330] =	vst v1  }
0x20: {  	[tilespmem:$0x12430] =	vst v1  }
0x21: {  	[tilespmem:$0x12240] =	vst v1  }
0x22: {  	[tilespmem:$0x12340] =	vst v1  }
0x23: {  	[tilespmem:$0x12440] =	vst v1  }
0x24: {  	[tilespmem:$0x12250] =	vst v1  }
0x25: {  	[tilespmem:$0x12350] =	vst v1  }
0x26: {  	[tilespmem:$0x12450] =	vst v1  }
0x27: {  	[tilespmem:$0x12260] =	vst v1  }
0x28: {  	[tilespmem:$0x12360] =	vst v1  }
0x29: {  	[tilespmem:$0x12460] =	vst v1  }
0x2a: {  	[tilespmem:$0x12270] =	vst v1  }
0x2b: {  	[tilespmem:$0x12370] =	vst v1  }
0x2c: {  	[tilespmem:$0x12470] =	vst v1  }
0x2d: {  	[tilespmem:$0x12280] =	vst v1  }
0x2e: {  	[tilespmem:$0x12380] =	vst v1  }
0x2f: {  	[tilespmem:$0x12480] =	vst v1  }
0x30: {  	[tilespmem:$0x12290] =	vst v1  }
0x31: {  	[tilespmem:$0x12390] =	vst v1  }
0x32: {  	[tilespmem:$0x12490] =	vst v1  }
0x33: {  	[tilespmem:$0x122A0] =	vst v1  }
0x34: {  	[tilespmem:$0x123A0] =	vst v1  }
0x35: {  	[tilespmem:$0x124A0] =	vst v1  }
0x36: {  	[tilespmem:$0x122B0] =	vst v1  }
0x37: {  	[tilespmem:$0x123B0] =	vst v1  }
0x38: {  	[tilespmem:$0x124B0] =	vst v1  }
0x39: {  	[tilespmem:$0x122C0] =	vst v1  }
0x3a: {  	[tilespmem:$0x123C0] =	vst v1  }
0x3b: {  	[tilespmem:$0x124C0] =	vst v1  }
0x3c: {  	[tilespmem:$0x122D0] =	vst v1  }
0x3d: {  	[tilespmem:$0x123D0] =	vst v1  }
0x3e: {  	[tilespmem:$0x124D0] =	vst v1  }
0x3f: {  	[tilespmem:$0x122E0] =	vst v1  }
0x40: {  	[tilespmem:$0x123E0] =	vst v1  }
0x41: {  	[tilespmem:$0x124E0] =	vst v1  }
0x42: {  	[tilespmem:$0x122F0] =	vst v1  }
0x43: {  	[tilespmem:$0x123F0] =	vst v1  }
0x44: {  	[dreg:$0xa] =	wrdreg s18;
	[tilespmem:$0x124F0] =	vst v1  }
0x45: {  	[tilespmem:s2], [sflag:$0x1] =	stream.linear.gather [hbm4b:s6+s2], $0x80, $0x38;
	[tilespmem:$0x12500] =	vst v63  }
0x46: {  	s13 =	rddreg [dreg:$0x4]  }
0x47: {  	[tilespmem:s14], [sflag:$0x2] =	stream.linear.gather [hbm4b:s13+s2], $0x80, $0x38;
	[tilespmem:$0x12500] =	vst v63  }
0x48: {  	_ =	swait.ge [sflag:s17], $0x80  }
0x49: {  	[sflag:s17] =	ssyncset.done $0x0  }
0x4a: {  	[sflag:s17] =	ssyncadd.s32 $0xFFFFFF80  }
0x4b: {  	v5 =	vld [tilespmem:$0x0];
	_ =	sdelay $0x2  }
0x4c: {  	v6 =	vld [tilespmem:$0x10]  }
0x4d: {  	v7 =	vld [tilespmem:$0x20]  }
0x4e: {  	v9 =	vld [tilespmem:$0x30];
	v8 =	vadd.s32 v0, v5  }
0x4f: {  	v10 =	vld [tilespmem:$0x40];
	v11 =	vshll.u32 v8, $0x1  }
0x50: {  	v12 =	vld [tilespmem:$0x50];
	v5 =	vand.u32 $0x7, v5;
	v11 =	vand.u32 $0xFFFFFFF0, v11  }
0x51: {  	v62 =	vld [tilespmem:$0x60];
	v6 =	vadd.s32 v0, v6;
	[tilespmem:$0x100] =	vst v8;
	v5 =	vor.u32 v5, v11  }
0x52: {  	[tilespmem:$0x110] =	vst v6;
	v6 =	vadd.s32 v0, v7;
	v7 =	vld [tilespmem:$0x70];
	v11 =	vperm.xlane v5, v2  }
0x53: {  	[tilespmem:$0x120] =	vst v6;
	v6 =	vadd.s32 v0, v9  }
0x54: {  	[tilespmem:$0x130] =	vst v6;
	v6 =	vadd.s32 v0, v10;
	v5 =	vperm.xlane v5, v4;
	v63 =	vadd.s32 v3, v11  }
0x55: {  	[tilespmem:$0x140] =	vst v6;
	v6 =	vadd.s32 v0, v12  }
0x56: {  	[tilespmem:$0x150] =	vst v6;
	v6 =	vadd.s32 v0, v62;
	v5 =	vadd.s32 v3, v5  }
0x57: {  	[tilespmem:$0x160] =	vst v6;
	v6 =	vadd.s32 v0, v7  }
0x58: {  	s26 =	simm.s32 $0x200;
	[tilespmem:$0x170] =	vst v6  }
0x59: {  	[tilespmem:s26], [sflag:$0x3] =	stream.indirect_vreg.gather [hbm4b:s3+s2], $0x80, v63, vm0, $0xb8;
	[tilespmem:$0x12500] =	vst v63  }
0x5a: {  	s28 =	simm.s32 $0xA00  }
0x5b: {  	[tilespmem:s28], [sflag:$0x3] =	stream.indirect_vreg.gather [hbm4b:s3+s2], $0x80, v5, vm0, $0xb8;
	[tilespmem:$0x12500] =	vst v63  }
0x5c: {  	v5 =	vld [tilespmem:$0x110];
	_ =	sdelay $0x4  }
0x5d: {  	v6 =	vshll.u32 v5, $0x1  }
0x5e: {  	v5 =	vand.u32 $0x7, v5;
	v6 =	vand.u32 $0xFFFFFFF0, v6  }
0x5f: {  	v5 =	vor.u32 v5, v6  }
0x60: {  	v6 =	vperm.xlane v5, v2;
	_ =	sdelay $0x1  }
0x61: {  	v5 =	vperm.xlane v5, v4;
	v6 =	vadd.s32 v3, v6;
	_ =	sdelay $0x1  }
0x62: {  	v5 =	vadd.s32 v3, v5;
	_ =	sdelay $0x1  }
0x63: {  	s29 =	simm.s32 $0x1200  }
0x64: {  	[tilespmem:s29], [sflag:$0x3] =	stream.indirect_vreg.gather [hbm4b:s3+s2], $0x80, v6, vm0, $0xb8;
	[tilespmem:$0x12500] =	vst v63  }
0x65: {  	s30 =	simm.s32 $0x1A00  }
0x66: {  	[tilespmem:s30], [sflag:$0x3] =	stream.indirect_vreg.gather [hbm4b:s3+s2], $0x80, v5, vm0, $0xb8;
	[tilespmem:$0x12500] =	vst v63  }
0x67: {  	v5 =	vld [tilespmem:$0x120];
	_ =	sdelay $0x4  }
0x68: {  	v6 =	vshll.u32 v5, $0x1  }
0x69: {  	v5 =	vand.u32 $0x7, v5;
	v6 =	vand.u32 $0xFFFFFFF0, v6  }
0x6a: {  	v5 =	vor.u32 v5, v6  }
0x6b: {  	v6 =	vperm.xlane v5, v2;
	_ =	sdelay $0x1  }
0x6c: {  	v5 =	vperm.xlane v5, v4;
	v6 =	vadd.s32 v3, v6;
	_ =	sdelay $0x1  }
0x6d: {  	v5 =	vadd.s32 v3, v5;
	_ =	sdelay $0x1  }
0x6e: {  	s14 =	simm.s32 $0x2200  }
0x6f: {  	[tilespmem:s14], [sflag:$0x3] =	stream.indirect_vreg.gather [hbm4b:s3+s2], $0x80, v6, vm0, $0xb8;
	[tilespmem:$0x12500] =	vst v63  }
0x70: {  	s18 =	simm.s32 $0x2A00  }
0x71: {  	[tilespmem:s18], [sflag:$0x3] =	stream.indirect_vreg.gather [hbm4b:s3+s2], $0x80, v5, vm0, $0xb8;
	[tilespmem:$0x12500] =	vst v63  }
0x72: {  	v5 =	vld [tilespmem:$0x130];
	_ =	sdelay $0x4  }
0x73: {  	v6 =	vshll.u32 v5, $0x1  }
0x74: {  	v5 =	vand.u32 $0x7, v5;
	v6 =	vand.u32 $0xFFFFFFF0, v6  }
0x75: {  	v5 =	vor.u32 v5, v6  }
0x76: {  	v6 =	vperm.xlane v5, v2;
	_ =	sdelay $0x1  }
0x77: {  	v5 =	vperm.xlane v5, v4;
	v6 =	vadd.s32 v3, v6;
	_ =	sdelay $0x1  }
0x78: {  	v5 =	vadd.s32 v3, v5;
	_ =	sdelay $0x1  }
0x79: {  	s19 =	simm.s32 $0x3200  }
0x7a: {  	[tilespmem:s19], [sflag:$0x3] =	stream.indirect_vreg.gather [hbm4b:s3+s2], $0x80, v6, vm0, $0xb8;
	[tilespmem:$0x12500] =	vst v63  }
0x7b: {  	s20 =	simm.s32 $0x3A00  }
0x7c: {  	[tilespmem:s20], [sflag:$0x3] =	stream.indirect_vreg.gather [hbm4b:s3+s2], $0x80, v5, vm0, $0xb8;
	[tilespmem:$0x12500] =	vst v63  }
0x7d: {  	v5 =	vld [tilespmem:$0x140];
	_ =	sdelay $0x4  }
0x7e: {  	v6 =	vshll.u32 v5, $0x1  }
0x7f: {  	v5 =	vand.u32 $0x7, v5;
	v6 =	vand.u32 $0xFFFFFFF0, v6  }
0x80: {  	v5 =	vor.u32 v5, v6  }
0x81: {  	v6 =	vperm.xlane v5, v2;
	_ =	sdelay $0x1  }
0x82: {  	v5 =	vperm.xlane v5, v4;
	v6 =	vadd.s32 v3, v6;
	_ =	sdelay $0x1  }
0x83: {  	v5 =	vadd.s32 v3, v5;
	_ =	sdelay $0x1  }
0x84: {  	s21 =	simm.s32 $0x4200  }
0x85: {  	[tilespmem:s21], [sflag:$0x3] =	stream.indirect_vreg.gather [hbm4b:s3+s2], $0x80, v6, vm0, $0xb8;
	[tilespmem:$0x12500] =	vst v63  }
0x86: {  	s22 =	simm.s32 $0x4A00  }
0x87: {  	[tilespmem:s22], [sflag:$0x3] =	stream.indirect_vreg.gather [hbm4b:s3+s2], $0x80, v5, vm0, $0xb8;
	[tilespmem:$0x12500] =	vst v63  }
0x88: {  	v5 =	vld [tilespmem:$0x150];
	_ =	sdelay $0x4  }
0x89: {  	v6 =	vshll.u32 v5, $0x1  }
0x8a: {  	v5 =	vand.u32 $0x7, v5;
	v6 =	vand.u32 $0xFFFFFFF0, v6  }
0x8b: {  	v5 =	vor.u32 v5, v6  }
0x8c: {  	v6 =	vperm.xlane v5, v2;
	_ =	sdelay $0x1  }
0x8d: {  	v5 =	vperm.xlane v5, v4;
	v6 =	vadd.s32 v3, v6;
	_ =	sdelay $0x1  }
0x8e: {  	v5 =	vadd.s32 v3, v5;
	_ =	sdelay $0x1  }
0x8f: {  	s23 =	simm.s32 $0x5200  }
0x90: {  	[tilespmem:s23], [sflag:$0x3] =	stream.indirect_vreg.gather [hbm4b:s3+s2], $0x80, v6, vm0, $0xb8;
	[tilespmem:$0x12500] =	vst v63  }
0x91: {  	s24 =	simm.s32 $0x5A00  }
0x92: {  	[tilespmem:s24], [sflag:$0x3] =	stream.indirect_vreg.gather [hbm4b:s3+s2], $0x80, v5, vm0, $0xb8;
	[tilespmem:$0x12500] =	vst v63  }
0x93: {  	v5 =	vld [tilespmem:$0x160];
	_ =	sdelay $0x4  }
0x94: {  	v6 =	vshll.u32 v5, $0x1  }
0x95: {  	v5 =	vand.u32 $0x7, v5;
	v6 =	vand.u32 $0xFFFFFFF0, v6  }
0x96: {  	v5 =	vor.u32 v5, v6  }
0x97: {  	v6 =	vperm.xlane v5, v2;
	_ =	sdelay $0x1  }
0x98: {  	v5 =	vperm.xlane v5, v4;
	v6 =	vadd.s32 v3, v6;
	_ =	sdelay $0x1  }
0x99: {  	v5 =	vadd.s32 v3, v5;
	_ =	sdelay $0x1  }
0x9a: {  	s25 =	simm.s32 $0x6200  }
0x9b: {  	[tilespmem:s25], [sflag:$0x3] =	stream.indirect_vreg.gather [hbm4b:s3+s2], $0x80, v6, vm0, $0xb8;
	[tilespmem:$0x12500] =	vst v63  }
0x9c: {  	s26 =	simm.s32 $0x6A00  }
0x9d: {  	[tilespmem:s26], [sflag:$0x3] =	stream.indirect_vreg.gather [hbm4b:s3+s2], $0x80, v5, vm0, $0xb8;
	[tilespmem:$0x12500] =	vst v63  }
0x9e: {  	v5 =	vld [tilespmem:$0x170];
	_ =	sdelay $0x4  }
0x9f: {  	v6 =	vshll.u32 v5, $0x1  }
0xa0: {  	v5 =	vand.u32 $0x7, v5;
	v6 =	vand.u32 $0xFFFFFFF0, v6  }
0xa1: {  	v5 =	vor.u32 v5, v6  }
0xa2: {  	v6 =	vperm.xlane v5, v2;
	_ =	sdelay $0x1  }
0xa3: {  	v5 =	vperm.xlane v5, v4;
	v6 =	vadd.s32 v3, v6;
	_ =	sdelay $0x1  }
0xa4: {  	v5 =	vadd.s32 v3, v5;
	_ =	sdelay $0x1  }
0xa5: {  	s28 =	simm.s32 $0x7200  }
0xa6: {  	[tilespmem:s28], [sflag:$0x3] =	stream.indirect_vreg.gather [hbm4b:s3+s2], $0x80, v6, vm0, $0xb8;
	[tilespmem:$0x12500] =	vst v63  }
0xa7: {  	s29 =	simm.s32 $0x7A00  }
0xa8: {  	[tilespmem:s29], [sflag:$0x3] =	stream.indirect_vreg.gather [hbm4b:s3+s2], $0x80, v5, vm0, $0xb8;
	[tilespmem:$0x12500] =	vst v63  }
0xa9: {  	s13 =	simm.s32 $0x0;
	s30 =	simm.s32 $0x10200  }
0xaa: {  	[tilespmem:s30], [sflag:$0x3] =	stream.linear.gather [hbm4b:s8+s2], $0x800, $0x38;
	[tilespmem:$0x12500] =	vst v63  }
.LBB2_2:
0xab: {  	_ =	swait.ge [sflag:s12], $0x80  }
0xac: {  	[sflag:s12] =	ssyncset.done $0x0  }
0xad: {  	[sflag:s12] =	ssyncadd.s32 $0xFFFFFF80  }
0xae: {  	v5 =	vld [tilespmem:$0x80];
	_ =	sdelay $0x2  }
0xaf: {  	v6 =	vld [tilespmem:$0x90]  }
0xb0: {  	v7 =	vld [tilespmem:$0xA0]  }
0xb1: {  	v9 =	vld [tilespmem:$0xB0];
	v8 =	vadd.s32 v0, v5  }
0xb2: {  	v10 =	vld [tilespmem:$0xC0];
	v11 =	vshll.u32 v8, $0x1  }
0xb3: {  	v12 =	vld [tilespmem:$0xD0];
	v5 =	vand.u32 $0x7, v5;
	v11 =	vand.u32 $0xFFFFFFF0, v11  }
0xb4: {  	v62 =	vld [tilespmem:$0xE0];
	v6 =	vadd.s32 v0, v6;
	[tilespmem:$0x180] =	vst v8;
	v5 =	vor.u32 v5, v11  }
0xb5: {  	[tilespmem:$0x190] =	vst v6;
	v6 =	vadd.s32 v0, v7;
	v7 =	vld [tilespmem:$0xF0];
	v11 =	vperm.xlane v5, v2  }
0xb6: {  	[tilespmem:$0x1A0] =	vst v6;
	v6 =	vadd.s32 v0, v9  }
0xb7: {  	[tilespmem:$0x1B0] =	vst v6;
	v6 =	vadd.s32 v0, v10;
	v5 =	vperm.xlane v5, v4;
	v63 =	vadd.s32 v3, v11  }
0xb8: {  	[tilespmem:$0x1C0] =	vst v6;
	v6 =	vadd.s32 v0, v12  }
0xb9: {  	[tilespmem:$0x1D0] =	vst v6;
	v6 =	vadd.s32 v0, v62;
	v5 =	vadd.s32 v3, v5  }
0xba: {  	[tilespmem:$0x1E0] =	vst v6;
	v6 =	vadd.s32 v0, v7  }
0xbb: {  	s14 =	simm.s32 $0x8200;
	[tilespmem:$0x1F0] =	vst v6  }
0xbc: {  	[tilespmem:s14], [sflag:$0x4] =	stream.indirect_vreg.gather [hbm4b:s3+s2], $0x80, v63, vm0, $0xb8;
	[tilespmem:$0x12500] =	vst v63  }
0xbd: {  	s30 =	simm.s32 $0x8A00  }
0xbe: {  	[tilespmem:s30], [sflag:$0x4] =	stream.indirect_vreg.gather [hbm4b:s3+s2], $0x80, v5, vm0, $0xb8;
	[tilespmem:$0x12500] =	vst v63  }
0xbf: {  	v5 =	vld [tilespmem:$0x190];
	_ =	sdelay $0x4  }
0xc0: {  	v6 =	vshll.u32 v5, $0x1  }
0xc1: {  	v5 =	vand.u32 $0x7, v5;
	v6 =	vand.u32 $0xFFFFFFF0, v6  }
0xc2: {  	v5 =	vor.u32 v5, v6  }
0xc3: {  	v6 =	vperm.xlane v5, v2;
	_ =	sdelay $0x1  }
0xc4: {  	v5 =	vperm.xlane v5, v4;
	v6 =	vadd.s32 v3, v6;
	_ =	sdelay $0x1  }
0xc5: {  	v5 =	vadd.s32 v3, v5;
	_ =	sdelay $0x1  }
0xc6: {  	s18 =	simm.s32 $0x9200  }
0xc7: {  	[tilespmem:s18], [sflag:$0x4] =	stream.indirect_vreg.gather [hbm4b:s3+s2], $0x80, v6, vm0, $0xb8;
	[tilespmem:$0x12500] =	vst v63  }
0xc8: {  	s19 =	simm.s32 $0x9A00  }
0xc9: {  	[tilespmem:s19], [sflag:$0x4] =	stream.indirect_vreg.gather [hbm4b:s3+s2], $0x80, v5, vm0, $0xb8;
	[tilespmem:$0x12500] =	vst v63  }
0xca: {  	v5 =	vld [tilespmem:$0x1A0];
	_ =	sdelay $0x4  }
0xcb: {  	v6 =	vshll.u32 v5, $0x1  }
0xcc: {  	v5 =	vand.u32 $0x7, v5;
	v6 =	vand.u32 $0xFFFFFFF0, v6  }
0xcd: {  	v5 =	vor.u32 v5, v6  }
0xce: {  	v6 =	vperm.xlane v5, v2;
	_ =	sdelay $0x1  }
0xcf: {  	v5 =	vperm.xlane v5, v4;
	v6 =	vadd.s32 v3, v6;
	_ =	sdelay $0x1  }
0xd0: {  	v5 =	vadd.s32 v3, v5;
	_ =	sdelay $0x1  }
0xd1: {  	s20 =	simm.s32 $0xA200  }
0xd2: {  	[tilespmem:s20], [sflag:$0x4] =	stream.indirect_vreg.gather [hbm4b:s3+s2], $0x80, v6, vm0, $0xb8;
	[tilespmem:$0x12500] =	vst v63  }
0xd3: {  	s21 =	simm.s32 $0xAA00  }
0xd4: {  	[tilespmem:s21], [sflag:$0x4] =	stream.indirect_vreg.gather [hbm4b:s3+s2], $0x80, v5, vm0, $0xb8;
	[tilespmem:$0x12500] =	vst v63  }
0xd5: {  	v5 =	vld [tilespmem:$0x1B0];
	_ =	sdelay $0x4  }
0xd6: {  	v6 =	vshll.u32 v5, $0x1  }
0xd7: {  	v5 =	vand.u32 $0x7, v5;
	v6 =	vand.u32 $0xFFFFFFF0, v6  }
0xd8: {  	v5 =	vor.u32 v5, v6  }
0xd9: {  	v6 =	vperm.xlane v5, v2;
	_ =	sdelay $0x1  }
0xda: {  	v5 =	vperm.xlane v5, v4;
	v6 =	vadd.s32 v3, v6;
	_ =	sdelay $0x1  }
0xdb: {  	v5 =	vadd.s32 v3, v5;
	_ =	sdelay $0x1  }
0xdc: {  	s22 =	simm.s32 $0xB200  }
0xdd: {  	[tilespmem:s22], [sflag:$0x4] =	stream.indirect_vreg.gather [hbm4b:s3+s2], $0x80, v6, vm0, $0xb8;
	[tilespmem:$0x12500] =	vst v63  }
0xde: {  	s23 =	simm.s32 $0xBA00  }
0xdf: {  	[tilespmem:s23], [sflag:$0x4] =	stream.indirect_vreg.gather [hbm4b:s3+s2], $0x80, v5, vm0, $0xb8;
	[tilespmem:$0x12500] =	vst v63  }
0xe0: {  	v5 =	vld [tilespmem:$0x1C0];
	_ =	sdelay $0x4  }
0xe1: {  	v6 =	vshll.u32 v5, $0x1  }
0xe2: {  	v5 =	vand.u32 $0x7, v5;
	v6 =	vand.u32 $0xFFFFFFF0, v6  }
0xe3: {  	v5 =	vor.u32 v5, v6  }
0xe4: {  	v6 =	vperm.xlane v5, v2;
	_ =	sdelay $0x1  }
0xe5: {  	v5 =	vperm.xlane v5, v4;
	v6 =	vadd.s32 v3, v6;
	_ =	sdelay $0x1  }
0xe6: {  	v5 =	vadd.s32 v3, v5;
	_ =	sdelay $0x1  }
0xe7: {  	s24 =	simm.s32 $0xC200  }
0xe8: {  	[tilespmem:s24], [sflag:$0x4] =	stream.indirect_vreg.gather [hbm4b:s3+s2], $0x80, v6, vm0, $0xb8;
	[tilespmem:$0x12500] =	vst v63  }
0xe9: {  	s25 =	simm.s32 $0xCA00  }
0xea: {  	[tilespmem:s25], [sflag:$0x4] =	stream.indirect_vreg.gather [hbm4b:s3+s2], $0x80, v5, vm0, $0xb8;
	[tilespmem:$0x12500] =	vst v63  }
0xeb: {  	v5 =	vld [tilespmem:$0x1D0];
	_ =	sdelay $0x4  }
0xec: {  	v6 =	vshll.u32 v5, $0x1  }
0xed: {  	v5 =	vand.u32 $0x7, v5;
	v6 =	vand.u32 $0xFFFFFFF0, v6  }
0xee: {  	v5 =	vor.u32 v5, v6  }
0xef: {  	v6 =	vperm.xlane v5, v2;
	_ =	sdelay $0x1  }
0xf0: {  	v5 =	vperm.xlane v5, v4;
	v6 =	vadd.s32 v3, v6;
	_ =	sdelay $0x1  }
0xf1: {  	v5 =	vadd.s32 v3, v5;
	_ =	sdelay $0x1  }
0xf2: {  	s26 =	simm.s32 $0xD200  }
0xf3: {  	[tilespmem:s26], [sflag:$0x4] =	stream.indirect_vreg.gather [hbm4b:s3+s2], $0x80, v6, vm0, $0xb8;
	[tilespmem:$0x12500] =	vst v63  }
0xf4: {  	s28 =	simm.s32 $0xDA00  }
0xf5: {  	[tilespmem:s28], [sflag:$0x4] =	stream.indirect_vreg.gather [hbm4b:s3+s2], $0x80, v5, vm0, $0xb8;
	[tilespmem:$0x12500] =	vst v63  }
0xf6: {  	v5 =	vld [tilespmem:$0x1E0];
	_ =	sdelay $0x4  }
0xf7: {  	v6 =	vshll.u32 v5, $0x1  }
0xf8: {  	v5 =	vand.u32 $0x7, v5;
	v6 =	vand.u32 $0xFFFFFFF0, v6  }
0xf9: {  	v5 =	vor.u32 v5, v6  }
0xfa: {  	v6 =	vperm.xlane v5, v2;
	_ =	sdelay $0x1  }
0xfb: {  	v5 =	vperm.xlane v5, v4;
	v6 =	vadd.s32 v3, v6;
	_ =	sdelay $0x1  }
0xfc: {  	v5 =	vadd.s32 v3, v5;
	_ =	sdelay $0x1  }
0xfd: {  	s29 =	simm.s32 $0xE200  }
0xfe: {  	[tilespmem:s29], [sflag:$0x4] =	stream.indirect_vreg.gather [hbm4b:s3+s2], $0x80, v6, vm0, $0xb8;
	[tilespmem:$0x12500] =	vst v63  }
0xff: {  	s30 =	simm.s32 $0xEA00  }
0x100: {  	[tilespmem:s30], [sflag:$0x4] =	stream.indirect_vreg.gather [hbm4b:s3+s2], $0x80, v5, vm0, $0xb8;
	[tilespmem:$0x12500] =	vst v63  }
0x101: {  	v5 =	vld [tilespmem:$0x1F0];
	_ =	sdelay $0x4  }
0x102: {  	v6 =	vshll.u32 v5, $0x1  }
0x103: {  	v5 =	vand.u32 $0x7, v5;
	v6 =	vand.u32 $0xFFFFFFF0, v6  }
0x104: {  	v5 =	vor.u32 v5, v6  }
0x105: {  	v6 =	vperm.xlane v5, v2;
	_ =	sdelay $0x1  }
0x106: {  	v5 =	vperm.xlane v5, v4;
	v6 =	vadd.s32 v3, v6;
	_ =	sdelay $0x1  }
0x107: {  	v5 =	vadd.s32 v3, v5;
	_ =	sdelay $0x1  }
0x108: {  	s19 =	sshll.u32 s13, $0x9  }
0x109: {  	[tilespmem:s31], [sflag:$0x4] =	stream.indirect_vreg.gather [hbm4b:s3+s2], $0x80, v6, vm0, $0xb8;
	[tilespmem:$0x12500] =	vst v63  }
0x10a: {  	s18 =	sshll.u32 s13, $0x1;
	s14 =	sor.u32 s15, s19  }
0x10b: {  	[tilespmem:s0], [sflag:$0x4] =	stream.indirect_vreg.gather [hbm4b:s3+s2], $0x80, v5, vm0, $0xb8;
	[tilespmem:$0x12500] =	vst v63  }
0x10c: {  	p1 =	seq.s32 s13, $0x1F;
	s18 =	sadd.s32 $0x2, s18;
	s20 =	sadd.s32 s4, s14  }
0x10d: {  	[tilespmem:s1], [sflag:$0x4] =	stream.linear.gather [hbm4b:s20+s2], $0x800, $0x38;
	[tilespmem:$0x12500] =	vst v63  }
0x10e: {  	s20 =	sshll.u32 @!p1 s18, $0x4  }
0x10f: {  	s21 =	simm.s32 @!p1 $0x0;
	s20 =	sadd.s32 @!p1 s20, s6  }
0x110: {  	[tilespmem:s21], [sflag:$0x1] =	stream.linear.gather @!p1 [hbm4b:s20+s21], $0x80, $0x38;
	[tilespmem:$0x12500] =	vst v63  }
0x111: {  	_ =	swait.ge [sflag:s7], $0x8000  }
0x112: {  	[sflag:s7] =	ssyncset.done $0x0  }
0x113: {  	[sflag:s7] =	ssyncadd.s32 $0xFFFF8000  }
0x114: {  	_ =	swait.ge [sflag:s7], $0x800  }
0x115: {  	p0 =	seq.s32 s13, $0x0;
	[sflag:s7] =	ssyncset.done $0x0  }
0x116: {  	s20 =	simm.s32 @!p0 $0x5;
	[sflag:s7] =	ssyncadd.s32 $0xFFFFF800  }
0x117: {  	s22 =	simm.s32 $0x12300;
	_ =	swait.ge @!p0 [sflag:s20], $0x800  }
0x118: {  	s23 =	simm.s32 $0x12400;
	s24 =	simm.s32 $0x0;
	[sflag:s20] =	ssyncset.done @!p0 $0x0  }
0x119: {  	s21 =	simm.s32 $0x12200;
	[sflag:s20] =	ssyncadd.s32 @!p0 $0xFFFFF800;
	s20 =	simm.s32 $0x0  }
.LBB2_3:
0x11a: {  	s25 =	sand.u32 $0xFFFFFC00, s20;
	s26 =	sand.u32 $0x70, s24;
	s28 =	sand.u32 $0x400, s20  }
0x11b: {  	s26 =	sor.u32 s26, s28;
	s25 =	sadd.s32 s25, s24  }
0x11c: {  	v5 =	vld [tilespmem:s26+$0x200];
	s30 =	sor.u32 $0x80, s25  }
0x11d: {  	v6 =	vld [tilespmem:s30+$0x200];
	_ =	sdelay $0x1  }
0x11e: {  	v7 =	vld [tilespmem:s26+$0x300]  }
0x11f: {  	s29 =	sor.u32 $0x180, s25  }
0x120: {  	v8 =	vld [tilespmem:s29+$0x200]  }
0x121: {  	v11 =	vadd.f32 v6, v5  }
0x122: {  	v12 =	vld [tilespmem:s26+$0x400]  }
0x123: {  	s28 =	sor.u32 $0x280, s25;
	v14 =	vld [tilespmem:s26+$0x500];
	v11 =	vadd.f32 v7, v11  }
0x124: {  	v13 =	vld [tilespmem:s28+$0x200]  }
0x125: {  	v16 =	vld [tilespmem:s26+$0xA00];
	v9 =	vmul.f32 v5, v5;
	v10 =	vmul.f32 v6, v6;
	v11 =	vadd.f32 v8, v11  }
0x126: {  	s25 =	sor.u32 s20, s24;
	v17 =	vld [tilespmem:s26+$0xA80]  }
0x127: {  	v18 =	vld [tilespmem:s26+$0xB00];
	s25 =	sor.u32 $0x380, s25;
	v55 =	vmul.f32 v7, v7;
	v9 =	vadd.f32 v10, v9;
	v11 =	vadd.f32 v12, v11  }
0x128: {  	v15 =	vld [tilespmem:s25+$0x200]  }
0x129: {  	v19 =	vld [tilespmem:s26+$0xB80];
	v56 =	vmul.f32 v8, v8;
	v9 =	vadd.f32 v55, v9;
	v11 =	vadd.f32 v13, v11  }
0x12a: {  	v60 =	vld [tilespmem:s26+$0xC00];
	v57 =	vmul.f32 v12, v12;
	v5 =	vmax.f32 v5, v6  }
0x12b: {  	v62 =	vld [tilespmem:s26+$0xC80];
	v5 =	vmax.f32 v5, v7;
	v9 =	vadd.f32 v56, v9;
	v6 =	vadd.f32 v14, v11  }
0x12c: {  	v63 =	vld [tilespmem:s26+$0xD00];
	v58 =	vmul.f32 v13, v13;
	v5 =	vmax.f32 v5, v8  }
0x12d: {  	v32 =	vld [tilespmem:s26+$0xD80];
	v5 =	vmax.f32 v5, v12;
	v9 =	vadd.f32 v57, v9;
	v6 =	vadd.f32 v15, v6  }
0x12e: {  	v33 =	vld [tilespmem:s26+$0x1200];
	v59 =	vmul.f32 v14, v14;
	v5 =	vmax.f32 v5, v13  }
0x12f: {  	v35 =	vld [tilespmem:s26+$0x1280];
	v5 =	vmax.f32 v5, v14;
	v9 =	vadd.f32 v58, v9;
	v6 =	vadd.f32 v16, v6  }
0x130: {  	v36 =	vld [tilespmem:s26+$0x1300];
	v31 =	vmul.f32 v16, v16;
	v61 =	vmul.f32 v15, v15;
	v5 =	vmax.f32 v5, v15  }
0x131: {  	v38 =	vld [tilespmem:s26+$0x1380];
	v5 =	vmax.f32 v5, v16;
	v7 =	vadd.f32 v59, v9;
	v6 =	vadd.f32 v17, v6  }
0x132: {  	v39 =	vld [tilespmem:s26+$0x1400];
	v34 =	vmul.f32 v17, v17;
	v37 =	vmul.f32 v18, v18;
	v5 =	vmax.f32 v5, v17  }
0x133: {  	v41 =	vld [tilespmem:s26+$0x1480];
	v5 =	vmax.f32 v5, v18;
	v7 =	vadd.f32 v61, v7;
	v6 =	vadd.f32 v18, v6  }
0x134: {  	v20 =	vld [tilespmem:s26+$0x1500];
	v40 =	vmul.f32 v19, v19;
	v42 =	vmax.f32 v33, v35;
	v5 =	vmax.f32 v5, v19  }
0x135: {  	v21 =	vld [tilespmem:s26+$0x1580];
	v7 =	vadd.f32 v31, v7;
	v6 =	vadd.f32 v19, v6;
	v19 =	vmax.f32 v42, v36  }
0x136: {  	v45 =	vld [tilespmem:s26+$0x1A00];
	v43 =	vmul.f32 v60, v60;
	v23 =	vmul.f32 v33, v33;
	v44 =	vmax.f32 v19, v38  }
0x137: {  	v47 =	vld [tilespmem:s26+$0x1A80];
	v24 =	vmul.f32 v35, v35;
	v7 =	vadd.f32 v34, v7;
	v46 =	vmax.f32 v44, v39  }
0x138: {  	v22 =	vld [tilespmem:s26+$0x1B00];
	v48 =	vadd.f32 v35, v33;
	v51 =	vmul.f32 v36, v36;
	v9 =	vmax.f32 v46, v41  }
0x139: {  	v25 =	vld [tilespmem:s26+$0x1B80];
	v53 =	vmul.f32 v38, v38;
	v7 =	vadd.f32 v37, v7;
	v9 =	vmax.f32 v9, v20  }
0x13a: {  	v49 =	vld [tilespmem:s26+$0x1C00];
	v50 =	vadd.f32 v24, v23;
	v10 =	vmul.f32 v62, v62;
	v9 =	vmax.f32 v9, v21  }
0x13b: {  	v52 =	vld [tilespmem:s26+$0x1C80];
	v55 =	vmul.f32 v39, v39;
	v7 =	vadd.f32 v40, v7;
	v9 =	vmax.f32 v9, v45  }
0x13c: {  	v14 =	vadd.f32 v51, v50;
	v5 =	vmax.f32 v5, v60;
	v15 =	vld [tilespmem:s26+$0x1D00];
	v9 =	vmax.f32 v9, v47  }
0x13d: {  	v26 =	vld [tilespmem:s26+$0x1D80];
	v5 =	vmax.f32 v5, v62;
	v7 =	vadd.f32 v43, v7;
	v9 =	vmax.f32 v9, v22  }
0x13e: {  	v5 =	vmax.f32 v5, v63;
	v6 =	vadd.f32 v60, v6;
	v9 =	vmax.f32 v9, v25  }
0x13f: {  	v27 =	vld [tilespmem:s21+$0x0];
	v7 =	vadd.f32 v10, v7;
	v10 =	vadd.f32 v36, v48;
	v9 =	vmax.f32 v9, v49  }
0x140: {  	v54 =	vld [tilespmem:s22+$0x0];
	v14 =	vadd.f32 v53, v14;
	v5 =	vmax.f32 v5, v32;
	v9 =	vmax.f32 v9, v52  }
0x141: {  	v28 =	vld [tilespmem:s26+$0x10200];
	v6 =	vadd.f32 v62, v6;
	v10 =	vadd.f32 v38, v10;
	v9 =	vmax.f32 v9, v15  }
0x142: {  	v56 =	vld [tilespmem:s23+$0x0];
	v57 =	vmul.f32 v41, v41;
	v14 =	vadd.f32 v55, v14;
	[tilespmem:s26+$0x11200] =	vst v5;
	v9 =	vmax.f32 v9, v26  }
0x143: {  	v30 =	vmul.f32 v47, v47;
	v6 =	vadd.f32 v63, v6;
	v10 =	vadd.f32 v39, v10;
	[tilespmem:s30+$0x11200] =	vst v9  }
0x144: {  	v8 =	vmul.f32 v63, v63;
	v59 =	vmul.f32 v20, v20;
	v58 =	vadd.f32 v57, v14;
	v9 =	vld [tilespmem:s26+$0x2200]  }
0x145: {  	v60 =	vmul.f32 v32, v32;
	v6 =	vadd.f32 v32, v6;
	v5 =	vadd.f32 v41, v10;
	v63 =	vld [tilespmem:s26+$0x2280]  }
0x146: {  	v62 =	vmul.f32 v21, v21;
	v7 =	vadd.f32 v8, v7;
	v10 =	vadd.f32 v59, v58;
	v29 =	vld [tilespmem:s26+$0x2300]  }
0x147: {  	v51 =	vmul.f32 v52, v52;
	v61 =	vmul.f32 v28, v6;
	v5 =	vadd.f32 v20, v5;
	v31 =	vld [tilespmem:s26+$0x2380]  }
0x148: {  	v7 =	vadd.f32 v60, v7;
	v28 =	vmul.f32 v45, v45;
	v10 =	vadd.f32 v62, v10;
	v36 =	vld [tilespmem:s26+$0x2400]  }
0x149: {  	v55 =	vmul.f32 v15, v15;
	v6 =	vadd.f32 v6, v54;
	v39 =	vld [tilespmem:s26+$0x2480];
	v5 =	vadd.f32 v21, v5  }
0x14a: {  	v34 =	vmul.f32 v22, v22;
	v27 =	vadd.f32 v61, v27;
	v48 =	vld [tilespmem:s26+$0x2A00];
	v10 =	vadd.f32 v28, v10  }
0x14b: {  	v44 =	vmul.f32 v49, v49;
	v7 =	vadd.f32 v7, v56;
	v50 =	vld [tilespmem:s26+$0x2A80];
	v5 =	vadd.f32 v45, v5  }
0x14c: {  	v41 =	vmul.f32 v25, v25;
	v62 =	vmul.f32 v26, v26;
	v56 =	vld [tilespmem:s26+$0x2C00];
	v10 =	vadd.f32 v30, v10  }
0x14d: {  	v5 =	vadd.f32 v47, v5;
	v32 =	vmul.f32 v9, v9;
	v33 =	vmul.f32 v63, v63  }
0x14e: {  	v54 =	vld [tilespmem:s26+$0x2B80];
	v35 =	vmax.f32 v9, v63;
	v37 =	vmul.f32 v29, v29;
	v40 =	vmul.f32 v31, v31  }
0x14f: {  	v45 =	vld [tilespmem:s26+$0x2580];
	v9 =	vadd.f32 v63, v9;
	v43 =	vmul.f32 v36, v36;
	v47 =	vmul.f32 v39, v39  }
0x150: {  	v10 =	vadd.f32 v34, v10;
	v57 =	vmul.f32 v48, v48;
	v60 =	vmul.f32 v50, v50  }
0x151: {  	v42 =	vld [tilespmem:s26+$0x2500];
	v38 =	vmax.f32 v35, v29;
	v35 =	vmul.f32 v56, v56;
	v11 =	vadd.f32 v33, v32  }
0x152: {  	v63 =	vld [tilespmem:s26+$0x3200];
	v5 =	vadd.f32 v22, v5;
	v9 =	vadd.f32 v29, v9;
	v12 =	vmax.f32 v38, v31  }
0x153: {  	v10 =	vadd.f32 v41, v10;
	v29 =	vld [tilespmem:s26+$0x3280];
	v32 =	vmul.f32 v54, v54;
	v12 =	vmax.f32 v12, v36  }
0x154: {  	v53 =	vmul.f32 v45, v45;
	v11 =	vadd.f32 v37, v11;
	v9 =	vadd.f32 v31, v9  }
0x155: {  	v5 =	vadd.f32 v25, v5;
	v10 =	vadd.f32 v44, v10;
	v12 =	vmax.f32 v12, v39  }
0x156: {  	v31 =	vld [tilespmem:s26+$0x3300];
	v12 =	vmax.f32 v12, v42;
	v11 =	vadd.f32 v40, v11;
	v9 =	vadd.f32 v36, v9  }
0x157: {  	v46 =	vld [tilespmem:s30+$0x10200];
	v5 =	vadd.f32 v49, v5;
	v10 =	vadd.f32 v51, v10;
	v40 =	vmul.f32 v63, v63  }
0x158: {  	v58 =	vld [tilespmem:s26+$0x2C80];
	v41 =	vmul.f32 v29, v29;
	v16 =	vadd.f32 v29, v63;
	v11 =	vadd.f32 v43, v11  }
0x159: {  	v33 =	vld [tilespmem:s26+$0x3380];
	v49 =	vmul.f32 v42, v42;
	v9 =	vadd.f32 v39, v9;
	v5 =	vadd.f32 v52, v5  }
0x15a: {  	v59 =	vld [tilespmem:s26+$0x2D00];
	v12 =	vmax.f32 v12, v45;
	v10 =	vadd.f32 v55, v10;
	v22 =	vadd.f32 v41, v40  }
0x15b: {  	v52 =	vld [tilespmem:s26+$0x2B00];
	v44 =	vmul.f32 v31, v31;
	v16 =	vadd.f32 v31, v16;
	v11 =	vadd.f32 v47, v11  }
0x15c: {  	v34 =	vld [tilespmem:s26+$0x3400];
	v12 =	vmax.f32 v12, v48;
	v9 =	vadd.f32 v42, v9;
	v5 =	vadd.f32 v15, v5  }
0x15d: {  	v37 =	vmax.f32 v63, v29;
	v43 =	vld [tilespmem:s26+$0x3A80];
	v10 =	vadd.f32 v62, v10;
	v22 =	vadd.f32 v44, v22  }
0x15e: {  	v36 =	vld [tilespmem:s26+$0x3480];
	v12 =	vmax.f32 v12, v50;
	v16 =	vadd.f32 v33, v16;
	v11 =	vadd.f32 v49, v11  }
0x15f: {  	v38 =	vld [tilespmem:s26+$0x3500];
	v15 =	vmul.f32 v59, v59;
	v9 =	vadd.f32 v45, v9;
	v5 =	vadd.f32 v26, v5  }
0x160: {  	v39 =	vld [tilespmem:s26+$0x3580];
	v7 =	vadd.f32 v10, v7;
	v10 =	vmax.f32 v37, v31;
	v28 =	vmul.f32 v52, v52  }
0x161: {  	v42 =	vld [tilespmem:s26+$0x3A00];
	v12 =	vmax.f32 v12, v52;
	v10 =	vmax.f32 v10, v33;
	v16 =	vadd.f32 v34, v16  }
0x162: {  	v61 =	vld [tilespmem:s26+$0x2D80];
	v25 =	vmul.f32 v43, v43;
	v11 =	vadd.f32 v53, v11;
	v10 =	vmax.f32 v10, v34  }
0x163: {  	v45 =	vld [tilespmem:s26+$0x3B00];
	v9 =	vadd.f32 v48, v9;
	v30 =	vmul.f32 v46, v5;
	v10 =	vmax.f32 v10, v36  }
0x164: {  	v47 =	vld [tilespmem:s26+$0x3B80];
	v5 =	vadd.f32 v5, v6;
	v6 =	vmax.f32 v12, v54;
	v10 =	vmax.f32 v10, v38  }
0x165: {  	v49 =	vld [tilespmem:s26+$0x3C00];
	v48 =	vmul.f32 v33, v33;
	v9 =	vadd.f32 v50, v9;
	v10 =	vmax.f32 v10, v39  }
0x166: {  	v12 =	vmul.f32 v34, v34;
	v6 =	vmax.f32 v6, v56;
	v50 =	vld [tilespmem:s26+$0x3C80];
	v10 =	vmax.f32 v10, v42  }
0x167: {  	v16 =	vadd.f32 v36, v16;
	v9 =	vadd.f32 v52, v9;
	v52 =	vld [tilespmem:s26+$0x3D00];
	v10 =	vmax.f32 v10, v43  }
0x168: {  	v53 =	vld [tilespmem:s26+$0x3D80];
	v11 =	vadd.f32 v57, v11;
	v8 =	vadd.f32 v30, v27;
	v10 =	vmax.f32 v10, v45  }
0x169: {  	v6 =	vmax.f32 v6, v58;
	v51 =	vadd.f32 v48, v22;
	v10 =	vmax.f32 v10, v47  }
0x16a: {  	v6 =	vmax.f32 v6, v59;
	v11 =	vadd.f32 v60, v11;
	v10 =	vmax.f32 v10, v49  }
0x16b: {  	v12 =	vadd.f32 v12, v51;
	v6 =	vmax.f32 v6, v61;
	v10 =	vmax.f32 v10, v50  }
0x16c: {  	[tilespmem:s26+$0x11300] =	vst v6;
	v6 =	vadd.f32 v38, v16;
	v9 =	vadd.f32 v54, v9;
	v10 =	vmax.f32 v10, v52  }
0x16d: {  	v11 =	vadd.f32 v28, v11;
	v54 =	vmul.f32 v36, v36;
	v10 =	vmax.f32 v10, v53  }
0x16e: {  	v55 =	vld [tilespmem:s26+$0x10300];
	v46 =	vmul.f32 v58, v58;
	v6 =	vadd.f32 v39, v6;
	v9 =	vadd.f32 v56, v9;
	[tilespmem:s29+$0x11200] =	vst v10  }
0x16f: {  	v11 =	vadd.f32 v32, v11;
	v12 =	vadd.f32 v54, v12;
	v56 =	vmul.f32 v38, v38;
	v60 =	vld [tilespmem:s26+$0x4200]  }
0x170: {  	v62 =	vmul.f32 v42, v42;
	v6 =	vadd.f32 v42, v6;
	v9 =	vadd.f32 v58, v9;
	v63 =	vld [tilespmem:s26+$0x4280]  }
0x171: {  	v57 =	vmul.f32 v39, v39;
	v11 =	vadd.f32 v35, v11;
	v12 =	vadd.f32 v56, v12;
	v27 =	vld [tilespmem:s26+$0x4300]  }
0x172: {  	v33 =	vmul.f32 v47, v47;
	v6 =	vadd.f32 v43, v6;
	v9 =	vadd.f32 v59, v9;
	v30 =	vld [tilespmem:s26+$0x4380]  }
0x173: {  	v29 =	vmul.f32 v45, v45;
	v11 =	vadd.f32 v46, v11;
	v12 =	vadd.f32 v57, v12;
	v35 =	vld [tilespmem:s26+$0x4400]  }
0x174: {  	v37 =	vmul.f32 v49, v49;
	v6 =	vadd.f32 v45, v6;
	v38 =	vld [tilespmem:s26+$0x4480];
	v9 =	vadd.f32 v61, v9  }
0x175: {  	v40 =	vmul.f32 v50, v50;
	v59 =	vmul.f32 v61, v61;
	v41 =	vld [tilespmem:s26+$0x4500];
	v58 =	vadd.f32 v15, v11  }
0x176: {  	v44 =	vld [tilespmem:s26+$0x4580];
	v20 =	vadd.f32 v62, v12;
	v6 =	vadd.f32 v47, v6;
	v61 =	vmul.f32 v55, v9  }
0x177: {  	v45 =	vmul.f32 v52, v52;
	v54 =	vld [tilespmem:s26+$0x4B80];
	v10 =	vadd.f32 v59, v58;
	v9 =	vadd.f32 v9, v5  }
0x178: {  	v57 =	vld [tilespmem:s26+$0x4C80];
	v6 =	vadd.f32 v49, v6;
	v8 =	vadd.f32 v61, v8;
	v31 =	vmul.f32 v60, v60  }
0x179: {  	v56 =	vld [tilespmem:s26+$0x4C00];
	v5 =	vadd.f32 v10, v7;
	v32 =	vmul.f32 v63, v63;
	v36 =	vmul.f32 v27, v27  }
0x17a: {  	v47 =	vld [tilespmem:s26+$0x4A00];
	v7 =	vadd.f32 v25, v20;
	v39 =	vmul.f32 v30, v30;
	v42 =	vmul.f32 v35, v35  }
0x17b: {  	v34 =	vadd.f32 v63, v60;
	v46 =	vmul.f32 v38, v38;
	v49 =	vmul.f32 v41, v41  }
0x17c: {  	v13 =	vmax.f32 v60, v63;
	v51 =	vmul.f32 v44, v44;
	v28 =	vmul.f32 v54, v54  }
0x17d: {  	v62 =	vld [tilespmem:s26+$0x5280];
	v20 =	vmul.f32 v57, v57;
	v6 =	vadd.f32 v50, v6;
	v7 =	vadd.f32 v29, v7  }
0x17e: {  	v60 =	vld [tilespmem:s26+$0x5200];
	v13 =	vmax.f32 v13, v27;
	v12 =	vadd.f32 v32, v31;
	v18 =	vadd.f32 v27, v34  }
0x17f: {  	v50 =	vld [tilespmem:s26+$0x4A80];
	v11 =	vmax.f32 v13, v30;
	v55 =	vmul.f32 v47, v47;
	v32 =	vmul.f32 v56, v56  }
0x180: {  	v48 =	vld [tilespmem:s29+$0x10200];
	v6 =	vadd.f32 v52, v6;
	v11 =	vmax.f32 v11, v35;
	v7 =	vadd.f32 v33, v7  }
0x181: {  	v63 =	vld [tilespmem:s26+$0x4D80];
	v12 =	vadd.f32 v36, v12;
	v18 =	vadd.f32 v30, v18;
	v11 =	vmax.f32 v11, v38  }
0x182: {  	v29 =	vld [tilespmem:s26+$0x5300];
	v6 =	vadd.f32 v53, v6;
	v53 =	vmul.f32 v53, v53;
	v11 =	vmax.f32 v11, v41  }
0x183: {  	v34 =	vmul.f32 v60, v60;
	v17 =	vadd.f32 v62, v60;
	v7 =	vadd.f32 v37, v7  }
0x184: {  	v52 =	vld [tilespmem:s26+$0x4B00];
	v12 =	vadd.f32 v39, v12;
	v43 =	vadd.f32 v35, v18;
	v58 =	vmul.f32 v50, v50  }
0x185: {  	v31 =	vld [tilespmem:s26+$0x5380];
	v11 =	vmax.f32 v11, v44;
	v35 =	vmul.f32 v62, v62;
	v37 =	vmax.f32 v60, v62  }
0x186: {  	v33 =	vld [tilespmem:s26+$0x5400];
	v60 =	vmul.f32 v63, v63;
	v18 =	vmul.f32 v48, v6;
	v11 =	vmax.f32 v11, v47  }
0x187: {  	v36 =	vld [tilespmem:s26+$0x5480];
	v6 =	vadd.f32 v6, v9;
	v13 =	vmax.f32 v37, v29;
	v15 =	vadd.f32 v29, v17  }
0x188: {  	v39 =	vmul.f32 v29, v29;
	v7 =	vadd.f32 v40, v7;
	v12 =	vadd.f32 v42, v12  }
0x189: {  	v59 =	vld [tilespmem:s26+$0x4D00];
	v10 =	vadd.f32 v38, v43;
	v61 =	vmul.f32 v52, v52;
	v11 =	vmax.f32 v11, v50  }
0x18a: {  	v38 =	vld [tilespmem:s26+$0x5500];
	v13 =	vmax.f32 v13, v31;
	v42 =	vmul.f32 v31, v31;
	v8 =	vadd.f32 v18, v8  }
0x18b: {  	v40 =	vld [tilespmem:s26+$0x5580];
	v11 =	vmax.f32 v11, v52;
	v18 =	vadd.f32 v35, v34;
	v10 =	vadd.f32 v41, v10  }
0x18c: {  	v13 =	vmax.f32 v13, v33;
	v48 =	vmul.f32 v36, v36;
	v7 =	vadd.f32 v45, v7;
	v41 =	vld [tilespmem:s26+$0x5A00]  }
0x18d: {  	v43 =	vld [tilespmem:s26+$0x5A80];
	v12 =	vadd.f32 v46, v12;
	v30 =	vmax.f32 v11, v54;
	v10 =	vadd.f32 v44, v10  }
0x18e: {  	v11 =	vadd.f32 v31, v15;
	v13 =	vmax.f32 v13, v36;
	v45 =	vmul.f32 v33, v33;
	v44 =	vld [tilespmem:s26+$0x5B00]  }
0x18f: {  	v46 =	vld [tilespmem:s26+$0x5B80];
	v9 =	vmax.f32 v30, v56;
	v13 =	vmax.f32 v13, v38;
	v10 =	vadd.f32 v47, v10  }
0x190: {  	v18 =	vadd.f32 v39, v18;
	v12 =	vadd.f32 v49, v12;
	v13 =	vmax.f32 v13, v40;
	v47 =	vld [tilespmem:s26+$0x5C00]  }
0x191: {  	v7 =	vadd.f32 v53, v7;
	v49 =	vld [tilespmem:s26+$0x5C80];
	v13 =	vmax.f32 v13, v41;
	v10 =	vadd.f32 v50, v10  }
0x192: {  	v9 =	vmax.f32 v9, v57;
	v11 =	vadd.f32 v33, v11;
	v13 =	vmax.f32 v13, v43;
	v50 =	vld [tilespmem:s26+$0x5D00]  }
0x193: {  	v12 =	vadd.f32 v51, v12;
	v13 =	vmax.f32 v13, v44;
	v10 =	vadd.f32 v52, v10;
	v52 =	vld [tilespmem:s26+$0x5D80]  }
0x194: {  	v18 =	vadd.f32 v42, v18;
	v9 =	vmax.f32 v9, v59;
	v13 =	vmax.f32 v13, v46  }
0x195: {  	v53 =	vmul.f32 v40, v40;
	v12 =	vadd.f32 v55, v12;
	v13 =	vmax.f32 v13, v47  }
0x196: {  	v11 =	vadd.f32 v36, v11;
	v9 =	vmax.f32 v9, v63;
	v13 =	vmax.f32 v13, v49  }
0x197: {  	v5 =	vadd.f32 v7, v5;
	v12 =	vadd.f32 v58, v12;
	v13 =	vmax.f32 v13, v50  }
0x198: {  	v18 =	vadd.f32 v45, v18;
	[tilespmem:s26+$0x11400] =	vst v9;
	v11 =	vadd.f32 v38, v11;
	v13 =	vmax.f32 v13, v52  }
0x199: {  	v51 =	vmul.f32 v38, v38;
	v12 =	vadd.f32 v61, v12;
	v10 =	vadd.f32 v54, v10;
	v54 =	vld [tilespmem:s26+$0x10400];
	[tilespmem:s28+$0x11200] =	vst v13  }
0x19a: {  	v24 =	vmul.f32 v46, v46;
	v18 =	vadd.f32 v48, v18;
	v11 =	vadd.f32 v40, v11;
	v25 =	vld [tilespmem:s26+$0x6300]  }
0x19b: {  	v55 =	vmul.f32 v41, v41;
	v12 =	vadd.f32 v28, v12;
	v10 =	vadd.f32 v56, v10;
	v30 =	vld [tilespmem:s26+$0x6380]  }
0x19c: {  	v62 =	vmul.f32 v44, v44;
	v18 =	vadd.f32 v51, v18;
	v11 =	vadd.f32 v41, v11;
	v33 =	vld [tilespmem:s26+$0x6400]  }
0x19d: {  	v35 =	vmul.f32 v49, v49;
	v12 =	vadd.f32 v32, v12;
	v10 =	vadd.f32 v57, v10;
	v36 =	vld [tilespmem:s26+$0x6480]  }
0x19e: {  	v29 =	vmul.f32 v47, v47;
	v18 =	vadd.f32 v53, v18;
	v11 =	vadd.f32 v43, v11;
	v39 =	vld [tilespmem:s26+$0x6500]  }
0x19f: {  	v57 =	vmul.f32 v59, v59;
	v42 =	vld [tilespmem:s26+$0x6580];
	v12 =	vadd.f32 v20, v12;
	v56 =	vadd.f32 v59, v10  }
0x1a0: {  	v58 =	vadd.f32 v55, v18;
	v11 =	vadd.f32 v44, v11;
	v44 =	vld [tilespmem:s26+$0x6A00];
	v59 =	vmul.f32 v43, v43  }
0x1a1: {  	v38 =	vmul.f32 v50, v50;
	v48 =	vld [tilespmem:s26+$0x7280];
	v10 =	vadd.f32 v57, v12;
	v9 =	vadd.f32 v63, v56  }
0x1a2: {  	v45 =	vmul.f32 v52, v52;
	v26 =	vadd.f32 v46, v11;
	v46 =	vld [tilespmem:s26+$0x7200];
	v13 =	vadd.f32 v59, v58  }
0x1a3: {  	v61 =	vld [tilespmem:s26+$0x6200];
	v7 =	vadd.f32 v60, v10;
	v21 =	vmul.f32 v54, v9;
	v34 =	vmul.f32 v25, v25  }
0x1a4: {  	v63 =	vld [tilespmem:s26+$0x6280];
	v6 =	vadd.f32 v9, v6;
	v37 =	vmul.f32 v30, v30;
	v41 =	vmul.f32 v33, v33  }
0x1a5: {  	v9 =	vadd.f32 v47, v26;
	v43 =	vmul.f32 v36, v36;
	v47 =	vmul.f32 v39, v39  }
0x1a6: {  	v57 =	vld [tilespmem:s26+$0x6B00];
	v22 =	vadd.f32 v62, v13;
	v51 =	vmul.f32 v42, v42;
	v55 =	vmul.f32 v44, v44  }
0x1a7: {  	v56 =	vld [tilespmem:s26+$0x7380];
	v62 =	vmul.f32 v48, v48;
	v58 =	vadd.f32 v48, v46;
	v8 =	vadd.f32 v21, v8  }
0x1a8: {  	v18 =	vmax.f32 v46, v48;
	v28 =	vadd.f32 v24, v22;
	v5 =	vadd.f32 v7, v5  }
0x1a9: {  	v60 =	vld [tilespmem:s26+$0x7400];
	v7 =	vmul.f32 v61, v61;
	v9 =	vadd.f32 v49, v9;
	v31 =	vmul.f32 v63, v63  }
0x1aa: {  	v32 =	vmax.f32 v61, v63;
	v16 =	vadd.f32 v63, v61;
	v61 =	vmul.f32 v46, v46  }
0x1ab: {  	v40 =	vld [tilespmem:s28+$0x10200];
	v26 =	vmul.f32 v57, v57;
	v10 =	vadd.f32 v29, v28;
	v11 =	vmax.f32 v32, v25  }
0x1ac: {  	v63 =	vld [tilespmem:s26+$0x7480];
	v9 =	vadd.f32 v50, v9;
	v28 =	vmul.f32 v56, v56;
	v7 =	vadd.f32 v31, v7  }
0x1ad: {  	v27 =	vld [tilespmem:s26+$0x7500];
	v15 =	vadd.f32 v25, v16;
	v11 =	vmax.f32 v11, v30;
	v16 =	vadd.f32 v62, v61  }
0x1ae: {  	v50 =	vld [tilespmem:s26+$0x6A80];
	v32 =	vmul.f32 v60, v60;
	v10 =	vadd.f32 v35, v10;
	v9 =	vadd.f32 v52, v9  }
0x1af: {  	v24 =	vld [tilespmem:s26+$0x6B80];
	v11 =	vmax.f32 v11, v33;
	v7 =	vadd.f32 v34, v7;
	v12 =	vadd.f32 v30, v15  }
0x1b0: {  	v52 =	vld [tilespmem:s26+$0x7300];
	v11 =	vmax.f32 v11, v36;
	v10 =	vadd.f32 v38, v10;
	v49 =	vmul.f32 v40, v9  }
0x1b1: {  	v11 =	vmax.f32 v11, v39;
	v6 =	vadd.f32 v9, v6;
	v35 =	vmul.f32 v63, v63  }
0x1b2: {  	v38 =	vmul.f32 v27, v27;
	v7 =	vadd.f32 v37, v7;
	v12 =	vadd.f32 v33, v12  }
0x1b3: {  	v30 =	vld [tilespmem:s26+$0x7580];
	v53 =	vmax.f32 v11, v42;
	v59 =	vmul.f32 v50, v50;
	v10 =	vadd.f32 v45, v10  }
0x1b4: {  	v33 =	vmul.f32 v24, v24;
	v8 =	vadd.f32 v49, v8;
	v7 =	vadd.f32 v41, v7  }
0x1b5: {  	v31 =	vld [tilespmem:s26+$0x6C00];
	v9 =	vmax.f32 v53, v44;
	v12 =	vadd.f32 v36, v12;
	v15 =	vadd.f32 v52, v58  }
0x1b6: {  	v37 =	vld [tilespmem:s26+$0x6C80];
	v9 =	vmax.f32 v9, v50;
	v25 =	vmul.f32 v52, v52;
	v29 =	vmax.f32 v18, v52  }
0x1b7: {  	v49 =	vld [tilespmem:s26+$0x7C80];
	v5 =	vadd.f32 v10, v5;
	v9 =	vmax.f32 v9, v57;
	v15 =	vadd.f32 v56, v15  }
0x1b8: {  	v36 =	vld [tilespmem:s26+$0x7A80];
	v41 =	vmul.f32 v30, v30;
	v7 =	vadd.f32 v43, v7;
	v12 =	vadd.f32 v39, v12  }
0x1b9: {  	v34 =	vld [tilespmem:s26+$0x7A00];
	v16 =	vadd.f32 v25, v16;
	v9 =	vmax.f32 v9, v24;
	v15 =	vadd.f32 v60, v15  }
0x1ba: {  	v39 =	vmul.f32 v31, v31;
	v43 =	vld [tilespmem:s26+$0x6D00];
	v9 =	vmax.f32 v9, v31;
	v7 =	vadd.f32 v47, v7  }
0x1bb: {  	v45 =	vmul.f32 v37, v37;
	v16 =	vadd.f32 v28, v16;
	v15 =	vadd.f32 v63, v15  }
0x1bc: {  	v40 =	vld [tilespmem:s26+$0x7B00];
	v54 =	vadd.f32 v42, v12;
	v9 =	vmax.f32 v9, v37;
	v58 =	vmul.f32 v49, v49  }
0x1bd: {  	v42 =	vld [tilespmem:s26+$0x7B80];
	v48 =	vmul.f32 v36, v36;
	v16 =	vadd.f32 v32, v16;
	v15 =	vadd.f32 v27, v15  }
0x1be: {  	v47 =	vld [tilespmem:s26+$0x6D80];
	v7 =	vadd.f32 v51, v7;
	v11 =	vadd.f32 v44, v54;
	v44 =	vmul.f32 v34, v34  }
0x1bf: {  	v46 =	vld [tilespmem:s26+$0x7C00];
	v9 =	vmax.f32 v9, v43;
	v16 =	vadd.f32 v35, v16;
	v15 =	vadd.f32 v30, v15  }
0x1c0: {  	v20 =	vmul.f32 v43, v43;
	v7 =	vadd.f32 v55, v7;
	v11 =	vadd.f32 v50, v11  }
0x1c1: {  	v50 =	vmul.f32 v40, v40;
	v16 =	vadd.f32 v38, v16;
	v15 =	vadd.f32 v34, v15  }
0x1c2: {  	v53 =	vmul.f32 v42, v42;
	v7 =	vadd.f32 v59, v7;
	v10 =	vadd.f32 v57, v11  }
0x1c3: {  	v9 =	vmax.f32 v9, v47;
	v16 =	vadd.f32 v41, v16;
	v15 =	vadd.f32 v36, v15  }
0x1c4: {  	v11 =	vmax.f32 v29, v56;
	v56 =	vmul.f32 v46, v46;
	v10 =	vadd.f32 v24, v10  }
0x1c5: {  	v59 =	vmul.f32 v47, v47;
	v16 =	vadd.f32 v44, v16;
	v15 =	vadd.f32 v40, v15  }
0x1c6: {  	v11 =	vmax.f32 v11, v60;
	v7 =	vadd.f32 v26, v7;
	v10 =	vadd.f32 v31, v10  }
0x1c7: {  	v11 =	vmax.f32 v11, v63;
	v16 =	vadd.f32 v48, v16;
	v15 =	vadd.f32 v42, v15  }
0x1c8: {  	v51 =	vld [tilespmem:s26+$0x7D00];
	v11 =	vmax.f32 v11, v27;
	v7 =	vadd.f32 v33, v7;
	v10 =	vadd.f32 v37, v10  }
0x1c9: {  	v52 =	vld [tilespmem:s26+$0x10500];
	v11 =	vmax.f32 v11, v30;
	v16 =	vadd.f32 v50, v16;
	v15 =	vadd.f32 v46, v15  }
0x1ca: {  	v54 =	vld [tilespmem:s26+$0x7D80];
	v11 =	vmax.f32 v11, v34;
	v7 =	vadd.f32 v39, v7;
	v10 =	vadd.f32 v43, v10  }
0x1cb: {  	[tilespmem:s26+$0x11500] =	vst v9;
	v11 =	vmax.f32 v11, v36;
	v55 =	vadd.f32 v53, v16;
	v15 =	vadd.f32 v49, v15  }
0x1cc: {  	v57 =	vld [tilespmem:s25+$0x10200];
	v11 =	vmax.f32 v11, v40;
	v7 =	vadd.f32 v45, v7;
	v10 =	vadd.f32 v47, v10  }
0x1cd: {  	v11 =	vmax.f32 v11, v42;
	v9 =	vadd.f32 v56, v55;
	v15 =	vadd.f32 v51, v15  }
0x1ce: {  	v61 =	vmul.f32 v51, v51;
	v11 =	vmax.f32 v11, v46;
	v7 =	vadd.f32 v20, v7  }
0x1cf: {  	v60 =	vmul.f32 v52, v10;
	v9 =	vadd.f32 v58, v9;
	v15 =	vadd.f32 v54, v15  }
0x1d0: {  	v62 =	vmul.f32 v54, v54;
	v11 =	vmax.f32 v11, v49;
	v7 =	vadd.f32 v59, v7  }
0x1d1: {  	v8 =	vadd.f32 v60, v8;
	v9 =	vadd.f32 v61, v9;
	v63 =	vmul.f32 v57, v15  }
0x1d2: {  	p2 =	sne.s32 s24, $0xF0;
	v6 =	vadd.f32 v10, v6;
	v5 =	vadd.f32 v7, v5;
	v7 =	vmax.f32 v11, v51  }
.Ltmp0:
0x1d3: {  	v7 =	vmax.f32 v7, v54;
	v9 =	vadd.f32 v62, v9;
	v8 =	vadd.f32 v63, v8;
	(pc) =	sbr.rel @p2 .LBB2_3-.Ltmp0, $4  }
0x1d4: {  	[tilespmem:s25+$0x11200] =	vst v7;
	v6 =	vadd.f32 v15, v6  }
0x1d5: {  	v5 =	vadd.f32 v9, v5;
	[tilespmem:s21+$0x0] =	vst v8  }
0x1d6: {  	s20 =	sadd.s32 $0x80, s20;
	s24 =	sadd.s32 $0x10, s24;
	[tilespmem:s22+$0x0] =	vst v6  }
0x1d7: {  	s21 =	sadd.s32 $0x10, s21;
	s22 =	sadd.s32 $0x10, s22;
	[tilespmem:s23+$0x0] =	vst v5;
	s23 =	sadd.s32 $0x10, s23  }
.Ltmp1:
0x1d8: {  	(pc) =	sbr.rel @p1 .LBB2_6-.Ltmp1, $3  }
0x1d9: {  	_ =	sdelay $0x1  }
0x1da: {  	s19 =	sadd.s32 s19, s9  }
0x1db: {  	[hbm4b:s19+s2] =	stream.linear.scatter [tilespmem:s11], [sflag:$0x5], $0x800, $0x38;
	[tilespmem:$0x12500] =	vst v63  }
0x1dc: {  	_ =	swait.ge [sflag:s17], $0x80  }
0x1dd: {  	[sflag:s17] =	ssyncset.done $0x0  }
0x1de: {  	[sflag:s17] =	ssyncadd.s32 $0xFFFFFF80  }
0x1df: {  	v5 =	vld [tilespmem:$0x0];
	_ =	sdelay $0x2  }
0x1e0: {  	v6 =	vld [tilespmem:$0x10]  }
0x1e1: {  	v7 =	vld [tilespmem:$0x20]  }
0x1e2: {  	v9 =	vld [tilespmem:$0x30];
	v8 =	vadd.s32 v0, v5  }
0x1e3: {  	v10 =	vld [tilespmem:$0x40];
	v11 =	vshll.u32 v8, $0x1  }
0x1e4: {  	v12 =	vld [tilespmem:$0x50];
	v5 =	vand.u32 $0x7, v5;
	v11 =	vand.u32 $0xFFFFFFF0, v11  }
0x1e5: {  	v62 =	vld [tilespmem:$0x60];
	v6 =	vadd.s32 v0, v6;
	[tilespmem:$0x100] =	vst v8;
	v5 =	vor.u32 v5, v11  }
0x1e6: {  	[tilespmem:$0x110] =	vst v6;
	v6 =	vadd.s32 v0, v7;
	v7 =	vld [tilespmem:$0x70];
	v11 =	vperm.xlane v5, v2  }
0x1e7: {  	[tilespmem:$0x120] =	vst v6;
	v6 =	vadd.s32 v0, v9  }
0x1e8: {  	[tilespmem:$0x130] =	vst v6;
	v6 =	vadd.s32 v0, v10;
	v5 =	vperm.xlane v5, v4;
	v63 =	vadd.s32 v3, v11  }
0x1e9: {  	[tilespmem:$0x140] =	vst v6;
	v6 =	vadd.s32 v0, v12  }
0x1ea: {  	[tilespmem:$0x150] =	vst v6;
	v6 =	vadd.s32 v0, v62;
	v5 =	vadd.s32 v3, v5  }
0x1eb: {  	[tilespmem:$0x160] =	vst v6;
	v6 =	vadd.s32 v0, v7  }
0x1ec: {  	s19 =	simm.s32 $0x200;
	[tilespmem:$0x170] =	vst v6  }
0x1ed: {  	[tilespmem:s19], [sflag:$0x3] =	stream.indirect_vreg.gather [hbm4b:s3+s2], $0x80, v63, vm0, $0xb8;
	[tilespmem:$0x12500] =	vst v63  }
0x1ee: {  	s21 =	simm.s32 $0xA00  }
0x1ef: {  	[tilespmem:s21], [sflag:$0x3] =	stream.indirect_vreg.gather [hbm4b:s3+s2], $0x80, v5, vm0, $0xb8;
	[tilespmem:$0x12500] =	vst v63  }
0x1f0: {  	v5 =	vld [tilespmem:$0x110];
	_ =	sdelay $0x4  }
0x1f1: {  	v6 =	vshll.u32 v5, $0x1  }
0x1f2: {  	v5 =	vand.u32 $0x7, v5;
	v6 =	vand.u32 $0xFFFFFFF0, v6  }
0x1f3: {  	v5 =	vor.u32 v5, v6  }
0x1f4: {  	v6 =	vperm.xlane v5, v2;
	_ =	sdelay $0x1  }
0x1f5: {  	v5 =	vperm.xlane v5, v4;
	v6 =	vadd.s32 v3, v6;
	_ =	sdelay $0x1  }
0x1f6: {  	v5 =	vadd.s32 v3, v5;
	_ =	sdelay $0x1  }
0x1f7: {  	s22 =	simm.s32 $0x1200  }
0x1f8: {  	[tilespmem:s22], [sflag:$0x3] =	stream.indirect_vreg.gather [hbm4b:s3+s2], $0x80, v6, vm0, $0xb8;
	[tilespmem:$0x12500] =	vst v63  }
0x1f9: {  	s23 =	simm.s32 $0x1A00  }
0x1fa: {  	[tilespmem:s23], [sflag:$0x3] =	stream.indirect_vreg.gather [hbm4b:s3+s2], $0x80, v5, vm0, $0xb8;
	[tilespmem:$0x12500] =	vst v63  }
0x1fb: {  	v5 =	vld [tilespmem:$0x120];
	_ =	sdelay $0x4  }
0x1fc: {  	v6 =	vshll.u32 v5, $0x1  }
0x1fd: {  	v5 =	vand.u32 $0x7, v5;
	v6 =	vand.u32 $0xFFFFFFF0, v6  }
0x1fe: {  	v5 =	vor.u32 v5, v6  }
0x1ff: {  	v6 =	vperm.xlane v5, v2;
	_ =	sdelay $0x1  }
0x200: {  	v5 =	vperm.xlane v5, v4;
	v6 =	vadd.s32 v3, v6;
	_ =	sdelay $0x1  }
0x201: {  	v5 =	vadd.s32 v3, v5;
	_ =	sdelay $0x1  }
0x202: {  	s24 =	simm.s32 $0x2200  }
0x203: {  	[tilespmem:s24], [sflag:$0x3] =	stream.indirect_vreg.gather [hbm4b:s3+s2], $0x80, v6, vm0, $0xb8;
	[tilespmem:$0x12500] =	vst v63  }
0x204: {  	s25 =	simm.s32 $0x2A00  }
0x205: {  	[tilespmem:s25], [sflag:$0x3] =	stream.indirect_vreg.gather [hbm4b:s3+s2], $0x80, v5, vm0, $0xb8;
	[tilespmem:$0x12500] =	vst v63  }
0x206: {  	v5 =	vld [tilespmem:$0x130];
	_ =	sdelay $0x4  }
0x207: {  	v6 =	vshll.u32 v5, $0x1  }
0x208: {  	v5 =	vand.u32 $0x7, v5;
	v6 =	vand.u32 $0xFFFFFFF0, v6  }
0x209: {  	v5 =	vor.u32 v5, v6  }
0x20a: {  	v6 =	vperm.xlane v5, v2;
	_ =	sdelay $0x1  }
0x20b: {  	v5 =	vperm.xlane v5, v4;
	v6 =	vadd.s32 v3, v6;
	_ =	sdelay $0x1  }
0x20c: {  	v5 =	vadd.s32 v3, v5;
	_ =	sdelay $0x1  }
0x20d: {  	s26 =	simm.s32 $0x3200  }
0x20e: {  	[tilespmem:s26], [sflag:$0x3] =	stream.indirect_vreg.gather [hbm4b:s3+s2], $0x80, v6, vm0, $0xb8;
	[tilespmem:$0x12500] =	vst v63  }
0x20f: {  	s28 =	simm.s32 $0x3A00  }
0x210: {  	[tilespmem:s28], [sflag:$0x3] =	stream.indirect_vreg.gather [hbm4b:s3+s2], $0x80, v5, vm0, $0xb8;
	[tilespmem:$0x12500] =	vst v63  }
0x211: {  	v5 =	vld [tilespmem:$0x140];
	_ =	sdelay $0x4  }
0x212: {  	v6 =	vshll.u32 v5, $0x1  }
0x213: {  	v5 =	vand.u32 $0x7, v5;
	v6 =	vand.u32 $0xFFFFFFF0, v6  }
0x214: {  	v5 =	vor.u32 v5, v6  }
0x215: {  	v6 =	vperm.xlane v5, v2;
	_ =	sdelay $0x1  }
0x216: {  	v5 =	vperm.xlane v5, v4;
	v6 =	vadd.s32 v3, v6;
	_ =	sdelay $0x1  }
0x217: {  	v5 =	vadd.s32 v3, v5;
	_ =	sdelay $0x1  }
0x218: {  	s29 =	simm.s32 $0x4200  }
0x219: {  	[tilespmem:s29], [sflag:$0x3] =	stream.indirect_vreg.gather [hbm4b:s3+s2], $0x80, v6, vm0, $0xb8;
	[tilespmem:$0x12500] =	vst v63  }
0x21a: {  	s30 =	simm.s32 $0x4A00  }
0x21b: {  	[tilespmem:s30], [sflag:$0x3] =	stream.indirect_vreg.gather [hbm4b:s3+s2], $0x80, v5, vm0, $0xb8;
	[tilespmem:$0x12500] =	vst v63  }
0x21c: {  	v5 =	vld [tilespmem:$0x150];
	_ =	sdelay $0x4  }
0x21d: {  	v6 =	vshll.u32 v5, $0x1  }
0x21e: {  	v5 =	vand.u32 $0x7, v5;
	v6 =	vand.u32 $0xFFFFFFF0, v6  }
0x21f: {  	v5 =	vor.u32 v5, v6  }
0x220: {  	v6 =	vperm.xlane v5, v2;
	_ =	sdelay $0x1  }
0x221: {  	v5 =	vperm.xlane v5, v4;
	v6 =	vadd.s32 v3, v6;
	_ =	sdelay $0x1  }
0x222: {  	v5 =	vadd.s32 v3, v5;
	_ =	sdelay $0x1  }
0x223: {  	s20 =	simm.s32 $0x5200  }
0x224: {  	[tilespmem:s20], [sflag:$0x3] =	stream.indirect_vreg.gather [hbm4b:s3+s2], $0x80, v6, vm0, $0xb8;
	[tilespmem:$0x12500] =	vst v63  }
0x225: {  	s21 =	simm.s32 $0x5A00  }
0x226: {  	[tilespmem:s21], [sflag:$0x3] =	stream.indirect_vreg.gather [hbm4b:s3+s2], $0x80, v5, vm0, $0xb8;
	[tilespmem:$0x12500] =	vst v63  }
0x227: {  	v5 =	vld [tilespmem:$0x160];
	_ =	sdelay $0x4  }
0x228: {  	v6 =	vshll.u32 v5, $0x1  }
0x229: {  	v5 =	vand.u32 $0x7, v5;
	v6 =	vand.u32 $0xFFFFFFF0, v6  }
0x22a: {  	v5 =	vor.u32 v5, v6  }
0x22b: {  	v6 =	vperm.xlane v5, v2;
	_ =	sdelay $0x1  }
0x22c: {  	v5 =	vperm.xlane v5, v4;
	v6 =	vadd.s32 v3, v6;
	_ =	sdelay $0x1  }
0x22d: {  	v5 =	vadd.s32 v3, v5;
	_ =	sdelay $0x1  }
0x22e: {  	s22 =	simm.s32 $0x6200  }
0x22f: {  	[tilespmem:s22], [sflag:$0x3] =	stream.indirect_vreg.gather [hbm4b:s3+s2], $0x80, v6, vm0, $0xb8;
	[tilespmem:$0x12500] =	vst v63  }
0x230: {  	s23 =	simm.s32 $0x6A00  }
0x231: {  	[tilespmem:s23], [sflag:$0x3] =	stream.indirect_vreg.gather [hbm4b:s3+s2], $0x80, v5, vm0, $0xb8;
	[tilespmem:$0x12500] =	vst v63  }
0x232: {  	v5 =	vld [tilespmem:$0x170];
	_ =	sdelay $0x4  }
0x233: {  	v6 =	vshll.u32 v5, $0x1  }
0x234: {  	v5 =	vand.u32 $0x7, v5;
	v6 =	vand.u32 $0xFFFFFFF0, v6  }
0x235: {  	v5 =	vor.u32 v5, v6  }
0x236: {  	v6 =	vperm.xlane v5, v2;
	_ =	sdelay $0x1  }
0x237: {  	v5 =	vperm.xlane v5, v4;
	v6 =	vadd.s32 v3, v6;
	_ =	sdelay $0x1  }
0x238: {  	v5 =	vadd.s32 v3, v5;
	_ =	sdelay $0x1  }
0x239: {  	s18 =	sshll.u32 s18, $0x8;
	s24 =	simm.s32 $0x7200  }
0x23a: {  	[tilespmem:s24], [sflag:$0x3] =	stream.indirect_vreg.gather [hbm4b:s3+s2], $0x80, v6, vm0, $0xb8;
	[tilespmem:$0x12500] =	vst v63  }
0x23b: {  	s18 =	sadd.s32 s18, s8;
	s25 =	simm.s32 $0x7A00  }
0x23c: {  	[tilespmem:s25], [sflag:$0x3] =	stream.indirect_vreg.gather [hbm4b:s3+s2], $0x80, v5, vm0, $0xb8;
	[tilespmem:$0x12500] =	vst v63  }
0x23d: {  	s26 =	simm.s32 $0x10200;
	s28 =	sshll.u32 s13, $0x5;
	s29 =	rddreg [dreg:$0x5]  }
0x23e: {  	[tilespmem:s26], [sflag:$0x3] =	stream.linear.gather [hbm4b:s18+s2], $0x800, $0x38;
	[tilespmem:$0x12500] =	vst v63  }
0x23f: {  	s30 =	simm.s32 $0x80;
	s18 =	sadd.s32 s28, s29  }
0x240: {  	[tilespmem:s30], [sflag:$0x2] =	stream.linear.gather [hbm4b:s18+s2], $0x80, $0x38;
	[tilespmem:$0x12500] =	vst v63  }
.LBB2_6:
0x241: {  	_ =	swait.ge [sflag:s16], $0x8000  }
0x242: {  	[sflag:s16] =	ssyncset.done $0x0  }
0x243: {  	[sflag:s16] =	ssyncadd.s32 $0xFFFF8000  }
0x244: {  	_ =	swait.ge [sflag:s16], $0x800  }
0x245: {  	[sflag:s16] =	ssyncset.done $0x0  }
0x246: {  	s18 =	simm.s32 @!p0 $0x6;
	[sflag:s16] =	ssyncadd.s32 $0xFFFFF800  }
0x247: {  	s19 =	simm.s32 $0x12200;
	_ =	swait.ge @!p0 [sflag:s18], $0x800  }
0x248: {  	s20 =	simm.s32 $0x12300;
	s21 =	simm.s32 $0x12400;
	[sflag:s18] =	ssyncset.done @!p0 $0x0  }
0x249: {  	s22 =	simm.s32 $0x0;
	[sflag:s18] =	ssyncadd.s32 @!p0 $0xFFFFF800;
	s18 =	simm.s32 $0x0  }
.LBB2_7:
0x24a: {  	s23 =	sand.u32 $0xFFFFFC00, s18;
	s24 =	sand.u32 $0x70, s22;
	s25 =	sand.u32 $0x400, s18  }
0x24b: {  	s24 =	sor.u32 s24, s25;
	s23 =	sadd.s32 s23, s22  }
0x24c: {  	v5 =	vld [tilespmem:s24+$0x8200];
	s28 =	sor.u32 $0x80, s23  }
0x24d: {  	v6 =	vld [tilespmem:s28+$0x8200];
	_ =	sdelay $0x1  }
0x24e: {  	v7 =	vld [tilespmem:s24+$0x8300]  }
0x24f: {  	s26 =	sor.u32 $0x180, s23  }
0x250: {  	v8 =	vld [tilespmem:s26+$0x8200]  }
0x251: {  	v11 =	vadd.f32 v6, v5  }
0x252: {  	v12 =	vld [tilespmem:s24+$0x8400]  }
0x253: {  	s29 =	sor.u32 $0x280, s23;
	v14 =	vld [tilespmem:s24+$0x8500];
	v11 =	vadd.f32 v7, v11  }
0x254: {  	v13 =	vld [tilespmem:s29+$0x8200]  }
0x255: {  	v16 =	vld [tilespmem:s24+$0x8A00];
	v9 =	vmul.f32 v5, v5;
	v10 =	vmul.f32 v6, v6;
	v11 =	vadd.f32 v8, v11  }
0x256: {  	s30 =	sor.u32 s18, s22;
	v17 =	vld [tilespmem:s24+$0x8A80]  }
0x257: {  	s23 =	sor.u32 $0x380, s30;
	v18 =	vld [tilespmem:s24+$0x8B00];
	v55 =	vmul.f32 v7, v7;
	v9 =	vadd.f32 v10, v9;
	v11 =	vadd.f32 v12, v11  }
0x258: {  	v15 =	vld [tilespmem:s23+$0x8200]  }
0x259: {  	v19 =	vld [tilespmem:s24+$0x8B80];
	v56 =	vmul.f32 v8, v8;
	v9 =	vadd.f32 v55, v9;
	v11 =	vadd.f32 v13, v11  }
0x25a: {  	v60 =	vld [tilespmem:s24+$0x8C00];
	v57 =	vmul.f32 v12, v12;
	v5 =	vmax.f32 v5, v6  }
0x25b: {  	v62 =	vld [tilespmem:s24+$0x8C80];
	v5 =	vmax.f32 v5, v7;
	v9 =	vadd.f32 v56, v9;
	v6 =	vadd.f32 v14, v11  }
0x25c: {  	v63 =	vld [tilespmem:s24+$0x8D00];
	v58 =	vmul.f32 v13, v13;
	v5 =	vmax.f32 v5, v8  }
0x25d: {  	v32 =	vld [tilespmem:s24+$0x8D80];
	v5 =	vmax.f32 v5, v12;
	v9 =	vadd.f32 v57, v9;
	v6 =	vadd.f32 v15, v6  }
0x25e: {  	v33 =	vld [tilespmem:s24+$0x9200];
	v59 =	vmul.f32 v14, v14;
	v5 =	vmax.f32 v5, v13  }
0x25f: {  	v35 =	vld [tilespmem:s24+$0x9280];
	v5 =	vmax.f32 v5, v14;
	v9 =	vadd.f32 v58, v9;
	v6 =	vadd.f32 v16, v6  }
0x260: {  	v36 =	vld [tilespmem:s24+$0x9300];
	v31 =	vmul.f32 v16, v16;
	v61 =	vmul.f32 v15, v15;
	v5 =	vmax.f32 v5, v15  }
0x261: {  	v38 =	vld [tilespmem:s24+$0x9380];
	v5 =	vmax.f32 v5, v16;
	v7 =	vadd.f32 v59, v9;
	v6 =	vadd.f32 v17, v6  }
0x262: {  	v39 =	vld [tilespmem:s24+$0x9400];
	v34 =	vmul.f32 v17, v17;
	v37 =	vmul.f32 v18, v18;
	v5 =	vmax.f32 v5, v17  }
0x263: {  	v41 =	vld [tilespmem:s24+$0x9480];
	v5 =	vmax.f32 v5, v18;
	v7 =	vadd.f32 v61, v7;
	v6 =	vadd.f32 v18, v6  }
0x264: {  	v20 =	vld [tilespmem:s24+$0x9500];
	v40 =	vmul.f32 v19, v19;
	v42 =	vmax.f32 v33, v35;
	v5 =	vmax.f32 v5, v19  }
0x265: {  	v21 =	vld [tilespmem:s24+$0x9580];
	v7 =	vadd.f32 v31, v7;
	v6 =	vadd.f32 v19, v6;
	v19 =	vmax.f32 v42, v36  }
0x266: {  	v45 =	vld [tilespmem:s24+$0x9A00];
	v43 =	vmul.f32 v60, v60;
	v23 =	vmul.f32 v33, v33;
	v44 =	vmax.f32 v19, v38  }
0x267: {  	v47 =	vld [tilespmem:s24+$0x9A80];
	v24 =	vmul.f32 v35, v35;
	v7 =	vadd.f32 v34, v7;
	v46 =	vmax.f32 v44, v39  }
0x268: {  	v22 =	vld [tilespmem:s24+$0x9B00];
	v48 =	vadd.f32 v35, v33;
	v51 =	vmul.f32 v36, v36;
	v9 =	vmax.f32 v46, v41  }
0x269: {  	v25 =	vld [tilespmem:s24+$0x9B80];
	v53 =	vmul.f32 v38, v38;
	v7 =	vadd.f32 v37, v7;
	v9 =	vmax.f32 v9, v20  }
0x26a: {  	v49 =	vld [tilespmem:s24+$0x9C00];
	v50 =	vadd.f32 v24, v23;
	v10 =	vmul.f32 v62, v62;
	v9 =	vmax.f32 v9, v21  }
0x26b: {  	v52 =	vld [tilespmem:s24+$0x9C80];
	v55 =	vmul.f32 v39, v39;
	v7 =	vadd.f32 v40, v7;
	v9 =	vmax.f32 v9, v45  }
0x26c: {  	v14 =	vadd.f32 v51, v50;
	v5 =	vmax.f32 v5, v60;
	v15 =	vld [tilespmem:s24+$0x9D00];
	v9 =	vmax.f32 v9, v47  }
0x26d: {  	v26 =	vld [tilespmem:s24+$0x9D80];
	v5 =	vmax.f32 v5, v62;
	v7 =	vadd.f32 v43, v7;
	v9 =	vmax.f32 v9, v22  }
0x26e: {  	v5 =	vmax.f32 v5, v63;
	v6 =	vadd.f32 v60, v6;
	v9 =	vmax.f32 v9, v25  }
0x26f: {  	v27 =	vld [tilespmem:s19+$0x0];
	v7 =	vadd.f32 v10, v7;
	v10 =	vadd.f32 v36, v48;
	v9 =	vmax.f32 v9, v49  }
0x270: {  	v54 =	vld [tilespmem:s20+$0x0];
	v14 =	vadd.f32 v53, v14;
	v5 =	vmax.f32 v5, v32;
	v9 =	vmax.f32 v9, v52  }
0x271: {  	v28 =	vld [tilespmem:s24+$0x10A00];
	v6 =	vadd.f32 v62, v6;
	v10 =	vadd.f32 v38, v10;
	v9 =	vmax.f32 v9, v15  }
0x272: {  	v56 =	vld [tilespmem:s21+$0x0];
	v57 =	vmul.f32 v41, v41;
	v14 =	vadd.f32 v55, v14;
	[tilespmem:s24+$0x11A00] =	vst v5;
	v9 =	vmax.f32 v9, v26  }
0x273: {  	v30 =	vmul.f32 v47, v47;
	v6 =	vadd.f32 v63, v6;
	v10 =	vadd.f32 v39, v10;
	[tilespmem:s28+$0x11A00] =	vst v9  }
0x274: {  	v8 =	vmul.f32 v63, v63;
	v59 =	vmul.f32 v20, v20;
	v58 =	vadd.f32 v57, v14;
	v9 =	vld [tilespmem:s24+$0xA200]  }
0x275: {  	v60 =	vmul.f32 v32, v32;
	v6 =	vadd.f32 v32, v6;
	v5 =	vadd.f32 v41, v10;
	v63 =	vld [tilespmem:s24+$0xA280]  }
0x276: {  	v62 =	vmul.f32 v21, v21;
	v7 =	vadd.f32 v8, v7;
	v10 =	vadd.f32 v59, v58;
	v29 =	vld [tilespmem:s24+$0xA300]  }
0x277: {  	v51 =	vmul.f32 v52, v52;
	v61 =	vmul.f32 v28, v6;
	v5 =	vadd.f32 v20, v5;
	v31 =	vld [tilespmem:s24+$0xA380]  }
0x278: {  	v7 =	vadd.f32 v60, v7;
	v28 =	vmul.f32 v45, v45;
	v10 =	vadd.f32 v62, v10;
	v36 =	vld [tilespmem:s24+$0xA400]  }
0x279: {  	v55 =	vmul.f32 v15, v15;
	v6 =	vadd.f32 v6, v54;
	v39 =	vld [tilespmem:s24+$0xA480];
	v5 =	vadd.f32 v21, v5  }
0x27a: {  	v34 =	vmul.f32 v22, v22;
	v27 =	vadd.f32 v61, v27;
	v48 =	vld [tilespmem:s24+$0xAA00];
	v10 =	vadd.f32 v28, v10  }
0x27b: {  	v44 =	vmul.f32 v49, v49;
	v7 =	vadd.f32 v7, v56;
	v50 =	vld [tilespmem:s24+$0xAA80];
	v5 =	vadd.f32 v45, v5  }
0x27c: {  	v41 =	vmul.f32 v25, v25;
	v62 =	vmul.f32 v26, v26;
	v56 =	vld [tilespmem:s24+$0xAC00];
	v10 =	vadd.f32 v30, v10  }
0x27d: {  	v5 =	vadd.f32 v47, v5;
	v32 =	vmul.f32 v9, v9;
	v33 =	vmul.f32 v63, v63  }
0x27e: {  	v54 =	vld [tilespmem:s24+$0xAB80];
	v35 =	vmax.f32 v9, v63;
	v37 =	vmul.f32 v29, v29;
	v40 =	vmul.f32 v31, v31  }
0x27f: {  	v45 =	vld [tilespmem:s24+$0xA580];
	v9 =	vadd.f32 v63, v9;
	v43 =	vmul.f32 v36, v36;
	v47 =	vmul.f32 v39, v39  }
0x280: {  	v10 =	vadd.f32 v34, v10;
	v57 =	vmul.f32 v48, v48;
	v60 =	vmul.f32 v50, v50  }
0x281: {  	v42 =	vld [tilespmem:s24+$0xA500];
	v38 =	vmax.f32 v35, v29;
	v35 =	vmul.f32 v56, v56;
	v11 =	vadd.f32 v33, v32  }
0x282: {  	v63 =	vld [tilespmem:s24+$0xB200];
	v5 =	vadd.f32 v22, v5;
	v9 =	vadd.f32 v29, v9;
	v12 =	vmax.f32 v38, v31  }
0x283: {  	v10 =	vadd.f32 v41, v10;
	v29 =	vld [tilespmem:s24+$0xB280];
	v32 =	vmul.f32 v54, v54;
	v12 =	vmax.f32 v12, v36  }
0x284: {  	v53 =	vmul.f32 v45, v45;
	v11 =	vadd.f32 v37, v11;
	v9 =	vadd.f32 v31, v9  }
0x285: {  	v5 =	vadd.f32 v25, v5;
	v10 =	vadd.f32 v44, v10;
	v12 =	vmax.f32 v12, v39  }
0x286: {  	v31 =	vld [tilespmem:s24+$0xB300];
	v12 =	vmax.f32 v12, v42;
	v11 =	vadd.f32 v40, v11;
	v9 =	vadd.f32 v36, v9  }
0x287: {  	v46 =	vld [tilespmem:s28+$0x10A00];
	v5 =	vadd.f32 v49, v5;
	v10 =	vadd.f32 v51, v10;
	v40 =	vmul.f32 v63, v63  }
0x288: {  	v58 =	vld [tilespmem:s24+$0xAC80];
	v41 =	vmul.f32 v29, v29;
	v16 =	vadd.f32 v29, v63;
	v11 =	vadd.f32 v43, v11  }
0x289: {  	v33 =	vld [tilespmem:s24+$0xB380];
	v49 =	vmul.f32 v42, v42;
	v9 =	vadd.f32 v39, v9;
	v5 =	vadd.f32 v52, v5  }
0x28a: {  	v59 =	vld [tilespmem:s24+$0xAD00];
	v12 =	vmax.f32 v12, v45;
	v10 =	vadd.f32 v55, v10;
	v22 =	vadd.f32 v41, v40  }
0x28b: {  	v52 =	vld [tilespmem:s24+$0xAB00];
	v44 =	vmul.f32 v31, v31;
	v16 =	vadd.f32 v31, v16;
	v11 =	vadd.f32 v47, v11  }
0x28c: {  	v34 =	vld [tilespmem:s24+$0xB400];
	v12 =	vmax.f32 v12, v48;
	v9 =	vadd.f32 v42, v9;
	v5 =	vadd.f32 v15, v5  }
0x28d: {  	v37 =	vmax.f32 v63, v29;
	v43 =	vld [tilespmem:s24+$0xBA80];
	v10 =	vadd.f32 v62, v10;
	v22 =	vadd.f32 v44, v22  }
0x28e: {  	v36 =	vld [tilespmem:s24+$0xB480];
	v12 =	vmax.f32 v12, v50;
	v16 =	vadd.f32 v33, v16;
	v11 =	vadd.f32 v49, v11  }
0x28f: {  	v38 =	vld [tilespmem:s24+$0xB500];
	v15 =	vmul.f32 v59, v59;
	v9 =	vadd.f32 v45, v9;
	v5 =	vadd.f32 v26, v5  }
0x290: {  	v39 =	vld [tilespmem:s24+$0xB580];
	v7 =	vadd.f32 v10, v7;
	v10 =	vmax.f32 v37, v31;
	v28 =	vmul.f32 v52, v52  }
0x291: {  	v42 =	vld [tilespmem:s24+$0xBA00];
	v12 =	vmax.f32 v12, v52;
	v10 =	vmax.f32 v10, v33;
	v16 =	vadd.f32 v34, v16  }
0x292: {  	v61 =	vld [tilespmem:s24+$0xAD80];
	v25 =	vmul.f32 v43, v43;
	v11 =	vadd.f32 v53, v11;
	v10 =	vmax.f32 v10, v34  }
0x293: {  	v45 =	vld [tilespmem:s24+$0xBB00];
	v9 =	vadd.f32 v48, v9;
	v30 =	vmul.f32 v46, v5;
	v10 =	vmax.f32 v10, v36  }
0x294: {  	v47 =	vld [tilespmem:s24+$0xBB80];
	v5 =	vadd.f32 v5, v6;
	v6 =	vmax.f32 v12, v54;
	v10 =	vmax.f32 v10, v38  }
0x295: {  	v49 =	vld [tilespmem:s24+$0xBC00];
	v48 =	vmul.f32 v33, v33;
	v9 =	vadd.f32 v50, v9;
	v10 =	vmax.f32 v10, v39  }
0x296: {  	v12 =	vmul.f32 v34, v34;
	v6 =	vmax.f32 v6, v56;
	v50 =	vld [tilespmem:s24+$0xBC80];
	v10 =	vmax.f32 v10, v42  }
0x297: {  	v16 =	vadd.f32 v36, v16;
	v9 =	vadd.f32 v52, v9;
	v52 =	vld [tilespmem:s24+$0xBD00];
	v10 =	vmax.f32 v10, v43  }
0x298: {  	v53 =	vld [tilespmem:s24+$0xBD80];
	v11 =	vadd.f32 v57, v11;
	v8 =	vadd.f32 v30, v27;
	v10 =	vmax.f32 v10, v45  }
0x299: {  	v6 =	vmax.f32 v6, v58;
	v51 =	vadd.f32 v48, v22;
	v10 =	vmax.f32 v10, v47  }
0x29a: {  	v6 =	vmax.f32 v6, v59;
	v11 =	vadd.f32 v60, v11;
	v10 =	vmax.f32 v10, v49  }
0x29b: {  	v12 =	vadd.f32 v12, v51;
	v6 =	vmax.f32 v6, v61;
	v10 =	vmax.f32 v10, v50  }
0x29c: {  	[tilespmem:s24+$0x11B00] =	vst v6;
	v6 =	vadd.f32 v38, v16;
	v9 =	vadd.f32 v54, v9;
	v10 =	vmax.f32 v10, v52  }
0x29d: {  	v11 =	vadd.f32 v28, v11;
	v54 =	vmul.f32 v36, v36;
	v10 =	vmax.f32 v10, v53  }
0x29e: {  	v55 =	vld [tilespmem:s24+$0x10B00];
	v46 =	vmul.f32 v58, v58;
	v6 =	vadd.f32 v39, v6;
	v9 =	vadd.f32 v56, v9;
	[tilespmem:s26+$0x11A00] =	vst v10  }
0x29f: {  	v11 =	vadd.f32 v32, v11;
	v12 =	vadd.f32 v54, v12;
	v56 =	vmul.f32 v38, v38;
	v60 =	vld [tilespmem:s24+$0xC200]  }
0x2a0: {  	v62 =	vmul.f32 v42, v42;
	v6 =	vadd.f32 v42, v6;
	v9 =	vadd.f32 v58, v9;
	v63 =	vld [tilespmem:s24+$0xC280]  }
0x2a1: {  	v57 =	vmul.f32 v39, v39;
	v11 =	vadd.f32 v35, v11;
	v12 =	vadd.f32 v56, v12;
	v27 =	vld [tilespmem:s24+$0xC300]  }
0x2a2: {  	v33 =	vmul.f32 v47, v47;
	v6 =	vadd.f32 v43, v6;
	v9 =	vadd.f32 v59, v9;
	v30 =	vld [tilespmem:s24+$0xC380]  }
0x2a3: {  	v29 =	vmul.f32 v45, v45;
	v11 =	vadd.f32 v46, v11;
	v12 =	vadd.f32 v57, v12;
	v35 =	vld [tilespmem:s24+$0xC400]  }
0x2a4: {  	v37 =	vmul.f32 v49, v49;
	v6 =	vadd.f32 v45, v6;
	v38 =	vld [tilespmem:s24+$0xC480];
	v9 =	vadd.f32 v61, v9  }
0x2a5: {  	v40 =	vmul.f32 v50, v50;
	v59 =	vmul.f32 v61, v61;
	v41 =	vld [tilespmem:s24+$0xC500];
	v58 =	vadd.f32 v15, v11  }
0x2a6: {  	v44 =	vld [tilespmem:s24+$0xC580];
	v20 =	vadd.f32 v62, v12;
	v6 =	vadd.f32 v47, v6;
	v61 =	vmul.f32 v55, v9  }
0x2a7: {  	v45 =	vmul.f32 v52, v52;
	v54 =	vld [tilespmem:s24+$0xCB80];
	v10 =	vadd.f32 v59, v58;
	v9 =	vadd.f32 v9, v5  }
0x2a8: {  	v57 =	vld [tilespmem:s24+$0xCC80];
	v6 =	vadd.f32 v49, v6;
	v8 =	vadd.f32 v61, v8;
	v31 =	vmul.f32 v60, v60  }
0x2a9: {  	v56 =	vld [tilespmem:s24+$0xCC00];
	v5 =	vadd.f32 v10, v7;
	v32 =	vmul.f32 v63, v63;
	v36 =	vmul.f32 v27, v27  }
0x2aa: {  	v47 =	vld [tilespmem:s24+$0xCA00];
	v7 =	vadd.f32 v25, v20;
	v39 =	vmul.f32 v30, v30;
	v42 =	vmul.f32 v35, v35  }
0x2ab: {  	v34 =	vadd.f32 v63, v60;
	v46 =	vmul.f32 v38, v38;
	v49 =	vmul.f32 v41, v41  }
0x2ac: {  	v13 =	vmax.f32 v60, v63;
	v51 =	vmul.f32 v44, v44;
	v28 =	vmul.f32 v54, v54  }
0x2ad: {  	v62 =	vld [tilespmem:s24+$0xD280];
	v20 =	vmul.f32 v57, v57;
	v6 =	vadd.f32 v50, v6;
	v7 =	vadd.f32 v29, v7  }
0x2ae: {  	v60 =	vld [tilespmem:s24+$0xD200];
	v13 =	vmax.f32 v13, v27;
	v12 =	vadd.f32 v32, v31;
	v18 =	vadd.f32 v27, v34  }
0x2af: {  	v50 =	vld [tilespmem:s24+$0xCA80];
	v11 =	vmax.f32 v13, v30;
	v55 =	vmul.f32 v47, v47;
	v32 =	vmul.f32 v56, v56  }
0x2b0: {  	v48 =	vld [tilespmem:s26+$0x10A00];
	v6 =	vadd.f32 v52, v6;
	v11 =	vmax.f32 v11, v35;
	v7 =	vadd.f32 v33, v7  }
0x2b1: {  	v63 =	vld [tilespmem:s24+$0xCD80];
	v12 =	vadd.f32 v36, v12;
	v18 =	vadd.f32 v30, v18;
	v11 =	vmax.f32 v11, v38  }
0x2b2: {  	v29 =	vld [tilespmem:s24+$0xD300];
	v6 =	vadd.f32 v53, v6;
	v53 =	vmul.f32 v53, v53;
	v11 =	vmax.f32 v11, v41  }
0x2b3: {  	v34 =	vmul.f32 v60, v60;
	v17 =	vadd.f32 v62, v60;
	v7 =	vadd.f32 v37, v7  }
0x2b4: {  	v52 =	vld [tilespmem:s24+$0xCB00];
	v12 =	vadd.f32 v39, v12;
	v43 =	vadd.f32 v35, v18;
	v58 =	vmul.f32 v50, v50  }
0x2b5: {  	v31 =	vld [tilespmem:s24+$0xD380];
	v11 =	vmax.f32 v11, v44;
	v35 =	vmul.f32 v62, v62;
	v37 =	vmax.f32 v60, v62  }
0x2b6: {  	v33 =	vld [tilespmem:s24+$0xD400];
	v60 =	vmul.f32 v63, v63;
	v18 =	vmul.f32 v48, v6;
	v11 =	vmax.f32 v11, v47  }
0x2b7: {  	v36 =	vld [tilespmem:s24+$0xD480];
	v6 =	vadd.f32 v6, v9;
	v13 =	vmax.f32 v37, v29;
	v15 =	vadd.f32 v29, v17  }
0x2b8: {  	v39 =	vmul.f32 v29, v29;
	v7 =	vadd.f32 v40, v7;
	v12 =	vadd.f32 v42, v12  }
0x2b9: {  	v59 =	vld [tilespmem:s24+$0xCD00];
	v10 =	vadd.f32 v38, v43;
	v61 =	vmul.f32 v52, v52;
	v11 =	vmax.f32 v11, v50  }
0x2ba: {  	v38 =	vld [tilespmem:s24+$0xD500];
	v13 =	vmax.f32 v13, v31;
	v42 =	vmul.f32 v31, v31;
	v8 =	vadd.f32 v18, v8  }
0x2bb: {  	v40 =	vld [tilespmem:s24+$0xD580];
	v11 =	vmax.f32 v11, v52;
	v18 =	vadd.f32 v35, v34;
	v10 =	vadd.f32 v41, v10  }
0x2bc: {  	v13 =	vmax.f32 v13, v33;
	v48 =	vmul.f32 v36, v36;
	v7 =	vadd.f32 v45, v7;
	v41 =	vld [tilespmem:s24+$0xDA00]  }
0x2bd: {  	v43 =	vld [tilespmem:s24+$0xDA80];
	v12 =	vadd.f32 v46, v12;
	v30 =	vmax.f32 v11, v54;
	v10 =	vadd.f32 v44, v10  }
0x2be: {  	v11 =	vadd.f32 v31, v15;
	v13 =	vmax.f32 v13, v36;
	v45 =	vmul.f32 v33, v33;
	v44 =	vld [tilespmem:s24+$0xDB00]  }
0x2bf: {  	v46 =	vld [tilespmem:s24+$0xDB80];
	v9 =	vmax.f32 v30, v56;
	v13 =	vmax.f32 v13, v38;
	v10 =	vadd.f32 v47, v10  }
0x2c0: {  	v18 =	vadd.f32 v39, v18;
	v12 =	vadd.f32 v49, v12;
	v13 =	vmax.f32 v13, v40;
	v47 =	vld [tilespmem:s24+$0xDC00]  }
0x2c1: {  	v7 =	vadd.f32 v53, v7;
	v49 =	vld [tilespmem:s24+$0xDC80];
	v13 =	vmax.f32 v13, v41;
	v10 =	vadd.f32 v50, v10  }
0x2c2: {  	v9 =	vmax.f32 v9, v57;
	v11 =	vadd.f32 v33, v11;
	v13 =	vmax.f32 v13, v43;
	v50 =	vld [tilespmem:s24+$0xDD00]  }
0x2c3: {  	v12 =	vadd.f32 v51, v12;
	v13 =	vmax.f32 v13, v44;
	v10 =	vadd.f32 v52, v10;
	v52 =	vld [tilespmem:s24+$0xDD80]  }
0x2c4: {  	v18 =	vadd.f32 v42, v18;
	v9 =	vmax.f32 v9, v59;
	v13 =	vmax.f32 v13, v46  }
0x2c5: {  	v53 =	vmul.f32 v40, v40;
	v12 =	vadd.f32 v55, v12;
	v13 =	vmax.f32 v13, v47  }
0x2c6: {  	v11 =	vadd.f32 v36, v11;
	v9 =	vmax.f32 v9, v63;
	v13 =	vmax.f32 v13, v49  }
0x2c7: {  	v5 =	vadd.f32 v7, v5;
	v12 =	vadd.f32 v58, v12;
	v13 =	vmax.f32 v13, v50  }
0x2c8: {  	v18 =	vadd.f32 v45, v18;
	[tilespmem:s24+$0x11C00] =	vst v9;
	v11 =	vadd.f32 v38, v11;
	v13 =	vmax.f32 v13, v52  }
0x2c9: {  	v51 =	vmul.f32 v38, v38;
	v12 =	vadd.f32 v61, v12;
	v10 =	vadd.f32 v54, v10;
	v54 =	vld [tilespmem:s24+$0x10C00];
	[tilespmem:s29+$0x11A00] =	vst v13  }
0x2ca: {  	v24 =	vmul.f32 v46, v46;
	v18 =	vadd.f32 v48, v18;
	v11 =	vadd.f32 v40, v11;
	v25 =	vld [tilespmem:s24+$0xE300]  }
0x2cb: {  	v55 =	vmul.f32 v41, v41;
	v12 =	vadd.f32 v28, v12;
	v10 =	vadd.f32 v56, v10;
	v30 =	vld [tilespmem:s24+$0xE380]  }
0x2cc: {  	v62 =	vmul.f32 v44, v44;
	v18 =	vadd.f32 v51, v18;
	v11 =	vadd.f32 v41, v11;
	v33 =	vld [tilespmem:s24+$0xE400]  }
0x2cd: {  	v35 =	vmul.f32 v49, v49;
	v12 =	vadd.f32 v32, v12;
	v10 =	vadd.f32 v57, v10;
	v36 =	vld [tilespmem:s24+$0xE480]  }
0x2ce: {  	v29 =	vmul.f32 v47, v47;
	v18 =	vadd.f32 v53, v18;
	v11 =	vadd.f32 v43, v11;
	v39 =	vld [tilespmem:s24+$0xE500]  }
0x2cf: {  	v57 =	vmul.f32 v59, v59;
	v42 =	vld [tilespmem:s24+$0xE580];
	v12 =	vadd.f32 v20, v12;
	v56 =	vadd.f32 v59, v10  }
0x2d0: {  	v58 =	vadd.f32 v55, v18;
	v11 =	vadd.f32 v44, v11;
	v44 =	vld [tilespmem:s24+$0xEA00];
	v59 =	vmul.f32 v43, v43  }
0x2d1: {  	v38 =	vmul.f32 v50, v50;
	v48 =	vld [tilespmem:s24+$0xF280];
	v10 =	vadd.f32 v57, v12;
	v9 =	vadd.f32 v63, v56  }
0x2d2: {  	v45 =	vmul.f32 v52, v52;
	v26 =	vadd.f32 v46, v11;
	v46 =	vld [tilespmem:s24+$0xF200];
	v13 =	vadd.f32 v59, v58  }
0x2d3: {  	v61 =	vld [tilespmem:s24+$0xE200];
	v7 =	vadd.f32 v60, v10;
	v21 =	vmul.f32 v54, v9;
	v34 =	vmul.f32 v25, v25  }
0x2d4: {  	v63 =	vld [tilespmem:s24+$0xE280];
	v6 =	vadd.f32 v9, v6;
	v37 =	vmul.f32 v30, v30;
	v41 =	vmul.f32 v33, v33  }
0x2d5: {  	v9 =	vadd.f32 v47, v26;
	v43 =	vmul.f32 v36, v36;
	v47 =	vmul.f32 v39, v39  }
0x2d6: {  	v57 =	vld [tilespmem:s24+$0xEB00];
	v22 =	vadd.f32 v62, v13;
	v51 =	vmul.f32 v42, v42;
	v55 =	vmul.f32 v44, v44  }
0x2d7: {  	v56 =	vld [tilespmem:s24+$0xF380];
	v62 =	vmul.f32 v48, v48;
	v58 =	vadd.f32 v48, v46;
	v8 =	vadd.f32 v21, v8  }
0x2d8: {  	v18 =	vmax.f32 v46, v48;
	v28 =	vadd.f32 v24, v22;
	v5 =	vadd.f32 v7, v5  }
0x2d9: {  	v60 =	vld [tilespmem:s24+$0xF400];
	v7 =	vmul.f32 v61, v61;
	v9 =	vadd.f32 v49, v9;
	v31 =	vmul.f32 v63, v63  }
0x2da: {  	v32 =	vmax.f32 v61, v63;
	v16 =	vadd.f32 v63, v61;
	v61 =	vmul.f32 v46, v46  }
0x2db: {  	v40 =	vld [tilespmem:s29+$0x10A00];
	v26 =	vmul.f32 v57, v57;
	v10 =	vadd.f32 v29, v28;
	v11 =	vmax.f32 v32, v25  }
0x2dc: {  	v63 =	vld [tilespmem:s24+$0xF480];
	v9 =	vadd.f32 v50, v9;
	v28 =	vmul.f32 v56, v56;
	v7 =	vadd.f32 v31, v7  }
0x2dd: {  	v27 =	vld [tilespmem:s24+$0xF500];
	v15 =	vadd.f32 v25, v16;
	v11 =	vmax.f32 v11, v30;
	v16 =	vadd.f32 v62, v61  }
0x2de: {  	v50 =	vld [tilespmem:s24+$0xEA80];
	v32 =	vmul.f32 v60, v60;
	v10 =	vadd.f32 v35, v10;
	v9 =	vadd.f32 v52, v9  }
0x2df: {  	v24 =	vld [tilespmem:s24+$0xEB80];
	v11 =	vmax.f32 v11, v33;
	v7 =	vadd.f32 v34, v7;
	v12 =	vadd.f32 v30, v15  }
0x2e0: {  	v52 =	vld [tilespmem:s24+$0xF300];
	v11 =	vmax.f32 v11, v36;
	v10 =	vadd.f32 v38, v10;
	v49 =	vmul.f32 v40, v9  }
0x2e1: {  	v11 =	vmax.f32 v11, v39;
	v6 =	vadd.f32 v9, v6;
	v35 =	vmul.f32 v63, v63  }
0x2e2: {  	v38 =	vmul.f32 v27, v27;
	v7 =	vadd.f32 v37, v7;
	v12 =	vadd.f32 v33, v12  }
0x2e3: {  	v30 =	vld [tilespmem:s24+$0xF580];
	v53 =	vmax.f32 v11, v42;
	v59 =	vmul.f32 v50, v50;
	v10 =	vadd.f32 v45, v10  }
0x2e4: {  	v33 =	vmul.f32 v24, v24;
	v8 =	vadd.f32 v49, v8;
	v7 =	vadd.f32 v41, v7  }
0x2e5: {  	v31 =	vld [tilespmem:s24+$0xEC00];
	v9 =	vmax.f32 v53, v44;
	v12 =	vadd.f32 v36, v12;
	v15 =	vadd.f32 v52, v58  }
0x2e6: {  	v37 =	vld [tilespmem:s24+$0xEC80];
	v9 =	vmax.f32 v9, v50;
	v25 =	vmul.f32 v52, v52;
	v29 =	vmax.f32 v18, v52  }
0x2e7: {  	v49 =	vld [tilespmem:s24+$0xFC80];
	v5 =	vadd.f32 v10, v5;
	v9 =	vmax.f32 v9, v57;
	v15 =	vadd.f32 v56, v15  }
0x2e8: {  	v36 =	vld [tilespmem:s24+$0xFA80];
	v41 =	vmul.f32 v30, v30;
	v7 =	vadd.f32 v43, v7;
	v12 =	vadd.f32 v39, v12  }
0x2e9: {  	v34 =	vld [tilespmem:s24+$0xFA00];
	v16 =	vadd.f32 v25, v16;
	v9 =	vmax.f32 v9, v24;
	v15 =	vadd.f32 v60, v15  }
0x2ea: {  	v39 =	vmul.f32 v31, v31;
	v43 =	vld [tilespmem:s24+$0xED00];
	v9 =	vmax.f32 v9, v31;
	v7 =	vadd.f32 v47, v7  }
0x2eb: {  	v45 =	vmul.f32 v37, v37;
	v16 =	vadd.f32 v28, v16;
	v15 =	vadd.f32 v63, v15  }
0x2ec: {  	v40 =	vld [tilespmem:s24+$0xFB00];
	v54 =	vadd.f32 v42, v12;
	v9 =	vmax.f32 v9, v37;
	v58 =	vmul.f32 v49, v49  }
0x2ed: {  	v42 =	vld [tilespmem:s24+$0xFB80];
	v48 =	vmul.f32 v36, v36;
	v16 =	vadd.f32 v32, v16;
	v15 =	vadd.f32 v27, v15  }
0x2ee: {  	v47 =	vld [tilespmem:s24+$0xED80];
	v7 =	vadd.f32 v51, v7;
	v11 =	vadd.f32 v44, v54;
	v44 =	vmul.f32 v34, v34  }
0x2ef: {  	v46 =	vld [tilespmem:s24+$0xFC00];
	v9 =	vmax.f32 v9, v43;
	v16 =	vadd.f32 v35, v16;
	v15 =	vadd.f32 v30, v15  }
0x2f0: {  	v20 =	vmul.f32 v43, v43;
	v7 =	vadd.f32 v55, v7;
	v11 =	vadd.f32 v50, v11  }
0x2f1: {  	v50 =	vmul.f32 v40, v40;
	v16 =	vadd.f32 v38, v16;
	v15 =	vadd.f32 v34, v15  }
0x2f2: {  	v53 =	vmul.f32 v42, v42;
	v7 =	vadd.f32 v59, v7;
	v10 =	vadd.f32 v57, v11  }
0x2f3: {  	v9 =	vmax.f32 v9, v47;
	v16 =	vadd.f32 v41, v16;
	v15 =	vadd.f32 v36, v15  }
0x2f4: {  	v11 =	vmax.f32 v29, v56;
	v56 =	vmul.f32 v46, v46;
	v10 =	vadd.f32 v24, v10  }
0x2f5: {  	v59 =	vmul.f32 v47, v47;
	v16 =	vadd.f32 v44, v16;
	v15 =	vadd.f32 v40, v15  }
0x2f6: {  	v11 =	vmax.f32 v11, v60;
	v7 =	vadd.f32 v26, v7;
	v10 =	vadd.f32 v31, v10  }
0x2f7: {  	v11 =	vmax.f32 v11, v63;
	v16 =	vadd.f32 v48, v16;
	v15 =	vadd.f32 v42, v15  }
0x2f8: {  	v51 =	vld [tilespmem:s24+$0xFD00];
	v11 =	vmax.f32 v11, v27;
	v7 =	vadd.f32 v33, v7;
	v10 =	vadd.f32 v37, v10  }
0x2f9: {  	v52 =	vld [tilespmem:s24+$0x10D00];
	v11 =	vmax.f32 v11, v30;
	v16 =	vadd.f32 v50, v16;
	v15 =	vadd.f32 v46, v15  }
0x2fa: {  	v54 =	vld [tilespmem:s24+$0xFD80];
	v11 =	vmax.f32 v11, v34;
	v7 =	vadd.f32 v39, v7;
	v10 =	vadd.f32 v43, v10  }
0x2fb: {  	[tilespmem:s24+$0x11D00] =	vst v9;
	v11 =	vmax.f32 v11, v36;
	v55 =	vadd.f32 v53, v16;
	v15 =	vadd.f32 v49, v15  }
0x2fc: {  	v57 =	vld [tilespmem:s23+$0x10A00];
	v11 =	vmax.f32 v11, v40;
	v7 =	vadd.f32 v45, v7;
	v10 =	vadd.f32 v47, v10  }
0x2fd: {  	v11 =	vmax.f32 v11, v42;
	v9 =	vadd.f32 v56, v55;
	v15 =	vadd.f32 v51, v15  }
0x2fe: {  	v61 =	vmul.f32 v51, v51;
	v11 =	vmax.f32 v11, v46;
	v7 =	vadd.f32 v20, v7  }
0x2ff: {  	v60 =	vmul.f32 v52, v10;
	v9 =	vadd.f32 v58, v9;
	v15 =	vadd.f32 v54, v15  }
0x300: {  	v62 =	vmul.f32 v54, v54;
	v11 =	vmax.f32 v11, v49;
	v7 =	vadd.f32 v59, v7  }
0x301: {  	v8 =	vadd.f32 v60, v8;
	v9 =	vadd.f32 v61, v9;
	v63 =	vmul.f32 v57, v15  }
0x302: {  	p0 =	sne.s32 s22, $0xF0;
	v6 =	vadd.f32 v10, v6;
	v5 =	vadd.f32 v7, v5;
	v7 =	vmax.f32 v11, v51  }
.Ltmp2:
0x303: {  	v7 =	vmax.f32 v7, v54;
	v9 =	vadd.f32 v62, v9;
	v8 =	vadd.f32 v63, v8;
	(pc) =	sbr.rel @p0 .LBB2_7-.Ltmp2, $4  }
0x304: {  	[tilespmem:s23+$0x11A00] =	vst v7;
	v6 =	vadd.f32 v15, v6  }
0x305: {  	v5 =	vadd.f32 v9, v5;
	[tilespmem:s19+$0x0] =	vst v8  }
0x306: {  	s18 =	sadd.s32 $0x80, s18;
	s22 =	sadd.s32 $0x10, s22;
	[tilespmem:s20+$0x0] =	vst v6  }
0x307: {  	s19 =	sadd.s32 $0x10, s19;
	s20 =	sadd.s32 $0x10, s20;
	[tilespmem:s21+$0x0] =	vst v5;
	s21 =	sadd.s32 $0x10, s21  }
0x308: {  	s13 =	sadd.s32 $0x1, s13  }
0x309: {  	p0 =	sne.s32 s13, $0x20  }
.Ltmp3:
0x30a: {  	_ = 	snop;
	(pc) =	sbr.rel @p0 .LBB2_2-.Ltmp3, $3  }
0x30b: {  	_ =	sdelay $0x1  }
0x30c: {  	s14 =	sadd.s32 s5, s14  }
0x30d: {  	[hbm4b:s14+s2] =	stream.linear.scatter [tilespmem:s10], [sflag:$0x6], $0x800, $0x38;
	[tilespmem:$0x12500] =	vst v63  }
0x30e: {  	s13 =	simm.s32 $0x5  }
0x30f: {  	_ =	swait.ge [sflag:s13], $0x800  }
0x310: {  	[sflag:s13] =	ssyncset.done $0x0  }
0x311: {  	s22 =	simm.s32 $0x6;
	[sflag:s13] =	ssyncadd.s32 $0xFFFFF800  }
0x312: {  	s14 =	simm.s32 $0x80;
	_ =	swait.ge [sflag:s22], $0x800  }
0x313: {  	s18 =	simm.s32 $0x400;
	s19 =	simm.s32 $0x12200;
	[sflag:s22] =	ssyncset.done $0x0  }
0x314: {  	s24 =	simm.s32 $0x7;
	s23 =	rddreg [dreg:$0x6];
	[sflag:s22] =	ssyncadd.s32 $0xFFFFF800  }
0x315: {  	[hbm4b:s23+s14] =	stream.strided.scatter [tilespmem:s19], [sflag:$0x7], $0x100, s18, s14, $0x38;
	[tilespmem:$0x12500] =	vst v63  }
0x316: {  	_ =	swait.ge [sflag:s24], $0x100  }
0x317: {  	[sflag:s24] =	ssyncset.done $0x0  }
0x318: {  	s20 =	simm.s32 $0x12300;
	s25 =	rddreg [dreg:$0x7];
	[sflag:s24] =	ssyncadd.s32 $0xFFFFFF00  }
0x319: {  	[hbm4b:s25+s14] =	stream.strided.scatter [tilespmem:s20], [sflag:$0x7], $0x100, s18, s14, $0x38;
	[tilespmem:$0x12500] =	vst v63  }
0x31a: {  	_ =	swait.ge [sflag:s24], $0x100  }
0x31b: {  	[sflag:s24] =	ssyncset.done $0x0  }
0x31c: {  	s28 =	simm.s32 $0x12400;
	s26 =	rddreg [dreg:$0x8];
	[sflag:s24] =	ssyncadd.s32 $0xFFFFFF00  }
0x31d: {  	[hbm4b:s26+s14] =	stream.strided.scatter [tilespmem:s28], [sflag:$0x7], $0x100, s18, s14, $0x38;
	[tilespmem:$0x12500] =	vst v63  }
0x31e: {  	_ =	swait.ge [sflag:s24], $0x100  }
0x31f: {  	s29 =	rddreg [dreg:$0xa]  }
0x320: {  	s30 =	rddreg [dreg:$0x9];
	s18 =	sadd.s32 $0x1, s29  }
0x321: {  	p0 =	sne.s32 s18, s30  }
.Ltmp4:
0x322: {  	_ = 	snop;
	(pc) =	sbr.rel @p0 .LBB2_1-.Ltmp4, $3  }
0x323: {  	_ =	sdelay $0x1  }
0x324: {  	[sflag:s24] =	ssyncset.done $0x0  }
0x325: {  	[sflag:s24] =	ssyncadd.s32 $0xFFFFFF00  }
0x326: {  	_ =	sfence.sel $0x180000  }
0x327: {  	[bflag:$0x0] =	sbarrier.arrive $0xFFFF  }
0x328: {  	_ =	strace $0x90000047  }
0x329: {  	s0 =	stileid.u32;
	[bflag:$0x2] =	sbarrier.arrive $0xFFFF  }
0x32a: {  	p0 =	sne.s32 s0, $0x0;
	s0 =	rddreg [dreg:$0x3]  }
0x32b: {  	s0 =	sadd.s32 @!p0 $0x100000, s0  }
0x32c: {  	[sflag:s0] =	ssyncadd.tile.s32 @!p0 $0x1;
	_ =	shalt  }
.Lfunc_end2:
_tile_overlayer_lowered:
.L_overlay_start_2:
0x32d: {  	(tag) =	ssettag $0x2  }
0x32e: {  	s0 =	rddreg [dreg:$0x0];
	s2 =	stileid.u32  }
0x32f: {  	s1 =	rddreg [dreg:$0x1];
	p0 =	sne.s32 s2, $0x0  }
0x330: {  	s3 =	rddreg [dreg:$0x2];
	[bflag:$0x3] =	sbarrier.arrive $0xFFFF;
	s2 =	simm.s32 @!p0 $0x1C07  }
0x331: {  	[timem:s3], [sflag:s2] =	dma.local @!p0 [hbm:s0], s1  }
0x332: {  	s0 =	simm.s32 @!p0 $0x7  }
0x333: {  	_ =	swait.ge @!p0 [sflag:s0], s1  }
0x334: {  	s1 =	ssub.s32 @!p0 $0x0, s1;
	[sflag:s0] =	ssyncset.done @!p0 $0x0  }
0x335: {  	[sflag:s0] =	ssyncadd.s32 @!p0 s1  }
0x336: {  	[bflag:$0x3] =	sbarrier.arrive $0xFFFF  }
0x337: {  	_ =	shalt  }

</sc_bundles>
